<compile_context>
chip_gen: v7x
topology: tpu7x:2x2x1
jax: 0.10.2.dev20260603
libtpu: 0.0.44.dev20260713+nightly
codegen_flags: <defaults>
</compile_context>

<pallas_src>
import functools

import jax
import jax.numpy as jnp
from jax import lax
from jax.experimental import pallas as pl
from jax.experimental.pallas import tpu as pltpu
from jax.experimental.pallas import tpu_sc as plsc

_D = 768
_B = 32768
_EPS = 1e-5

_NC = 2
_NS = 16
_NW = _NC * _NS
_NSLICE = 8
_SB = _B // _NSLICE
_BPW = _SB // _NW
_CHUNK = 64
_NCHUNK = _BPW // _CHUNK


def _sc_gather_body(table_hbm, ids_hbm, out_hbm, idx_v, rows0, rows1, sem0, sem1):
    wid = lax.axis_index("s") * _NC + lax.axis_index("c")
    pltpu.sync_copy(ids_hbm.at[wid], idx_v)
    base = wid * _BPW
    bufs = (rows0, rows1)
    sems = (sem0, sem1)
    pltpu.async_copy(table_hbm.at[idx_v.at[0]], bufs[0], sems[0])
    for j in range(_NCHUNK):
        cur = j % 2
        if j + 1 < _NCHUNK:
            pltpu.async_copy(table_hbm.at[idx_v.at[j + 1]], bufs[1 - cur], sems[1 - cur])
        pltpu.make_async_copy(table_hbm.at[idx_v.at[j]], bufs[cur], sems[cur]).wait()
        pltpu.sync_copy(bufs[cur], out_hbm.at[pl.ds(base + j * _CHUNK, _CHUNK)])


_sc_gather = functools.partial(
    pl.kernel,
    out_type=jax.ShapeDtypeStruct((_SB, _D), jnp.float32),
    mesh=plsc.VectorSubcoreMesh(core_axis_name="c", subcore_axis_name="s"),
    scratch_types=[
        pltpu.VMEM((_NCHUNK, _CHUNK), jnp.int32),
        pltpu.VMEM((_CHUNK, _D), jnp.float32),
        pltpu.VMEM((_CHUNK, _D), jnp.float32),
        pltpu.SemaphoreType.DMA,
        pltpu.SemaphoreType.DMA,
    ],
)(_sc_gather_body)


_RBLK = 1024
_NBLK = _SB // _RBLK


def _ln_block(rows_ref, rid_ref, role_ref, bias_ref, gamma_ref, beta_ref, out_ref):
    y = rows_ref[...]
    rid = rid_ref[...]
    rb = role_ref[...] + bias_ref[...]
    contrib = jnp.broadcast_to(rb[0:1, :], y.shape)
    for k in range(1, 4):
        contrib = jnp.where(rid == k, rb[k:k + 1, :], contrib)
    y = y + contrib
    mean = jnp.mean(y, axis=1, keepdims=True)
    yc = y - mean
    var = jnp.mean(yc * yc, axis=1, keepdims=True)
    normed = yc * lax.rsqrt(var + _EPS)
    out_ref[...] = normed * gamma_ref[...] + beta_ref[...]


def _tc_ln_first(rows_ref, rid_ref, role_ref, bias_ref, gamma_ref, beta_ref, out_ref):
    _ln_block(rows_ref, rid_ref, role_ref, bias_ref, gamma_ref, beta_ref, out_ref)


def _tc_ln_acc(acc_ref, rows_ref, rid_ref, role_ref, bias_ref, gamma_ref, beta_ref, out_ref):
    del acc_ref
    _ln_block(rows_ref, rid_ref, role_ref, bias_ref, gamma_ref, beta_ref, out_ref)


def _tc_ln_slice(s, acc, rows, rid2d, role_table, bias2d, gamma2d, beta2d):
    data_specs = [
        pl.BlockSpec((_RBLK, _D), lambda i: (i, 0)),
        pl.BlockSpec((_RBLK, 1), lambda i: (i, 0)),
        pl.BlockSpec((4, _D), lambda i: (0, 0)),
        pl.BlockSpec((1, _D), lambda i: (0, 0)),
        pl.BlockSpec((1, _D), lambda i: (0, 0)),
        pl.BlockSpec((1, _D), lambda i: (0, 0)),
    ]
    out_spec = pl.BlockSpec((_RBLK, _D), lambda i, s=s: (s * _NBLK + i, 0))
    common = dict(
        grid=(_NBLK,),
        out_specs=out_spec,
        out_shape=jax.ShapeDtypeStruct((_B, _D), jnp.float32),
    )
    args = (rows, rid2d, role_table, bias2d, gamma2d, beta2d)
    if s == 0:
        return pl.pallas_call(_tc_ln_first, in_specs=data_specs, **common)(*args)
    acc_spec = pl.BlockSpec((8, 128), lambda i: (0, 0))
    return pl.pallas_call(
        _tc_ln_acc,
        in_specs=[acc_spec] + data_specs,
        input_output_aliases={0: 0},
        **common,
    )(acc, *args)


def kernel(input_ids, role_ids, token_table, role_table, input_bias, ln_gamma, ln_beta):
    ids = input_ids.reshape(_NSLICE, _NW, _NCHUNK, _CHUNK).astype(jnp.int32)
    rids = role_ids.reshape(_NSLICE, _SB, 1).astype(jnp.int32)
    bias2d = input_bias.reshape(1, _D)
    gamma2d = ln_gamma.reshape(1, _D)
    beta2d = ln_beta.reshape(1, _D)
    acc = None
    for s in range(_NSLICE):
        gathered = _sc_gather(token_table, ids[s])
        acc = _tc_ln_slice(s, acc, gathered, rids[s], role_table, bias2d, gamma2d, beta2d)
    return acc.reshape(input_ids.shape[0], input_ids.shape[1], _D)

# --- scband reference (transcript-rebuilt; emitter-appended) ---
"""Pipeline reference for scband-input-embedding-42502996361940 (READ-ONLY COPY).

The authoritative reference and input builder live on the scoring server;
editing this copy changes nothing except your own understanding.
"""

import jax, jax.numpy as jnp
import numpy as np

VOCAB = 100000
HIDDEN = 768
NUM_ROLES = 4
BATCH = 4
SEQ = 8192
EPS = 1e-5


def setup_inputs(seed: int = 0) -> dict:
    key = jax.random.key(seed)
    ks = jax.random.split(key, 5)
    input_ids = jax.random.randint(ks[0], (BATCH, SEQ), 0, VOCAB)
    role_ids = jax.random.randint(ks[1], (BATCH, SEQ), 0, NUM_ROLES)
    token_table = jax.random.normal(ks[2], (VOCAB, HIDDEN), dtype=jnp.float32) * 0.02
    # padding_idx=0 row is zero-initialized in nn.Embedding
    token_table = token_table.at[0].set(0.0)
    role_table = jax.random.normal(ks[3], (NUM_ROLES, HIDDEN), dtype=jnp.float32) * 0.02
    input_bias = jax.random.normal(ks[4], (1, 1, HIDDEN), dtype=jnp.float32) * 0.02
    ln_gamma = jnp.ones((HIDDEN,), dtype=jnp.float32)
    ln_beta = jnp.zeros((HIDDEN,), dtype=jnp.float32)
    return {
        "input_ids": input_ids,
        "role_ids": role_ids,
        "token_table": token_table,
        "role_table": role_table,
        "input_bias": input_bias,
        "ln_gamma": ln_gamma,
        "ln_beta": ln_beta,
    }


def reference(input_ids, role_ids, token_table, role_table, input_bias, ln_gamma, ln_beta):
    # token embedding gather
    emb = jnp.take(token_table, input_ids, axis=0)
    # role embedding gather + add
    emb = emb + jnp.take(role_table, role_ids, axis=0)
    # learnable input bias broadcast add
    emb = emb + input_bias
    # LayerNorm over last dim
    mean = jnp.mean(emb, axis=-1, keepdims=True)
    var = jnp.mean((emb - mean) ** 2, axis=-1, keepdims=True)
    normed = (emb - mean) / jnp.sqrt(var + EPS)
    out = normed * ln_gamma + ln_beta
    # dropout p=0.0 (and eval mode) -> identity
    return out

if __name__ == "__main__":
    import jax
    _d = setup_inputs()
    print(jax.jit(kernel)(*tuple(_d.values())))

</pallas_src>

<mosaic_0001>
#map = affine_map<(d0, d1) -> (0, 0)>
#map1 = affine_map<(d0, d1) -> (0, 0, 0)>
module attributes {stable_mosaic.version = 14 : i64} {
  func.func @_sc_gather_body(%arg0: i32, %arg1: i32, %arg2: memref<100000x768xf32, #tpu.memory_space<hbm>>, %arg3: memref<32x2x64xi32, #tpu.memory_space<hbm>>, %arg4: memref<4096x768xf32, #tpu.memory_space<hbm>>, %arg5: memref<2x64xi32, #tpu.memory_space<vmem>>, %arg6: memref<64x768xf32, #tpu.memory_space<vmem>>, %arg7: memref<64x768xf32, #tpu.memory_space<vmem>>, %arg8: memref<!tpu.dma_semaphore, #tpu.memory_space<semaphore_mem>>, %arg9: memref<!tpu.dma_semaphore, #tpu.memory_space<semaphore_mem>>) attributes {dimension_semantics = [#tpu.dimension_semantics<core_parallel>, #tpu.dimension_semantics<subcore_parallel>], iteration_bounds = array<i64: 2, 16>, scalar_prefetch = 0 : i64, scratch_operands = 5 : i64, tpu.core_type = #tpu.core_type<sc_vector_subcore>, window_params = [{transform_indices = #map}, {transform_indices = #map1}, {transform_indices = #map}]} {
    %mul3A = arith.constant 2 : i32
    %mul3A_0 = arith.muli %arg1, %mul3A : i32
    %add3A = arith.addi %mul3A_0, %arg0 : i32
    "tpu.region"() ({
      %run_scoped3A = tpu.sem_alloc : memref<!tpu.dma_semaphore, #tpu.memory_space<semaphore_mem>>
      %dma_start3A_33 = arith.constant 0 : i32
      %dma_start3A_34 = arith.constant 0 : i32
      %dma_start3A_35 = tpu.memref_slice %arg3[%add3A, %dma_start3A_33, %dma_start3A_34] : memref<32x2x64xi32, #tpu.memory_space<hbm>> -> memref<1x2x64xi32, #tpu.memory_space<hbm>>
      %dma_start3A_36 = tpu.memref_squeeze %dma_start3A_35 : memref<1x2x64xi32, #tpu.memory_space<hbm>> -> memref<2x64xi32, #tpu.memory_space<hbm>>
      %dma_start3A_37 = arith.constant 0 : i32
      %dma_start3A_38 = arith.constant 0 : i32
      %dma_start3A_39 = tpu.memref_slice %arg3[%add3A, %dma_start3A_37, %dma_start3A_38] : memref<32x2x64xi32, #tpu.memory_space<hbm>> -> memref<1x2x64xi32, #tpu.memory_space<hbm>>
      %dma_start3A_40 = tpu.memref_squeeze %dma_start3A_39 : memref<1x2x64xi32, #tpu.memory_space<hbm>> -> memref<2x64xi32, #tpu.memory_space<hbm>>
      tpu.enqueue_dma source(%dma_start3A_40 : memref<2x64xi32, #tpu.memory_space<hbm>>) target(%arg5 : memref<2x64xi32, #tpu.memory_space<vmem>>) target_semaphore(%run_scoped3A : memref<!tpu.dma_semaphore, #tpu.memory_space<semaphore_mem>>)
      %dma_wait3A_41 = arith.constant 0 : i32
      %dma_wait3A_42 = arith.constant 0 : i32
      %dma_wait3A_43 = tpu.memref_slice %arg3[%add3A, %dma_wait3A_41, %dma_wait3A_42] : memref<32x2x64xi32, #tpu.memory_space<hbm>> -> memref<1x2x64xi32, #tpu.memory_space<hbm>>
      %dma_wait3A_44 = tpu.memref_squeeze %dma_wait3A_43 : memref<1x2x64xi32, #tpu.memory_space<hbm>> -> memref<2x64xi32, #tpu.memory_space<hbm>>
      %dma_wait3A_45 = arith.constant 0 : i32
      %dma_wait3A_46 = arith.constant 0 : i32
      %dma_wait3A_47 = tpu.memref_slice %arg3[%add3A, %dma_wait3A_45, %dma_wait3A_46] : memref<32x2x64xi32, #tpu.memory_space<hbm>> -> memref<1x2x64xi32, #tpu.memory_space<hbm>>
      %dma_wait3A_48 = tpu.memref_squeeze %dma_wait3A_47 : memref<1x2x64xi32, #tpu.memory_space<hbm>> -> memref<2x64xi32, #tpu.memory_space<hbm>>
      tpu.wait_dma2 semaphore(%run_scoped3A : memref<!tpu.dma_semaphore, #tpu.memory_space<semaphore_mem>>) src(%dma_wait3A_48 : memref<2x64xi32, #tpu.memory_space<hbm>>) dst(%arg5 : memref<2x64xi32, #tpu.memory_space<vmem>>)
      tpu.yield
    }) : () -> ()
    %mul3A_1 = arith.constant 128 : i32
    %mul3A_2 = arith.muli %add3A, %mul3A_1 : i32
    %dma_start3A = arith.constant 0 : i32
    %dma_start3A_3 = arith.constant 0 : i32
    %dma_start3A_4 = tpu.memref_slice %arg5[%dma_start3A, %dma_start3A_3] : memref<2x64xi32, #tpu.memory_space<vmem>> -> memref<1x64xi32, #tpu.memory_space<vmem>>
    %dma_start3A_5 = tpu.memref_squeeze %dma_start3A_4 : memref<1x64xi32, #tpu.memory_space<vmem>> -> memref<64xi32, #tpu.memory_space<vmem>>
    %dma_start3A_6 = arith.constant 0 : i32
    %dma_start3A_7 = arith.constant 0 : i32
    %dma_start3A_8 = tpu.memref_slice %arg2[%dma_start3A_6, %dma_start3A_7] : memref<100000x768xf32, #tpu.memory_space<hbm>> -> memref<100000x768xf32, #tpu.memory_space<hbm>>
    tpu.enqueue_indirect_dma source(%dma_start3A_8 : memref<100000x768xf32, #tpu.memory_space<hbm>>) target(%arg6 : memref<64x768xf32, #tpu.memory_space<vmem>>) offsets(%dma_start3A_5 : memref<64xi32, #tpu.memory_space<vmem>>) semaphore(%arg8 : memref<!tpu.dma_semaphore, #tpu.memory_space<semaphore_mem>>)
    %dma_start3A_9 = arith.constant 1 : i32
    %dma_start3A_10 = arith.constant 0 : i32
    %dma_start3A_11 = tpu.memref_slice %arg5[%dma_start3A_9, %dma_start3A_10] : memref<2x64xi32, #tpu.memory_space<vmem>> -> memref<1x64xi32, #tpu.memory_space<vmem>>
    %dma_start3A_12 = tpu.memref_squeeze %dma_start3A_11 : memref<1x64xi32, #tpu.memory_space<vmem>> -> memref<64xi32, #tpu.memory_space<vmem>>
    %dma_start3A_13 = arith.constant 0 : i32
    %dma_start3A_14 = arith.constant 0 : i32
    %dma_start3A_15 = tpu.memref_slice %arg2[%dma_start3A_13, %dma_start3A_14] : memref<100000x768xf32, #tpu.memory_space<hbm>> -> memref<100000x768xf32, #tpu.memory_space<hbm>>
    tpu.enqueue_indirect_dma source(%dma_start3A_15 : memref<100000x768xf32, #tpu.memory_space<hbm>>) target(%arg7 : memref<64x768xf32, #tpu.memory_space<vmem>>) offsets(%dma_start3A_12 : memref<64xi32, #tpu.memory_space<vmem>>) semaphore(%arg9 : memref<!tpu.dma_semaphore, #tpu.memory_space<semaphore_mem>>)
    %dma_wait3A = arith.constant 0 : i32
    %dma_wait3A_16 = arith.constant 0 : i32
    %dma_wait3A_17 = tpu.memref_slice %arg5[%dma_wait3A, %dma_wait3A_16] : memref<2x64xi32, #tpu.memory_space<vmem>> -> memref<1x64xi32, #tpu.memory_space<vmem>>
    %dma_wait3A_18 = tpu.memref_squeeze %dma_wait3A_17 : memref<1x64xi32, #tpu.memory_space<vmem>> -> memref<64xi32, #tpu.memory_space<vmem>>
    %dma_wait3A_19 = arith.constant 0 : i32
    %dma_wait3A_20 = arith.constant 0 : i32
    %dma_wait3A_21 = tpu.memref_slice %arg2[%dma_wait3A_19, %dma_wait3A_20] : memref<100000x768xf32, #tpu.memory_space<hbm>> -> memref<100000x768xf32, #tpu.memory_space<hbm>>
    tpu.wait_indirect_dma semaphore(%arg8 : memref<!tpu.dma_semaphore, #tpu.memory_space<semaphore_mem>>) src(%dma_wait3A_21 : memref<100000x768xf32, #tpu.memory_space<hbm>>) dst(%arg6 : memref<64x768xf32, #tpu.memory_space<vmem>>)
    %add3A_22 = arith.constant 0 : i32
    %add3A_23 = arith.addi %mul3A_2, %add3A_22 : i32
    "tpu.region"() ({
      %run_scoped3A = tpu.sem_alloc : memref<!tpu.dma_semaphore, #tpu.memory_space<semaphore_mem>>
      %dma_start3A_33 = arith.constant 0 : i32
      %dma_start3A_34 = tpu.memref_slice %arg4[%add3A_23, %dma_start3A_33] : memref<4096x768xf32, #tpu.memory_space<hbm>> -> memref<64x768xf32, #tpu.memory_space<hbm>>
      %dma_start3A_35 = arith.constant 0 : i32
      %dma_start3A_36 = tpu.memref_slice %arg4[%add3A_23, %dma_start3A_35] : memref<4096x768xf32, #tpu.memory_space<hbm>> -> memref<64x768xf32, #tpu.memory_space<hbm>>
      tpu.enqueue_dma source(%arg6 : memref<64x768xf32, #tpu.memory_space<vmem>>) target(%dma_start3A_36 : memref<64x768xf32, #tpu.memory_space<hbm>>) target_semaphore(%run_scoped3A : memref<!tpu.dma_semaphore, #tpu.memory_space<semaphore_mem>>)
      %dma_wait3A_37 = arith.constant 0 : i32
      %dma_wait3A_38 = tpu.memref_slice %arg4[%add3A_23, %dma_wait3A_37] : memref<4096x768xf32, #tpu.memory_space<hbm>> -> memref<64x768xf32, #tpu.memory_space<hbm>>
      %dma_wait3A_39 = arith.constant 0 : i32
      %dma_wait3A_40 = tpu.memref_slice %arg4[%add3A_23, %dma_wait3A_39] : memref<4096x768xf32, #tpu.memory_space<hbm>> -> memref<64x768xf32, #tpu.memory_space<hbm>>
      tpu.wait_dma2 semaphore(%run_scoped3A : memref<!tpu.dma_semaphore, #tpu.memory_space<semaphore_mem>>) src(%arg6 : memref<64x768xf32, #tpu.memory_space<vmem>>) dst(%dma_wait3A_40 : memref<64x768xf32, #tpu.memory_space<hbm>>)
      tpu.yield
    }) : () -> ()
    %dma_wait3A_24 = arith.constant 1 : i32
    %dma_wait3A_25 = arith.constant 0 : i32
    %dma_wait3A_26 = tpu.memref_slice %arg5[%dma_wait3A_24, %dma_wait3A_25] : memref<2x64xi32, #tpu.memory_space<vmem>> -> memref<1x64xi32, #tpu.memory_space<vmem>>
    %dma_wait3A_27 = tpu.memref_squeeze %dma_wait3A_26 : memref<1x64xi32, #tpu.memory_space<vmem>> -> memref<64xi32, #tpu.memory_space<vmem>>
    %dma_wait3A_28 = arith.constant 0 : i32
    %dma_wait3A_29 = arith.constant 0 : i32
    %dma_wait3A_30 = tpu.memref_slice %arg2[%dma_wait3A_28, %dma_wait3A_29] : memref<100000x768xf32, #tpu.memory_space<hbm>> -> memref<100000x768xf32, #tpu.memory_space<hbm>>
    tpu.wait_indirect_dma semaphore(%arg9 : memref<!tpu.dma_semaphore, #tpu.memory_space<semaphore_mem>>) src(%dma_wait3A_30 : memref<100000x768xf32, #tpu.memory_space<hbm>>) dst(%arg7 : memref<64x768xf32, #tpu.memory_space<vmem>>)
    %add3A_31 = arith.constant 64 : i32
    %add3A_32 = arith.addi %mul3A_2, %add3A_31 : i32
    "tpu.region"() ({
      %run_scoped3A = tpu.sem_alloc : memref<!tpu.dma_semaphore, #tpu.memory_space<semaphore_mem>>
      %dma_start3A_33 = arith.constant 0 : i32
      %dma_start3A_34 = tpu.memref_slice %arg4[%add3A_32, %dma_start3A_33] : memref<4096x768xf32, #tpu.memory_space<hbm>> -> memref<64x768xf32, #tpu.memory_space<hbm>>
      %dma_start3A_35 = arith.constant 0 : i32
      %dma_start3A_36 = tpu.memref_slice %arg4[%add3A_32, %dma_start3A_35] : memref<4096x768xf32, #tpu.memory_space<hbm>> -> memref<64x768xf32, #tpu.memory_space<hbm>>
      tpu.enqueue_dma source(%arg7 : memref<64x768xf32, #tpu.memory_space<vmem>>) target(%dma_start3A_36 : memref<64x768xf32, #tpu.memory_space<hbm>>) target_semaphore(%run_scoped3A : memref<!tpu.dma_semaphore, #tpu.memory_space<semaphore_mem>>)
      %dma_wait3A_37 = arith.constant 0 : i32
      %dma_wait3A_38 = tpu.memref_slice %arg4[%add3A_32, %dma_wait3A_37] : memref<4096x768xf32, #tpu.memory_space<hbm>> -> memref<64x768xf32, #tpu.memory_space<hbm>>
      %dma_wait3A_39 = arith.constant 0 : i32
      %dma_wait3A_40 = tpu.memref_slice %arg4[%add3A_32, %dma_wait3A_39] : memref<4096x768xf32, #tpu.memory_space<hbm>> -> memref<64x768xf32, #tpu.memory_space<hbm>>
      tpu.wait_dma2 semaphore(%run_scoped3A : memref<!tpu.dma_semaphore, #tpu.memory_space<semaphore_mem>>) src(%arg7 : memref<64x768xf32, #tpu.memory_space<vmem>>) dst(%dma_wait3A_40 : memref<64x768xf32, #tpu.memory_space<hbm>>)
      tpu.yield
    }) : () -> ()
    return
  }
}

#map = affine_map<(d0, d1) -> (0, 0)>
#map1 = affine_map<(d0, d1) -> (0, 0, 0)>
module attributes {stable_mosaic.version = 14 : i64} {
  func.func @_sc_gather_body(%arg0: i32, %arg1: i32, %arg2: memref<100000x768xf32, #tpu.memory_space<hbm>>, %arg3: memref<32x2x64xi32, #tpu.memory_space<hbm>>, %arg4: memref<4096x768xf32, #tpu.memory_space<hbm>>, %arg5: memref<2x64xi32, #tpu.memory_space<vmem>>, %arg6: memref<64x768xf32, #tpu.memory_space<vmem>>, %arg7: memref<64x768xf32, #tpu.memory_space<vmem>>, %arg8: memref<!tpu.dma_semaphore, #tpu.memory_space<semaphore_mem>>, %arg9: memref<!tpu.dma_semaphore, #tpu.memory_space<semaphore_mem>>) attributes {dimension_semantics = [#tpu.dimension_semantics<core_parallel>, #tpu.dimension_semantics<subcore_parallel>], iteration_bounds = array<i64: 2, 16>, scalar_prefetch = 0 : i64, scratch_operands = 5 : i64, tpu.core_type = #tpu.core_type<sc_vector_subcore>, window_params = [{transform_indices = #map}, {transform_indices = #map1}, {transform_indices = #map}]} {
    %mul3A = arith.constant 2 : i32
    %mul3A_0 = arith.muli %arg1, %mul3A : i32
    %add3A = arith.addi %mul3A_0, %arg0 : i32
    "tpu.region"() ({
      %run_scoped3A = tpu.sem_alloc : memref<!tpu.dma_semaphore, #tpu.memory_space<semaphore_mem>>
      %dma_start3A_33 = arith.constant 0 : i32
      %dma_start3A_34 = arith.constant 0 : i32
      %dma_start3A_35 = tpu.memref_slice %arg3[%add3A, %dma_start3A_33, %dma_start3A_34] : memref<32x2x64xi32, #tpu.memory_space<hbm>> -> memref<1x2x64xi32, #tpu.memory_space<hbm>>
      %dma_start3A_36 = tpu.memref_squeeze %dma_start3A_35 : memref<1x2x64xi32, #tpu.memory_space<hbm>> -> memref<2x64xi32, #tpu.memory_space<hbm>>
      %dma_start3A_37 = arith.constant 0 : i32
      %dma_start3A_38 = arith.constant 0 : i32
      %dma_start3A_39 = tpu.memref_slice %arg3[%add3A, %dma_start3A_37, %dma_start3A_38] : memref<32x2x64xi32, #tpu.memory_space<hbm>> -> memref<1x2x64xi32, #tpu.memory_space<hbm>>
      %dma_start3A_40 = tpu.memref_squeeze %dma_start3A_39 : memref<1x2x64xi32, #tpu.memory_space<hbm>> -> memref<2x64xi32, #tpu.memory_space<hbm>>
      tpu.enqueue_dma source(%dma_start3A_40 : memref<2x64xi32, #tpu.memory_space<hbm>>) target(%arg5 : memref<2x64xi32, #tpu.memory_space<vmem>>) target_semaphore(%run_scoped3A : memref<!tpu.dma_semaphore, #tpu.memory_space<semaphore_mem>>)
      %dma_wait3A_41 = arith.constant 0 : i32
      %dma_wait3A_42 = arith.constant 0 : i32
      %dma_wait3A_43 = tpu.memref_slice %arg3[%add3A, %dma_wait3A_41, %dma_wait3A_42] : memref<32x2x64xi32, #tpu.memory_space<hbm>> -> memref<1x2x64xi32, #tpu.memory_space<hbm>>
      %dma_wait3A_44 = tpu.memref_squeeze %dma_wait3A_43 : memref<1x2x64xi32, #tpu.memory_space<hbm>> -> memref<2x64xi32, #tpu.memory_space<hbm>>
      %dma_wait3A_45 = arith.constant 0 : i32
      %dma_wait3A_46 = arith.constant 0 : i32
      %dma_wait3A_47 = tpu.memref_slice %arg3[%add3A, %dma_wait3A_45, %dma_wait3A_46] : memref<32x2x64xi32, #tpu.memory_space<hbm>> -> memref<1x2x64xi32, #tpu.memory_space<hbm>>
      %dma_wait3A_48 = tpu.memref_squeeze %dma_wait3A_47 : memref<1x2x64xi32, #tpu.memory_space<hbm>> -> memref<2x64xi32, #tpu.memory_space<hbm>>
      tpu.wait_dma2 semaphore(%run_scoped3A : memref<!tpu.dma_semaphore, #tpu.memory_space<semaphore_mem>>) src(%dma_wait3A_48 : memref<2x64xi32, #tpu.memory_space<hbm>>) dst(%arg5 : memref<2x64xi32, #tpu.memory_space<vmem>>)
      tpu.yield
    }) : () -> ()
    %mul3A_1 = arith.constant 128 : i32
    %mul3A_2 = arith.muli %add3A, %mul3A_1 : i32
    %dma_start3A = arith.constant 0 : i32
    %dma_start3A_3 = arith.constant 0 : i32
    %dma_start3A_4 = tpu.memref_slice %arg5[%dma_start3A, %dma_start3A_3] : memref<2x64xi32, #tpu.memory_space<vmem>> -> memref<1x64xi32, #tpu.memory_space<vmem>>
    %dma_start3A_5 = tpu.memref_squeeze %dma_start3A_4 : memref<1x64xi32, #tpu.memory_space<vmem>> -> memref<64xi32, #tpu.memory_space<vmem>>
    %dma_start3A_6 = arith.constant 0 : i32
    %dma_start3A_7 = arith.constant 0 : i32
    %dma_start3A_8 = tpu.memref_slice %arg2[%dma_start3A_6, %dma_start3A_7] : memref<100000x768xf32, #tpu.memory_space<hbm>> -> memref<100000x768xf32, #tpu.memory_space<hbm>>
    tpu.enqueue_indirect_dma source(%dma_start3A_8 : memref<100000x768xf32, #tpu.memory_space<hbm>>) target(%arg6 : memref<64x768xf32, #tpu.memory_space<vmem>>) offsets(%dma_start3A_5 : memref<64xi32, #tpu.memory_space<vmem>>) semaphore(%arg8 : memref<!tpu.dma_semaphore, #tpu.memory_space<semaphore_mem>>)
    %dma_start3A_9 = arith.constant 1 : i32
    %dma_start3A_10 = arith.constant 0 : i32
    %dma_start3A_11 = tpu.memref_slice %arg5[%dma_start3A_9, %dma_start3A_10] : memref<2x64xi32, #tpu.memory_space<vmem>> -> memref<1x64xi32, #tpu.memory_space<vmem>>
    %dma_start3A_12 = tpu.memref_squeeze %dma_start3A_11 : memref<1x64xi32, #tpu.memory_space<vmem>> -> memref<64xi32, #tpu.memory_space<vmem>>
    %dma_start3A_13 = arith.constant 0 : i32
    %dma_start3A_14 = arith.constant 0 : i32
    %dma_start3A_15 = tpu.memref_slice %arg2[%dma_start3A_13, %dma_start3A_14] : memref<100000x768xf32, #tpu.memory_space<hbm>> -> memref<100000x768xf32, #tpu.memory_space<hbm>>
    tpu.enqueue_indirect_dma source(%dma_start3A_15 : memref<100000x768xf32, #tpu.memory_space<hbm>>) target(%arg7 : memref<64x768xf32, #tpu.memory_space<vmem>>) offsets(%dma_start3A_12 : memref<64xi32, #tpu.memory_space<vmem>>) semaphore(%arg9 : memref<!tpu.dma_semaphore, #tpu.memory_space<semaphore_mem>>)
    %dma_wait3A = arith.constant 0 : i32
    %dma_wait3A_16 = arith.constant 0 : i32
    %dma_wait3A_17 = tpu.memref_slice %arg5[%dma_wait3A, %dma_wait3A_16] : memref<2x64xi32, #tpu.memory_space<vmem>> -> memref<1x64xi32, #tpu.memory_space<vmem>>
    %dma_wait3A_18 = tpu.memref_squeeze %dma_wait3A_17 : memref<1x64xi32, #tpu.memory_space<vmem>> -> memref<64xi32, #tpu.memory_space<vmem>>
    %dma_wait3A_19 = arith.constant 0 : i32
    %dma_wait3A_20 = arith.constant 0 : i32
    %dma_wait3A_21 = tpu.memref_slice %arg2[%dma_wait3A_19, %dma_wait3A_20] : memref<100000x768xf32, #tpu.memory_space<hbm>> -> memref<100000x768xf32, #tpu.memory_space<hbm>>
    tpu.wait_indirect_dma semaphore(%arg8 : memref<!tpu.dma_semaphore, #tpu.memory_space<semaphore_mem>>) src(%dma_wait3A_21 : memref<100000x768xf32, #tpu.memory_space<hbm>>) dst(%arg6 : memref<64x768xf32, #tpu.memory_space<vmem>>)
    %add3A_22 = arith.constant 0 : i32
    %add3A_23 = arith.addi %mul3A_2, %add3A_22 : i32
    "tpu.region"() ({
      %run_scoped3A = tpu.sem_alloc : memref<!tpu.dma_semaphore, #tpu.memory_space<semaphore_mem>>
      %dma_start3A_33 = arith.constant 0 : i32
      %dma_start3A_34 = tpu.memref_slice %arg4[%add3A_23, %dma_start3A_33] : memref<4096x768xf32, #tpu.memory_space<hbm>> -> memref<64x768xf32, #tpu.memory_space<hbm>>
      %dma_start3A_35 = arith.constant 0 : i32
      %dma_start3A_36 = tpu.memref_slice %arg4[%add3A_23, %dma_start3A_35] : memref<4096x768xf32, #tpu.memory_space<hbm>> -> memref<64x768xf32, #tpu.memory_space<hbm>>
      tpu.enqueue_dma source(%arg6 : memref<64x768xf32, #tpu.memory_space<vmem>>) target(%dma_start3A_36 : memref<64x768xf32, #tpu.memory_space<hbm>>) target_semaphore(%run_scoped3A : memref<!tpu.dma_semaphore, #tpu.memory_space<semaphore_mem>>)
      %dma_wait3A_37 = arith.constant 0 : i32
      %dma_wait3A_38 = tpu.memref_slice %arg4[%add3A_23, %dma_wait3A_37] : memref<4096x768xf32, #tpu.memory_space<hbm>> -> memref<64x768xf32, #tpu.memory_space<hbm>>
      %dma_wait3A_39 = arith.constant 0 : i32
      %dma_wait3A_40 = tpu.memref_slice %arg4[%add3A_23, %dma_wait3A_39] : memref<4096x768xf32, #tpu.memory_space<hbm>> -> memref<64x768xf32, #tpu.memory_space<hbm>>
      tpu.wait_dma2 semaphore(%run_scoped3A : memref<!tpu.dma_semaphore, #tpu.memory_space<semaphore_mem>>) src(%arg6 : memref<64x768xf32, #tpu.memory_space<vmem>>) dst(%dma_wait3A_40 : memref<64x768xf32, #tpu.memory_space<hbm>>)
      tpu.yield
    }) : () -> ()
    %dma_wait3A_24 = arith.constant 1 : i32
    %dma_wait3A_25 = arith.constant 0 : i32
    %dma_wait3A_26 = tpu.memref_slice %arg5[%dma_wait3A_24, %dma_wait3A_25] : memref<2x64xi32, #tpu.memory_space<vmem>> -> memref<1x64xi32, #tpu.memory_space<vmem>>
    %dma_wait3A_27 = tpu.memref_squeeze %dma_wait3A_26 : memref<1x64xi32, #tpu.memory_space<vmem>> -> memref<64xi32, #tpu.memory_space<vmem>>
    %dma_wait3A_28 = arith.constant 0 : i32
    %dma_wait3A_29 = arith.constant 0 : i32
    %dma_wait3A_30 = tpu.memref_slice %arg2[%dma_wait3A_28, %dma_wait3A_29] : memref<100000x768xf32, #tpu.memory_space<hbm>> -> memref<100000x768xf32, #tpu.memory_space<hbm>>
    tpu.wait_indirect_dma semaphore(%arg9 : memref<!tpu.dma_semaphore, #tpu.memory_space<semaphore_mem>>) src(%dma_wait3A_30 : memref<100000x768xf32, #tpu.memory_space<hbm>>) dst(%arg7 : memref<64x768xf32, #tpu.memory_space<vmem>>)
    %add3A_31 = arith.constant 64 : i32
    %add3A_32 = arith.addi %mul3A_2, %add3A_31 : i32
    "tpu.region"() ({
      %run_scoped3A = tpu.sem_alloc : memref<!tpu.dma_semaphore, #tpu.memory_space<semaphore_mem>>
      %dma_start3A_33 = arith.constant 0 : i32
      %dma_start3A_34 = tpu.memref_slice %arg4[%add3A_32, %dma_start3A_33] : memref<4096x768xf32, #tpu.memory_space<hbm>> -> memref<64x768xf32, #tpu.memory_space<hbm>>
      %dma_start3A_35 = arith.constant 0 : i32
      %dma_start3A_36 = tpu.memref_slice %arg4[%add3A_32, %dma_start3A_35] : memref<4096x768xf32, #tpu.memory_space<hbm>> -> memref<64x768xf32, #tpu.memory_space<hbm>>
      tpu.enqueue_dma source(%arg7 : memref<64x768xf32, #tpu.memory_space<vmem>>) target(%dma_start3A_36 : memref<64x768xf32, #tpu.memory_space<hbm>>) target_semaphore(%run_scoped3A : memref<!tpu.dma_semaphore, #tpu.memory_space<semaphore_mem>>)
      %dma_wait3A_37 = arith.constant 0 : i32
      %dma_wait3A_38 = tpu.memref_slice %arg4[%add3A_32, %dma_wait3A_37] : memref<4096x768xf32, #tpu.memory_space<hbm>> -> memref<64x768xf32, #tpu.memory_space<hbm>>
      %dma_wait3A_39 = arith.constant 0 : i32
      %dma_wait3A_40 = tpu.memref_slice %arg4[%add3A_32, %dma_wait3A_39] : memref<4096x768xf32, #tpu.memory_space<hbm>> -> memref<64x768xf32, #tpu.memory_space<hbm>>
      tpu.wait_dma2 semaphore(%run_scoped3A : memref<!tpu.dma_semaphore, #tpu.memory_space<semaphore_mem>>) src(%arg7 : memref<64x768xf32, #tpu.memory_space<vmem>>) dst(%dma_wait3A_40 : memref<64x768xf32, #tpu.memory_space<hbm>>)
      tpu.yield
    }) : () -> ()
    return
  }
}

#map = affine_map<(d0, d1) -> (0, 0)>
#map1 = affine_map<(d0, d1) -> (0, 0, 0)>
module attributes {stable_mosaic.version = 14 : i64} {
  func.func @_sc_gather_body(%arg0: i32, %arg1: i32, %arg2: memref<100000x768xf32, #tpu.memory_space<hbm>>, %arg3: memref<32x2x64xi32, #tpu.memory_space<hbm>>, %arg4: memref<4096x768xf32, #tpu.memory_space<hbm>>, %arg5: memref<2x64xi32, #tpu.memory_space<vmem>>, %arg6: memref<64x768xf32, #tpu.memory_space<vmem>>, %arg7: memref<64x768xf32, #tpu.memory_space<vmem>>, %arg8: memref<!tpu.dma_semaphore, #tpu.memory_space<semaphore_mem>>, %arg9: memref<!tpu.dma_semaphore, #tpu.memory_space<semaphore_mem>>) attributes {dimension_semantics = [#tpu.dimension_semantics<core_parallel>, #tpu.dimension_semantics<subcore_parallel>], iteration_bounds = array<i64: 2, 16>, scalar_prefetch = 0 : i64, scratch_operands = 5 : i64, tpu.core_type = #tpu.core_type<sc_vector_subcore>, window_params = [{transform_indices = #map}, {transform_indices = #map1}, {transform_indices = #map}]} {
    %mul3A = arith.constant 2 : i32
    %mul3A_0 = arith.muli %arg1, %mul3A : i32
    %add3A = arith.addi %mul3A_0, %arg0 : i32
    "tpu.region"() ({
      %run_scoped3A = tpu.sem_alloc : memref<!tpu.dma_semaphore, #tpu.memory_space<semaphore_mem>>
      %dma_start3A_33 = arith.constant 0 : i32
      %dma_start3A_34 = arith.constant 0 : i32
      %dma_start3A_35 = tpu.memref_slice %arg3[%add3A, %dma_start3A_33, %dma_start3A_34] : memref<32x2x64xi32, #tpu.memory_space<hbm>> -> memref<1x2x64xi32, #tpu.memory_space<hbm>>
      %dma_start3A_36 = tpu.memref_squeeze %dma_start3A_35 : memref<1x2x64xi32, #tpu.memory_space<hbm>> -> memref<2x64xi32, #tpu.memory_space<hbm>>
      %dma_start3A_37 = arith.constant 0 : i32
      %dma_start3A_38 = arith.constant 0 : i32
      %dma_start3A_39 = tpu.memref_slice %arg3[%add3A, %dma_start3A_37, %dma_start3A_38] : memref<32x2x64xi32, #tpu.memory_space<hbm>> -> memref<1x2x64xi32, #tpu.memory_space<hbm>>
      %dma_start3A_40 = tpu.memref_squeeze %dma_start3A_39 : memref<1x2x64xi32, #tpu.memory_space<hbm>> -> memref<2x64xi32, #tpu.memory_space<hbm>>
      tpu.enqueue_dma source(%dma_start3A_40 : memref<2x64xi32, #tpu.memory_space<hbm>>) target(%arg5 : memref<2x64xi32, #tpu.memory_space<vmem>>) target_semaphore(%run_scoped3A : memref<!tpu.dma_semaphore, #tpu.memory_space<semaphore_mem>>)
      %dma_wait3A_41 = arith.constant 0 : i32
      %dma_wait3A_42 = arith.constant 0 : i32
      %dma_wait3A_43 = tpu.memref_slice %arg3[%add3A, %dma_wait3A_41, %dma_wait3A_42] : memref<32x2x64xi32, #tpu.memory_space<hbm>> -> memref<1x2x64xi32, #tpu.memory_space<hbm>>
      %dma_wait3A_44 = tpu.memref_squeeze %dma_wait3A_43 : memref<1x2x64xi32, #tpu.memory_space<hbm>> -> memref<2x64xi32, #tpu.memory_space<hbm>>
      %dma_wait3A_45 = arith.constant 0 : i32
      %dma_wait3A_46 = arith.constant 0 : i32
      %dma_wait3A_47 = tpu.memref_slice %arg3[%add3A, %dma_wait3A_45, %dma_wait3A_46] : memref<32x2x64xi32, #tpu.memory_space<hbm>> -> memref<1x2x64xi32, #tpu.memory_space<hbm>>
      %dma_wait3A_48 = tpu.memref_squeeze %dma_wait3A_47 : memref<1x2x64xi32, #tpu.memory_space<hbm>> -> memref<2x64xi32, #tpu.memory_space<hbm>>
      tpu.wait_dma2 semaphore(%run_scoped3A : memref<!tpu.dma_semaphore, #tpu.memory_space<semaphore_mem>>) src(%dma_wait3A_48 : memref<2x64xi32, #tpu.memory_space<hbm>>) dst(%arg5 : memref<2x64xi32, #tpu.memory_space<vmem>>)
      tpu.yield
    }) : () -> ()
    %mul3A_1 = arith.constant 128 : i32
    %mul3A_2 = arith.muli %add3A, %mul3A_1 : i32
    %dma_start3A = arith.constant 0 : i32
    %dma_start3A_3 = arith.constant 0 : i32
    %dma_start3A_4 = tpu.memref_slice %arg5[%dma_start3A, %dma_start3A_3] : memref<2x64xi32, #tpu.memory_space<vmem>> -> memref<1x64xi32, #tpu.memory_space<vmem>>
    %dma_start3A_5 = tpu.memref_squeeze %dma_start3A_4 : memref<1x64xi32, #tpu.memory_space<vmem>> -> memref<64xi32, #tpu.memory_space<vmem>>
    %dma_start3A_6 = arith.constant 0 : i32
    %dma_start3A_7 = arith.constant 0 : i32
    %dma_start3A_8 = tpu.memref_slice %arg2[%dma_start3A_6, %dma_start3A_7] : memref<100000x768xf32, #tpu.memory_space<hbm>> -> memref<100000x768xf32, #tpu.memory_space<hbm>>
    tpu.enqueue_indirect_dma source(%dma_start3A_8 : memref<100000x768xf32, #tpu.memory_space<hbm>>) target(%arg6 : memref<64x768xf32, #tpu.memory_space<vmem>>) offsets(%dma_start3A_5 : memref<64xi32, #tpu.memory_space<vmem>>) semaphore(%arg8 : memref<!tpu.dma_semaphore, #tpu.memory_space<semaphore_mem>>)
    %dma_start3A_9 = arith.constant 1 : i32
    %dma_start3A_10 = arith.constant 0 : i32
    %dma_start3A_11 = tpu.memref_slice %arg5[%dma_start3A_9, %dma_start3A_10] : memref<2x64xi32, #tpu.memory_space<vmem>> -> memref<1x64xi32, #tpu.memory_space<vmem>>
    %dma_start3A_12 = tpu.memref_squeeze %dma_start3A_11 : memref<1x64xi32, #tpu.memory_space<vmem>> -> memref<64xi32, #tpu.memory_space<vmem>>
    %dma_start3A_13 = arith.constant 0 : i32
    %dma_start3A_14 = arith.constant 0 : i32
    %dma_start3A_15 = tpu.memref_slice %arg2[%dma_start3A_13, %dma_start3A_14] : memref<100000x768xf32, #tpu.memory_space<hbm>> -> memref<100000x768xf32, #tpu.memory_space<hbm>>
    tpu.enqueue_indirect_dma source(%dma_start3A_15 : memref<100000x768xf32, #tpu.memory_space<hbm>>) target(%arg7 : memref<64x768xf32, #tpu.memory_space<vmem>>) offsets(%dma_start3A_12 : memref<64xi32, #tpu.memory_space<vmem>>) semaphore(%arg9 : memref<!tpu.dma_semaphore, #tpu.memory_space<semaphore_mem>>)
    %dma_wait3A = arith.constant 0 : i32
    %dma_wait3A_16 = arith.constant 0 : i32
    %dma_wait3A_17 = tpu.memref_slice %arg5[%dma_wait3A, %dma_wait3A_16] : memref<2x64xi32, #tpu.memory_space<vmem>> -> memref<1x64xi32, #tpu.memory_space<vmem>>
    %dma_wait3A_18 = tpu.memref_squeeze %dma_wait3A_17 : memref<1x64xi32, #tpu.memory_space<vmem>> -> memref<64xi32, #tpu.memory_space<vmem>>
    %dma_wait3A_19 = arith.constant 0 : i32
    %dma_wait3A_20 = arith.constant 0 : i32
    %dma_wait3A_21 = tpu.memref_slice %arg2[%dma_wait3A_19, %dma_wait3A_20] : memref<100000x768xf32, #tpu.memory_space<hbm>> -> memref<100000x768xf32, #tpu.memory_space<hbm>>
    tpu.wait_indirect_dma semaphore(%arg8 : memref<!tpu.dma_semaphore, #tpu.memory_space<semaphore_mem>>) src(%dma_wait3A_21 : memref<100000x768xf32, #tpu.memory_space<hbm>>) dst(%arg6 : memref<64x768xf32, #tpu.memory_space<vmem>>)
    %add3A_22 = arith.constant 0 : i32
    %add3A_23 = arith.addi %mul3A_2, %add3A_22 : i32
    "tpu.region"() ({
      %run_scoped3A = tpu.sem_alloc : memref<!tpu.dma_semaphore, #tpu.memory_space<semaphore_mem>>
      %dma_start3A_33 = arith.constant 0 : i32
      %dma_start3A_34 = tpu.memref_slice %arg4[%add3A_23, %dma_start3A_33] : memref<4096x768xf32, #tpu.memory_space<hbm>> -> memref<64x768xf32, #tpu.memory_space<hbm>>
      %dma_start3A_35 = arith.constant 0 : i32
      %dma_start3A_36 = tpu.memref_slice %arg4[%add3A_23, %dma_start3A_35] : memref<4096x768xf32, #tpu.memory_space<hbm>> -> memref<64x768xf32, #tpu.memory_space<hbm>>
      tpu.enqueue_dma source(%arg6 : memref<64x768xf32, #tpu.memory_space<vmem>>) target(%dma_start3A_36 : memref<64x768xf32, #tpu.memory_space<hbm>>) target_semaphore(%run_scoped3A : memref<!tpu.dma_semaphore, #tpu.memory_space<semaphore_mem>>)
      %dma_wait3A_37 = arith.constant 0 : i32
      %dma_wait3A_38 = tpu.memref_slice %arg4[%add3A_23, %dma_wait3A_37] : memref<4096x768xf32, #tpu.memory_space<hbm>> -> memref<64x768xf32, #tpu.memory_space<hbm>>
      %dma_wait3A_39 = arith.constant 0 : i32
      %dma_wait3A_40 = tpu.memref_slice %arg4[%add3A_23, %dma_wait3A_39] : memref<4096x768xf32, #tpu.memory_space<hbm>> -> memref<64x768xf32, #tpu.memory_space<hbm>>
      tpu.wait_dma2 semaphore(%run_scoped3A : memref<!tpu.dma_semaphore, #tpu.memory_space<semaphore_mem>>) src(%arg6 : memref<64x768xf32, #tpu.memory_space<vmem>>) dst(%dma_wait3A_40 : memref<64x768xf32, #tpu.memory_space<hbm>>)
      tpu.yield
    }) : () -> ()
    %dma_wait3A_24 = arith.constant 1 : i32
    %dma_wait3A_25 = arith.constant 0 : i32
    %dma_wait3A_26 = tpu.memref_slice %arg5[%dma_wait3A_24, %dma_wait3A_25] : memref<2x64xi32, #tpu.memory_space<vmem>> -> memref<1x64xi32, #tpu.memory_space<vmem>>
    %dma_wait3A_27 = tpu.memref_squeeze %dma_wait3A_26 : memref<1x64xi32, #tpu.memory_space<vmem>> -> memref<64xi32, #tpu.memory_space<vmem>>
    %dma_wait3A_28 = arith.constant 0 : i32
    %dma_wait3A_29 = arith.constant 0 : i32
    %dma_wait3A_30 = tpu.memref_slice %arg2[%dma_wait3A_28, %dma_wait3A_29] : memref<100000x768xf32, #tpu.memory_space<hbm>> -> memref<100000x768xf32, #tpu.memory_space<hbm>>
    tpu.wait_indirect_dma semaphore(%arg9 : memref<!tpu.dma_semaphore, #tpu.memory_space<semaphore_mem>>) src(%dma_wait3A_30 : memref<100000x768xf32, #tpu.memory_space<hbm>>) dst(%arg7 : memref<64x768xf32, #tpu.memory_space<vmem>>)
    %add3A_31 = arith.constant 64 : i32
    %add3A_32 = arith.addi %mul3A_2, %add3A_31 : i32
    "tpu.region"() ({
      %run_scoped3A = tpu.sem_alloc : memref<!tpu.dma_semaphore, #tpu.memory_space<semaphore_mem>>
      %dma_start3A_33 = arith.constant 0 : i32
      %dma_start3A_34 = tpu.memref_slice %arg4[%add3A_32, %dma_start3A_33] : memref<4096x768xf32, #tpu.memory_space<hbm>> -> memref<64x768xf32, #tpu.memory_space<hbm>>
      %dma_start3A_35 = arith.constant 0 : i32
      %dma_start3A_36 = tpu.memref_slice %arg4[%add3A_32, %dma_start3A_35] : memref<4096x768xf32, #tpu.memory_space<hbm>> -> memref<64x768xf32, #tpu.memory_space<hbm>>
      tpu.enqueue_dma source(%arg7 : memref<64x768xf32, #tpu.memory_space<vmem>>) target(%dma_start3A_36 : memref<64x768xf32, #tpu.memory_space<hbm>>) target_semaphore(%run_scoped3A : memref<!tpu.dma_semaphore, #tpu.memory_space<semaphore_mem>>)
      %dma_wait3A_37 = arith.constant 0 : i32
      %dma_wait3A_38 = tpu.memref_slice %arg4[%add3A_32, %dma_wait3A_37] : memref<4096x768xf32, #tpu.memory_space<hbm>> -> memref<64x768xf32, #tpu.memory_space<hbm>>
      %dma_wait3A_39 = arith.constant 0 : i32
      %dma_wait3A_40 = tpu.memref_slice %arg4[%add3A_32, %dma_wait3A_39] : memref<4096x768xf32, #tpu.memory_space<hbm>> -> memref<64x768xf32, #tpu.memory_space<hbm>>
      tpu.wait_dma2 semaphore(%run_scoped3A : memref<!tpu.dma_semaphore, #tpu.memory_space<semaphore_mem>>) src(%arg7 : memref<64x768xf32, #tpu.memory_space<vmem>>) dst(%dma_wait3A_40 : memref<64x768xf32, #tpu.memory_space<hbm>>)
      tpu.yield
    }) : () -> ()
    return
  }
}

#map = affine_map<(d0, d1) -> (0, 0)>
#map1 = affine_map<(d0, d1) -> (0, 0, 0)>
module attributes {stable_mosaic.version = 14 : i64} {
  func.func @_sc_gather_body(%arg0: i32, %arg1: i32, %arg2: memref<100000x768xf32, #tpu.memory_space<hbm>>, %arg3: memref<32x2x64xi32, #tpu.memory_space<hbm>>, %arg4: memref<4096x768xf32, #tpu.memory_space<hbm>>, %arg5: memref<2x64xi32, #tpu.memory_space<vmem>>, %arg6: memref<64x768xf32, #tpu.memory_space<vmem>>, %arg7: memref<64x768xf32, #tpu.memory_space<vmem>>, %arg8: memref<!tpu.dma_semaphore, #tpu.memory_space<semaphore_mem>>, %arg9: memref<!tpu.dma_semaphore, #tpu.memory_space<semaphore_mem>>) attributes {dimension_semantics = [#tpu.dimension_semantics<core_parallel>, #tpu.dimension_semantics<subcore_parallel>], iteration_bounds = array<i64: 2, 16>, scalar_prefetch = 0 : i64, scratch_operands = 5 : i64, tpu.core_type = #tpu.core_type<sc_vector_subcore>, window_params = [{transform_indices = #map}, {transform_indices = #map1}, {transform_indices = #map}]} {
    %mul3A = arith.constant 2 : i32
    %mul3A_0 = arith.muli %arg1, %mul3A : i32
    %add3A = arith.addi %mul3A_0, %arg0 : i32
    "tpu.region"() ({
      %run_scoped3A = tpu.sem_alloc : memref<!tpu.dma_semaphore, #tpu.memory_space<semaphore_mem>>
      %dma_start3A_33 = arith.constant 0 : i32
      %dma_start3A_34 = arith.constant 0 : i32
      %dma_start3A_35 = tpu.memref_slice %arg3[%add3A, %dma_start3A_33, %dma_start3A_34] : memref<32x2x64xi32, #tpu.memory_space<hbm>> -> memref<1x2x64xi32, #tpu.memory_space<hbm>>
      %dma_start3A_36 = tpu.memref_squeeze %dma_start3A_35 : memref<1x2x64xi32, #tpu.memory_space<hbm>> -> memref<2x64xi32, #tpu.memory_space<hbm>>
      %dma_start3A_37 = arith.constant 0 : i32
      %dma_start3A_38 = arith.constant 0 : i32
      %dma_start3A_39 = tpu.memref_slice %arg3[%add3A, %dma_start3A_37, %dma_start3A_38] : memref<32x2x64xi32, #tpu.memory_space<hbm>> -> memref<1x2x64xi32, #tpu.memory_space<hbm>>
      %dma_start3A_40 = tpu.memref_squeeze %dma_start3A_39 : memref<1x2x64xi32, #tpu.memory_space<hbm>> -> memref<2x64xi32, #tpu.memory_space<hbm>>
      tpu.enqueue_dma source(%dma_start3A_40 : memref<2x64xi32, #tpu.memory_space<hbm>>) target(%arg5 : memref<2x64xi32, #tpu.memory_space<vmem>>) target_semaphore(%run_scoped3A : memref<!tpu.dma_semaphore, #tpu.memory_space<semaphore_mem>>)
      %dma_wait3A_41 = arith.constant 0 : i32
      %dma_wait3A_42 = arith.constant 0 : i32
      %dma_wait3A_43 = tpu.memref_slice %arg3[%add3A, %dma_wait3A_41, %dma_wait3A_42] : memref<32x2x64xi32, #tpu.memory_space<hbm>> -> memref<1x2x64xi32, #tpu.memory_space<hbm>>
      %dma_wait3A_44 = tpu.memref_squeeze %dma_wait3A_43 : memref<1x2x64xi32, #tpu.memory_space<hbm>> -> memref<2x64xi32, #tpu.memory_space<hbm>>
      %dma_wait3A_45 = arith.constant 0 : i32
      %dma_wait3A_46 = arith.constant 0 : i32
      %dma_wait3A_47 = tpu.memref_slice %arg3[%add3A, %dma_wait3A_45, %dma_wait3A_46] : memref<32x2x64xi32, #tpu.memory_space<hbm>> -> memref<1x2x64xi32, #tpu.memory_space<hbm>>
      %dma_wait3A_48 = tpu.memref_squeeze %dma_wait3A_47 : memref<1x2x64xi32, #tpu.memory_space<hbm>> -> memref<2x64xi32, #tpu.memory_space<hbm>>
      tpu.wait_dma2 semaphore(%run_scoped3A : memref<!tpu.dma_semaphore, #tpu.memory_space<semaphore_mem>>) src(%dma_wait3A_48 : memref<2x64xi32, #tpu.memory_space<hbm>>) dst(%arg5 : memref<2x64xi32, #tpu.memory_space<vmem>>)
      tpu.yield
    }) : () -> ()
    %mul3A_1 = arith.constant 128 : i32
    %mul3A_2 = arith.muli %add3A, %mul3A_1 : i32
    %dma_start3A = arith.constant 0 : i32
    %dma_start3A_3 = arith.constant 0 : i32
    %dma_start3A_4 = tpu.memref_slice %arg5[%dma_start3A, %dma_start3A_3] : memref<2x64xi32, #tpu.memory_space<vmem>> -> memref<1x64xi32, #tpu.memory_space<vmem>>
    %dma_start3A_5 = tpu.memref_squeeze %dma_start3A_4 : memref<1x64xi32, #tpu.memory_space<vmem>> -> memref<64xi32, #tpu.memory_space<vmem>>
    %dma_start3A_6 = arith.constant 0 : i32
    %dma_start3A_7 = arith.constant 0 : i32
    %dma_start3A_8 = tpu.memref_slice %arg2[%dma_start3A_6, %dma_start3A_7] : memref<100000x768xf32, #tpu.memory_space<hbm>> -> memref<100000x768xf32, #tpu.memory_space<hbm>>
    tpu.enqueue_indirect_dma source(%dma_start3A_8 : memref<100000x768xf32, #tpu.memory_space<hbm>>) target(%arg6 : memref<64x768xf32, #tpu.memory_space<vmem>>) offsets(%dma_start3A_5 : memref<64xi32, #tpu.memory_space<vmem>>) semaphore(%arg8 : memref<!tpu.dma_semaphore, #tpu.memory_space<semaphore_mem>>)
    %dma_start3A_9 = arith.constant 1 : i32
    %dma_start3A_10 = arith.constant 0 : i32
    %dma_start3A_11 = tpu.memref_slice %arg5[%dma_start3A_9, %dma_start3A_10] : memref<2x64xi32, #tpu.memory_space<vmem>> -> memref<1x64xi32, #tpu.memory_space<vmem>>
    %dma_start3A_12 = tpu.memref_squeeze %dma_start3A_11 : memref<1x64xi32, #tpu.memory_space<vmem>> -> memref<64xi32, #tpu.memory_space<vmem>>
    %dma_start3A_13 = arith.constant 0 : i32
    %dma_start3A_14 = arith.constant 0 : i32
    %dma_start3A_15 = tpu.memref_slice %arg2[%dma_start3A_13, %dma_start3A_14] : memref<100000x768xf32, #tpu.memory_space<hbm>> -> memref<100000x768xf32, #tpu.memory_space<hbm>>
    tpu.enqueue_indirect_dma source(%dma_start3A_15 : memref<100000x768xf32, #tpu.memory_space<hbm>>) target(%arg7 : memref<64x768xf32, #tpu.memory_space<vmem>>) offsets(%dma_start3A_12 : memref<64xi32, #tpu.memory_space<vmem>>) semaphore(%arg9 : memref<!tpu.dma_semaphore, #tpu.memory_space<semaphore_mem>>)
    %dma_wait3A = arith.constant 0 : i32
    %dma_wait3A_16 = arith.constant 0 : i32
    %dma_wait3A_17 = tpu.memref_slice %arg5[%dma_wait3A, %dma_wait3A_16] : memref<2x64xi32, #tpu.memory_space<vmem>> -> memref<1x64xi32, #tpu.memory_space<vmem>>
    %dma_wait3A_18 = tpu.memref_squeeze %dma_wait3A_17 : memref<1x64xi32, #tpu.memory_space<vmem>> -> memref<64xi32, #tpu.memory_space<vmem>>
    %dma_wait3A_19 = arith.constant 0 : i32
    %dma_wait3A_20 = arith.constant 0 : i32
    %dma_wait3A_21 = tpu.memref_slice %arg2[%dma_wait3A_19, %dma_wait3A_20] : memref<100000x768xf32, #tpu.memory_space<hbm>> -> memref<100000x768xf32, #tpu.memory_space<hbm>>
    tpu.wait_indirect_dma semaphore(%arg8 : memref<!tpu.dma_semaphore, #tpu.memory_space<semaphore_mem>>) src(%dma_wait3A_21 : memref<100000x768xf32, #tpu.memory_space<hbm>>) dst(%arg6 : memref<64x768xf32, #tpu.memory_space<vmem>>)
    %add3A_22 = arith.constant 0 : i32
    %add3A_23 = arith.addi %mul3A_2, %add3A_22 : i32
    "tpu.region"() ({
      %run_scoped3A = tpu.sem_alloc : memref<!tpu.dma_semaphore, #tpu.memory_space<semaphore_mem>>
      %dma_start3A_33 = arith.constant 0 : i32
      %dma_start3A_34 = tpu.memref_slice %arg4[%add3A_23, %dma_start3A_33] : memref<4096x768xf32, #tpu.memory_space<hbm>> -> memref<64x768xf32, #tpu.memory_space<hbm>>
      %dma_start3A_35 = arith.constant 0 : i32
      %dma_start3A_36 = tpu.memref_slice %arg4[%add3A_23, %dma_start3A_35] : memref<4096x768xf32, #tpu.memory_space<hbm>> -> memref<64x768xf32, #tpu.memory_space<hbm>>
      tpu.enqueue_dma source(%arg6 : memref<64x768xf32, #tpu.memory_space<vmem>>) target(%dma_start3A_36 : memref<64x768xf32, #tpu.memory_space<hbm>>) target_semaphore(%run_scoped3A : memref<!tpu.dma_semaphore, #tpu.memory_space<semaphore_mem>>)
      %dma_wait3A_37 = arith.constant 0 : i32
      %dma_wait3A_38 = tpu.memref_slice %arg4[%add3A_23, %dma_wait3A_37] : memref<4096x768xf32, #tpu.memory_space<hbm>> -> memref<64x768xf32, #tpu.memory_space<hbm>>
      %dma_wait3A_39 = arith.constant 0 : i32
      %dma_wait3A_40 = tpu.memref_slice %arg4[%add3A_23, %dma_wait3A_39] : memref<4096x768xf32, #tpu.memory_space<hbm>> -> memref<64x768xf32, #tpu.memory_space<hbm>>
      tpu.wait_dma2 semaphore(%run_scoped3A : memref<!tpu.dma_semaphore, #tpu.memory_space<semaphore_mem>>) src(%arg6 : memref<64x768xf32, #tpu.memory_space<vmem>>) dst(%dma_wait3A_40 : memref<64x768xf32, #tpu.memory_space<hbm>>)
      tpu.yield
    }) : () -> ()
    %dma_wait3A_24 = arith.constant 1 : i32
    %dma_wait3A_25 = arith.constant 0 : i32
    %dma_wait3A_26 = tpu.memref_slice %arg5[%dma_wait3A_24, %dma_wait3A_25] : memref<2x64xi32, #tpu.memory_space<vmem>> -> memref<1x64xi32, #tpu.memory_space<vmem>>
    %dma_wait3A_27 = tpu.memref_squeeze %dma_wait3A_26 : memref<1x64xi32, #tpu.memory_space<vmem>> -> memref<64xi32, #tpu.memory_space<vmem>>
    %dma_wait3A_28 = arith.constant 0 : i32
    %dma_wait3A_29 = arith.constant 0 : i32
    %dma_wait3A_30 = tpu.memref_slice %arg2[%dma_wait3A_28, %dma_wait3A_29] : memref<100000x768xf32, #tpu.memory_space<hbm>> -> memref<100000x768xf32, #tpu.memory_space<hbm>>
    tpu.wait_indirect_dma semaphore(%arg9 : memref<!tpu.dma_semaphore, #tpu.memory_space<semaphore_mem>>) src(%dma_wait3A_30 : memref<100000x768xf32, #tpu.memory_space<hbm>>) dst(%arg7 : memref<64x768xf32, #tpu.memory_space<vmem>>)
    %add3A_31 = arith.constant 64 : i32
    %add3A_32 = arith.addi %mul3A_2, %add3A_31 : i32
    "tpu.region"() ({
      %run_scoped3A = tpu.sem_alloc : memref<!tpu.dma_semaphore, #tpu.memory_space<semaphore_mem>>
      %dma_start3A_33 = arith.constant 0 : i32
      %dma_start3A_34 = tpu.memref_slice %arg4[%add3A_32, %dma_start3A_33] : memref<4096x768xf32, #tpu.memory_space<hbm>> -> memref<64x768xf32, #tpu.memory_space<hbm>>
      %dma_start3A_35 = arith.constant 0 : i32
      %dma_start3A_36 = tpu.memref_slice %arg4[%add3A_32, %dma_start3A_35] : memref<4096x768xf32, #tpu.memory_space<hbm>> -> memref<64x768xf32, #tpu.memory_space<hbm>>
      tpu.enqueue_dma source(%arg7 : memref<64x768xf32, #tpu.memory_space<vmem>>) target(%dma_start3A_36 : memref<64x768xf32, #tpu.memory_space<hbm>>) target_semaphore(%run_scoped3A : memref<!tpu.dma_semaphore, #tpu.memory_space<semaphore_mem>>)
      %dma_wait3A_37 = arith.constant 0 : i32
      %dma_wait3A_38 = tpu.memref_slice %arg4[%add3A_32, %dma_wait3A_37] : memref<4096x768xf32, #tpu.memory_space<hbm>> -> memref<64x768xf32, #tpu.memory_space<hbm>>
      %dma_wait3A_39 = arith.constant 0 : i32
      %dma_wait3A_40 = tpu.memref_slice %arg4[%add3A_32, %dma_wait3A_39] : memref<4096x768xf32, #tpu.memory_space<hbm>> -> memref<64x768xf32, #tpu.memory_space<hbm>>
      tpu.wait_dma2 semaphore(%run_scoped3A : memref<!tpu.dma_semaphore, #tpu.memory_space<semaphore_mem>>) src(%arg7 : memref<64x768xf32, #tpu.memory_space<vmem>>) dst(%dma_wait3A_40 : memref<64x768xf32, #tpu.memory_space<hbm>>)
      tpu.yield
    }) : () -> ()
    return
  }
}

#map = affine_map<(d0, d1) -> (0, 0)>
#map1 = affine_map<(d0, d1) -> (0, 0, 0)>
module attributes {stable_mosaic.version = 14 : i64} {
  func.func @_sc_gather_body(%arg0: i32, %arg1: i32, %arg2: memref<100000x768xf32, #tpu.memory_space<hbm>>, %arg3: memref<32x2x64xi32, #tpu.memory_space<hbm>>, %arg4: memref<4096x768xf32, #tpu.memory_space<hbm>>, %arg5: memref<2x64xi32, #tpu.memory_space<vmem>>, %arg6: memref<64x768xf32, #tpu.memory_space<vmem>>, %arg7: memref<64x768xf32, #tpu.memory_space<vmem>>, %arg8: memref<!tpu.dma_semaphore, #tpu.memory_space<semaphore_mem>>, %arg9: memref<!tpu.dma_semaphore, #tpu.memory_space<semaphore_mem>>) attributes {dimension_semantics = [#tpu.dimension_semantics<core_parallel>, #tpu.dimension_semantics<subcore_parallel>], iteration_bounds = array<i64: 2, 16>, scalar_prefetch = 0 : i64, scratch_operands = 5 : i64, tpu.core_type = #tpu.core_type<sc_vector_subcore>, window_params = [{transform_indices = #map}, {transform_indices = #map1}, {transform_indices = #map}]} {
    %mul3A = arith.constant 2 : i32
    %mul3A_0 = arith.muli %arg1, %mul3A : i32
    %add3A = arith.addi %mul3A_0, %arg0 : i32
    "tpu.region"() ({
      %run_scoped3A = tpu.sem_alloc : memref<!tpu.dma_semaphore, #tpu.memory_space<semaphore_mem>>
      %dma_start3A_33 = arith.constant 0 : i32
      %dma_start3A_34 = arith.constant 0 : i32
      %dma_start3A_35 = tpu.memref_slice %arg3[%add3A, %dma_start3A_33, %dma_start3A_34] : memref<32x2x64xi32, #tpu.memory_space<hbm>> -> memref<1x2x64xi32, #tpu.memory_space<hbm>>
      %dma_start3A_36 = tpu.memref_squeeze %dma_start3A_35 : memref<1x2x64xi32, #tpu.memory_space<hbm>> -> memref<2x64xi32, #tpu.memory_space<hbm>>
      %dma_start3A_37 = arith.constant 0 : i32
      %dma_start3A_38 = arith.constant 0 : i32
      %dma_start3A_39 = tpu.memref_slice %arg3[%add3A, %dma_start3A_37, %dma_start3A_38] : memref<32x2x64xi32, #tpu.memory_space<hbm>> -> memref<1x2x64xi32, #tpu.memory_space<hbm>>
      %dma_start3A_40 = tpu.memref_squeeze %dma_start3A_39 : memref<1x2x64xi32, #tpu.memory_space<hbm>> -> memref<2x64xi32, #tpu.memory_space<hbm>>
      tpu.enqueue_dma source(%dma_start3A_40 : memref<2x64xi32, #tpu.memory_space<hbm>>) target(%arg5 : memref<2x64xi32, #tpu.memory_space<vmem>>) target_semaphore(%run_scoped3A : memref<!tpu.dma_semaphore, #tpu.memory_space<semaphore_mem>>)
      %dma_wait3A_41 = arith.constant 0 : i32
      %dma_wait3A_42 = arith.constant 0 : i32
      %dma_wait3A_43 = tpu.memref_slice %arg3[%add3A, %dma_wait3A_41, %dma_wait3A_42] : memref<32x2x64xi32, #tpu.memory_space<hbm>> -> memref<1x2x64xi32, #tpu.memory_space<hbm>>
      %dma_wait3A_44 = tpu.memref_squeeze %dma_wait3A_43 : memref<1x2x64xi32, #tpu.memory_space<hbm>> -> memref<2x64xi32, #tpu.memory_space<hbm>>
      %dma_wait3A_45 = arith.constant 0 : i32
      %dma_wait3A_46 = arith.constant 0 : i32
      %dma_wait3A_47 = tpu.memref_slice %arg3[%add3A, %dma_wait3A_45, %dma_wait3A_46] : memref<32x2x64xi32, #tpu.memory_space<hbm>> -> memref<1x2x64xi32, #tpu.memory_space<hbm>>
      %dma_wait3A_48 = tpu.memref_squeeze %dma_wait3A_47 : memref<1x2x64xi32, #tpu.memory_space<hbm>> -> memref<2x64xi32, #tpu.memory_space<hbm>>
      tpu.wait_dma2 semaphore(%run_scoped3A : memref<!tpu.dma_semaphore, #tpu.memory_space<semaphore_mem>>) src(%dma_wait3A_48 : memref<2x64xi32, #tpu.memory_space<hbm>>) dst(%arg5 : memref<2x64xi32, #tpu.memory_space<vmem>>)
      tpu.yield
    }) : () -> ()
    %mul3A_1 = arith.constant 128 : i32
    %mul3A_2 = arith.muli %add3A, %mul3A_1 : i32
    %dma_start3A = arith.constant 0 : i32
    %dma_start3A_3 = arith.constant 0 : i32
    %dma_start3A_4 = tpu.memref_slice %arg5[%dma_start3A, %dma_start3A_3] : memref<2x64xi32, #tpu.memory_space<vmem>> -> memref<1x64xi32, #tpu.memory_space<vmem>>
    %dma_start3A_5 = tpu.memref_squeeze %dma_start3A_4 : memref<1x64xi32, #tpu.memory_space<vmem>> -> memref<64xi32, #tpu.memory_space<vmem>>
    %dma_start3A_6 = arith.constant 0 : i32
    %dma_start3A_7 = arith.constant 0 : i32
    %dma_start3A_8 = tpu.memref_slice %arg2[%dma_start3A_6, %dma_start3A_7] : memref<100000x768xf32, #tpu.memory_space<hbm>> -> memref<100000x768xf32, #tpu.memory_space<hbm>>
    tpu.enqueue_indirect_dma source(%dma_start3A_8 : memref<100000x768xf32, #tpu.memory_space<hbm>>) target(%arg6 : memref<64x768xf32, #tpu.memory_space<vmem>>) offsets(%dma_start3A_5 : memref<64xi32, #tpu.memory_space<vmem>>) semaphore(%arg8 : memref<!tpu.dma_semaphore, #tpu.memory_space<semaphore_mem>>)
    %dma_start3A_9 = arith.constant 1 : i32
    %dma_start3A_10 = arith.constant 0 : i32
    %dma_start3A_11 = tpu.memref_slice %arg5[%dma_start3A_9, %dma_start3A_10] : memref<2x64xi32, #tpu.memory_space<vmem>> -> memref<1x64xi32, #tpu.memory_space<vmem>>
    %dma_start3A_12 = tpu.memref_squeeze %dma_start3A_11 : memref<1x64xi32, #tpu.memory_space<vmem>> -> memref<64xi32, #tpu.memory_space<vmem>>
    %dma_start3A_13 = arith.constant 0 : i32
    %dma_start3A_14 = arith.constant 0 : i32
    %dma_start3A_15 = tpu.memref_slice %arg2[%dma_start3A_13, %dma_start3A_14] : memref<100000x768xf32, #tpu.memory_space<hbm>> -> memref<100000x768xf32, #tpu.memory_space<hbm>>
    tpu.enqueue_indirect_dma source(%dma_start3A_15 : memref<100000x768xf32, #tpu.memory_space<hbm>>) target(%arg7 : memref<64x768xf32, #tpu.memory_space<vmem>>) offsets(%dma_start3A_12 : memref<64xi32, #tpu.memory_space<vmem>>) semaphore(%arg9 : memref<!tpu.dma_semaphore, #tpu.memory_space<semaphore_mem>>)
    %dma_wait3A = arith.constant 0 : i32
    %dma_wait3A_16 = arith.constant 0 : i32
    %dma_wait3A_17 = tpu.memref_slice %arg5[%dma_wait3A, %dma_wait3A_16] : memref<2x64xi32, #tpu.memory_space<vmem>> -> memref<1x64xi32, #tpu.memory_space<vmem>>
    %dma_wait3A_18 = tpu.memref_squeeze %dma_wait3A_17 : memref<1x64xi32, #tpu.memory_space<vmem>> -> memref<64xi32, #tpu.memory_space<vmem>>
    %dma_wait3A_19 = arith.constant 0 : i32
    %dma_wait3A_20 = arith.constant 0 : i32
    %dma_wait3A_21 = tpu.memref_slice %arg2[%dma_wait3A_19, %dma_wait3A_20] : memref<100000x768xf32, #tpu.memory_space<hbm>> -> memref<100000x768xf32, #tpu.memory_space<hbm>>
    tpu.wait_indirect_dma semaphore(%arg8 : memref<!tpu.dma_semaphore, #tpu.memory_space<semaphore_mem>>) src(%dma_wait3A_21 : memref<100000x768xf32, #tpu.memory_space<hbm>>) dst(%arg6 : memref<64x768xf32, #tpu.memory_space<vmem>>)
    %add3A_22 = arith.constant 0 : i32
    %add3A_23 = arith.addi %mul3A_2, %add3A_22 : i32
    "tpu.region"() ({
      %run_scoped3A = tpu.sem_alloc : memref<!tpu.dma_semaphore, #tpu.memory_space<semaphore_mem>>
      %dma_start3A_33 = arith.constant 0 : i32
      %dma_start3A_34 = tpu.memref_slice %arg4[%add3A_23, %dma_start3A_33] : memref<4096x768xf32, #tpu.memory_space<hbm>> -> memref<64x768xf32, #tpu.memory_space<hbm>>
      %dma_start3A_35 = arith.constant 0 : i32
      %dma_start3A_36 = tpu.memref_slice %arg4[%add3A_23, %dma_start3A_35] : memref<4096x768xf32, #tpu.memory_space<hbm>> -> memref<64x768xf32, #tpu.memory_space<hbm>>
      tpu.enqueue_dma source(%arg6 : memref<64x768xf32, #tpu.memory_space<vmem>>) target(%dma_start3A_36 : memref<64x768xf32, #tpu.memory_space<hbm>>) target_semaphore(%run_scoped3A : memref<!tpu.dma_semaphore, #tpu.memory_space<semaphore_mem>>)
      %dma_wait3A_37 = arith.constant 0 : i32
      %dma_wait3A_38 = tpu.memref_slice %arg4[%add3A_23, %dma_wait3A_37] : memref<4096x768xf32, #tpu.memory_space<hbm>> -> memref<64x768xf32, #tpu.memory_space<hbm>>
      %dma_wait3A_39 = arith.constant 0 : i32
      %dma_wait3A_40 = tpu.memref_slice %arg4[%add3A_23, %dma_wait3A_39] : memref<4096x768xf32, #tpu.memory_space<hbm>> -> memref<64x768xf32, #tpu.memory_space<hbm>>
      tpu.wait_dma2 semaphore(%run_scoped3A : memref<!tpu.dma_semaphore, #tpu.memory_space<semaphore_mem>>) src(%arg6 : memref<64x768xf32, #tpu.memory_space<vmem>>) dst(%dma_wait3A_40 : memref<64x768xf32, #tpu.memory_space<hbm>>)
      tpu.yield
    }) : () -> ()
    %dma_wait3A_24 = arith.constant 1 : i32
    %dma_wait3A_25 = arith.constant 0 : i32
    %dma_wait3A_26 = tpu.memref_slice %arg5[%dma_wait3A_24, %dma_wait3A_25] : memref<2x64xi32, #tpu.memory_space<vmem>> -> memref<1x64xi32, #tpu.memory_space<vmem>>
    %dma_wait3A_27 = tpu.memref_squeeze %dma_wait3A_26 : memref<1x64xi32, #tpu.memory_space<vmem>> -> memref<64xi32, #tpu.memory_space<vmem>>
    %dma_wait3A_28 = arith.constant 0 : i32
    %dma_wait3A_29 = arith.constant 0 : i32
    %dma_wait3A_30 = tpu.memref_slice %arg2[%dma_wait3A_28, %dma_wait3A_29] : memref<100000x768xf32, #tpu.memory_space<hbm>> -> memref<100000x768xf32, #tpu.memory_space<hbm>>
    tpu.wait_indirect_dma semaphore(%arg9 : memref<!tpu.dma_semaphore, #tpu.memory_space<semaphore_mem>>) src(%dma_wait3A_30 : memref<100000x768xf32, #tpu.memory_space<hbm>>) dst(%arg7 : memref<64x768xf32, #tpu.memory_space<vmem>>)
    %add3A_31 = arith.constant 64 : i32
    %add3A_32 = arith.addi %mul3A_2, %add3A_31 : i32
    "tpu.region"() ({
      %run_scoped3A = tpu.sem_alloc : memref<!tpu.dma_semaphore, #tpu.memory_space<semaphore_mem>>
      %dma_start3A_33 = arith.constant 0 : i32
      %dma_start3A_34 = tpu.memref_slice %arg4[%add3A_32, %dma_start3A_33] : memref<4096x768xf32, #tpu.memory_space<hbm>> -> memref<64x768xf32, #tpu.memory_space<hbm>>
      %dma_start3A_35 = arith.constant 0 : i32
      %dma_start3A_36 = tpu.memref_slice %arg4[%add3A_32, %dma_start3A_35] : memref<4096x768xf32, #tpu.memory_space<hbm>> -> memref<64x768xf32, #tpu.memory_space<hbm>>
      tpu.enqueue_dma source(%arg7 : memref<64x768xf32, #tpu.memory_space<vmem>>) target(%dma_start3A_36 : memref<64x768xf32, #tpu.memory_space<hbm>>) target_semaphore(%run_scoped3A : memref<!tpu.dma_semaphore, #tpu.memory_space<semaphore_mem>>)
      %dma_wait3A_37 = arith.constant 0 : i32
      %dma_wait3A_38 = tpu.memref_slice %arg4[%add3A_32, %dma_wait3A_37] : memref<4096x768xf32, #tpu.memory_space<hbm>> -> memref<64x768xf32, #tpu.memory_space<hbm>>
      %dma_wait3A_39 = arith.constant 0 : i32
      %dma_wait3A_40 = tpu.memref_slice %arg4[%add3A_32, %dma_wait3A_39] : memref<4096x768xf32, #tpu.memory_space<hbm>> -> memref<64x768xf32, #tpu.memory_space<hbm>>
      tpu.wait_dma2 semaphore(%run_scoped3A : memref<!tpu.dma_semaphore, #tpu.memory_space<semaphore_mem>>) src(%arg7 : memref<64x768xf32, #tpu.memory_space<vmem>>) dst(%dma_wait3A_40 : memref<64x768xf32, #tpu.memory_space<hbm>>)
      tpu.yield
    }) : () -> ()
    return
  }
}

#map = affine_map<(d0, d1) -> (0, 0)>
#map1 = affine_map<(d0, d1) -> (0, 0, 0)>
module attributes {stable_mosaic.version = 14 : i64} {
  func.func @_sc_gather_body(%arg0: i32, %arg1: i32, %arg2: memref<100000x768xf32, #tpu.memory_space<hbm>>, %arg3: memref<32x2x64xi32, #tpu.memory_space<hbm>>, %arg4: memref<4096x768xf32, #tpu.memory_space<hbm>>, %arg5: memref<2x64xi32, #tpu.memory_space<vmem>>, %arg6: memref<64x768xf32, #tpu.memory_space<vmem>>, %arg7: memref<64x768xf32, #tpu.memory_space<vmem>>, %arg8: memref<!tpu.dma_semaphore, #tpu.memory_space<semaphore_mem>>, %arg9: memref<!tpu.dma_semaphore, #tpu.memory_space<semaphore_mem>>) attributes {dimension_semantics = [#tpu.dimension_semantics<core_parallel>, #tpu.dimension_semantics<subcore_parallel>], iteration_bounds = array<i64: 2, 16>, scalar_prefetch = 0 : i64, scratch_operands = 5 : i64, tpu.core_type = #tpu.core_type<sc_vector_subcore>, window_params = [{transform_indices = #map}, {transform_indices = #map1}, {transform_indices = #map}]} {
    %mul3A = arith.constant 2 : i32
    %mul3A_0 = arith.muli %arg1, %mul3A : i32
    %add3A = arith.addi %mul3A_0, %arg0 : i32
    "tpu.region"() ({
      %run_scoped3A = tpu.sem_alloc : memref<!tpu.dma_semaphore, #tpu.memory_space<semaphore_mem>>
      %dma_start3A_33 = arith.constant 0 : i32
      %dma_start3A_34 = arith.constant 0 : i32
      %dma_start3A_35 = tpu.memref_slice %arg3[%add3A, %dma_start3A_33, %dma_start3A_34] : memref<32x2x64xi32, #tpu.memory_space<hbm>> -> memref<1x2x64xi32, #tpu.memory_space<hbm>>
      %dma_start3A_36 = tpu.memref_squeeze %dma_start3A_35 : memref<1x2x64xi32, #tpu.memory_space<hbm>> -> memref<2x64xi32, #tpu.memory_space<hbm>>
      %dma_start3A_37 = arith.constant 0 : i32
      %dma_start3A_38 = arith.constant 0 : i32
      %dma_start3A_39 = tpu.memref_slice %arg3[%add3A, %dma_start3A_37, %dma_start3A_38] : memref<32x2x64xi32, #tpu.memory_space<hbm>> -> memref<1x2x64xi32, #tpu.memory_space<hbm>>
      %dma_start3A_40 = tpu.memref_squeeze %dma_start3A_39 : memref<1x2x64xi32, #tpu.memory_space<hbm>> -> memref<2x64xi32, #tpu.memory_space<hbm>>
      tpu.enqueue_dma source(%dma_start3A_40 : memref<2x64xi32, #tpu.memory_space<hbm>>) target(%arg5 : memref<2x64xi32, #tpu.memory_space<vmem>>) target_semaphore(%run_scoped3A : memref<!tpu.dma_semaphore, #tpu.memory_space<semaphore_mem>>)
      %dma_wait3A_41 = arith.constant 0 : i32
      %dma_wait3A_42 = arith.constant 0 : i32
      %dma_wait3A_43 = tpu.memref_slice %arg3[%add3A, %dma_wait3A_41, %dma_wait3A_42] : memref<32x2x64xi32, #tpu.memory_space<hbm>> -> memref<1x2x64xi32, #tpu.memory_space<hbm>>
      %dma_wait3A_44 = tpu.memref_squeeze %dma_wait3A_43 : memref<1x2x64xi32, #tpu.memory_space<hbm>> -> memref<2x64xi32, #tpu.memory_space<hbm>>
      %dma_wait3A_45 = arith.constant 0 : i32
      %dma_wait3A_46 = arith.constant 0 : i32
      %dma_wait3A_47 = tpu.memref_slice %arg3[%add3A, %dma_wait3A_45, %dma_wait3A_46] : memref<32x2x64xi32, #tpu.memory_space<hbm>> -> memref<1x2x64xi32, #tpu.memory_space<hbm>>
      %dma_wait3A_48 = tpu.memref_squeeze %dma_wait3A_47 : memref<1x2x64xi32, #tpu.memory_space<hbm>> -> memref<2x64xi32, #tpu.memory_space<hbm>>
      tpu.wait_dma2 semaphore(%run_scoped3A : memref<!tpu.dma_semaphore, #tpu.memory_space<semaphore_mem>>) src(%dma_wait3A_48 : memref<2x64xi32, #tpu.memory_space<hbm>>) dst(%arg5 : memref<2x64xi32, #tpu.memory_space<vmem>>)
      tpu.yield
    }) : () -> ()
    %mul3A_1 = arith.constant 128 : i32
    %mul3A_2 = arith.muli %add3A, %mul3A_1 : i32
    %dma_start3A = arith.constant 0 : i32
    %dma_start3A_3 = arith.constant 0 : i32
    %dma_start3A_4 = tpu.memref_slice %arg5[%dma_start3A, %dma_start3A_3] : memref<2x64xi32, #tpu.memory_space<vmem>> -> memref<1x64xi32, #tpu.memory_space<vmem>>
    %dma_start3A_5 = tpu.memref_squeeze %dma_start3A_4 : memref<1x64xi32, #tpu.memory_space<vmem>> -> memref<64xi32, #tpu.memory_space<vmem>>
    %dma_start3A_6 = arith.constant 0 : i32
    %dma_start3A_7 = arith.constant 0 : i32
    %dma_start3A_8 = tpu.memref_slice %arg2[%dma_start3A_6, %dma_start3A_7] : memref<100000x768xf32, #tpu.memory_space<hbm>> -> memref<100000x768xf32, #tpu.memory_space<hbm>>
    tpu.enqueue_indirect_dma source(%dma_start3A_8 : memref<100000x768xf32, #tpu.memory_space<hbm>>) target(%arg6 : memref<64x768xf32, #tpu.memory_space<vmem>>) offsets(%dma_start3A_5 : memref<64xi32, #tpu.memory_space<vmem>>) semaphore(%arg8 : memref<!tpu.dma_semaphore, #tpu.memory_space<semaphore_mem>>)
    %dma_start3A_9 = arith.constant 1 : i32
    %dma_start3A_10 = arith.constant 0 : i32
    %dma_start3A_11 = tpu.memref_slice %arg5[%dma_start3A_9, %dma_start3A_10] : memref<2x64xi32, #tpu.memory_space<vmem>> -> memref<1x64xi32, #tpu.memory_space<vmem>>
    %dma_start3A_12 = tpu.memref_squeeze %dma_start3A_11 : memref<1x64xi32, #tpu.memory_space<vmem>> -> memref<64xi32, #tpu.memory_space<vmem>>
    %dma_start3A_13 = arith.constant 0 : i32
    %dma_start3A_14 = arith.constant 0 : i32
    %dma_start3A_15 = tpu.memref_slice %arg2[%dma_start3A_13, %dma_start3A_14] : memref<100000x768xf32, #tpu.memory_space<hbm>> -> memref<100000x768xf32, #tpu.memory_space<hbm>>
    tpu.enqueue_indirect_dma source(%dma_start3A_15 : memref<100000x768xf32, #tpu.memory_space<hbm>>) target(%arg7 : memref<64x768xf32, #tpu.memory_space<vmem>>) offsets(%dma_start3A_12 : memref<64xi32, #tpu.memory_space<vmem>>) semaphore(%arg9 : memref<!tpu.dma_semaphore, #tpu.memory_space<semaphore_mem>>)
    %dma_wait3A = arith.constant 0 : i32
    %dma_wait3A_16 = arith.constant 0 : i32
    %dma_wait3A_17 = tpu.memref_slice %arg5[%dma_wait3A, %dma_wait3A_16] : memref<2x64xi32, #tpu.memory_space<vmem>> -> memref<1x64xi32, #tpu.memory_space<vmem>>
    %dma_wait3A_18 = tpu.memref_squeeze %dma_wait3A_17 : memref<1x64xi32, #tpu.memory_space<vmem>> -> memref<64xi32, #tpu.memory_space<vmem>>
    %dma_wait3A_19 = arith.constant 0 : i32
    %dma_wait3A_20 = arith.constant 0 : i32
    %dma_wait3A_21 = tpu.memref_slice %arg2[%dma_wait3A_19, %dma_wait3A_20] : memref<100000x768xf32, #tpu.memory_space<hbm>> -> memref<100000x768xf32, #tpu.memory_space<hbm>>
    tpu.wait_indirect_dma semaphore(%arg8 : memref<!tpu.dma_semaphore, #tpu.memory_space<semaphore_mem>>) src(%dma_wait3A_21 : memref<100000x768xf32, #tpu.memory_space<hbm>>) dst(%arg6 : memref<64x768xf32, #tpu.memory_space<vmem>>)
    %add3A_22 = arith.constant 0 : i32
    %add3A_23 = arith.addi %mul3A_2, %add3A_22 : i32
    "tpu.region"() ({
      %run_scoped3A = tpu.sem_alloc : memref<!tpu.dma_semaphore, #tpu.memory_space<semaphore_mem>>
      %dma_start3A_33 = arith.constant 0 : i32
      %dma_start3A_34 = tpu.memref_slice %arg4[%add3A_23, %dma_start3A_33] : memref<4096x768xf32, #tpu.memory_space<hbm>> -> memref<64x768xf32, #tpu.memory_space<hbm>>
      %dma_start3A_35 = arith.constant 0 : i32
      %dma_start3A_36 = tpu.memref_slice %arg4[%add3A_23, %dma_start3A_35] : memref<4096x768xf32, #tpu.memory_space<hbm>> -> memref<64x768xf32, #tpu.memory_space<hbm>>
      tpu.enqueue_dma source(%arg6 : memref<64x768xf32, #tpu.memory_space<vmem>>) target(%dma_start3A_36 : memref<64x768xf32, #tpu.memory_space<hbm>>) target_semaphore(%run_scoped3A : memref<!tpu.dma_semaphore, #tpu.memory_space<semaphore_mem>>)
      %dma_wait3A_37 = arith.constant 0 : i32
      %dma_wait3A_38 = tpu.memref_slice %arg4[%add3A_23, %dma_wait3A_37] : memref<4096x768xf32, #tpu.memory_space<hbm>> -> memref<64x768xf32, #tpu.memory_space<hbm>>
      %dma_wait3A_39 = arith.constant 0 : i32
      %dma_wait3A_40 = tpu.memref_slice %arg4[%add3A_23, %dma_wait3A_39] : memref<4096x768xf32, #tpu.memory_space<hbm>> -> memref<64x768xf32, #tpu.memory_space<hbm>>
      tpu.wait_dma2 semaphore(%run_scoped3A : memref<!tpu.dma_semaphore, #tpu.memory_space<semaphore_mem>>) src(%arg6 : memref<64x768xf32, #tpu.memory_space<vmem>>) dst(%dma_wait3A_40 : memref<64x768xf32, #tpu.memory_space<hbm>>)
      tpu.yield
    }) : () -> ()
    %dma_wait3A_24 = arith.constant 1 : i32
    %dma_wait3A_25 = arith.constant 0 : i32
    %dma_wait3A_26 = tpu.memref_slice %arg5[%dma_wait3A_24, %dma_wait3A_25] : memref<2x64xi32, #tpu.memory_space<vmem>> -> memref<1x64xi32, #tpu.memory_space<vmem>>
    %dma_wait3A_27 = tpu.memref_squeeze %dma_wait3A_26 : memref<1x64xi32, #tpu.memory_space<vmem>> -> memref<64xi32, #tpu.memory_space<vmem>>
    %dma_wait3A_28 = arith.constant 0 : i32
    %dma_wait3A_29 = arith.constant 0 : i32
    %dma_wait3A_30 = tpu.memref_slice %arg2[%dma_wait3A_28, %dma_wait3A_29] : memref<100000x768xf32, #tpu.memory_space<hbm>> -> memref<100000x768xf32, #tpu.memory_space<hbm>>
    tpu.wait_indirect_dma semaphore(%arg9 : memref<!tpu.dma_semaphore, #tpu.memory_space<semaphore_mem>>) src(%dma_wait3A_30 : memref<100000x768xf32, #tpu.memory_space<hbm>>) dst(%arg7 : memref<64x768xf32, #tpu.memory_space<vmem>>)
    %add3A_31 = arith.constant 64 : i32
    %add3A_32 = arith.addi %mul3A_2, %add3A_31 : i32
    "tpu.region"() ({
      %run_scoped3A = tpu.sem_alloc : memref<!tpu.dma_semaphore, #tpu.memory_space<semaphore_mem>>
      %dma_start3A_33 = arith.constant 0 : i32
      %dma_start3A_34 = tpu.memref_slice %arg4[%add3A_32, %dma_start3A_33] : memref<4096x768xf32, #tpu.memory_space<hbm>> -> memref<64x768xf32, #tpu.memory_space<hbm>>
      %dma_start3A_35 = arith.constant 0 : i32
      %dma_start3A_36 = tpu.memref_slice %arg4[%add3A_32, %dma_start3A_35] : memref<4096x768xf32, #tpu.memory_space<hbm>> -> memref<64x768xf32, #tpu.memory_space<hbm>>
      tpu.enqueue_dma source(%arg7 : memref<64x768xf32, #tpu.memory_space<vmem>>) target(%dma_start3A_36 : memref<64x768xf32, #tpu.memory_space<hbm>>) target_semaphore(%run_scoped3A : memref<!tpu.dma_semaphore, #tpu.memory_space<semaphore_mem>>)
      %dma_wait3A_37 = arith.constant 0 : i32
      %dma_wait3A_38 = tpu.memref_slice %arg4[%add3A_32, %dma_wait3A_37] : memref<4096x768xf32, #tpu.memory_space<hbm>> -> memref<64x768xf32, #tpu.memory_space<hbm>>
      %dma_wait3A_39 = arith.constant 0 : i32
      %dma_wait3A_40 = tpu.memref_slice %arg4[%add3A_32, %dma_wait3A_39] : memref<4096x768xf32, #tpu.memory_space<hbm>> -> memref<64x768xf32, #tpu.memory_space<hbm>>
      tpu.wait_dma2 semaphore(%run_scoped3A : memref<!tpu.dma_semaphore, #tpu.memory_space<semaphore_mem>>) src(%arg7 : memref<64x768xf32, #tpu.memory_space<vmem>>) dst(%dma_wait3A_40 : memref<64x768xf32, #tpu.memory_space<hbm>>)
      tpu.yield
    }) : () -> ()
    return
  }
}

#map = affine_map<(d0, d1) -> (0, 0)>
#map1 = affine_map<(d0, d1) -> (0, 0, 0)>
module attributes {stable_mosaic.version = 14 : i64} {
  func.func @_sc_gather_body(%arg0: i32, %arg1: i32, %arg2: memref<100000x768xf32, #tpu.memory_space<hbm>>, %arg3: memref<32x2x64xi32, #tpu.memory_space<hbm>>, %arg4: memref<4096x768xf32, #tpu.memory_space<hbm>>, %arg5: memref<2x64xi32, #tpu.memory_space<vmem>>, %arg6: memref<64x768xf32, #tpu.memory_space<vmem>>, %arg7: memref<64x768xf32, #tpu.memory_space<vmem>>, %arg8: memref<!tpu.dma_semaphore, #tpu.memory_space<semaphore_mem>>, %arg9: memref<!tpu.dma_semaphore, #tpu.memory_space<semaphore_mem>>) attributes {dimension_semantics = [#tpu.dimension_semantics<core_parallel>, #tpu.dimension_semantics<subcore_parallel>], iteration_bounds = array<i64: 2, 16>, scalar_prefetch = 0 : i64, scratch_operands = 5 : i64, tpu.core_type = #tpu.core_type<sc_vector_subcore>, window_params = [{transform_indices = #map}, {transform_indices = #map1}, {transform_indices = #map}]} {
    %mul3A = arith.constant 2 : i32
    %mul3A_0 = arith.muli %arg1, %mul3A : i32
    %add3A = arith.addi %mul3A_0, %arg0 : i32
    "tpu.region"() ({
      %run_scoped3A = tpu.sem_alloc : memref<!tpu.dma_semaphore, #tpu.memory_space<semaphore_mem>>
      %dma_start3A_33 = arith.constant 0 : i32
      %dma_start3A_34 = arith.constant 0 : i32
      %dma_start3A_35 = tpu.memref_slice %arg3[%add3A, %dma_start3A_33, %dma_start3A_34] : memref<32x2x64xi32, #tpu.memory_space<hbm>> -> memref<1x2x64xi32, #tpu.memory_space<hbm>>
      %dma_start3A_36 = tpu.memref_squeeze %dma_start3A_35 : memref<1x2x64xi32, #tpu.memory_space<hbm>> -> memref<2x64xi32, #tpu.memory_space<hbm>>
      %dma_start3A_37 = arith.constant 0 : i32
      %dma_start3A_38 = arith.constant 0 : i32
      %dma_start3A_39 = tpu.memref_slice %arg3[%add3A, %dma_start3A_37, %dma_start3A_38] : memref<32x2x64xi32, #tpu.memory_space<hbm>> -> memref<1x2x64xi32, #tpu.memory_space<hbm>>
      %dma_start3A_40 = tpu.memref_squeeze %dma_start3A_39 : memref<1x2x64xi32, #tpu.memory_space<hbm>> -> memref<2x64xi32, #tpu.memory_space<hbm>>
      tpu.enqueue_dma source(%dma_start3A_40 : memref<2x64xi32, #tpu.memory_space<hbm>>) target(%arg5 : memref<2x64xi32, #tpu.memory_space<vmem>>) target_semaphore(%run_scoped3A : memref<!tpu.dma_semaphore, #tpu.memory_space<semaphore_mem>>)
      %dma_wait3A_41 = arith.constant 0 : i32
      %dma_wait3A_42 = arith.constant 0 : i32
      %dma_wait3A_43 = tpu.memref_slice %arg3[%add3A, %dma_wait3A_41, %dma_wait3A_42] : memref<32x2x64xi32, #tpu.memory_space<hbm>> -> memref<1x2x64xi32, #tpu.memory_space<hbm>>
      %dma_wait3A_44 = tpu.memref_squeeze %dma_wait3A_43 : memref<1x2x64xi32, #tpu.memory_space<hbm>> -> memref<2x64xi32, #tpu.memory_space<hbm>>
      %dma_wait3A_45 = arith.constant 0 : i32
      %dma_wait3A_46 = arith.constant 0 : i32
      %dma_wait3A_47 = tpu.memref_slice %arg3[%add3A, %dma_wait3A_45, %dma_wait3A_46] : memref<32x2x64xi32, #tpu.memory_space<hbm>> -> memref<1x2x64xi32, #tpu.memory_space<hbm>>
      %dma_wait3A_48 = tpu.memref_squeeze %dma_wait3A_47 : memref<1x2x64xi32, #tpu.memory_space<hbm>> -> memref<2x64xi32, #tpu.memory_space<hbm>>
      tpu.wait_dma2 semaphore(%run_scoped3A : memref<!tpu.dma_semaphore, #tpu.memory_space<semaphore_mem>>) src(%dma_wait3A_48 : memref<2x64xi32, #tpu.memory_space<hbm>>) dst(%arg5 : memref<2x64xi32, #tpu.memory_space<vmem>>)
      tpu.yield
    }) : () -> ()
    %mul3A_1 = arith.constant 128 : i32
    %mul3A_2 = arith.muli %add3A, %mul3A_1 : i32
    %dma_start3A = arith.constant 0 : i32
    %dma_start3A_3 = arith.constant 0 : i32
    %dma_start3A_4 = tpu.memref_slice %arg5[%dma_start3A, %dma_start3A_3] : memref<2x64xi32, #tpu.memory_space<vmem>> -> memref<1x64xi32, #tpu.memory_space<vmem>>
    %dma_start3A_5 = tpu.memref_squeeze %dma_start3A_4 : memref<1x64xi32, #tpu.memory_space<vmem>> -> memref<64xi32, #tpu.memory_space<vmem>>
    %dma_start3A_6 = arith.constant 0 : i32
    %dma_start3A_7 = arith.constant 0 : i32
    %dma_start3A_8 = tpu.memref_slice %arg2[%dma_start3A_6, %dma_start3A_7] : memref<100000x768xf32, #tpu.memory_space<hbm>> -> memref<100000x768xf32, #tpu.memory_space<hbm>>
    tpu.enqueue_indirect_dma source(%dma_start3A_8 : memref<100000x768xf32, #tpu.memory_space<hbm>>) target(%arg6 : memref<64x768xf32, #tpu.memory_space<vmem>>) offsets(%dma_start3A_5 : memref<64xi32, #tpu.memory_space<vmem>>) semaphore(%arg8 : memref<!tpu.dma_semaphore, #tpu.memory_space<semaphore_mem>>)
    %dma_start3A_9 = arith.constant 1 : i32
    %dma_start3A_10 = arith.constant 0 : i32
    %dma_start3A_11 = tpu.memref_slice %arg5[%dma_start3A_9, %dma_start3A_10] : memref<2x64xi32, #tpu.memory_space<vmem>> -> memref<1x64xi32, #tpu.memory_space<vmem>>
    %dma_start3A_12 = tpu.memref_squeeze %dma_start3A_11 : memref<1x64xi32, #tpu.memory_space<vmem>> -> memref<64xi32, #tpu.memory_space<vmem>>
    %dma_start3A_13 = arith.constant 0 : i32
    %dma_start3A_14 = arith.constant 0 : i32
    %dma_start3A_15 = tpu.memref_slice %arg2[%dma_start3A_13, %dma_start3A_14] : memref<100000x768xf32, #tpu.memory_space<hbm>> -> memref<100000x768xf32, #tpu.memory_space<hbm>>
    tpu.enqueue_indirect_dma source(%dma_start3A_15 : memref<100000x768xf32, #tpu.memory_space<hbm>>) target(%arg7 : memref<64x768xf32, #tpu.memory_space<vmem>>) offsets(%dma_start3A_12 : memref<64xi32, #tpu.memory_space<vmem>>) semaphore(%arg9 : memref<!tpu.dma_semaphore, #tpu.memory_space<semaphore_mem>>)
    %dma_wait3A = arith.constant 0 : i32
    %dma_wait3A_16 = arith.constant 0 : i32
    %dma_wait3A_17 = tpu.memref_slice %arg5[%dma_wait3A, %dma_wait3A_16] : memref<2x64xi32, #tpu.memory_space<vmem>> -> memref<1x64xi32, #tpu.memory_space<vmem>>
    %dma_wait3A_18 = tpu.memref_squeeze %dma_wait3A_17 : memref<1x64xi32, #tpu.memory_space<vmem>> -> memref<64xi32, #tpu.memory_space<vmem>>
    %dma_wait3A_19 = arith.constant 0 : i32
    %dma_wait3A_20 = arith.constant 0 : i32
    %dma_wait3A_21 = tpu.memref_slice %arg2[%dma_wait3A_19, %dma_wait3A_20] : memref<100000x768xf32, #tpu.memory_space<hbm>> -> memref<100000x768xf32, #tpu.memory_space<hbm>>
    tpu.wait_indirect_dma semaphore(%arg8 : memref<!tpu.dma_semaphore, #tpu.memory_space<semaphore_mem>>) src(%dma_wait3A_21 : memref<100000x768xf32, #tpu.memory_space<hbm>>) dst(%arg6 : memref<64x768xf32, #tpu.memory_space<vmem>>)
    %add3A_22 = arith.constant 0 : i32
    %add3A_23 = arith.addi %mul3A_2, %add3A_22 : i32
    "tpu.region"() ({
      %run_scoped3A = tpu.sem_alloc : memref<!tpu.dma_semaphore, #tpu.memory_space<semaphore_mem>>
      %dma_start3A_33 = arith.constant 0 : i32
      %dma_start3A_34 = tpu.memref_slice %arg4[%add3A_23, %dma_start3A_33] : memref<4096x768xf32, #tpu.memory_space<hbm>> -> memref<64x768xf32, #tpu.memory_space<hbm>>
      %dma_start3A_35 = arith.constant 0 : i32
      %dma_start3A_36 = tpu.memref_slice %arg4[%add3A_23, %dma_start3A_35] : memref<4096x768xf32, #tpu.memory_space<hbm>> -> memref<64x768xf32, #tpu.memory_space<hbm>>
      tpu.enqueue_dma source(%arg6 : memref<64x768xf32, #tpu.memory_space<vmem>>) target(%dma_start3A_36 : memref<64x768xf32, #tpu.memory_space<hbm>>) target_semaphore(%run_scoped3A : memref<!tpu.dma_semaphore, #tpu.memory_space<semaphore_mem>>)
      %dma_wait3A_37 = arith.constant 0 : i32
      %dma_wait3A_38 = tpu.memref_slice %arg4[%add3A_23, %dma_wait3A_37] : memref<4096x768xf32, #tpu.memory_space<hbm>> -> memref<64x768xf32, #tpu.memory_space<hbm>>
      %dma_wait3A_39 = arith.constant 0 : i32
      %dma_wait3A_40 = tpu.memref_slice %arg4[%add3A_23, %dma_wait3A_39] : memref<4096x768xf32, #tpu.memory_space<hbm>> -> memref<64x768xf32, #tpu.memory_space<hbm>>
      tpu.wait_dma2 semaphore(%run_scoped3A : memref<!tpu.dma_semaphore, #tpu.memory_space<semaphore_mem>>) src(%arg6 : memref<64x768xf32, #tpu.memory_space<vmem>>) dst(%dma_wait3A_40 : memref<64x768xf32, #tpu.memory_space<hbm>>)
      tpu.yield
    }) : () -> ()
    %dma_wait3A_24 = arith.constant 1 : i32
    %dma_wait3A_25 = arith.constant 0 : i32
    %dma_wait3A_26 = tpu.memref_slice %arg5[%dma_wait3A_24, %dma_wait3A_25] : memref<2x64xi32, #tpu.memory_space<vmem>> -> memref<1x64xi32, #tpu.memory_space<vmem>>
    %dma_wait3A_27 = tpu.memref_squeeze %dma_wait3A_26 : memref<1x64xi32, #tpu.memory_space<vmem>> -> memref<64xi32, #tpu.memory_space<vmem>>
    %dma_wait3A_28 = arith.constant 0 : i32
    %dma_wait3A_29 = arith.constant 0 : i32
    %dma_wait3A_30 = tpu.memref_slice %arg2[%dma_wait3A_28, %dma_wait3A_29] : memref<100000x768xf32, #tpu.memory_space<hbm>> -> memref<100000x768xf32, #tpu.memory_space<hbm>>
    tpu.wait_indirect_dma semaphore(%arg9 : memref<!tpu.dma_semaphore, #tpu.memory_space<semaphore_mem>>) src(%dma_wait3A_30 : memref<100000x768xf32, #tpu.memory_space<hbm>>) dst(%arg7 : memref<64x768xf32, #tpu.memory_space<vmem>>)
    %add3A_31 = arith.constant 64 : i32
    %add3A_32 = arith.addi %mul3A_2, %add3A_31 : i32
    "tpu.region"() ({
      %run_scoped3A = tpu.sem_alloc : memref<!tpu.dma_semaphore, #tpu.memory_space<semaphore_mem>>
      %dma_start3A_33 = arith.constant 0 : i32
      %dma_start3A_34 = tpu.memref_slice %arg4[%add3A_32, %dma_start3A_33] : memref<4096x768xf32, #tpu.memory_space<hbm>> -> memref<64x768xf32, #tpu.memory_space<hbm>>
      %dma_start3A_35 = arith.constant 0 : i32
      %dma_start3A_36 = tpu.memref_slice %arg4[%add3A_32, %dma_start3A_35] : memref<4096x768xf32, #tpu.memory_space<hbm>> -> memref<64x768xf32, #tpu.memory_space<hbm>>
      tpu.enqueue_dma source(%arg7 : memref<64x768xf32, #tpu.memory_space<vmem>>) target(%dma_start3A_36 : memref<64x768xf32, #tpu.memory_space<hbm>>) target_semaphore(%run_scoped3A : memref<!tpu.dma_semaphore, #tpu.memory_space<semaphore_mem>>)
      %dma_wait3A_37 = arith.constant 0 : i32
      %dma_wait3A_38 = tpu.memref_slice %arg4[%add3A_32, %dma_wait3A_37] : memref<4096x768xf32, #tpu.memory_space<hbm>> -> memref<64x768xf32, #tpu.memory_space<hbm>>
      %dma_wait3A_39 = arith.constant 0 : i32
      %dma_wait3A_40 = tpu.memref_slice %arg4[%add3A_32, %dma_wait3A_39] : memref<4096x768xf32, #tpu.memory_space<hbm>> -> memref<64x768xf32, #tpu.memory_space<hbm>>
      tpu.wait_dma2 semaphore(%run_scoped3A : memref<!tpu.dma_semaphore, #tpu.memory_space<semaphore_mem>>) src(%arg7 : memref<64x768xf32, #tpu.memory_space<vmem>>) dst(%dma_wait3A_40 : memref<64x768xf32, #tpu.memory_space<hbm>>)
      tpu.yield
    }) : () -> ()
    return
  }
}

#map = affine_map<(d0, d1) -> (0, 0)>
#map1 = affine_map<(d0, d1) -> (0, 0, 0)>
module attributes {stable_mosaic.version = 14 : i64} {
  func.func @_sc_gather_body(%arg0: i32, %arg1: i32, %arg2: memref<100000x768xf32, #tpu.memory_space<hbm>>, %arg3: memref<32x2x64xi32, #tpu.memory_space<hbm>>, %arg4: memref<4096x768xf32, #tpu.memory_space<hbm>>, %arg5: memref<2x64xi32, #tpu.memory_space<vmem>>, %arg6: memref<64x768xf32, #tpu.memory_space<vmem>>, %arg7: memref<64x768xf32, #tpu.memory_space<vmem>>, %arg8: memref<!tpu.dma_semaphore, #tpu.memory_space<semaphore_mem>>, %arg9: memref<!tpu.dma_semaphore, #tpu.memory_space<semaphore_mem>>) attributes {dimension_semantics = [#tpu.dimension_semantics<core_parallel>, #tpu.dimension_semantics<subcore_parallel>], iteration_bounds = array<i64: 2, 16>, scalar_prefetch = 0 : i64, scratch_operands = 5 : i64, tpu.core_type = #tpu.core_type<sc_vector_subcore>, window_params = [{transform_indices = #map}, {transform_indices = #map1}, {transform_indices = #map}]} {
    %mul3A = arith.constant 2 : i32
    %mul3A_0 = arith.muli %arg1, %mul3A : i32
    %add3A = arith.addi %mul3A_0, %arg0 : i32
    "tpu.region"() ({
      %run_scoped3A = tpu.sem_alloc : memref<!tpu.dma_semaphore, #tpu.memory_space<semaphore_mem>>
      %dma_start3A_33 = arith.constant 0 : i32
      %dma_start3A_34 = arith.constant 0 : i32
      %dma_start3A_35 = tpu.memref_slice %arg3[%add3A, %dma_start3A_33, %dma_start3A_34] : memref<32x2x64xi32, #tpu.memory_space<hbm>> -> memref<1x2x64xi32, #tpu.memory_space<hbm>>
      %dma_start3A_36 = tpu.memref_squeeze %dma_start3A_35 : memref<1x2x64xi32, #tpu.memory_space<hbm>> -> memref<2x64xi32, #tpu.memory_space<hbm>>
      %dma_start3A_37 = arith.constant 0 : i32
      %dma_start3A_38 = arith.constant 0 : i32
      %dma_start3A_39 = tpu.memref_slice %arg3[%add3A, %dma_start3A_37, %dma_start3A_38] : memref<32x2x64xi32, #tpu.memory_space<hbm>> -> memref<1x2x64xi32, #tpu.memory_space<hbm>>
      %dma_start3A_40 = tpu.memref_squeeze %dma_start3A_39 : memref<1x2x64xi32, #tpu.memory_space<hbm>> -> memref<2x64xi32, #tpu.memory_space<hbm>>
      tpu.enqueue_dma source(%dma_start3A_40 : memref<2x64xi32, #tpu.memory_space<hbm>>) target(%arg5 : memref<2x64xi32, #tpu.memory_space<vmem>>) target_semaphore(%run_scoped3A : memref<!tpu.dma_semaphore, #tpu.memory_space<semaphore_mem>>)
      %dma_wait3A_41 = arith.constant 0 : i32
      %dma_wait3A_42 = arith.constant 0 : i32
      %dma_wait3A_43 = tpu.memref_slice %arg3[%add3A, %dma_wait3A_41, %dma_wait3A_42] : memref<32x2x64xi32, #tpu.memory_space<hbm>> -> memref<1x2x64xi32, #tpu.memory_space<hbm>>
      %dma_wait3A_44 = tpu.memref_squeeze %dma_wait3A_43 : memref<1x2x64xi32, #tpu.memory_space<hbm>> -> memref<2x64xi32, #tpu.memory_space<hbm>>
      %dma_wait3A_45 = arith.constant 0 : i32
      %dma_wait3A_46 = arith.constant 0 : i32
      %dma_wait3A_47 = tpu.memref_slice %arg3[%add3A, %dma_wait3A_45, %dma_wait3A_46] : memref<32x2x64xi32, #tpu.memory_space<hbm>> -> memref<1x2x64xi32, #tpu.memory_space<hbm>>
      %dma_wait3A_48 = tpu.memref_squeeze %dma_wait3A_47 : memref<1x2x64xi32, #tpu.memory_space<hbm>> -> memref<2x64xi32, #tpu.memory_space<hbm>>
      tpu.wait_dma2 semaphore(%run_scoped3A : memref<!tpu.dma_semaphore, #tpu.memory_space<semaphore_mem>>) src(%dma_wait3A_48 : memref<2x64xi32, #tpu.memory_space<hbm>>) dst(%arg5 : memref<2x64xi32, #tpu.memory_space<vmem>>)
      tpu.yield
    }) : () -> ()
    %mul3A_1 = arith.constant 128 : i32
    %mul3A_2 = arith.muli %add3A, %mul3A_1 : i32
    %dma_start3A = arith.constant 0 : i32
    %dma_start3A_3 = arith.constant 0 : i32
    %dma_start3A_4 = tpu.memref_slice %arg5[%dma_start3A, %dma_start3A_3] : memref<2x64xi32, #tpu.memory_space<vmem>> -> memref<1x64xi32, #tpu.memory_space<vmem>>
    %dma_start3A_5 = tpu.memref_squeeze %dma_start3A_4 : memref<1x64xi32, #tpu.memory_space<vmem>> -> memref<64xi32, #tpu.memory_space<vmem>>
    %dma_start3A_6 = arith.constant 0 : i32
    %dma_start3A_7 = arith.constant 0 : i32
    %dma_start3A_8 = tpu.memref_slice %arg2[%dma_start3A_6, %dma_start3A_7] : memref<100000x768xf32, #tpu.memory_space<hbm>> -> memref<100000x768xf32, #tpu.memory_space<hbm>>
    tpu.enqueue_indirect_dma source(%dma_start3A_8 : memref<100000x768xf32, #tpu.memory_space<hbm>>) target(%arg6 : memref<64x768xf32, #tpu.memory_space<vmem>>) offsets(%dma_start3A_5 : memref<64xi32, #tpu.memory_space<vmem>>) semaphore(%arg8 : memref<!tpu.dma_semaphore, #tpu.memory_space<semaphore_mem>>)
    %dma_start3A_9 = arith.constant 1 : i32
    %dma_start3A_10 = arith.constant 0 : i32
    %dma_start3A_11 = tpu.memref_slice %arg5[%dma_start3A_9, %dma_start3A_10] : memref<2x64xi32, #tpu.memory_space<vmem>> -> memref<1x64xi32, #tpu.memory_space<vmem>>
    %dma_start3A_12 = tpu.memref_squeeze %dma_start3A_11 : memref<1x64xi32, #tpu.memory_space<vmem>> -> memref<64xi32, #tpu.memory_space<vmem>>
    %dma_start3A_13 = arith.constant 0 : i32
    %dma_start3A_14 = arith.constant 0 : i32
    %dma_start3A_15 = tpu.memref_slice %arg2[%dma_start3A_13, %dma_start3A_14] : memref<100000x768xf32, #tpu.memory_space<hbm>> -> memref<100000x768xf32, #tpu.memory_space<hbm>>
    tpu.enqueue_indirect_dma source(%dma_start3A_15 : memref<100000x768xf32, #tpu.memory_space<hbm>>) target(%arg7 : memref<64x768xf32, #tpu.memory_space<vmem>>) offsets(%dma_start3A_12 : memref<64xi32, #tpu.memory_space<vmem>>) semaphore(%arg9 : memref<!tpu.dma_semaphore, #tpu.memory_space<semaphore_mem>>)
    %dma_wait3A = arith.constant 0 : i32
    %dma_wait3A_16 = arith.constant 0 : i32
    %dma_wait3A_17 = tpu.memref_slice %arg5[%dma_wait3A, %dma_wait3A_16] : memref<2x64xi32, #tpu.memory_space<vmem>> -> memref<1x64xi32, #tpu.memory_space<vmem>>
    %dma_wait3A_18 = tpu.memref_squeeze %dma_wait3A_17 : memref<1x64xi32, #tpu.memory_space<vmem>> -> memref<64xi32, #tpu.memory_space<vmem>>
    %dma_wait3A_19 = arith.constant 0 : i32
    %dma_wait3A_20 = arith.constant 0 : i32
    %dma_wait3A_21 = tpu.memref_slice %arg2[%dma_wait3A_19, %dma_wait3A_20] : memref<100000x768xf32, #tpu.memory_space<hbm>> -> memref<100000x768xf32, #tpu.memory_space<hbm>>
    tpu.wait_indirect_dma semaphore(%arg8 : memref<!tpu.dma_semaphore, #tpu.memory_space<semaphore_mem>>) src(%dma_wait3A_21 : memref<100000x768xf32, #tpu.memory_space<hbm>>) dst(%arg6 : memref<64x768xf32, #tpu.memory_space<vmem>>)
    %add3A_22 = arith.constant 0 : i32
    %add3A_23 = arith.addi %mul3A_2, %add3A_22 : i32
    "tpu.region"() ({
      %run_scoped3A = tpu.sem_alloc : memref<!tpu.dma_semaphore, #tpu.memory_space<semaphore_mem>>
      %dma_start3A_33 = arith.constant 0 : i32
      %dma_start3A_34 = tpu.memref_slice %arg4[%add3A_23, %dma_start3A_33] : memref<4096x768xf32, #tpu.memory_space<hbm>> -> memref<64x768xf32, #tpu.memory_space<hbm>>
      %dma_start3A_35 = arith.constant 0 : i32
      %dma_start3A_36 = tpu.memref_slice %arg4[%add3A_23, %dma_start3A_35] : memref<4096x768xf32, #tpu.memory_space<hbm>> -> memref<64x768xf32, #tpu.memory_space<hbm>>
      tpu.enqueue_dma source(%arg6 : memref<64x768xf32, #tpu.memory_space<vmem>>) target(%dma_start3A_36 : memref<64x768xf32, #tpu.memory_space<hbm>>) target_semaphore(%run_scoped3A : memref<!tpu.dma_semaphore, #tpu.memory_space<semaphore_mem>>)
      %dma_wait3A_37 = arith.constant 0 : i32
      %dma_wait3A_38 = tpu.memref_slice %arg4[%add3A_23, %dma_wait3A_37] : memref<4096x768xf32, #tpu.memory_space<hbm>> -> memref<64x768xf32, #tpu.memory_space<hbm>>
      %dma_wait3A_39 = arith.constant 0 : i32
      %dma_wait3A_40 = tpu.memref_slice %arg4[%add3A_23, %dma_wait3A_39] : memref<4096x768xf32, #tpu.memory_space<hbm>> -> memref<64x768xf32, #tpu.memory_space<hbm>>
      tpu.wait_dma2 semaphore(%run_scoped3A : memref<!tpu.dma_semaphore, #tpu.memory_space<semaphore_mem>>) src(%arg6 : memref<64x768xf32, #tpu.memory_space<vmem>>) dst(%dma_wait3A_40 : memref<64x768xf32, #tpu.memory_space<hbm>>)
      tpu.yield
    }) : () -> ()
    %dma_wait3A_24 = arith.constant 1 : i32
    %dma_wait3A_25 = arith.constant 0 : i32
    %dma_wait3A_26 = tpu.memref_slice %arg5[%dma_wait3A_24, %dma_wait3A_25] : memref<2x64xi32, #tpu.memory_space<vmem>> -> memref<1x64xi32, #tpu.memory_space<vmem>>
    %dma_wait3A_27 = tpu.memref_squeeze %dma_wait3A_26 : memref<1x64xi32, #tpu.memory_space<vmem>> -> memref<64xi32, #tpu.memory_space<vmem>>
    %dma_wait3A_28 = arith.constant 0 : i32
    %dma_wait3A_29 = arith.constant 0 : i32
    %dma_wait3A_30 = tpu.memref_slice %arg2[%dma_wait3A_28, %dma_wait3A_29] : memref<100000x768xf32, #tpu.memory_space<hbm>> -> memref<100000x768xf32, #tpu.memory_space<hbm>>
    tpu.wait_indirect_dma semaphore(%arg9 : memref<!tpu.dma_semaphore, #tpu.memory_space<semaphore_mem>>) src(%dma_wait3A_30 : memref<100000x768xf32, #tpu.memory_space<hbm>>) dst(%arg7 : memref<64x768xf32, #tpu.memory_space<vmem>>)
    %add3A_31 = arith.constant 64 : i32
    %add3A_32 = arith.addi %mul3A_2, %add3A_31 : i32
    "tpu.region"() ({
      %run_scoped3A = tpu.sem_alloc : memref<!tpu.dma_semaphore, #tpu.memory_space<semaphore_mem>>
      %dma_start3A_33 = arith.constant 0 : i32
      %dma_start3A_34 = tpu.memref_slice %arg4[%add3A_32, %dma_start3A_33] : memref<4096x768xf32, #tpu.memory_space<hbm>> -> memref<64x768xf32, #tpu.memory_space<hbm>>
      %dma_start3A_35 = arith.constant 0 : i32
      %dma_start3A_36 = tpu.memref_slice %arg4[%add3A_32, %dma_start3A_35] : memref<4096x768xf32, #tpu.memory_space<hbm>> -> memref<64x768xf32, #tpu.memory_space<hbm>>
      tpu.enqueue_dma source(%arg7 : memref<64x768xf32, #tpu.memory_space<vmem>>) target(%dma_start3A_36 : memref<64x768xf32, #tpu.memory_space<hbm>>) target_semaphore(%run_scoped3A : memref<!tpu.dma_semaphore, #tpu.memory_space<semaphore_mem>>)
      %dma_wait3A_37 = arith.constant 0 : i32
      %dma_wait3A_38 = tpu.memref_slice %arg4[%add3A_32, %dma_wait3A_37] : memref<4096x768xf32, #tpu.memory_space<hbm>> -> memref<64x768xf32, #tpu.memory_space<hbm>>
      %dma_wait3A_39 = arith.constant 0 : i32
      %dma_wait3A_40 = tpu.memref_slice %arg4[%add3A_32, %dma_wait3A_39] : memref<4096x768xf32, #tpu.memory_space<hbm>> -> memref<64x768xf32, #tpu.memory_space<hbm>>
      tpu.wait_dma2 semaphore(%run_scoped3A : memref<!tpu.dma_semaphore, #tpu.memory_space<semaphore_mem>>) src(%arg7 : memref<64x768xf32, #tpu.memory_space<vmem>>) dst(%dma_wait3A_40 : memref<64x768xf32, #tpu.memory_space<hbm>>)
      tpu.yield
    }) : () -> ()
    return
  }
}

module attributes {stable_mosaic.version = 14 : i64} {
  func.func @_tc_ln_first(%arg0: i32, %arg1: memref<1024x768xf32, #tpu.memory_space<vmem>>, %arg2: memref<1024x1xi32, #tpu.memory_space<vmem>>, %arg3: memref<4x768xf32, #tpu.memory_space<vmem>>, %arg4: memref<1x768xf32, #tpu.memory_space<vmem>>, %arg5: memref<1x768xf32, #tpu.memory_space<vmem>>, %arg6: memref<1x768xf32, #tpu.memory_space<vmem>>, %arg7: memref<1024x768xf32, #tpu.memory_space<vmem>>) attributes {dimension_semantics = [#tpu.dimension_semantics<arbitrary>], iteration_bounds = array<i64: 4>, scalar_prefetch = 0 : i64, scratch_operands = 0 : i64, tpu.core_type = #tpu.core_type<tc>, window_params = [{transform_indices = @transform_0, window_bounds = array<i64: 1024, 768>}, {transform_indices = @transform_1, window_bounds = array<i64: 1024, 1>}, {pipeline_mode = #tpu.pipeline_mode<synchronous>, transform_indices = @transform_2, window_bounds = array<i64: 4, 768>}, {pipeline_mode = #tpu.pipeline_mode<synchronous>, transform_indices = @transform_3, window_bounds = array<i64: 1, 768>}, {pipeline_mode = #tpu.pipeline_mode<synchronous>, transform_indices = @transform_4, window_bounds = array<i64: 1, 768>}, {pipeline_mode = #tpu.pipeline_mode<synchronous>, transform_indices = @transform_5, window_bounds = array<i64: 1, 768>}, {transform_indices = @transform_6, window_bounds = array<i64: 1024, 768>}]} {
    %get3A = arith.constant 0 : index
    %get3A_0 = arith.constant 0 : index
    %get3A_1 = vector.load %arg1[%get3A, %get3A_0] : memref<1024x768xf32, #tpu.memory_space<vmem>>, vector<1024x768xf32>
    %get3A_2 = arith.constant 0 : index
    %get3A_3 = arith.constant 0 : index
    %get3A_4 = vector.load %arg2[%get3A_2, %get3A_3] : memref<1024x1xi32, #tpu.memory_space<vmem>>, vector<1024x1xi32>
    %get3A_5 = arith.constant 0 : index
    %get3A_6 = arith.constant 0 : index
    %get3A_7 = vector.load %arg3[%get3A_5, %get3A_6] : memref<4x768xf32, #tpu.memory_space<vmem>>, vector<4x768xf32>
    %get3A_8 = arith.constant 0 : index
    %get3A_9 = arith.constant 0 : index
    %get3A_10 = vector.load %arg4[%get3A_8, %get3A_9] : memref<1x768xf32, #tpu.memory_space<vmem>>, vector<1x768xf32>
    %add3A = vector.broadcast %get3A_10 : vector<1x768xf32> to vector<4x768xf32>
    %add3A_11 = arith.addf %get3A_7, %add3A : vector<4x768xf32>
    %slice3A = vector.extract_strided_slice %add3A_11 {offsets = [0, 0], sizes = [1, 768], strides = [1, 1]} : vector<4x768xf32> to vector<1x768xf32>
    %broadcast_in_dim3A = vector.shape_cast %slice3A : vector<1x768xf32> to vector<1x768xf32>
    %broadcast_in_dim3A_12 = vector.broadcast %broadcast_in_dim3A : vector<1x768xf32> to vector<1024x768xf32>
    %eq3A = arith.constant 1 : i32
    %eq3A_13 = vector.broadcast %eq3A : i32 to vector<1024x1xi32>
    %eq3A_14 = arith.cmpi eq, %get3A_4, %eq3A_13 : vector<1024x1xi32>
    %slice3A_15 = vector.extract_strided_slice %add3A_11 {offsets = [1, 0], sizes = [1, 768], strides = [1, 1]} : vector<4x768xf32> to vector<1x768xf32>
    %broadcast_in_dim3A_16 = vector.shape_cast %eq3A_14 : vector<1024x1xi1> to vector<1024x1xi1>
    %broadcast_in_dim3A_17 = vector.broadcast %broadcast_in_dim3A_16 : vector<1024x1xi1> to vector<1024x768xi1>
    %broadcast_in_dim3A_18 = vector.shape_cast %slice3A_15 : vector<1x768xf32> to vector<1x768xf32>
    %broadcast_in_dim3A_19 = vector.broadcast %broadcast_in_dim3A_18 : vector<1x768xf32> to vector<1024x768xf32>
    %select_n3A = arith.select %broadcast_in_dim3A_17, %broadcast_in_dim3A_19, %broadcast_in_dim3A_12 : vector<1024x768xi1>, vector<1024x768xf32>
    %eq3A_20 = arith.constant 2 : i32
    %eq3A_21 = vector.broadcast %eq3A_20 : i32 to vector<1024x1xi32>
    %eq3A_22 = arith.cmpi eq, %get3A_4, %eq3A_21 : vector<1024x1xi32>
    %slice3A_23 = vector.extract_strided_slice %add3A_11 {offsets = [2, 0], sizes = [1, 768], strides = [1, 1]} : vector<4x768xf32> to vector<1x768xf32>
    %broadcast_in_dim3A_24 = vector.shape_cast %eq3A_22 : vector<1024x1xi1> to vector<1024x1xi1>
    %broadcast_in_dim3A_25 = vector.broadcast %broadcast_in_dim3A_24 : vector<1024x1xi1> to vector<1024x768xi1>
    %broadcast_in_dim3A_26 = vector.shape_cast %slice3A_23 : vector<1x768xf32> to vector<1x768xf32>
    %broadcast_in_dim3A_27 = vector.broadcast %broadcast_in_dim3A_26 : vector<1x768xf32> to vector<1024x768xf32>
    %select_n3A_28 = arith.select %broadcast_in_dim3A_25, %broadcast_in_dim3A_27, %select_n3A : vector<1024x768xi1>, vector<1024x768xf32>
    %eq3A_29 = arith.constant 3 : i32
    %eq3A_30 = vector.broadcast %eq3A_29 : i32 to vector<1024x1xi32>
    %eq3A_31 = arith.cmpi eq, %get3A_4, %eq3A_30 : vector<1024x1xi32>
    %slice3A_32 = vector.extract_strided_slice %add3A_11 {offsets = [3, 0], sizes = [1, 768], strides = [1, 1]} : vector<4x768xf32> to vector<1x768xf32>
    %broadcast_in_dim3A_33 = vector.shape_cast %eq3A_31 : vector<1024x1xi1> to vector<1024x1xi1>
    %broadcast_in_dim3A_34 = vector.broadcast %broadcast_in_dim3A_33 : vector<1024x1xi1> to vector<1024x768xi1>
    %broadcast_in_dim3A_35 = vector.shape_cast %slice3A_32 : vector<1x768xf32> to vector<1x768xf32>
    %broadcast_in_dim3A_36 = vector.broadcast %broadcast_in_dim3A_35 : vector<1x768xf32> to vector<1024x768xf32>
    %select_n3A_37 = arith.select %broadcast_in_dim3A_34, %broadcast_in_dim3A_36, %select_n3A_28 : vector<1024x768xi1>, vector<1024x768xf32>
    %add3A_38 = arith.addf %get3A_1, %select_n3A_37 : vector<1024x768xf32>
    %reduce_sum3A = arith.constant dense<0.000000e+00> : vector<1024xf32>
    %reduce_sum3A_39 = vector.multi_reduction <add>, %add3A_38, %reduce_sum3A [1] : vector<1024x768xf32> to vector<1024xf32>
    %broadcast_in_dim3A_40 = vector.shape_cast %reduce_sum3A_39 : vector<1024xf32> to vector<1024x1xf32>
    %div3A = arith.constant 7.680000e+02 : f32
    %div3A_41 = vector.broadcast %div3A : f32 to vector<1024x1xf32>
    %div3A_42 = arith.divf %broadcast_in_dim3A_40, %div3A_41 : vector<1024x1xf32>
    %sub3A = vector.broadcast %div3A_42 : vector<1024x1xf32> to vector<1024x768xf32>
    %sub3A_43 = arith.subf %add3A_38, %sub3A : vector<1024x768xf32>
    %mul3A = arith.mulf %sub3A_43, %sub3A_43 : vector<1024x768xf32>
    %reduce_sum3A_44 = arith.constant dense<0.000000e+00> : vector<1024xf32>
    %reduce_sum3A_45 = vector.multi_reduction <add>, %mul3A, %reduce_sum3A_44 [1] : vector<1024x768xf32> to vector<1024xf32>
    %broadcast_in_dim3A_46 = vector.shape_cast %reduce_sum3A_45 : vector<1024xf32> to vector<1024x1xf32>
    %div3A_47 = arith.constant 7.680000e+02 : f32
    %div3A_48 = vector.broadcast %div3A_47 : f32 to vector<1024x1xf32>
    %div3A_49 = arith.divf %broadcast_in_dim3A_46, %div3A_48 : vector<1024x1xf32>
    %add3A_50 = arith.constant 9.99999974E-6 : f32
    %add3A_51 = vector.broadcast %add3A_50 : f32 to vector<1024x1xf32>
    %add3A_52 = arith.addf %div3A_49, %add3A_51 : vector<1024x1xf32>
    %rsqrt3A = math.rsqrt %add3A_52 : vector<1024x1xf32>
    %mul3A_53 = vector.broadcast %rsqrt3A : vector<1024x1xf32> to vector<1024x768xf32>
    %mul3A_54 = arith.mulf %sub3A_43, %mul3A_53 : vector<1024x768xf32>
    %get3A_55 = arith.constant 0 : index
    %get3A_56 = arith.constant 0 : index
    %get3A_57 = vector.load %arg5[%get3A_55, %get3A_56] : memref<1x768xf32, #tpu.memory_space<vmem>>, vector<1x768xf32>
    %mul3A_58 = vector.broadcast %get3A_57 : vector<1x768xf32> to vector<1024x768xf32>
    %mul3A_59 = arith.mulf %mul3A_54, %mul3A_58 : vector<1024x768xf32>
    %get3A_60 = arith.constant 0 : index
    %get3A_61 = arith.constant 0 : index
    %get3A_62 = vector.load %arg6[%get3A_60, %get3A_61] : memref<1x768xf32, #tpu.memory_space<vmem>>, vector<1x768xf32>
    %add3A_63 = vector.broadcast %get3A_62 : vector<1x768xf32> to vector<1024x768xf32>
    %add3A_64 = arith.addf %mul3A_59, %add3A_63 : vector<1024x768xf32>
    %swap3A = arith.constant 0 : index
    %swap3A_65 = arith.constant 0 : index
    %swap3A_66 = vector.load %arg7[%swap3A, %swap3A_65] : memref<1024x768xf32, #tpu.memory_space<vmem>>, vector<1024x768xf32>
    tpu.vector_store %arg7[%swap3A, %swap3A_65], %add3A_64 {strides = array<i32>} : memref<1024x768xf32, #tpu.memory_space<vmem>>, vector<1024x768xf32>,
    return
  }
  func.func @transform_0(%arg0: i32) -> (i32, i32) {
    %c0_i32 = arith.constant 0 : i32
    %c0_i32_0 = arith.constant 0 : i32
    return %arg0, %c0_i32 : i32, i32
  }
  func.func @transform_1(%arg0: i32) -> (i32, i32) {
    %c0_i32 = arith.constant 0 : i32
    %c0_i32_0 = arith.constant 0 : i32
    return %arg0, %c0_i32 : i32, i32
  }
  func.func @transform_2(%arg0: i32) -> (i32, i32) {
    %c0_i32 = arith.constant 0 : i32
    %c0_i32_0 = arith.constant 0 : i32
    %c0_i32_1 = arith.constant 0 : i32
    return %c0_i32, %c0_i32_0 : i32, i32
  }
  func.func @transform_3(%arg0: i32) -> (i32, i32) {
    %c0_i32 = arith.constant 0 : i32
    %c0_i32_0 = arith.constant 0 : i32
    %c0_i32_1 = arith.constant 0 : i32
    return %c0_i32, %c0_i32_0 : i32, i32
  }
  func.func @transform_4(%arg0: i32) -> (i32, i32) {
    %c0_i32 = arith.constant 0 : i32
    %c0_i32_0 = arith.constant 0 : i32
    %c0_i32_1 = arith.constant 0 : i32
    return %c0_i32, %c0_i32_0 : i32, i32
  }
  func.func @transform_5(%arg0: i32) -> (i32, i32) {
    %c0_i32 = arith.constant 0 : i32
    %c0_i32_0 = arith.constant 0 : i32
    %c0_i32_1 = arith.constant 0 : i32
    return %c0_i32, %c0_i32_0 : i32, i32
  }
  func.func @transform_6(%arg0: i32) -> (i32, i32) {
    %add3A = arith.constant 0 : i32
    %add3A_0 = arith.addi %add3A, %arg0 : i32
    %c0_i32 = arith.constant 0 : i32
    %c0_i32_1 = arith.constant 0 : i32
    return %add3A_0, %c0_i32 : i32, i32
  }
}

module attributes {stable_mosaic.version = 14 : i64} {
  func.func @_tc_ln_acc(%arg0: i32, %arg1: memref<8x128xf32, #tpu.memory_space<vmem>>, %arg2: memref<1024x768xf32, #tpu.memory_space<vmem>>, %arg3: memref<1024x1xi32, #tpu.memory_space<vmem>>, %arg4: memref<4x768xf32, #tpu.memory_space<vmem>>, %arg5: memref<1x768xf32, #tpu.memory_space<vmem>>, %arg6: memref<1x768xf32, #tpu.memory_space<vmem>>, %arg7: memref<1x768xf32, #tpu.memory_space<vmem>>, %arg8: memref<1024x768xf32, #tpu.memory_space<vmem>>) attributes {dimension_semantics = [#tpu.dimension_semantics<arbitrary>], iteration_bounds = array<i64: 4>, scalar_prefetch = 0 : i64, scratch_operands = 0 : i64, tpu.core_type = #tpu.core_type<tc>, window_params = [{transform_indices = @transform_0, window_bounds = array<i64: 8, 128>}, {transform_indices = @transform_1, window_bounds = array<i64: 1024, 768>}, {transform_indices = @transform_2, window_bounds = array<i64: 1024, 1>}, {pipeline_mode = #tpu.pipeline_mode<synchronous>, transform_indices = @transform_3, window_bounds = array<i64: 4, 768>}, {pipeline_mode = #tpu.pipeline_mode<synchronous>, transform_indices = @transform_4, window_bounds = array<i64: 1, 768>}, {pipeline_mode = #tpu.pipeline_mode<synchronous>, transform_indices = @transform_5, window_bounds = array<i64: 1, 768>}, {pipeline_mode = #tpu.pipeline_mode<synchronous>, transform_indices = @transform_6, window_bounds = array<i64: 1, 768>}, {transform_indices = @transform_7, window_bounds = array<i64: 1024, 768>}]} {
    %get3A = arith.constant 0 : index
    %get3A_0 = arith.constant 0 : index
    %get3A_1 = vector.load %arg2[%get3A, %get3A_0] : memref<1024x768xf32, #tpu.memory_space<vmem>>, vector<1024x768xf32>
    %get3A_2 = arith.constant 0 : index
    %get3A_3 = arith.constant 0 : index
    %get3A_4 = vector.load %arg3[%get3A_2, %get3A_3] : memref<1024x1xi32, #tpu.memory_space<vmem>>, vector<1024x1xi32>
    %get3A_5 = arith.constant 0 : index
    %get3A_6 = arith.constant 0 : index
    %get3A_7 = vector.load %arg4[%get3A_5, %get3A_6] : memref<4x768xf32, #tpu.memory_space<vmem>>, vector<4x768xf32>
    %get3A_8 = arith.constant 0 : index
    %get3A_9 = arith.constant 0 : index
    %get3A_10 = vector.load %arg5[%get3A_8, %get3A_9] : memref<1x768xf32, #tpu.memory_space<vmem>>, vector<1x768xf32>
    %add3A = vector.broadcast %get3A_10 : vector<1x768xf32> to vector<4x768xf32>
    %add3A_11 = arith.addf %get3A_7, %add3A : vector<4x768xf32>
    %slice3A = vector.extract_strided_slice %add3A_11 {offsets = [0, 0], sizes = [1, 768], strides = [1, 1]} : vector<4x768xf32> to vector<1x768xf32>
    %broadcast_in_dim3A = vector.shape_cast %slice3A : vector<1x768xf32> to vector<1x768xf32>
    %broadcast_in_dim3A_12 = vector.broadcast %broadcast_in_dim3A : vector<1x768xf32> to vector<1024x768xf32>
    %eq3A = arith.constant 1 : i32
    %eq3A_13 = vector.broadcast %eq3A : i32 to vector<1024x1xi32>
    %eq3A_14 = arith.cmpi eq, %get3A_4, %eq3A_13 : vector<1024x1xi32>
    %slice3A_15 = vector.extract_strided_slice %add3A_11 {offsets = [1, 0], sizes = [1, 768], strides = [1, 1]} : vector<4x768xf32> to vector<1x768xf32>
    %broadcast_in_dim3A_16 = vector.shape_cast %eq3A_14 : vector<1024x1xi1> to vector<1024x1xi1>
    %broadcast_in_dim3A_17 = vector.broadcast %broadcast_in_dim3A_16 : vector<1024x1xi1> to vector<1024x768xi1>
    %broadcast_in_dim3A_18 = vector.shape_cast %slice3A_15 : vector<1x768xf32> to vector<1x768xf32>
    %broadcast_in_dim3A_19 = vector.broadcast %broadcast_in_dim3A_18 : vector<1x768xf32> to vector<1024x768xf32>
    %select_n3A = arith.select %broadcast_in_dim3A_17, %broadcast_in_dim3A_19, %broadcast_in_dim3A_12 : vector<1024x768xi1>, vector<1024x768xf32>
    %eq3A_20 = arith.constant 2 : i32
    %eq3A_21 = vector.broadcast %eq3A_20 : i32 to vector<1024x1xi32>
    %eq3A_22 = arith.cmpi eq, %get3A_4, %eq3A_21 : vector<1024x1xi32>
    %slice3A_23 = vector.extract_strided_slice %add3A_11 {offsets = [2, 0], sizes = [1, 768], strides = [1, 1]} : vector<4x768xf32> to vector<1x768xf32>
    %broadcast_in_dim3A_24 = vector.shape_cast %eq3A_22 : vector<1024x1xi1> to vector<1024x1xi1>
    %broadcast_in_dim3A_25 = vector.broadcast %broadcast_in_dim3A_24 : vector<1024x1xi1> to vector<1024x768xi1>
    %broadcast_in_dim3A_26 = vector.shape_cast %slice3A_23 : vector<1x768xf32> to vector<1x768xf32>
    %broadcast_in_dim3A_27 = vector.broadcast %broadcast_in_dim3A_26 : vector<1x768xf32> to vector<1024x768xf32>
    %select_n3A_28 = arith.select %broadcast_in_dim3A_25, %broadcast_in_dim3A_27, %select_n3A : vector<1024x768xi1>, vector<1024x768xf32>
    %eq3A_29 = arith.constant 3 : i32
    %eq3A_30 = vector.broadcast %eq3A_29 : i32 to vector<1024x1xi32>
    %eq3A_31 = arith.cmpi eq, %get3A_4, %eq3A_30 : vector<1024x1xi32>
    %slice3A_32 = vector.extract_strided_slice %add3A_11 {offsets = [3, 0], sizes = [1, 768], strides = [1, 1]} : vector<4x768xf32> to vector<1x768xf32>
    %broadcast_in_dim3A_33 = vector.shape_cast %eq3A_31 : vector<1024x1xi1> to vector<1024x1xi1>
    %broadcast_in_dim3A_34 = vector.broadcast %broadcast_in_dim3A_33 : vector<1024x1xi1> to vector<1024x768xi1>
    %broadcast_in_dim3A_35 = vector.shape_cast %slice3A_32 : vector<1x768xf32> to vector<1x768xf32>
    %broadcast_in_dim3A_36 = vector.broadcast %broadcast_in_dim3A_35 : vector<1x768xf32> to vector<1024x768xf32>
    %select_n3A_37 = arith.select %broadcast_in_dim3A_34, %broadcast_in_dim3A_36, %select_n3A_28 : vector<1024x768xi1>, vector<1024x768xf32>
    %add3A_38 = arith.addf %get3A_1, %select_n3A_37 : vector<1024x768xf32>
    %reduce_sum3A = arith.constant dense<0.000000e+00> : vector<1024xf32>
    %reduce_sum3A_39 = vector.multi_reduction <add>, %add3A_38, %reduce_sum3A [1] : vector<1024x768xf32> to vector<1024xf32>
    %broadcast_in_dim3A_40 = vector.shape_cast %reduce_sum3A_39 : vector<1024xf32> to vector<1024x1xf32>
    %div3A = arith.constant 7.680000e+02 : f32
    %div3A_41 = vector.broadcast %div3A : f32 to vector<1024x1xf32>
    %div3A_42 = arith.divf %broadcast_in_dim3A_40, %div3A_41 : vector<1024x1xf32>
    %sub3A = vector.broadcast %div3A_42 : vector<1024x1xf32> to vector<1024x768xf32>
    %sub3A_43 = arith.subf %add3A_38, %sub3A : vector<1024x768xf32>
    %mul3A = arith.mulf %sub3A_43, %sub3A_43 : vector<1024x768xf32>
    %reduce_sum3A_44 = arith.constant dense<0.000000e+00> : vector<1024xf32>
    %reduce_sum3A_45 = vector.multi_reduction <add>, %mul3A, %reduce_sum3A_44 [1] : vector<1024x768xf32> to vector<1024xf32>
    %broadcast_in_dim3A_46 = vector.shape_cast %reduce_sum3A_45 : vector<1024xf32> to vector<1024x1xf32>
    %div3A_47 = arith.constant 7.680000e+02 : f32
    %div3A_48 = vector.broadcast %div3A_47 : f32 to vector<1024x1xf32>
    %div3A_49 = arith.divf %broadcast_in_dim3A_46, %div3A_48 : vector<1024x1xf32>
    %add3A_50 = arith.constant 9.99999974E-6 : f32
    %add3A_51 = vector.broadcast %add3A_50 : f32 to vector<1024x1xf32>
    %add3A_52 = arith.addf %div3A_49, %add3A_51 : vector<1024x1xf32>
    %rsqrt3A = math.rsqrt %add3A_52 : vector<1024x1xf32>
    %mul3A_53 = vector.broadcast %rsqrt3A : vector<1024x1xf32> to vector<1024x768xf32>
    %mul3A_54 = arith.mulf %sub3A_43, %mul3A_53 : vector<1024x768xf32>
    %get3A_55 = arith.constant 0 : index
    %get3A_56 = arith.constant 0 : index
    %get3A_57 = vector.load %arg6[%get3A_55, %get3A_56] : memref<1x768xf32, #tpu.memory_space<vmem>>, vector<1x768xf32>
    %mul3A_58 = vector.broadcast %get3A_57 : vector<1x768xf32> to vector<1024x768xf32>
    %mul3A_59 = arith.mulf %mul3A_54, %mul3A_58 : vector<1024x768xf32>
    %get3A_60 = arith.constant 0 : index
    %get3A_61 = arith.constant 0 : index
    %get3A_62 = vector.load %arg7[%get3A_60, %get3A_61] : memref<1x768xf32, #tpu.memory_space<vmem>>, vector<1x768xf32>
    %add3A_63 = vector.broadcast %get3A_62 : vector<1x768xf32> to vector<1024x768xf32>
    %add3A_64 = arith.addf %mul3A_59, %add3A_63 : vector<1024x768xf32>
    %swap3A = arith.constant 0 : index
    %swap3A_65 = arith.constant 0 : index
    %swap3A_66 = vector.load %arg8[%swap3A, %swap3A_65] : memref<1024x768xf32, #tpu.memory_space<vmem>>, vector<1024x768xf32>
    tpu.vector_store %arg8[%swap3A, %swap3A_65], %add3A_64 {strides = array<i32>} : memref<1024x768xf32, #tpu.memory_space<vmem>>, vector<1024x768xf32>,
    return
  }
  func.func @transform_0(%arg0: i32) -> (i32, i32) {
    %c0_i32 = arith.constant 0 : i32
    %c0_i32_0 = arith.constant 0 : i32
    %c0_i32_1 = arith.constant 0 : i32
    return %c0_i32, %c0_i32_0 : i32, i32
  }
  func.func @transform_1(%arg0: i32) -> (i32, i32) {
    %c0_i32 = arith.constant 0 : i32
    %c0_i32_0 = arith.constant 0 : i32
    return %arg0, %c0_i32 : i32, i32
  }
  func.func @transform_2(%arg0: i32) -> (i32, i32) {
    %c0_i32 = arith.constant 0 : i32
    %c0_i32_0 = arith.constant 0 : i32
    return %arg0, %c0_i32 : i32, i32
  }
  func.func @transform_3(%arg0: i32) -> (i32, i32) {
    %c0_i32 = arith.constant 0 : i32
    %c0_i32_0 = arith.constant 0 : i32
    %c0_i32_1 = arith.constant 0 : i32
    return %c0_i32, %c0_i32_0 : i32, i32
  }
  func.func @transform_4(%arg0: i32) -> (i32, i32) {
    %c0_i32 = arith.constant 0 : i32
    %c0_i32_0 = arith.constant 0 : i32
    %c0_i32_1 = arith.constant 0 : i32
    return %c0_i32, %c0_i32_0 : i32, i32
  }
  func.func @transform_5(%arg0: i32) -> (i32, i32) {
    %c0_i32 = arith.constant 0 : i32
    %c0_i32_0 = arith.constant 0 : i32
    %c0_i32_1 = arith.constant 0 : i32
    return %c0_i32, %c0_i32_0 : i32, i32
  }
  func.func @transform_6(%arg0: i32) -> (i32, i32) {
    %c0_i32 = arith.constant 0 : i32
    %c0_i32_0 = arith.constant 0 : i32
    %c0_i32_1 = arith.constant 0 : i32
    return %c0_i32, %c0_i32_0 : i32, i32
  }
  func.func @transform_7(%arg0: i32) -> (i32, i32) {
    %add3A = arith.constant 4 : i32
    %add3A_0 = arith.addi %add3A, %arg0 : i32
    %c0_i32 = arith.constant 0 : i32
    %c0_i32_1 = arith.constant 0 : i32
    return %add3A_0, %c0_i32 : i32, i32
  }
}

module attributes {stable_mosaic.version = 14 : i64} {
  func.func @_tc_ln_acc(%arg0: i32, %arg1: memref<8x128xf32, #tpu.memory_space<vmem>>, %arg2: memref<1024x768xf32, #tpu.memory_space<vmem>>, %arg3: memref<1024x1xi32, #tpu.memory_space<vmem>>, %arg4: memref<4x768xf32, #tpu.memory_space<vmem>>, %arg5: memref<1x768xf32, #tpu.memory_space<vmem>>, %arg6: memref<1x768xf32, #tpu.memory_space<vmem>>, %arg7: memref<1x768xf32, #tpu.memory_space<vmem>>, %arg8: memref<1024x768xf32, #tpu.memory_space<vmem>>) attributes {dimension_semantics = [#tpu.dimension_semantics<arbitrary>], iteration_bounds = array<i64: 4>, scalar_prefetch = 0 : i64, scratch_operands = 0 : i64, tpu.core_type = #tpu.core_type<tc>, window_params = [{transform_indices = @transform_0, window_bounds = array<i64: 8, 128>}, {transform_indices = @transform_1, window_bounds = array<i64: 1024, 768>}, {transform_indices = @transform_2, window_bounds = array<i64: 1024, 1>}, {pipeline_mode = #tpu.pipeline_mode<synchronous>, transform_indices = @transform_3, window_bounds = array<i64: 4, 768>}, {pipeline_mode = #tpu.pipeline_mode<synchronous>, transform_indices = @transform_4, window_bounds = array<i64: 1, 768>}, {pipeline_mode = #tpu.pipeline_mode<synchronous>, transform_indices = @transform_5, window_bounds = array<i64: 1, 768>}, {pipeline_mode = #tpu.pipeline_mode<synchronous>, transform_indices = @transform_6, window_bounds = array<i64: 1, 768>}, {transform_indices = @transform_7, window_bounds = array<i64: 1024, 768>}]} {
    %get3A = arith.constant 0 : index
    %get3A_0 = arith.constant 0 : index
    %get3A_1 = vector.load %arg2[%get3A, %get3A_0] : memref<1024x768xf32, #tpu.memory_space<vmem>>, vector<1024x768xf32>
    %get3A_2 = arith.constant 0 : index
    %get3A_3 = arith.constant 0 : index
    %get3A_4 = vector.load %arg3[%get3A_2, %get3A_3] : memref<1024x1xi32, #tpu.memory_space<vmem>>, vector<1024x1xi32>
    %get3A_5 = arith.constant 0 : index
    %get3A_6 = arith.constant 0 : index
    %get3A_7 = vector.load %arg4[%get3A_5, %get3A_6] : memref<4x768xf32, #tpu.memory_space<vmem>>, vector<4x768xf32>
    %get3A_8 = arith.constant 0 : index
    %get3A_9 = arith.constant 0 : index
    %get3A_10 = vector.load %arg5[%get3A_8, %get3A_9] : memref<1x768xf32, #tpu.memory_space<vmem>>, vector<1x768xf32>
    %add3A = vector.broadcast %get3A_10 : vector<1x768xf32> to vector<4x768xf32>
    %add3A_11 = arith.addf %get3A_7, %add3A : vector<4x768xf32>
    %slice3A = vector.extract_strided_slice %add3A_11 {offsets = [0, 0], sizes = [1, 768], strides = [1, 1]} : vector<4x768xf32> to vector<1x768xf32>
    %broadcast_in_dim3A = vector.shape_cast %slice3A : vector<1x768xf32> to vector<1x768xf32>
    %broadcast_in_dim3A_12 = vector.broadcast %broadcast_in_dim3A : vector<1x768xf32> to vector<1024x768xf32>
    %eq3A = arith.constant 1 : i32
    %eq3A_13 = vector.broadcast %eq3A : i32 to vector<1024x1xi32>
    %eq3A_14 = arith.cmpi eq, %get3A_4, %eq3A_13 : vector<1024x1xi32>
    %slice3A_15 = vector.extract_strided_slice %add3A_11 {offsets = [1, 0], sizes = [1, 768], strides = [1, 1]} : vector<4x768xf32> to vector<1x768xf32>
    %broadcast_in_dim3A_16 = vector.shape_cast %eq3A_14 : vector<1024x1xi1> to vector<1024x1xi1>
    %broadcast_in_dim3A_17 = vector.broadcast %broadcast_in_dim3A_16 : vector<1024x1xi1> to vector<1024x768xi1>
    %broadcast_in_dim3A_18 = vector.shape_cast %slice3A_15 : vector<1x768xf32> to vector<1x768xf32>
    %broadcast_in_dim3A_19 = vector.broadcast %broadcast_in_dim3A_18 : vector<1x768xf32> to vector<1024x768xf32>
    %select_n3A = arith.select %broadcast_in_dim3A_17, %broadcast_in_dim3A_19, %broadcast_in_dim3A_12 : vector<1024x768xi1>, vector<1024x768xf32>
    %eq3A_20 = arith.constant 2 : i32
    %eq3A_21 = vector.broadcast %eq3A_20 : i32 to vector<1024x1xi32>
    %eq3A_22 = arith.cmpi eq, %get3A_4, %eq3A_21 : vector<1024x1xi32>
    %slice3A_23 = vector.extract_strided_slice %add3A_11 {offsets = [2, 0], sizes = [1, 768], strides = [1, 1]} : vector<4x768xf32> to vector<1x768xf32>
    %broadcast_in_dim3A_24 = vector.shape_cast %eq3A_22 : vector<1024x1xi1> to vector<1024x1xi1>
    %broadcast_in_dim3A_25 = vector.broadcast %broadcast_in_dim3A_24 : vector<1024x1xi1> to vector<1024x768xi1>
    %broadcast_in_dim3A_26 = vector.shape_cast %slice3A_23 : vector<1x768xf32> to vector<1x768xf32>
    %broadcast_in_dim3A_27 = vector.broadcast %broadcast_in_dim3A_26 : vector<1x768xf32> to vector<1024x768xf32>
    %select_n3A_28 = arith.select %broadcast_in_dim3A_25, %broadcast_in_dim3A_27, %select_n3A : vector<1024x768xi1>, vector<1024x768xf32>
    %eq3A_29 = arith.constant 3 : i32
    %eq3A_30 = vector.broadcast %eq3A_29 : i32 to vector<1024x1xi32>
    %eq3A_31 = arith.cmpi eq, %get3A_4, %eq3A_30 : vector<1024x1xi32>
    %slice3A_32 = vector.extract_strided_slice %add3A_11 {offsets = [3, 0], sizes = [1, 768], strides = [1, 1]} : vector<4x768xf32> to vector<1x768xf32>
    %broadcast_in_dim3A_33 = vector.shape_cast %eq3A_31 : vector<1024x1xi1> to vector<1024x1xi1>
    %broadcast_in_dim3A_34 = vector.broadcast %broadcast_in_dim3A_33 : vector<1024x1xi1> to vector<1024x768xi1>
    %broadcast_in_dim3A_35 = vector.shape_cast %slice3A_32 : vector<1x768xf32> to vector<1x768xf32>
    %broadcast_in_dim3A_36 = vector.broadcast %broadcast_in_dim3A_35 : vector<1x768xf32> to vector<1024x768xf32>
    %select_n3A_37 = arith.select %broadcast_in_dim3A_34, %broadcast_in_dim3A_36, %select_n3A_28 : vector<1024x768xi1>, vector<1024x768xf32>
    %add3A_38 = arith.addf %get3A_1, %select_n3A_37 : vector<1024x768xf32>
    %reduce_sum3A = arith.constant dense<0.000000e+00> : vector<1024xf32>
    %reduce_sum3A_39 = vector.multi_reduction <add>, %add3A_38, %reduce_sum3A [1] : vector<1024x768xf32> to vector<1024xf32>
    %broadcast_in_dim3A_40 = vector.shape_cast %reduce_sum3A_39 : vector<1024xf32> to vector<1024x1xf32>
    %div3A = arith.constant 7.680000e+02 : f32
    %div3A_41 = vector.broadcast %div3A : f32 to vector<1024x1xf32>
    %div3A_42 = arith.divf %broadcast_in_dim3A_40, %div3A_41 : vector<1024x1xf32>
    %sub3A = vector.broadcast %div3A_42 : vector<1024x1xf32> to vector<1024x768xf32>
    %sub3A_43 = arith.subf %add3A_38, %sub3A : vector<1024x768xf32>
    %mul3A = arith.mulf %sub3A_43, %sub3A_43 : vector<1024x768xf32>
    %reduce_sum3A_44 = arith.constant dense<0.000000e+00> : vector<1024xf32>
    %reduce_sum3A_45 = vector.multi_reduction <add>, %mul3A, %reduce_sum3A_44 [1] : vector<1024x768xf32> to vector<1024xf32>
    %broadcast_in_dim3A_46 = vector.shape_cast %reduce_sum3A_45 : vector<1024xf32> to vector<1024x1xf32>
    %div3A_47 = arith.constant 7.680000e+02 : f32
    %div3A_48 = vector.broadcast %div3A_47 : f32 to vector<1024x1xf32>
    %div3A_49 = arith.divf %broadcast_in_dim3A_46, %div3A_48 : vector<1024x1xf32>
    %add3A_50 = arith.constant 9.99999974E-6 : f32
    %add3A_51 = vector.broadcast %add3A_50 : f32 to vector<1024x1xf32>
    %add3A_52 = arith.addf %div3A_49, %add3A_51 : vector<1024x1xf32>
    %rsqrt3A = math.rsqrt %add3A_52 : vector<1024x1xf32>
    %mul3A_53 = vector.broadcast %rsqrt3A : vector<1024x1xf32> to vector<1024x768xf32>
    %mul3A_54 = arith.mulf %sub3A_43, %mul3A_53 : vector<1024x768xf32>
    %get3A_55 = arith.constant 0 : index
    %get3A_56 = arith.constant 0 : index
    %get3A_57 = vector.load %arg6[%get3A_55, %get3A_56] : memref<1x768xf32, #tpu.memory_space<vmem>>, vector<1x768xf32>
    %mul3A_58 = vector.broadcast %get3A_57 : vector<1x768xf32> to vector<1024x768xf32>
    %mul3A_59 = arith.mulf %mul3A_54, %mul3A_58 : vector<1024x768xf32>
    %get3A_60 = arith.constant 0 : index
    %get3A_61 = arith.constant 0 : index
    %get3A_62 = vector.load %arg7[%get3A_60, %get3A_61] : memref<1x768xf32, #tpu.memory_space<vmem>>, vector<1x768xf32>
    %add3A_63 = vector.broadcast %get3A_62 : vector<1x768xf32> to vector<1024x768xf32>
    %add3A_64 = arith.addf %mul3A_59, %add3A_63 : vector<1024x768xf32>
    %swap3A = arith.constant 0 : index
    %swap3A_65 = arith.constant 0 : index
    %swap3A_66 = vector.load %arg8[%swap3A, %swap3A_65] : memref<1024x768xf32, #tpu.memory_space<vmem>>, vector<1024x768xf32>
    tpu.vector_store %arg8[%swap3A, %swap3A_65], %add3A_64 {strides = array<i32>} : memref<1024x768xf32, #tpu.memory_space<vmem>>, vector<1024x768xf32>,
    return
  }
  func.func @transform_0(%arg0: i32) -> (i32, i32) {
    %c0_i32 = arith.constant 0 : i32
    %c0_i32_0 = arith.constant 0 : i32
    %c0_i32_1 = arith.constant 0 : i32
    return %c0_i32, %c0_i32_0 : i32, i32
  }
  func.func @transform_1(%arg0: i32) -> (i32, i32) {
    %c0_i32 = arith.constant 0 : i32
    %c0_i32_0 = arith.constant 0 : i32
    return %arg0, %c0_i32 : i32, i32
  }
  func.func @transform_2(%arg0: i32) -> (i32, i32) {
    %c0_i32 = arith.constant 0 : i32
    %c0_i32_0 = arith.constant 0 : i32
    return %arg0, %c0_i32 : i32, i32
  }
  func.func @transform_3(%arg0: i32) -> (i32, i32) {
    %c0_i32 = arith.constant 0 : i32
    %c0_i32_0 = arith.constant 0 : i32
    %c0_i32_1 = arith.constant 0 : i32
    return %c0_i32, %c0_i32_0 : i32, i32
  }
  func.func @transform_4(%arg0: i32) -> (i32, i32) {
    %c0_i32 = arith.constant 0 : i32
    %c0_i32_0 = arith.constant 0 : i32
    %c0_i32_1 = arith.constant 0 : i32
    return %c0_i32, %c0_i32_0 : i32, i32
  }
  func.func @transform_5(%arg0: i32) -> (i32, i32) {
    %c0_i32 = arith.constant 0 : i32
    %c0_i32_0 = arith.constant 0 : i32
    %c0_i32_1 = arith.constant 0 : i32
    return %c0_i32, %c0_i32_0 : i32, i32
  }
  func.func @transform_6(%arg0: i32) -> (i32, i32) {
    %c0_i32 = arith.constant 0 : i32
    %c0_i32_0 = arith.constant 0 : i32
    %c0_i32_1 = arith.constant 0 : i32
    return %c0_i32, %c0_i32_0 : i32, i32
  }
  func.func @transform_7(%arg0: i32) -> (i32, i32) {
    %add3A = arith.constant 8 : i32
    %add3A_0 = arith.addi %add3A, %arg0 : i32
    %c0_i32 = arith.constant 0 : i32
    %c0_i32_1 = arith.constant 0 : i32
    return %add3A_0, %c0_i32 : i32, i32
  }
}

module attributes {stable_mosaic.version = 14 : i64} {
  func.func @_tc_ln_acc(%arg0: i32, %arg1: memref<8x128xf32, #tpu.memory_space<vmem>>, %arg2: memref<1024x768xf32, #tpu.memory_space<vmem>>, %arg3: memref<1024x1xi32, #tpu.memory_space<vmem>>, %arg4: memref<4x768xf32, #tpu.memory_space<vmem>>, %arg5: memref<1x768xf32, #tpu.memory_space<vmem>>, %arg6: memref<1x768xf32, #tpu.memory_space<vmem>>, %arg7: memref<1x768xf32, #tpu.memory_space<vmem>>, %arg8: memref<1024x768xf32, #tpu.memory_space<vmem>>) attributes {dimension_semantics = [#tpu.dimension_semantics<arbitrary>], iteration_bounds = array<i64: 4>, scalar_prefetch = 0 : i64, scratch_operands = 0 : i64, tpu.core_type = #tpu.core_type<tc>, window_params = [{transform_indices = @transform_0, window_bounds = array<i64: 8, 128>}, {transform_indices = @transform_1, window_bounds = array<i64: 1024, 768>}, {transform_indices = @transform_2, window_bounds = array<i64: 1024, 1>}, {pipeline_mode = #tpu.pipeline_mode<synchronous>, transform_indices = @transform_3, window_bounds = array<i64: 4, 768>}, {pipeline_mode = #tpu.pipeline_mode<synchronous>, transform_indices = @transform_4, window_bounds = array<i64: 1, 768>}, {pipeline_mode = #tpu.pipeline_mode<synchronous>, transform_indices = @transform_5, window_bounds = array<i64: 1, 768>}, {pipeline_mode = #tpu.pipeline_mode<synchronous>, transform_indices = @transform_6, window_bounds = array<i64: 1, 768>}, {transform_indices = @transform_7, window_bounds = array<i64: 1024, 768>}]} {
    %get3A = arith.constant 0 : index
    %get3A_0 = arith.constant 0 : index
    %get3A_1 = vector.load %arg2[%get3A, %get3A_0] : memref<1024x768xf32, #tpu.memory_space<vmem>>, vector<1024x768xf32>
    %get3A_2 = arith.constant 0 : index
    %get3A_3 = arith.constant 0 : index
    %get3A_4 = vector.load %arg3[%get3A_2, %get3A_3] : memref<1024x1xi32, #tpu.memory_space<vmem>>, vector<1024x1xi32>
    %get3A_5 = arith.constant 0 : index
    %get3A_6 = arith.constant 0 : index
    %get3A_7 = vector.load %arg4[%get3A_5, %get3A_6] : memref<4x768xf32, #tpu.memory_space<vmem>>, vector<4x768xf32>
    %get3A_8 = arith.constant 0 : index
    %get3A_9 = arith.constant 0 : index
    %get3A_10 = vector.load %arg5[%get3A_8, %get3A_9] : memref<1x768xf32, #tpu.memory_space<vmem>>, vector<1x768xf32>
    %add3A = vector.broadcast %get3A_10 : vector<1x768xf32> to vector<4x768xf32>
    %add3A_11 = arith.addf %get3A_7, %add3A : vector<4x768xf32>
    %slice3A = vector.extract_strided_slice %add3A_11 {offsets = [0, 0], sizes = [1, 768], strides = [1, 1]} : vector<4x768xf32> to vector<1x768xf32>
    %broadcast_in_dim3A = vector.shape_cast %slice3A : vector<1x768xf32> to vector<1x768xf32>
    %broadcast_in_dim3A_12 = vector.broadcast %broadcast_in_dim3A : vector<1x768xf32> to vector<1024x768xf32>
    %eq3A = arith.constant 1 : i32
    %eq3A_13 = vector.broadcast %eq3A : i32 to vector<1024x1xi32>
    %eq3A_14 = arith.cmpi eq, %get3A_4, %eq3A_13 : vector<1024x1xi32>
    %slice3A_15 = vector.extract_strided_slice %add3A_11 {offsets = [1, 0], sizes = [1, 768], strides = [1, 1]} : vector<4x768xf32> to vector<1x768xf32>
    %broadcast_in_dim3A_16 = vector.shape_cast %eq3A_14 : vector<1024x1xi1> to vector<1024x1xi1>
    %broadcast_in_dim3A_17 = vector.broadcast %broadcast_in_dim3A_16 : vector<1024x1xi1> to vector<1024x768xi1>
    %broadcast_in_dim3A_18 = vector.shape_cast %slice3A_15 : vector<1x768xf32> to vector<1x768xf32>
    %broadcast_in_dim3A_19 = vector.broadcast %broadcast_in_dim3A_18 : vector<1x768xf32> to vector<1024x768xf32>
    %select_n3A = arith.select %broadcast_in_dim3A_17, %broadcast_in_dim3A_19, %broadcast_in_dim3A_12 : vector<1024x768xi1>, vector<1024x768xf32>
    %eq3A_20 = arith.constant 2 : i32
    %eq3A_21 = vector.broadcast %eq3A_20 : i32 to vector<1024x1xi32>
    %eq3A_22 = arith.cmpi eq, %get3A_4, %eq3A_21 : vector<1024x1xi32>
    %slice3A_23 = vector.extract_strided_slice %add3A_11 {offsets = [2, 0], sizes = [1, 768], strides = [1, 1]} : vector<4x768xf32> to vector<1x768xf32>
    %broadcast_in_dim3A_24 = vector.shape_cast %eq3A_22 : vector<1024x1xi1> to vector<1024x1xi1>
    %broadcast_in_dim3A_25 = vector.broadcast %broadcast_in_dim3A_24 : vector<1024x1xi1> to vector<1024x768xi1>
    %broadcast_in_dim3A_26 = vector.shape_cast %slice3A_23 : vector<1x768xf32> to vector<1x768xf32>
    %broadcast_in_dim3A_27 = vector.broadcast %broadcast_in_dim3A_26 : vector<1x768xf32> to vector<1024x768xf32>
    %select_n3A_28 = arith.select %broadcast_in_dim3A_25, %broadcast_in_dim3A_27, %select_n3A : vector<1024x768xi1>, vector<1024x768xf32>
    %eq3A_29 = arith.constant 3 : i32
    %eq3A_30 = vector.broadcast %eq3A_29 : i32 to vector<1024x1xi32>
    %eq3A_31 = arith.cmpi eq, %get3A_4, %eq3A_30 : vector<1024x1xi32>
    %slice3A_32 = vector.extract_strided_slice %add3A_11 {offsets = [3, 0], sizes = [1, 768], strides = [1, 1]} : vector<4x768xf32> to vector<1x768xf32>
    %broadcast_in_dim3A_33 = vector.shape_cast %eq3A_31 : vector<1024x1xi1> to vector<1024x1xi1>
    %broadcast_in_dim3A_34 = vector.broadcast %broadcast_in_dim3A_33 : vector<1024x1xi1> to vector<1024x768xi1>
    %broadcast_in_dim3A_35 = vector.shape_cast %slice3A_32 : vector<1x768xf32> to vector<1x768xf32>
    %broadcast_in_dim3A_36 = vector.broadcast %broadcast_in_dim3A_35 : vector<1x768xf32> to vector<1024x768xf32>
    %select_n3A_37 = arith.select %broadcast_in_dim3A_34, %broadcast_in_dim3A_36, %select_n3A_28 : vector<1024x768xi1>, vector<1024x768xf32>
    %add3A_38 = arith.addf %get3A_1, %select_n3A_37 : vector<1024x768xf32>
    %reduce_sum3A = arith.constant dense<0.000000e+00> : vector<1024xf32>
    %reduce_sum3A_39 = vector.multi_reduction <add>, %add3A_38, %reduce_sum3A [1] : vector<1024x768xf32> to vector<1024xf32>
    %broadcast_in_dim3A_40 = vector.shape_cast %reduce_sum3A_39 : vector<1024xf32> to vector<1024x1xf32>
    %div3A = arith.constant 7.680000e+02 : f32
    %div3A_41 = vector.broadcast %div3A : f32 to vector<1024x1xf32>
    %div3A_42 = arith.divf %broadcast_in_dim3A_40, %div3A_41 : vector<1024x1xf32>
    %sub3A = vector.broadcast %div3A_42 : vector<1024x1xf32> to vector<1024x768xf32>
    %sub3A_43 = arith.subf %add3A_38, %sub3A : vector<1024x768xf32>
    %mul3A = arith.mulf %sub3A_43, %sub3A_43 : vector<1024x768xf32>
    %reduce_sum3A_44 = arith.constant dense<0.000000e+00> : vector<1024xf32>
    %reduce_sum3A_45 = vector.multi_reduction <add>, %mul3A, %reduce_sum3A_44 [1] : vector<1024x768xf32> to vector<1024xf32>
    %broadcast_in_dim3A_46 = vector.shape_cast %reduce_sum3A_45 : vector<1024xf32> to vector<1024x1xf32>
    %div3A_47 = arith.constant 7.680000e+02 : f32
    %div3A_48 = vector.broadcast %div3A_47 : f32 to vector<1024x1xf32>
    %div3A_49 = arith.divf %broadcast_in_dim3A_46, %div3A_48 : vector<1024x1xf32>
    %add3A_50 = arith.constant 9.99999974E-6 : f32
    %add3A_51 = vector.broadcast %add3A_50 : f32 to vector<1024x1xf32>
    %add3A_52 = arith.addf %div3A_49, %add3A_51 : vector<1024x1xf32>
    %rsqrt3A = math.rsqrt %add3A_52 : vector<1024x1xf32>
    %mul3A_53 = vector.broadcast %rsqrt3A : vector<1024x1xf32> to vector<1024x768xf32>
    %mul3A_54 = arith.mulf %sub3A_43, %mul3A_53 : vector<1024x768xf32>
    %get3A_55 = arith.constant 0 : index
    %get3A_56 = arith.constant 0 : index
    %get3A_57 = vector.load %arg6[%get3A_55, %get3A_56] : memref<1x768xf32, #tpu.memory_space<vmem>>, vector<1x768xf32>
    %mul3A_58 = vector.broadcast %get3A_57 : vector<1x768xf32> to vector<1024x768xf32>
    %mul3A_59 = arith.mulf %mul3A_54, %mul3A_58 : vector<1024x768xf32>
    %get3A_60 = arith.constant 0 : index
    %get3A_61 = arith.constant 0 : index
    %get3A_62 = vector.load %arg7[%get3A_60, %get3A_61] : memref<1x768xf32, #tpu.memory_space<vmem>>, vector<1x768xf32>
    %add3A_63 = vector.broadcast %get3A_62 : vector<1x768xf32> to vector<1024x768xf32>
    %add3A_64 = arith.addf %mul3A_59, %add3A_63 : vector<1024x768xf32>
    %swap3A = arith.constant 0 : index
    %swap3A_65 = arith.constant 0 : index
    %swap3A_66 = vector.load %arg8[%swap3A, %swap3A_65] : memref<1024x768xf32, #tpu.memory_space<vmem>>, vector<1024x768xf32>
    tpu.vector_store %arg8[%swap3A, %swap3A_65], %add3A_64 {strides = array<i32>} : memref<1024x768xf32, #tpu.memory_space<vmem>>, vector<1024x768xf32>,
    return
  }
  func.func @transform_0(%arg0: i32) -> (i32, i32) {
    %c0_i32 = arith.constant 0 : i32
    %c0_i32_0 = arith.constant 0 : i32
    %c0_i32_1 = arith.constant 0 : i32
    return %c0_i32, %c0_i32_0 : i32, i32
  }
  func.func @transform_1(%arg0: i32) -> (i32, i32) {
    %c0_i32 = arith.constant 0 : i32
    %c0_i32_0 = arith.constant 0 : i32
    return %arg0, %c0_i32 : i32, i32
  }
  func.func @transform_2(%arg0: i32) -> (i32, i32) {
    %c0_i32 = arith.constant 0 : i32
    %c0_i32_0 = arith.constant 0 : i32
    return %arg0, %c0_i32 : i32, i32
  }
  func.func @transform_3(%arg0: i32) -> (i32, i32) {
    %c0_i32 = arith.constant 0 : i32
    %c0_i32_0 = arith.constant 0 : i32
    %c0_i32_1 = arith.constant 0 : i32
    return %c0_i32, %c0_i32_0 : i32, i32
  }
  func.func @transform_4(%arg0: i32) -> (i32, i32) {
    %c0_i32 = arith.constant 0 : i32
    %c0_i32_0 = arith.constant 0 : i32
    %c0_i32_1 = arith.constant 0 : i32
    return %c0_i32, %c0_i32_0 : i32, i32
  }
  func.func @transform_5(%arg0: i32) -> (i32, i32) {
    %c0_i32 = arith.constant 0 : i32
    %c0_i32_0 = arith.constant 0 : i32
    %c0_i32_1 = arith.constant 0 : i32
    return %c0_i32, %c0_i32_0 : i32, i32
  }
  func.func @transform_6(%arg0: i32) -> (i32, i32) {
    %c0_i32 = arith.constant 0 : i32
    %c0_i32_0 = arith.constant 0 : i32
    %c0_i32_1 = arith.constant 0 : i32
    return %c0_i32, %c0_i32_0 : i32, i32
  }
  func.func @transform_7(%arg0: i32) -> (i32, i32) {
    %add3A = arith.constant 12 : i32
    %add3A_0 = arith.addi %add3A, %arg0 : i32
    %c0_i32 = arith.constant 0 : i32
    %c0_i32_1 = arith.constant 0 : i32
    return %add3A_0, %c0_i32 : i32, i32
  }
}

module attributes {stable_mosaic.version = 14 : i64} {
  func.func @_tc_ln_acc(%arg0: i32, %arg1: memref<8x128xf32, #tpu.memory_space<vmem>>, %arg2: memref<1024x768xf32, #tpu.memory_space<vmem>>, %arg3: memref<1024x1xi32, #tpu.memory_space<vmem>>, %arg4: memref<4x768xf32, #tpu.memory_space<vmem>>, %arg5: memref<1x768xf32, #tpu.memory_space<vmem>>, %arg6: memref<1x768xf32, #tpu.memory_space<vmem>>, %arg7: memref<1x768xf32, #tpu.memory_space<vmem>>, %arg8: memref<1024x768xf32, #tpu.memory_space<vmem>>) attributes {dimension_semantics = [#tpu.dimension_semantics<arbitrary>], iteration_bounds = array<i64: 4>, scalar_prefetch = 0 : i64, scratch_operands = 0 : i64, tpu.core_type = #tpu.core_type<tc>, window_params = [{transform_indices = @transform_0, window_bounds = array<i64: 8, 128>}, {transform_indices = @transform_1, window_bounds = array<i64: 1024, 768>}, {transform_indices = @transform_2, window_bounds = array<i64: 1024, 1>}, {pipeline_mode = #tpu.pipeline_mode<synchronous>, transform_indices = @transform_3, window_bounds = array<i64: 4, 768>}, {pipeline_mode = #tpu.pipeline_mode<synchronous>, transform_indices = @transform_4, window_bounds = array<i64: 1, 768>}, {pipeline_mode = #tpu.pipeline_mode<synchronous>, transform_indices = @transform_5, window_bounds = array<i64: 1, 768>}, {pipeline_mode = #tpu.pipeline_mode<synchronous>, transform_indices = @transform_6, window_bounds = array<i64: 1, 768>}, {transform_indices = @transform_7, window_bounds = array<i64: 1024, 768>}]} {
    %get3A = arith.constant 0 : index
    %get3A_0 = arith.constant 0 : index
    %get3A_1 = vector.load %arg2[%get3A, %get3A_0] : memref<1024x768xf32, #tpu.memory_space<vmem>>, vector<1024x768xf32>
    %get3A_2 = arith.constant 0 : index
    %get3A_3 = arith.constant 0 : index
    %get3A_4 = vector.load %arg3[%get3A_2, %get3A_3] : memref<1024x1xi32, #tpu.memory_space<vmem>>, vector<1024x1xi32>
    %get3A_5 = arith.constant 0 : index
    %get3A_6 = arith.constant 0 : index
    %get3A_7 = vector.load %arg4[%get3A_5, %get3A_6] : memref<4x768xf32, #tpu.memory_space<vmem>>, vector<4x768xf32>
    %get3A_8 = arith.constant 0 : index
    %get3A_9 = arith.constant 0 : index
    %get3A_10 = vector.load %arg5[%get3A_8, %get3A_9] : memref<1x768xf32, #tpu.memory_space<vmem>>, vector<1x768xf32>
    %add3A = vector.broadcast %get3A_10 : vector<1x768xf32> to vector<4x768xf32>
    %add3A_11 = arith.addf %get3A_7, %add3A : vector<4x768xf32>
    %slice3A = vector.extract_strided_slice %add3A_11 {offsets = [0, 0], sizes = [1, 768], strides = [1, 1]} : vector<4x768xf32> to vector<1x768xf32>
    %broadcast_in_dim3A = vector.shape_cast %slice3A : vector<1x768xf32> to vector<1x768xf32>
    %broadcast_in_dim3A_12 = vector.broadcast %broadcast_in_dim3A : vector<1x768xf32> to vector<1024x768xf32>
    %eq3A = arith.constant 1 : i32
    %eq3A_13 = vector.broadcast %eq3A : i32 to vector<1024x1xi32>
    %eq3A_14 = arith.cmpi eq, %get3A_4, %eq3A_13 : vector<1024x1xi32>
    %slice3A_15 = vector.extract_strided_slice %add3A_11 {offsets = [1, 0], sizes = [1, 768], strides = [1, 1]} : vector<4x768xf32> to vector<1x768xf32>
    %broadcast_in_dim3A_16 = vector.shape_cast %eq3A_14 : vector<1024x1xi1> to vector<1024x1xi1>
    %broadcast_in_dim3A_17 = vector.broadcast %broadcast_in_dim3A_16 : vector<1024x1xi1> to vector<1024x768xi1>
    %broadcast_in_dim3A_18 = vector.shape_cast %slice3A_15 : vector<1x768xf32> to vector<1x768xf32>
    %broadcast_in_dim3A_19 = vector.broadcast %broadcast_in_dim3A_18 : vector<1x768xf32> to vector<1024x768xf32>
    %select_n3A = arith.select %broadcast_in_dim3A_17, %broadcast_in_dim3A_19, %broadcast_in_dim3A_12 : vector<1024x768xi1>, vector<1024x768xf32>
    %eq3A_20 = arith.constant 2 : i32
    %eq3A_21 = vector.broadcast %eq3A_20 : i32 to vector<1024x1xi32>
    %eq3A_22 = arith.cmpi eq, %get3A_4, %eq3A_21 : vector<1024x1xi32>
    %slice3A_23 = vector.extract_strided_slice %add3A_11 {offsets = [2, 0], sizes = [1, 768], strides = [1, 1]} : vector<4x768xf32> to vector<1x768xf32>
    %broadcast_in_dim3A_24 = vector.shape_cast %eq3A_22 : vector<1024x1xi1> to vector<1024x1xi1>
    %broadcast_in_dim3A_25 = vector.broadcast %broadcast_in_dim3A_24 : vector<1024x1xi1> to vector<1024x768xi1>
    %broadcast_in_dim3A_26 = vector.shape_cast %slice3A_23 : vector<1x768xf32> to vector<1x768xf32>
    %broadcast_in_dim3A_27 = vector.broadcast %broadcast_in_dim3A_26 : vector<1x768xf32> to vector<1024x768xf32>
    %select_n3A_28 = arith.select %broadcast_in_dim3A_25, %broadcast_in_dim3A_27, %select_n3A : vector<1024x768xi1>, vector<1024x768xf32>
    %eq3A_29 = arith.constant 3 : i32
    %eq3A_30 = vector.broadcast %eq3A_29 : i32 to vector<1024x1xi32>
    %eq3A_31 = arith.cmpi eq, %get3A_4, %eq3A_30 : vector<1024x1xi32>
    %slice3A_32 = vector.extract_strided_slice %add3A_11 {offsets = [3, 0], sizes = [1, 768], strides = [1, 1]} : vector<4x768xf32> to vector<1x768xf32>
    %broadcast_in_dim3A_33 = vector.shape_cast %eq3A_31 : vector<1024x1xi1> to vector<1024x1xi1>
    %broadcast_in_dim3A_34 = vector.broadcast %broadcast_in_dim3A_33 : vector<1024x1xi1> to vector<1024x768xi1>
    %broadcast_in_dim3A_35 = vector.shape_cast %slice3A_32 : vector<1x768xf32> to vector<1x768xf32>
    %broadcast_in_dim3A_36 = vector.broadcast %broadcast_in_dim3A_35 : vector<1x768xf32> to vector<1024x768xf32>
    %select_n3A_37 = arith.select %broadcast_in_dim3A_34, %broadcast_in_dim3A_36, %select_n3A_28 : vector<1024x768xi1>, vector<1024x768xf32>
    %add3A_38 = arith.addf %get3A_1, %select_n3A_37 : vector<1024x768xf32>
    %reduce_sum3A = arith.constant dense<0.000000e+00> : vector<1024xf32>
    %reduce_sum3A_39 = vector.multi_reduction <add>, %add3A_38, %reduce_sum3A [1] : vector<1024x768xf32> to vector<1024xf32>
    %broadcast_in_dim3A_40 = vector.shape_cast %reduce_sum3A_39 : vector<1024xf32> to vector<1024x1xf32>
    %div3A = arith.constant 7.680000e+02 : f32
    %div3A_41 = vector.broadcast %div3A : f32 to vector<1024x1xf32>
    %div3A_42 = arith.divf %broadcast_in_dim3A_40, %div3A_41 : vector<1024x1xf32>
    %sub3A = vector.broadcast %div3A_42 : vector<1024x1xf32> to vector<1024x768xf32>
    %sub3A_43 = arith.subf %add3A_38, %sub3A : vector<1024x768xf32>
    %mul3A = arith.mulf %sub3A_43, %sub3A_43 : vector<1024x768xf32>
    %reduce_sum3A_44 = arith.constant dense<0.000000e+00> : vector<1024xf32>
    %reduce_sum3A_45 = vector.multi_reduction <add>, %mul3A, %reduce_sum3A_44 [1] : vector<1024x768xf32> to vector<1024xf32>
    %broadcast_in_dim3A_46 = vector.shape_cast %reduce_sum3A_45 : vector<1024xf32> to vector<1024x1xf32>
    %div3A_47 = arith.constant 7.680000e+02 : f32
    %div3A_48 = vector.broadcast %div3A_47 : f32 to vector<1024x1xf32>
    %div3A_49 = arith.divf %broadcast_in_dim3A_46, %div3A_48 : vector<1024x1xf32>
    %add3A_50 = arith.constant 9.99999974E-6 : f32
    %add3A_51 = vector.broadcast %add3A_50 : f32 to vector<1024x1xf32>
    %add3A_52 = arith.addf %div3A_49, %add3A_51 : vector<1024x1xf32>
    %rsqrt3A = math.rsqrt %add3A_52 : vector<1024x1xf32>
    %mul3A_53 = vector.broadcast %rsqrt3A : vector<1024x1xf32> to vector<1024x768xf32>
    %mul3A_54 = arith.mulf %sub3A_43, %mul3A_53 : vector<1024x768xf32>
    %get3A_55 = arith.constant 0 : index
    %get3A_56 = arith.constant 0 : index
    %get3A_57 = vector.load %arg6[%get3A_55, %get3A_56] : memref<1x768xf32, #tpu.memory_space<vmem>>, vector<1x768xf32>
    %mul3A_58 = vector.broadcast %get3A_57 : vector<1x768xf32> to vector<1024x768xf32>
    %mul3A_59 = arith.mulf %mul3A_54, %mul3A_58 : vector<1024x768xf32>
    %get3A_60 = arith.constant 0 : index
    %get3A_61 = arith.constant 0 : index
    %get3A_62 = vector.load %arg7[%get3A_60, %get3A_61] : memref<1x768xf32, #tpu.memory_space<vmem>>, vector<1x768xf32>
    %add3A_63 = vector.broadcast %get3A_62 : vector<1x768xf32> to vector<1024x768xf32>
    %add3A_64 = arith.addf %mul3A_59, %add3A_63 : vector<1024x768xf32>
    %swap3A = arith.constant 0 : index
    %swap3A_65 = arith.constant 0 : index
    %swap3A_66 = vector.load %arg8[%swap3A, %swap3A_65] : memref<1024x768xf32, #tpu.memory_space<vmem>>, vector<1024x768xf32>
    tpu.vector_store %arg8[%swap3A, %swap3A_65], %add3A_64 {strides = array<i32>} : memref<1024x768xf32, #tpu.memory_space<vmem>>, vector<1024x768xf32>,
    return
  }
  func.func @transform_0(%arg0: i32) -> (i32, i32) {
    %c0_i32 = arith.constant 0 : i32
    %c0_i32_0 = arith.constant 0 : i32
    %c0_i32_1 = arith.constant 0 : i32
    return %c0_i32, %c0_i32_0 : i32, i32
  }
  func.func @transform_1(%arg0: i32) -> (i32, i32) {
    %c0_i32 = arith.constant 0 : i32
    %c0_i32_0 = arith.constant 0 : i32
    return %arg0, %c0_i32 : i32, i32
  }
  func.func @transform_2(%arg0: i32) -> (i32, i32) {
    %c0_i32 = arith.constant 0 : i32
    %c0_i32_0 = arith.constant 0 : i32
    return %arg0, %c0_i32 : i32, i32
  }
  func.func @transform_3(%arg0: i32) -> (i32, i32) {
    %c0_i32 = arith.constant 0 : i32
    %c0_i32_0 = arith.constant 0 : i32
    %c0_i32_1 = arith.constant 0 : i32
    return %c0_i32, %c0_i32_0 : i32, i32
  }
  func.func @transform_4(%arg0: i32) -> (i32, i32) {
    %c0_i32 = arith.constant 0 : i32
    %c0_i32_0 = arith.constant 0 : i32
    %c0_i32_1 = arith.constant 0 : i32
    return %c0_i32, %c0_i32_0 : i32, i32
  }
  func.func @transform_5(%arg0: i32) -> (i32, i32) {
    %c0_i32 = arith.constant 0 : i32
    %c0_i32_0 = arith.constant 0 : i32
    %c0_i32_1 = arith.constant 0 : i32
    return %c0_i32, %c0_i32_0 : i32, i32
  }
  func.func @transform_6(%arg0: i32) -> (i32, i32) {
    %c0_i32 = arith.constant 0 : i32
    %c0_i32_0 = arith.constant 0 : i32
    %c0_i32_1 = arith.constant 0 : i32
    return %c0_i32, %c0_i32_0 : i32, i32
  }
  func.func @transform_7(%arg0: i32) -> (i32, i32) {
    %add3A = arith.constant 16 : i32
    %add3A_0 = arith.addi %add3A, %arg0 : i32
    %c0_i32 = arith.constant 0 : i32
    %c0_i32_1 = arith.constant 0 : i32
    return %add3A_0, %c0_i32 : i32, i32
  }
}

module attributes {stable_mosaic.version = 14 : i64} {
  func.func @_tc_ln_acc(%arg0: i32, %arg1: memref<8x128xf32, #tpu.memory_space<vmem>>, %arg2: memref<1024x768xf32, #tpu.memory_space<vmem>>, %arg3: memref<1024x1xi32, #tpu.memory_space<vmem>>, %arg4: memref<4x768xf32, #tpu.memory_space<vmem>>, %arg5: memref<1x768xf32, #tpu.memory_space<vmem>>, %arg6: memref<1x768xf32, #tpu.memory_space<vmem>>, %arg7: memref<1x768xf32, #tpu.memory_space<vmem>>, %arg8: memref<1024x768xf32, #tpu.memory_space<vmem>>) attributes {dimension_semantics = [#tpu.dimension_semantics<arbitrary>], iteration_bounds = array<i64: 4>, scalar_prefetch = 0 : i64, scratch_operands = 0 : i64, tpu.core_type = #tpu.core_type<tc>, window_params = [{transform_indices = @transform_0, window_bounds = array<i64: 8, 128>}, {transform_indices = @transform_1, window_bounds = array<i64: 1024, 768>}, {transform_indices = @transform_2, window_bounds = array<i64: 1024, 1>}, {pipeline_mode = #tpu.pipeline_mode<synchronous>, transform_indices = @transform_3, window_bounds = array<i64: 4, 768>}, {pipeline_mode = #tpu.pipeline_mode<synchronous>, transform_indices = @transform_4, window_bounds = array<i64: 1, 768>}, {pipeline_mode = #tpu.pipeline_mode<synchronous>, transform_indices = @transform_5, window_bounds = array<i64: 1, 768>}, {pipeline_mode = #tpu.pipeline_mode<synchronous>, transform_indices = @transform_6, window_bounds = array<i64: 1, 768>}, {transform_indices = @transform_7, window_bounds = array<i64: 1024, 768>}]} {
    %get3A = arith.constant 0 : index
    %get3A_0 = arith.constant 0 : index
    %get3A_1 = vector.load %arg2[%get3A, %get3A_0] : memref<1024x768xf32, #tpu.memory_space<vmem>>, vector<1024x768xf32>
    %get3A_2 = arith.constant 0 : index
    %get3A_3 = arith.constant 0 : index
    %get3A_4 = vector.load %arg3[%get3A_2, %get3A_3] : memref<1024x1xi32, #tpu.memory_space<vmem>>, vector<1024x1xi32>
    %get3A_5 = arith.constant 0 : index
    %get3A_6 = arith.constant 0 : index
    %get3A_7 = vector.load %arg4[%get3A_5, %get3A_6] : memref<4x768xf32, #tpu.memory_space<vmem>>, vector<4x768xf32>
    %get3A_8 = arith.constant 0 : index
    %get3A_9 = arith.constant 0 : index
    %get3A_10 = vector.load %arg5[%get3A_8, %get3A_9] : memref<1x768xf32, #tpu.memory_space<vmem>>, vector<1x768xf32>
    %add3A = vector.broadcast %get3A_10 : vector<1x768xf32> to vector<4x768xf32>
    %add3A_11 = arith.addf %get3A_7, %add3A : vector<4x768xf32>
    %slice3A = vector.extract_strided_slice %add3A_11 {offsets = [0, 0], sizes = [1, 768], strides = [1, 1]} : vector<4x768xf32> to vector<1x768xf32>
    %broadcast_in_dim3A = vector.shape_cast %slice3A : vector<1x768xf32> to vector<1x768xf32>
    %broadcast_in_dim3A_12 = vector.broadcast %broadcast_in_dim3A : vector<1x768xf32> to vector<1024x768xf32>
    %eq3A = arith.constant 1 : i32
    %eq3A_13 = vector.broadcast %eq3A : i32 to vector<1024x1xi32>
    %eq3A_14 = arith.cmpi eq, %get3A_4, %eq3A_13 : vector<1024x1xi32>
    %slice3A_15 = vector.extract_strided_slice %add3A_11 {offsets = [1, 0], sizes = [1, 768], strides = [1, 1]} : vector<4x768xf32> to vector<1x768xf32>
    %broadcast_in_dim3A_16 = vector.shape_cast %eq3A_14 : vector<1024x1xi1> to vector<1024x1xi1>
    %broadcast_in_dim3A_17 = vector.broadcast %broadcast_in_dim3A_16 : vector<1024x1xi1> to vector<1024x768xi1>
    %broadcast_in_dim3A_18 = vector.shape_cast %slice3A_15 : vector<1x768xf32> to vector<1x768xf32>
    %broadcast_in_dim3A_19 = vector.broadcast %broadcast_in_dim3A_18 : vector<1x768xf32> to vector<1024x768xf32>
    %select_n3A = arith.select %broadcast_in_dim3A_17, %broadcast_in_dim3A_19, %broadcast_in_dim3A_12 : vector<1024x768xi1>, vector<1024x768xf32>
    %eq3A_20 = arith.constant 2 : i32
    %eq3A_21 = vector.broadcast %eq3A_20 : i32 to vector<1024x1xi32>
    %eq3A_22 = arith.cmpi eq, %get3A_4, %eq3A_21 : vector<1024x1xi32>
    %slice3A_23 = vector.extract_strided_slice %add3A_11 {offsets = [2, 0], sizes = [1, 768], strides = [1, 1]} : vector<4x768xf32> to vector<1x768xf32>
    %broadcast_in_dim3A_24 = vector.shape_cast %eq3A_22 : vector<1024x1xi1> to vector<1024x1xi1>
    %broadcast_in_dim3A_25 = vector.broadcast %broadcast_in_dim3A_24 : vector<1024x1xi1> to vector<1024x768xi1>
    %broadcast_in_dim3A_26 = vector.shape_cast %slice3A_23 : vector<1x768xf32> to vector<1x768xf32>
    %broadcast_in_dim3A_27 = vector.broadcast %broadcast_in_dim3A_26 : vector<1x768xf32> to vector<1024x768xf32>
    %select_n3A_28 = arith.select %broadcast_in_dim3A_25, %broadcast_in_dim3A_27, %select_n3A : vector<1024x768xi1>, vector<1024x768xf32>
    %eq3A_29 = arith.constant 3 : i32
    %eq3A_30 = vector.broadcast %eq3A_29 : i32 to vector<1024x1xi32>
    %eq3A_31 = arith.cmpi eq, %get3A_4, %eq3A_30 : vector<1024x1xi32>
    %slice3A_32 = vector.extract_strided_slice %add3A_11 {offsets = [3, 0], sizes = [1, 768], strides = [1, 1]} : vector<4x768xf32> to vector<1x768xf32>
    %broadcast_in_dim3A_33 = vector.shape_cast %eq3A_31 : vector<1024x1xi1> to vector<1024x1xi1>
    %broadcast_in_dim3A_34 = vector.broadcast %broadcast_in_dim3A_33 : vector<1024x1xi1> to vector<1024x768xi1>
    %broadcast_in_dim3A_35 = vector.shape_cast %slice3A_32 : vector<1x768xf32> to vector<1x768xf32>
    %broadcast_in_dim3A_36 = vector.broadcast %broadcast_in_dim3A_35 : vector<1x768xf32> to vector<1024x768xf32>
    %select_n3A_37 = arith.select %broadcast_in_dim3A_34, %broadcast_in_dim3A_36, %select_n3A_28 : vector<1024x768xi1>, vector<1024x768xf32>
    %add3A_38 = arith.addf %get3A_1, %select_n3A_37 : vector<1024x768xf32>
    %reduce_sum3A = arith.constant dense<0.000000e+00> : vector<1024xf32>
    %reduce_sum3A_39 = vector.multi_reduction <add>, %add3A_38, %reduce_sum3A [1] : vector<1024x768xf32> to vector<1024xf32>
    %broadcast_in_dim3A_40 = vector.shape_cast %reduce_sum3A_39 : vector<1024xf32> to vector<1024x1xf32>
    %div3A = arith.constant 7.680000e+02 : f32
    %div3A_41 = vector.broadcast %div3A : f32 to vector<1024x1xf32>
    %div3A_42 = arith.divf %broadcast_in_dim3A_40, %div3A_41 : vector<1024x1xf32>
    %sub3A = vector.broadcast %div3A_42 : vector<1024x1xf32> to vector<1024x768xf32>
    %sub3A_43 = arith.subf %add3A_38, %sub3A : vector<1024x768xf32>
    %mul3A = arith.mulf %sub3A_43, %sub3A_43 : vector<1024x768xf32>
    %reduce_sum3A_44 = arith.constant dense<0.000000e+00> : vector<1024xf32>
    %reduce_sum3A_45 = vector.multi_reduction <add>, %mul3A, %reduce_sum3A_44 [1] : vector<1024x768xf32> to vector<1024xf32>
    %broadcast_in_dim3A_46 = vector.shape_cast %reduce_sum3A_45 : vector<1024xf32> to vector<1024x1xf32>
    %div3A_47 = arith.constant 7.680000e+02 : f32
    %div3A_48 = vector.broadcast %div3A_47 : f32 to vector<1024x1xf32>
    %div3A_49 = arith.divf %broadcast_in_dim3A_46, %div3A_48 : vector<1024x1xf32>
    %add3A_50 = arith.constant 9.99999974E-6 : f32
    %add3A_51 = vector.broadcast %add3A_50 : f32 to vector<1024x1xf32>
    %add3A_52 = arith.addf %div3A_49, %add3A_51 : vector<1024x1xf32>
    %rsqrt3A = math.rsqrt %add3A_52 : vector<1024x1xf32>
    %mul3A_53 = vector.broadcast %rsqrt3A : vector<1024x1xf32> to vector<1024x768xf32>
    %mul3A_54 = arith.mulf %sub3A_43, %mul3A_53 : vector<1024x768xf32>
    %get3A_55 = arith.constant 0 : index
    %get3A_56 = arith.constant 0 : index
    %get3A_57 = vector.load %arg6[%get3A_55, %get3A_56] : memref<1x768xf32, #tpu.memory_space<vmem>>, vector<1x768xf32>
    %mul3A_58 = vector.broadcast %get3A_57 : vector<1x768xf32> to vector<1024x768xf32>
    %mul3A_59 = arith.mulf %mul3A_54, %mul3A_58 : vector<1024x768xf32>
    %get3A_60 = arith.constant 0 : index
    %get3A_61 = arith.constant 0 : index
    %get3A_62 = vector.load %arg7[%get3A_60, %get3A_61] : memref<1x768xf32, #tpu.memory_space<vmem>>, vector<1x768xf32>
    %add3A_63 = vector.broadcast %get3A_62 : vector<1x768xf32> to vector<1024x768xf32>
    %add3A_64 = arith.addf %mul3A_59, %add3A_63 : vector<1024x768xf32>
    %swap3A = arith.constant 0 : index
    %swap3A_65 = arith.constant 0 : index
    %swap3A_66 = vector.load %arg8[%swap3A, %swap3A_65] : memref<1024x768xf32, #tpu.memory_space<vmem>>, vector<1024x768xf32>
    tpu.vector_store %arg8[%swap3A, %swap3A_65], %add3A_64 {strides = array<i32>} : memref<1024x768xf32, #tpu.memory_space<vmem>>, vector<1024x768xf32>,
    return
  }
  func.func @transform_0(%arg0: i32) -> (i32, i32) {
    %c0_i32 = arith.constant 0 : i32
    %c0_i32_0 = arith.constant 0 : i32
    %c0_i32_1 = arith.constant 0 : i32
    return %c0_i32, %c0_i32_0 : i32, i32
  }
  func.func @transform_1(%arg0: i32) -> (i32, i32) {
    %c0_i32 = arith.constant 0 : i32
    %c0_i32_0 = arith.constant 0 : i32
    return %arg0, %c0_i32 : i32, i32
  }
  func.func @transform_2(%arg0: i32) -> (i32, i32) {
    %c0_i32 = arith.constant 0 : i32
    %c0_i32_0 = arith.constant 0 : i32
    return %arg0, %c0_i32 : i32, i32
  }
  func.func @transform_3(%arg0: i32) -> (i32, i32) {
    %c0_i32 = arith.constant 0 : i32
    %c0_i32_0 = arith.constant 0 : i32
    %c0_i32_1 = arith.constant 0 : i32
    return %c0_i32, %c0_i32_0 : i32, i32
  }
  func.func @transform_4(%arg0: i32) -> (i32, i32) {
    %c0_i32 = arith.constant 0 : i32
    %c0_i32_0 = arith.constant 0 : i32
    %c0_i32_1 = arith.constant 0 : i32
    return %c0_i32, %c0_i32_0 : i32, i32
  }
  func.func @transform_5(%arg0: i32) -> (i32, i32) {
    %c0_i32 = arith.constant 0 : i32
    %c0_i32_0 = arith.constant 0 : i32
    %c0_i32_1 = arith.constant 0 : i32
    return %c0_i32, %c0_i32_0 : i32, i32
  }
  func.func @transform_6(%arg0: i32) -> (i32, i32) {
    %c0_i32 = arith.constant 0 : i32
    %c0_i32_0 = arith.constant 0 : i32
    %c0_i32_1 = arith.constant 0 : i32
    return %c0_i32, %c0_i32_0 : i32, i32
  }
  func.func @transform_7(%arg0: i32) -> (i32, i32) {
    %add3A = arith.constant 20 : i32
    %add3A_0 = arith.addi %add3A, %arg0 : i32
    %c0_i32 = arith.constant 0 : i32
    %c0_i32_1 = arith.constant 0 : i32
    return %add3A_0, %c0_i32 : i32, i32
  }
}

module attributes {stable_mosaic.version = 14 : i64} {
  func.func @_tc_ln_acc(%arg0: i32, %arg1: memref<8x128xf32, #tpu.memory_space<vmem>>, %arg2: memref<1024x768xf32, #tpu.memory_space<vmem>>, %arg3: memref<1024x1xi32, #tpu.memory_space<vmem>>, %arg4: memref<4x768xf32, #tpu.memory_space<vmem>>, %arg5: memref<1x768xf32, #tpu.memory_space<vmem>>, %arg6: memref<1x768xf32, #tpu.memory_space<vmem>>, %arg7: memref<1x768xf32, #tpu.memory_space<vmem>>, %arg8: memref<1024x768xf32, #tpu.memory_space<vmem>>) attributes {dimension_semantics = [#tpu.dimension_semantics<arbitrary>], iteration_bounds = array<i64: 4>, scalar_prefetch = 0 : i64, scratch_operands = 0 : i64, tpu.core_type = #tpu.core_type<tc>, window_params = [{transform_indices = @transform_0, window_bounds = array<i64: 8, 128>}, {transform_indices = @transform_1, window_bounds = array<i64: 1024, 768>}, {transform_indices = @transform_2, window_bounds = array<i64: 1024, 1>}, {pipeline_mode = #tpu.pipeline_mode<synchronous>, transform_indices = @transform_3, window_bounds = array<i64: 4, 768>}, {pipeline_mode = #tpu.pipeline_mode<synchronous>, transform_indices = @transform_4, window_bounds = array<i64: 1, 768>}, {pipeline_mode = #tpu.pipeline_mode<synchronous>, transform_indices = @transform_5, window_bounds = array<i64: 1, 768>}, {pipeline_mode = #tpu.pipeline_mode<synchronous>, transform_indices = @transform_6, window_bounds = array<i64: 1, 768>}, {transform_indices = @transform_7, window_bounds = array<i64: 1024, 768>}]} {
    %get3A = arith.constant 0 : index
    %get3A_0 = arith.constant 0 : index
    %get3A_1 = vector.load %arg2[%get3A, %get3A_0] : memref<1024x768xf32, #tpu.memory_space<vmem>>, vector<1024x768xf32>
    %get3A_2 = arith.constant 0 : index
    %get3A_3 = arith.constant 0 : index
    %get3A_4 = vector.load %arg3[%get3A_2, %get3A_3] : memref<1024x1xi32, #tpu.memory_space<vmem>>, vector<1024x1xi32>
    %get3A_5 = arith.constant 0 : index
    %get3A_6 = arith.constant 0 : index
    %get3A_7 = vector.load %arg4[%get3A_5, %get3A_6] : memref<4x768xf32, #tpu.memory_space<vmem>>, vector<4x768xf32>
    %get3A_8 = arith.constant 0 : index
    %get3A_9 = arith.constant 0 : index
    %get3A_10 = vector.load %arg5[%get3A_8, %get3A_9] : memref<1x768xf32, #tpu.memory_space<vmem>>, vector<1x768xf32>
    %add3A = vector.broadcast %get3A_10 : vector<1x768xf32> to vector<4x768xf32>
    %add3A_11 = arith.addf %get3A_7, %add3A : vector<4x768xf32>
    %slice3A = vector.extract_strided_slice %add3A_11 {offsets = [0, 0], sizes = [1, 768], strides = [1, 1]} : vector<4x768xf32> to vector<1x768xf32>
    %broadcast_in_dim3A = vector.shape_cast %slice3A : vector<1x768xf32> to vector<1x768xf32>
    %broadcast_in_dim3A_12 = vector.broadcast %broadcast_in_dim3A : vector<1x768xf32> to vector<1024x768xf32>
    %eq3A = arith.constant 1 : i32
    %eq3A_13 = vector.broadcast %eq3A : i32 to vector<1024x1xi32>
    %eq3A_14 = arith.cmpi eq, %get3A_4, %eq3A_13 : vector<1024x1xi32>
    %slice3A_15 = vector.extract_strided_slice %add3A_11 {offsets = [1, 0], sizes = [1, 768], strides = [1, 1]} : vector<4x768xf32> to vector<1x768xf32>
    %broadcast_in_dim3A_16 = vector.shape_cast %eq3A_14 : vector<1024x1xi1> to vector<1024x1xi1>
    %broadcast_in_dim3A_17 = vector.broadcast %broadcast_in_dim3A_16 : vector<1024x1xi1> to vector<1024x768xi1>
    %broadcast_in_dim3A_18 = vector.shape_cast %slice3A_15 : vector<1x768xf32> to vector<1x768xf32>
    %broadcast_in_dim3A_19 = vector.broadcast %broadcast_in_dim3A_18 : vector<1x768xf32> to vector<1024x768xf32>
    %select_n3A = arith.select %broadcast_in_dim3A_17, %broadcast_in_dim3A_19, %broadcast_in_dim3A_12 : vector<1024x768xi1>, vector<1024x768xf32>
    %eq3A_20 = arith.constant 2 : i32
    %eq3A_21 = vector.broadcast %eq3A_20 : i32 to vector<1024x1xi32>
    %eq3A_22 = arith.cmpi eq, %get3A_4, %eq3A_21 : vector<1024x1xi32>
    %slice3A_23 = vector.extract_strided_slice %add3A_11 {offsets = [2, 0], sizes = [1, 768], strides = [1, 1]} : vector<4x768xf32> to vector<1x768xf32>
    %broadcast_in_dim3A_24 = vector.shape_cast %eq3A_22 : vector<1024x1xi1> to vector<1024x1xi1>
    %broadcast_in_dim3A_25 = vector.broadcast %broadcast_in_dim3A_24 : vector<1024x1xi1> to vector<1024x768xi1>
    %broadcast_in_dim3A_26 = vector.shape_cast %slice3A_23 : vector<1x768xf32> to vector<1x768xf32>
    %broadcast_in_dim3A_27 = vector.broadcast %broadcast_in_dim3A_26 : vector<1x768xf32> to vector<1024x768xf32>
    %select_n3A_28 = arith.select %broadcast_in_dim3A_25, %broadcast_in_dim3A_27, %select_n3A : vector<1024x768xi1>, vector<1024x768xf32>
    %eq3A_29 = arith.constant 3 : i32
    %eq3A_30 = vector.broadcast %eq3A_29 : i32 to vector<1024x1xi32>
    %eq3A_31 = arith.cmpi eq, %get3A_4, %eq3A_30 : vector<1024x1xi32>
    %slice3A_32 = vector.extract_strided_slice %add3A_11 {offsets = [3, 0], sizes = [1, 768], strides = [1, 1]} : vector<4x768xf32> to vector<1x768xf32>
    %broadcast_in_dim3A_33 = vector.shape_cast %eq3A_31 : vector<1024x1xi1> to vector<1024x1xi1>
    %broadcast_in_dim3A_34 = vector.broadcast %broadcast_in_dim3A_33 : vector<1024x1xi1> to vector<1024x768xi1>
    %broadcast_in_dim3A_35 = vector.shape_cast %slice3A_32 : vector<1x768xf32> to vector<1x768xf32>
    %broadcast_in_dim3A_36 = vector.broadcast %broadcast_in_dim3A_35 : vector<1x768xf32> to vector<1024x768xf32>
    %select_n3A_37 = arith.select %broadcast_in_dim3A_34, %broadcast_in_dim3A_36, %select_n3A_28 : vector<1024x768xi1>, vector<1024x768xf32>
    %add3A_38 = arith.addf %get3A_1, %select_n3A_37 : vector<1024x768xf32>
    %reduce_sum3A = arith.constant dense<0.000000e+00> : vector<1024xf32>
    %reduce_sum3A_39 = vector.multi_reduction <add>, %add3A_38, %reduce_sum3A [1] : vector<1024x768xf32> to vector<1024xf32>
    %broadcast_in_dim3A_40 = vector.shape_cast %reduce_sum3A_39 : vector<1024xf32> to vector<1024x1xf32>
    %div3A = arith.constant 7.680000e+02 : f32
    %div3A_41 = vector.broadcast %div3A : f32 to vector<1024x1xf32>
    %div3A_42 = arith.divf %broadcast_in_dim3A_40, %div3A_41 : vector<1024x1xf32>
    %sub3A = vector.broadcast %div3A_42 : vector<1024x1xf32> to vector<1024x768xf32>
    %sub3A_43 = arith.subf %add3A_38, %sub3A : vector<1024x768xf32>
    %mul3A = arith.mulf %sub3A_43, %sub3A_43 : vector<1024x768xf32>
    %reduce_sum3A_44 = arith.constant dense<0.000000e+00> : vector<1024xf32>
    %reduce_sum3A_45 = vector.multi_reduction <add>, %mul3A, %reduce_sum3A_44 [1] : vector<1024x768xf32> to vector<1024xf32>
    %broadcast_in_dim3A_46 = vector.shape_cast %reduce_sum3A_45 : vector<1024xf32> to vector<1024x1xf32>
    %div3A_47 = arith.constant 7.680000e+02 : f32
    %div3A_48 = vector.broadcast %div3A_47 : f32 to vector<1024x1xf32>
    %div3A_49 = arith.divf %broadcast_in_dim3A_46, %div3A_48 : vector<1024x1xf32>
    %add3A_50 = arith.constant 9.99999974E-6 : f32
    %add3A_51 = vector.broadcast %add3A_50 : f32 to vector<1024x1xf32>
    %add3A_52 = arith.addf %div3A_49, %add3A_51 : vector<1024x1xf32>
    %rsqrt3A = math.rsqrt %add3A_52 : vector<1024x1xf32>
    %mul3A_53 = vector.broadcast %rsqrt3A : vector<1024x1xf32> to vector<1024x768xf32>
    %mul3A_54 = arith.mulf %sub3A_43, %mul3A_53 : vector<1024x768xf32>
    %get3A_55 = arith.constant 0 : index
    %get3A_56 = arith.constant 0 : index
    %get3A_57 = vector.load %arg6[%get3A_55, %get3A_56] : memref<1x768xf32, #tpu.memory_space<vmem>>, vector<1x768xf32>
    %mul3A_58 = vector.broadcast %get3A_57 : vector<1x768xf32> to vector<1024x768xf32>
    %mul3A_59 = arith.mulf %mul3A_54, %mul3A_58 : vector<1024x768xf32>
    %get3A_60 = arith.constant 0 : index
    %get3A_61 = arith.constant 0 : index
    %get3A_62 = vector.load %arg7[%get3A_60, %get3A_61] : memref<1x768xf32, #tpu.memory_space<vmem>>, vector<1x768xf32>
    %add3A_63 = vector.broadcast %get3A_62 : vector<1x768xf32> to vector<1024x768xf32>
    %add3A_64 = arith.addf %mul3A_59, %add3A_63 : vector<1024x768xf32>
    %swap3A = arith.constant 0 : index
    %swap3A_65 = arith.constant 0 : index
    %swap3A_66 = vector.load %arg8[%swap3A, %swap3A_65] : memref<1024x768xf32, #tpu.memory_space<vmem>>, vector<1024x768xf32>
    tpu.vector_store %arg8[%swap3A, %swap3A_65], %add3A_64 {strides = array<i32>} : memref<1024x768xf32, #tpu.memory_space<vmem>>, vector<1024x768xf32>,
    return
  }
  func.func @transform_0(%arg0: i32) -> (i32, i32) {
    %c0_i32 = arith.constant 0 : i32
    %c0_i32_0 = arith.constant 0 : i32
    %c0_i32_1 = arith.constant 0 : i32
    return %c0_i32, %c0_i32_0 : i32, i32
  }
  func.func @transform_1(%arg0: i32) -> (i32, i32) {
    %c0_i32 = arith.constant 0 : i32
    %c0_i32_0 = arith.constant 0 : i32
    return %arg0, %c0_i32 : i32, i32
  }
  func.func @transform_2(%arg0: i32) -> (i32, i32) {
    %c0_i32 = arith.constant 0 : i32
    %c0_i32_0 = arith.constant 0 : i32
    return %arg0, %c0_i32 : i32, i32
  }
  func.func @transform_3(%arg0: i32) -> (i32, i32) {
    %c0_i32 = arith.constant 0 : i32
    %c0_i32_0 = arith.constant 0 : i32
    %c0_i32_1 = arith.constant 0 : i32
    return %c0_i32, %c0_i32_0 : i32, i32
  }
  func.func @transform_4(%arg0: i32) -> (i32, i32) {
    %c0_i32 = arith.constant 0 : i32
    %c0_i32_0 = arith.constant 0 : i32
    %c0_i32_1 = arith.constant 0 : i32
    return %c0_i32, %c0_i32_0 : i32, i32
  }
  func.func @transform_5(%arg0: i32) -> (i32, i32) {
    %c0_i32 = arith.constant 0 : i32
    %c0_i32_0 = arith.constant 0 : i32
    %c0_i32_1 = arith.constant 0 : i32
    return %c0_i32, %c0_i32_0 : i32, i32
  }
  func.func @transform_6(%arg0: i32) -> (i32, i32) {
    %c0_i32 = arith.constant 0 : i32
    %c0_i32_0 = arith.constant 0 : i32
    %c0_i32_1 = arith.constant 0 : i32
    return %c0_i32, %c0_i32_0 : i32, i32
  }
  func.func @transform_7(%arg0: i32) -> (i32, i32) {
    %add3A = arith.constant 24 : i32
    %add3A_0 = arith.addi %add3A, %arg0 : i32
    %c0_i32 = arith.constant 0 : i32
    %c0_i32_1 = arith.constant 0 : i32
    return %add3A_0, %c0_i32 : i32, i32
  }
}

module attributes {stable_mosaic.version = 14 : i64} {
  func.func @_tc_ln_acc(%arg0: i32, %arg1: memref<8x128xf32, #tpu.memory_space<vmem>>, %arg2: memref<1024x768xf32, #tpu.memory_space<vmem>>, %arg3: memref<1024x1xi32, #tpu.memory_space<vmem>>, %arg4: memref<4x768xf32, #tpu.memory_space<vmem>>, %arg5: memref<1x768xf32, #tpu.memory_space<vmem>>, %arg6: memref<1x768xf32, #tpu.memory_space<vmem>>, %arg7: memref<1x768xf32, #tpu.memory_space<vmem>>, %arg8: memref<1024x768xf32, #tpu.memory_space<vmem>>) attributes {dimension_semantics = [#tpu.dimension_semantics<arbitrary>], iteration_bounds = array<i64: 4>, scalar_prefetch = 0 : i64, scratch_operands = 0 : i64, tpu.core_type = #tpu.core_type<tc>, window_params = [{transform_indices = @transform_0, window_bounds = array<i64: 8, 128>}, {transform_indices = @transform_1, window_bounds = array<i64: 1024, 768>}, {transform_indices = @transform_2, window_bounds = array<i64: 1024, 1>}, {pipeline_mode = #tpu.pipeline_mode<synchronous>, transform_indices = @transform_3, window_bounds = array<i64: 4, 768>}, {pipeline_mode = #tpu.pipeline_mode<synchronous>, transform_indices = @transform_4, window_bounds = array<i64: 1, 768>}, {pipeline_mode = #tpu.pipeline_mode<synchronous>, transform_indices = @transform_5, window_bounds = array<i64: 1, 768>}, {pipeline_mode = #tpu.pipeline_mode<synchronous>, transform_indices = @transform_6, window_bounds = array<i64: 1, 768>}, {transform_indices = @transform_7, window_bounds = array<i64: 1024, 768>}]} {
    %get3A = arith.constant 0 : index
    %get3A_0 = arith.constant 0 : index
    %get3A_1 = vector.load %arg2[%get3A, %get3A_0] : memref<1024x768xf32, #tpu.memory_space<vmem>>, vector<1024x768xf32>
    %get3A_2 = arith.constant 0 : index
    %get3A_3 = arith.constant 0 : index
    %get3A_4 = vector.load %arg3[%get3A_2, %get3A_3] : memref<1024x1xi32, #tpu.memory_space<vmem>>, vector<1024x1xi32>
    %get3A_5 = arith.constant 0 : index
    %get3A_6 = arith.constant 0 : index
    %get3A_7 = vector.load %arg4[%get3A_5, %get3A_6] : memref<4x768xf32, #tpu.memory_space<vmem>>, vector<4x768xf32>
    %get3A_8 = arith.constant 0 : index
    %get3A_9 = arith.constant 0 : index
    %get3A_10 = vector.load %arg5[%get3A_8, %get3A_9] : memref<1x768xf32, #tpu.memory_space<vmem>>, vector<1x768xf32>
    %add3A = vector.broadcast %get3A_10 : vector<1x768xf32> to vector<4x768xf32>
    %add3A_11 = arith.addf %get3A_7, %add3A : vector<4x768xf32>
    %slice3A = vector.extract_strided_slice %add3A_11 {offsets = [0, 0], sizes = [1, 768], strides = [1, 1]} : vector<4x768xf32> to vector<1x768xf32>
    %broadcast_in_dim3A = vector.shape_cast %slice3A : vector<1x768xf32> to vector<1x768xf32>
    %broadcast_in_dim3A_12 = vector.broadcast %broadcast_in_dim3A : vector<1x768xf32> to vector<1024x768xf32>
    %eq3A = arith.constant 1 : i32
    %eq3A_13 = vector.broadcast %eq3A : i32 to vector<1024x1xi32>
    %eq3A_14 = arith.cmpi eq, %get3A_4, %eq3A_13 : vector<1024x1xi32>
    %slice3A_15 = vector.extract_strided_slice %add3A_11 {offsets = [1, 0], sizes = [1, 768], strides = [1, 1]} : vector<4x768xf32> to vector<1x768xf32>
    %broadcast_in_dim3A_16 = vector.shape_cast %eq3A_14 : vector<1024x1xi1> to vector<1024x1xi1>
    %broadcast_in_dim3A_17 = vector.broadcast %broadcast_in_dim3A_16 : vector<1024x1xi1> to vector<1024x768xi1>
    %broadcast_in_dim3A_18 = vector.shape_cast %slice3A_15 : vector<1x768xf32> to vector<1x768xf32>
    %broadcast_in_dim3A_19 = vector.broadcast %broadcast_in_dim3A_18 : vector<1x768xf32> to vector<1024x768xf32>
    %select_n3A = arith.select %broadcast_in_dim3A_17, %broadcast_in_dim3A_19, %broadcast_in_dim3A_12 : vector<1024x768xi1>, vector<1024x768xf32>
    %eq3A_20 = arith.constant 2 : i32
    %eq3A_21 = vector.broadcast %eq3A_20 : i32 to vector<1024x1xi32>
    %eq3A_22 = arith.cmpi eq, %get3A_4, %eq3A_21 : vector<1024x1xi32>
    %slice3A_23 = vector.extract_strided_slice %add3A_11 {offsets = [2, 0], sizes = [1, 768], strides = [1, 1]} : vector<4x768xf32> to vector<1x768xf32>
    %broadcast_in_dim3A_24 = vector.shape_cast %eq3A_22 : vector<1024x1xi1> to vector<1024x1xi1>
    %broadcast_in_dim3A_25 = vector.broadcast %broadcast_in_dim3A_24 : vector<1024x1xi1> to vector<1024x768xi1>
    %broadcast_in_dim3A_26 = vector.shape_cast %slice3A_23 : vector<1x768xf32> to vector<1x768xf32>
    %broadcast_in_dim3A_27 = vector.broadcast %broadcast_in_dim3A_26 : vector<1x768xf32> to vector<1024x768xf32>
    %select_n3A_28 = arith.select %broadcast_in_dim3A_25, %broadcast_in_dim3A_27, %select_n3A : vector<1024x768xi1>, vector<1024x768xf32>
    %eq3A_29 = arith.constant 3 : i32
    %eq3A_30 = vector.broadcast %eq3A_29 : i32 to vector<1024x1xi32>
    %eq3A_31 = arith.cmpi eq, %get3A_4, %eq3A_30 : vector<1024x1xi32>
    %slice3A_32 = vector.extract_strided_slice %add3A_11 {offsets = [3, 0], sizes = [1, 768], strides = [1, 1]} : vector<4x768xf32> to vector<1x768xf32>
    %broadcast_in_dim3A_33 = vector.shape_cast %eq3A_31 : vector<1024x1xi1> to vector<1024x1xi1>
    %broadcast_in_dim3A_34 = vector.broadcast %broadcast_in_dim3A_33 : vector<1024x1xi1> to vector<1024x768xi1>
    %broadcast_in_dim3A_35 = vector.shape_cast %slice3A_32 : vector<1x768xf32> to vector<1x768xf32>
    %broadcast_in_dim3A_36 = vector.broadcast %broadcast_in_dim3A_35 : vector<1x768xf32> to vector<1024x768xf32>
    %select_n3A_37 = arith.select %broadcast_in_dim3A_34, %broadcast_in_dim3A_36, %select_n3A_28 : vector<1024x768xi1>, vector<1024x768xf32>
    %add3A_38 = arith.addf %get3A_1, %select_n3A_37 : vector<1024x768xf32>
    %reduce_sum3A = arith.constant dense<0.000000e+00> : vector<1024xf32>
    %reduce_sum3A_39 = vector.multi_reduction <add>, %add3A_38, %reduce_sum3A [1] : vector<1024x768xf32> to vector<1024xf32>
    %broadcast_in_dim3A_40 = vector.shape_cast %reduce_sum3A_39 : vector<1024xf32> to vector<1024x1xf32>
    %div3A = arith.constant 7.680000e+02 : f32
    %div3A_41 = vector.broadcast %div3A : f32 to vector<1024x1xf32>
    %div3A_42 = arith.divf %broadcast_in_dim3A_40, %div3A_41 : vector<1024x1xf32>
    %sub3A = vector.broadcast %div3A_42 : vector<1024x1xf32> to vector<1024x768xf32>
    %sub3A_43 = arith.subf %add3A_38, %sub3A : vector<1024x768xf32>
    %mul3A = arith.mulf %sub3A_43, %sub3A_43 : vector<1024x768xf32>
    %reduce_sum3A_44 = arith.constant dense<0.000000e+00> : vector<1024xf32>
    %reduce_sum3A_45 = vector.multi_reduction <add>, %mul3A, %reduce_sum3A_44 [1] : vector<1024x768xf32> to vector<1024xf32>
    %broadcast_in_dim3A_46 = vector.shape_cast %reduce_sum3A_45 : vector<1024xf32> to vector<1024x1xf32>
    %div3A_47 = arith.constant 7.680000e+02 : f32
    %div3A_48 = vector.broadcast %div3A_47 : f32 to vector<1024x1xf32>
    %div3A_49 = arith.divf %broadcast_in_dim3A_46, %div3A_48 : vector<1024x1xf32>
    %add3A_50 = arith.constant 9.99999974E-6 : f32
    %add3A_51 = vector.broadcast %add3A_50 : f32 to vector<1024x1xf32>
    %add3A_52 = arith.addf %div3A_49, %add3A_51 : vector<1024x1xf32>
    %rsqrt3A = math.rsqrt %add3A_52 : vector<1024x1xf32>
    %mul3A_53 = vector.broadcast %rsqrt3A : vector<1024x1xf32> to vector<1024x768xf32>
    %mul3A_54 = arith.mulf %sub3A_43, %mul3A_53 : vector<1024x768xf32>
    %get3A_55 = arith.constant 0 : index
    %get3A_56 = arith.constant 0 : index
    %get3A_57 = vector.load %arg6[%get3A_55, %get3A_56] : memref<1x768xf32, #tpu.memory_space<vmem>>, vector<1x768xf32>
    %mul3A_58 = vector.broadcast %get3A_57 : vector<1x768xf32> to vector<1024x768xf32>
    %mul3A_59 = arith.mulf %mul3A_54, %mul3A_58 : vector<1024x768xf32>
    %get3A_60 = arith.constant 0 : index
    %get3A_61 = arith.constant 0 : index
    %get3A_62 = vector.load %arg7[%get3A_60, %get3A_61] : memref<1x768xf32, #tpu.memory_space<vmem>>, vector<1x768xf32>
    %add3A_63 = vector.broadcast %get3A_62 : vector<1x768xf32> to vector<1024x768xf32>
    %add3A_64 = arith.addf %mul3A_59, %add3A_63 : vector<1024x768xf32>
    %swap3A = arith.constant 0 : index
    %swap3A_65 = arith.constant 0 : index
    %swap3A_66 = vector.load %arg8[%swap3A, %swap3A_65] : memref<1024x768xf32, #tpu.memory_space<vmem>>, vector<1024x768xf32>
    tpu.vector_store %arg8[%swap3A, %swap3A_65], %add3A_64 {strides = array<i32>} : memref<1024x768xf32, #tpu.memory_space<vmem>>, vector<1024x768xf32>,
    return
  }
  func.func @transform_0(%arg0: i32) -> (i32, i32) {
    %c0_i32 = arith.constant 0 : i32
    %c0_i32_0 = arith.constant 0 : i32
    %c0_i32_1 = arith.constant 0 : i32
    return %c0_i32, %c0_i32_0 : i32, i32
  }
  func.func @transform_1(%arg0: i32) -> (i32, i32) {
    %c0_i32 = arith.constant 0 : i32
    %c0_i32_0 = arith.constant 0 : i32
    return %arg0, %c0_i32 : i32, i32
  }
  func.func @transform_2(%arg0: i32) -> (i32, i32) {
    %c0_i32 = arith.constant 0 : i32
    %c0_i32_0 = arith.constant 0 : i32
    return %arg0, %c0_i32 : i32, i32
  }
  func.func @transform_3(%arg0: i32) -> (i32, i32) {
    %c0_i32 = arith.constant 0 : i32
    %c0_i32_0 = arith.constant 0 : i32
    %c0_i32_1 = arith.constant 0 : i32
    return %c0_i32, %c0_i32_0 : i32, i32
  }
  func.func @transform_4(%arg0: i32) -> (i32, i32) {
    %c0_i32 = arith.constant 0 : i32
    %c0_i32_0 = arith.constant 0 : i32
    %c0_i32_1 = arith.constant 0 : i32
    return %c0_i32, %c0_i32_0 : i32, i32
  }
  func.func @transform_5(%arg0: i32) -> (i32, i32) {
    %c0_i32 = arith.constant 0 : i32
    %c0_i32_0 = arith.constant 0 : i32
    %c0_i32_1 = arith.constant 0 : i32
    return %c0_i32, %c0_i32_0 : i32, i32
  }
  func.func @transform_6(%arg0: i32) -> (i32, i32) {
    %c0_i32 = arith.constant 0 : i32
    %c0_i32_0 = arith.constant 0 : i32
    %c0_i32_1 = arith.constant 0 : i32
    return %c0_i32, %c0_i32_0 : i32, i32
  }
  func.func @transform_7(%arg0: i32) -> (i32, i32) {
    %add3A = arith.constant 28 : i32
    %add3A_0 = arith.addi %add3A, %arg0 : i32
    %c0_i32 = arith.constant 0 : i32
    %c0_i32_1 = arith.constant 0 : i32
    return %add3A_0, %c0_i32 : i32, i32
  }
}

</mosaic_0001>

<sc_bundles>
// kernel: kernel.18.cloned.1.call-start
scs
__scs_entry_jumppad:
0x0: {  	(pc) =	sbr.rel $0x88, $3  }
0x1: {  	(tag) =	ssettag $0x0;
	lr =	simm.s32 $0x1  }
0x2: {  	[smem:$0x3F9A] =	sst lr;
	_ =	strace $0xD0000000  }
0x3: {  	_ = 	snop  }
0x4: {  	_ = 	snop  }
0x5: {  	_ = 	snop  }
0x6: {  	_ = 	snop  }
0x7: {  	_ = 	snop  }
__scs_overlays_trampoline_lowered:
0x8: {  	[smem:$0x3FA9] =	sst s0  }
0x9: {  	[smem:$0x3FAA] =	sst s1  }
0xa: {  	[smem:$0x3FAB] =	sst s2  }
0xb: {  	[smem:$0x3FAC] =	sst s3  }
0xc: {  	[smem:$0x3FAD] =	sst s4  }
0xd: {  	[smem:$0x3FAE] =	sst s5  }
0xe: {  	[smem:$0x3FAF] =	sst s6  }
0xf: {  	[smem:$0x3FB0] =	sst s7  }
0x10: {  	[smem:$0x3FB1] =	sst s8  }
0x11: {  	[smem:$0x3FB2] =	sst s9;
	s0 =	simm.s32 @!p0 $0x0  }
0x12: {  	s1 =	sld [smem:$0x3F98];
	s0 =	simm.s32 @p0 $0x1  }
0x13: {  	[smem:$0x3FB3] =	sst s0;
	s0 =	simm.s32 @!p1 $0x0  }
0x14: {  	s2 =	sld [smem:$0x3F97];
	s0 =	simm.s32 @p1 $0x1  }
0x15: {  	[smem:$0x3FB4] =	sst s0;
	s0 =	simm.s32 @!p2 $0x0  }
0x16: {  	s3 =	sld [smem:$0x3FDB];
	s0 =	simm.s32 @p2 $0x1  }
0x17: {  	s4 =	simm.s32 $0x1BF5;
	[smem:$0x3FB6] =	sst s0  }
0x18: {  	s0 =	sld [smem:$0x3F99];
	_ =	swait.ge [sflag:s4], $0x0  }
0x19: {  	s7 =	sld [smem:$0x3F9A]  }
0x1a: {  	s8 =	sadd.s32 $0xFFFFE003, lr  }
0x1b: {  	s9 =	sadd.s32 $0xFFFFFEF7, lr;
	s5 =	simm.s32 $0xFFFFFFFF;
	p2 =	slt.u32 s8, $0xFFFFF086  }
0x1c: {  	p1 =	slt.u32 s9, $0xF7A;
	s5 =	simm.s32 @!p2 $0x0  }
0x1d: {  	s5 =	simm.s32 @p1 $0x1;
	p0 =	seq.s32 s7, s2  }
0x1e: {  	s7 =	smul.u32 @!p0 $0xF7A, s2;
	p2 =	seq.s32 @!p0 s5, $0x0  }
0x1f: {  	s9 =	smul.u32 $0xF7A, s1;
	s8 =	simm.s32 @!p0 $0x1BF5;
	p2 =	por !p2, p0  }
0x20: {  	[sflag:s8] =	ssyncset.s32 @!p0 $0xFFFFF086;
	s6 =	sadd.s32 @!p0 s3, s7;
	s7 =	simm.s32 @!p0 $0x108  }
0x21: {  	s3 =	sadd.s32 s3, s9;
	s6 =	sadd.s32 @!p0 $0x88, s6;
	s7 =	simm.s32 @p2 $0x1082  }
0x22: {  	[simem:s7], [sflag:s8] =	dma.local @!p0 [hbm:s6], $0xF7A  }
0x23: {  	s9 =	sor.u32 $0xD0000000, s2;
	s6 =	simm.s32 $0x108;
	_ =	swait.ge @!p0 [sflag:s8], $0x0  }
0x24: {  	s3 =	sadd.s32 $0x88, s3;
	s6 =	simm.s32 @!p1 $0x1082;
	[sflag:s4] =	ssyncset.s32 $0xFFFFF086  }
0x25: {  	[simem:s6], [sflag:s4] =	dma.local [hbm:s3], $0xF7A  }
0x26: {  	[smem:$0x3F9A] =	sst s1;
	(tag) =	ssettag s2;
	_ =	strace s9  }
0x27: {  	s1 =	sld [smem:$0x3FAA]  }
0x28: {  	s2 =	sld [smem:$0x3FAB]  }
0x29: {  	s4 =	sld [smem:$0x3FAD]  }
0x2a: {  	p0 =	seq.s32 s5, $0x0;
	s5 =	sld [smem:$0x3FAE]  }
0x2b: {  	s6 =	sld [smem:$0x3FAF]  }
0x2c: {  	s7 =	sld [smem:$0x3FB0]  }
0x2d: {  	s3 =	simm.s32 $0x108;
	s8 =	sld [smem:$0x3FB1]  }
0x2e: {  	s3 =	simm.s32 @!p0 $0x1082;
	s9 =	sld [smem:$0x3FB2]  }
0x2f: {  	lr =	sadd.s32 s0, s3;
	s0 =	sld [smem:$0x3FA9]  }
0x30: {  	s3 =	sld [smem:$0x3FAC]  }
0x31: {  	[smem:$0x3FB5] =	sst s10  }
0x32: {  	s10 =	sld [smem:$0x3FB3];
	_ =	sdelay $0x3  }
0x33: {  	p0 =	seq.s32 s10, $0x1;
	s10 =	sld [smem:$0x3FB5];
	_ =	sdelay $0x3  }
0x34: {  	[smem:$0x3FB5] =	sst s10  }
0x35: {  	s10 =	sld [smem:$0x3FB4];
	_ =	sdelay $0x3  }
0x36: {  	p1 =	seq.s32 s10, $0x1;
	s10 =	sld [smem:$0x3FB5];
	_ =	sdelay $0x3  }
0x37: {  	[smem:$0x3FB5] =	sst s10  }
0x38: {  	s10 =	sld [smem:$0x3FB6]  }
0x39: {  	_ = 	snop;
	(pc) =	sbr.ind lr, $3  }
0x3a: {  	_ = 	snop  }
0x3b: {  	_ = 	snop  }
0x3c: {  	p2 =	seq.s32 s10, $0x1;
	s10 =	sld [smem:$0x3FB5]  }
0x3d: {  	_ =	shalt  }
0x3e: {  	_ =	shalt  }
0x3f: {  	_ =	shalt  }
0x40: {  	_ =	shalt  }
0x41: {  	_ =	shalt  }
0x42: {  	_ =	shalt  }
0x43: {  	_ =	shalt  }
0x44: {  	_ =	shalt  }
0x45: {  	_ =	shalt  }
0x46: {  	_ =	shalt  }
0x47: {  	_ =	shalt  }
0x48: {  	_ =	shalt  }
0x49: {  	_ =	shalt  }
0x4a: {  	_ =	shalt  }
0x4b: {  	_ =	shalt  }
0x4c: {  	_ =	shalt  }
0x4d: {  	_ =	shalt  }
0x4e: {  	_ =	shalt  }
0x4f: {  	_ =	shalt  }
0x50: {  	_ =	shalt  }
0x51: {  	_ =	shalt  }
0x52: {  	_ =	shalt  }
0x53: {  	_ =	shalt  }
0x54: {  	_ =	shalt  }
0x55: {  	_ =	shalt  }
0x56: {  	_ =	shalt  }
0x57: {  	_ =	shalt  }
0x58: {  	_ =	shalt  }
0x59: {  	_ =	shalt  }
0x5a: {  	_ =	shalt  }
0x5b: {  	_ =	shalt  }
0x5c: {  	_ =	shalt  }
0x5d: {  	_ =	shalt  }
0x5e: {  	_ =	shalt  }
0x5f: {  	_ =	shalt  }
0x60: {  	_ =	shalt  }
0x61: {  	_ =	shalt  }
0x62: {  	_ =	shalt  }
0x63: {  	_ =	shalt  }
0x64: {  	_ =	shalt  }
0x65: {  	_ =	shalt  }
0x66: {  	_ =	shalt  }
0x67: {  	_ =	shalt  }
0x68: {  	_ =	shalt  }
0x69: {  	_ =	shalt  }
0x6a: {  	_ =	shalt  }
0x6b: {  	_ =	shalt  }
0x6c: {  	_ =	shalt  }
0x6d: {  	_ =	shalt  }
0x6e: {  	_ =	shalt  }
0x6f: {  	_ =	shalt  }
0x70: {  	_ =	shalt  }
0x71: {  	_ =	shalt  }
0x72: {  	_ =	shalt  }
0x73: {  	_ =	shalt  }
0x74: {  	_ =	shalt  }
0x75: {  	_ =	shalt  }
0x76: {  	_ =	shalt  }
0x77: {  	_ =	shalt  }
0x78: {  	_ =	shalt  }
0x79: {  	_ =	shalt  }
0x7a: {  	_ =	shalt  }
0x7b: {  	_ =	shalt  }
0x7c: {  	_ =	shalt  }
0x7d: {  	_ =	shalt  }
0x7e: {  	_ =	shalt  }
0x7f: {  	_ =	shalt  }
0x80: {  	_ =	shalt  }
0x81: {  	_ =	shalt  }
0x82: {  	_ =	shalt  }
0x83: {  	_ =	shalt  }
0x84: {  	_ =	shalt  }
0x85: {  	_ =	shalt  }
0x86: {  	_ =	shalt  }
0x87: {  	_ =	shalt  }
.Lfunc_end0:
.L_simem_size_0:
called_computation_lowered:
.L_overlay_start_0:
0x88: {  	s2 =	sld [smem:$0x3FD9]  }
0x89: {  	s3 =	sld [smem:$0x3FFE];
	_ =	sdelay $0x1  }
0x8a: {  	s1 =	srdreg.scid  }
0x8b: {  	s0 =	sand.u32 $0x1, s1  }
0x8c: {  	s17 =	sshll.u32 s0, $0xA;
	s2 =	sadd.s32 s3, s2  }
0x8d: {  	s2 =	sadd.s32 s2, s17  }
0x8e: {  	[smem:$0x3FC1] =	sst s2  }
0x8f: {  	_ = 	snop  }
0x90: {  	s2 =	sld [smem:$0x3FC7]  }
0x91: {  	s18 =	sld [smem:$0x3FD0];
	(tm) =	ssettm $0x1  }
0x92: {  	s4 =	sld [smem:$0x3FFB];
	_ =	sdelay $0x3  }
0x93: {  	_ =	strace s4  }
0x94: {  	s4 =	sld [smem:$0x3FFC];
	_ =	sdelay $0x3  }
0x95: {  	_ =	strace s4  }
0x96: {  	s4 =	sld [smem:$0x3FFD];
	_ =	sdelay $0x3  }
0x97: {  	_ =	strace s4  }
0x98: {  	_ =	strace $0x8FFFFFFF  }
0x99: {  	s19 =	sld [smem:$0x3FDB];
	_ =	sdelay $0x1  }
0x9a: {  	s5 =	simm.s32 $_scs_section_size  }
0x9b: {  	s6 =	simm.s32 $_size__tile_overlayer_lowered;
	s7 =	simm.s32 $_tile_overlayer_lowered  }
0x9c: {  	s22 =	simm.s32 $0x1BFF;
	s21 =	sshll.u32 s7, $0x1;
	s4 =	sadd.s32 s5, s19  }
0x9d: {  	s8 =	simm.s32 $0x0;
	s20 =	sshll.u32 s6, $0x1;
	s6 =	sadd.s32 s21, s4  }
0x9e: {  	[timem:s8], [sflag:s22] =	dma.local [hbm:s6], s20  }
0x9f: {  	_ =	swait.ge [sflag:s22], s20  }
0xa0: {  	s5 =	ssub.s32 $0x0, s20;
	[sflag:s22] =	ssyncset.done $0x0  }
0xa1: {  	[sflag:s22] =	ssyncadd.s32 s5;
	_ =	sdelay $0x1  }
0xa2: {  	s23 =	simm.s32 $0x1B8B  }
0xa3: {  	_ =	swait.ge [sflag:s23], $0x1  }
0xa4: {  	[sflag:s23] =	ssyncset.done $0x0  }
0xa5: {  	s25 =	simm.s32 $0x1B8E;
	s24 =	sld [smem:$0x3FFE];
	[sflag:s23] =	ssyncadd.s32 $0xFFFFFFFF  }
0xa6: {  	s26 =	simm.s32 $execute0_lowered;
	[smem:$0x3FD2] =	sst s25  }
0xa7: {  	s6 =	sshll.u32 s26, $0x1;
	_ =	strace $0x80000046;
	[dreg:$0x1] =	wrdreg $0xFFFFFFFF  }
0xa8: {  	s28 =	simm.s32 $_size_execute0_lowered;
	s4 =	sadd.s32 s4, s6;
	[dreg:$0x0] =	wrdreg $0x0  }
0xa9: {  	s6 =	sshll.u32 s28, $0x1;
	[dreg:$0x2] =	wrdreg s4  }
0xaa: {  	[dreg:$0x3] =	wrdreg s6  }
0xab: {  	[dreg:$0x4] =	wrdreg $0xC0  }
0xac: {  	_ =	task [dreg:s8], $0x5FFFF  }
0xad: {  	[dreg:$0x1] =	wrdreg $0xFFFFFFFF  }
0xae: {  	[dreg:$0x0] =	wrdreg $0x60  }
0xaf: {  	[dreg:$0x2] =	wrdreg s2  }
0xb0: {  	[dreg:$0x3] =	wrdreg s24  }
0xb1: {  	[dreg:$0x4] =	wrdreg s18  }
0xb2: {  	[dreg:$0x5] =	wrdreg $0x9  }
0xb3: {  	_ =	task.clear_ibuf [dreg:s8], $0x6FFFF;
	_ =	strace $0x90000046  }
0xb4: {  	s29 =	simm.s32 $0x9;
	_ =	strace $0x80000048  }
0xb5: {  	_ =	swait.ge [sflag:s29], $0x1  }
0xb6: {  	[sflag:s29] =	ssyncadd.s32 $0xFFFFFFFF  }
0xb7: {  	_ =	strace $0x90000048  }
0xb8: {  	_ =	sfence  }
0xb9: {  	s30 =	sld [smem:$0x0];
	_ =	sdelay $0x2  }
0xba: {  	s31 =	sshll.u32 s1, $0xD;
	s1 =	sshrl.u32 s1, $0x2  }
0xbb: {  	s3 =	sand.u32 $0x4000, s31;
	s1 =	sadd.s32 s1, s30  }
0xbc: {  	s0 =	sor.u32 s3, s0;
	s1 =	sshll.u32 s1, $0x11  }
0xbd: {  	s0 =	sor.u32 s1, s0  }
0xbe: {  	s0 =	sadd.s32 $0x8F2B, s0  }
0xbf: {  	[sflag:s0] =	ssyncadd.remote.s32 $0x1  }
0xc0: {  	_ =	sfence.sel $0xFFFF  }
0xc1: {  	[dreg:$0x0] =	wrdreg $0xFFFFFFFF;
	(pc) =	sbr.abs _section_cstart, $3  }
0xc2: {  	[dreg:$0x1] =	wrdreg $0xFFFFFFFF  }
0xc3: {  	_ =	task.clear_ibuf [dreg:s8], $0x2FFFF;
	_ =	strace $0x9FFFFFFF  }
0xc4: {  	(tm) =	ssettm $0x7FFFFFFF  }
0xc5: {  	_ =	shalt  }
tec
execute0_lowered:
.L_overlay_start_1:
0x0: {  	(tag) =	ssettag $0x1  }
0x1: {  	s1 =	rddreg [dreg:$0x0]  }
0x2: {  	s2 =	rddreg [dreg:$0x1];
	s3 =	srdreg.scid  }
0x3: {  	s4 =	rddreg [dreg:$0x2];
	s5 =	sand.u32 $0x1, s3;
	s3 =	simm.s32 $0x0  }
0x4: {  	s22 =	simm.s32 $0x900;
	[smem:$0x7FF] =	sst s3  }
0x5: {  	s23 =	simm.s32 $0x1100;
	_ =	strace $0x80000047;
	[dreg:$0x7] =	wrdreg s22  }
0x6: {  	s24 =	simm.s32 $0x1900;
	[dreg:$0x8] =	wrdreg s23  }
0x7: {  	s25 =	simm.s32 $0x2100;
	[dreg:$0x9] =	wrdreg s24  }
0x8: {  	s0 =	stileid.u32;
	s26 =	simm.s32 $0x2900;
	[dreg:$0xa] =	wrdreg s25  }
0x9: {  	s18 =	sshll.u32 s0, $0x1;
	s0 =	simm.s32 $0x3100;
	[dreg:$0xb] =	wrdreg s26  }
0xa: {  	s9 =	simm.s32 $0x5900;
	s10 =	simm.s32 $0x6100;
	[dreg:$0xc] =	wrdreg s0  }
0xb: {  	s11 =	simm.s32 $0x6900;
	s12 =	simm.s32 $0x7100;
	[dreg:$0x11] =	wrdreg s9  }
0xc: {  	s13 =	simm.s32 $0x7900;
	s14 =	simm.s32 $0x8100;
	[dreg:$0x12] =	wrdreg s10  }
0xd: {  	s15 =	simm.s32 $0x8900;
	s16 =	simm.s32 $0x9100;
	[dreg:$0x13] =	wrdreg s11  }
0xe: {  	s28 =	simm.s32 $0x16900;
	s29 =	simm.s32 $0x17100;
	[dreg:$0x14] =	wrdreg s12  }
0xf: {  	s30 =	simm.s32 $0x17900;
	s31 =	simm.s32 $0x1;
	[dreg:$0x15] =	wrdreg s13  }
0x10: {  	s6 =	sor.u32 s5, s18;
	s17 =	ssub.s32 $0x2, s5;
	[dreg:$0x16] =	wrdreg s14  }
0x11: {  	s18 =	simm.s32 $0x9900;
	s8 =	smul.u32 $0x18000, s6;
	[dreg:$0x17] =	wrdreg s15  }
0x12: {  	s7 =	sshll.u32 s6, $0x5;
	s6 =	smul.u32 $0x3000, s6;
	[dreg:$0x18] =	wrdreg s16  }
0x13: {  	s5 =	sshrl.u32 s17, $0x1;
	[dreg:$0x19] =	wrdreg s18;
	s22 =	simm.s32 $0xB100  }
0x14: {  	s23 =	simm.s32 $0xB900;
	s24 =	simm.s32 $0xC900;
	s25 =	simm.s32 $0xD100  }
0x15: {  	s26 =	simm.s32 $0xD900;
	s9 =	simm.s32 $0xC100;
	s11 =	simm.s32 $0xE900  }
0x16: {  	s12 =	simm.s32 $0xF100;
	s13 =	simm.s32 $0xF900;
	[dreg:$0x1c] =	wrdreg s22  }
0x17: {  	s14 =	simm.s32 $0x10100;
	s15 =	simm.s32 $0x10900;
	[dreg:$0x1d] =	wrdreg s23  }
0x18: {  	s16 =	simm.s32 $0x11100;
	s18 =	simm.s32 $0x12100;
	[dreg:$0x1e] =	wrdreg s24  }
0x19: {  	s2 =	sadd.s32 s7, s2;
	s7 =	simm.s32 $0x4900;
	[dreg:$0x1f] =	wrdreg s25  }
0x1a: {  	[smem:$0x7FD] =	sst s26;
	s22 =	simm.s32 $0x14100;
	s23 =	simm.s32 $0x14900  }
0x1b: {  	s24 =	simm.s32 $0x15100;
	s2 =	sadd.s32 $0x4600, s2;
	[dreg:$0xf] =	wrdreg s7  }
0x1c: {  	s25 =	simm.s32 $0x15900;
	s20 =	sadd.s32 s4, s6;
	[dreg:$0x4] =	wrdreg s2  }
0x1d: {  	s26 =	simm.s32 $0x16100;
	s6 =	simm.s32 $0x4100;
	[dreg:$0x5] =	wrdreg s20  }
0x1e: {  	s19 =	sshrl.u32 s8, $0x3;
	s8 =	simm.s32 $0x5100;
	[dreg:$0xe] =	wrdreg s6  }
0x1f: {  	s7 =	simm.s32 $0x3;
	s4 =	sadd.s32 s4, s19;
	[dreg:$0x10] =	wrdreg s8  }
0x20: {  	s19 =	simm.s32 $0xA100;
	s20 =	ssub.s32 s17, s5;
	s5 =	sadd.s32 $0x200, s1  }
0x21: {  	s8 =	simm.s32 $0x100;
	s17 =	simm.s32 $0x11900;
	s2 =	simm.s32 $0x2  }
0x22: {  	s21 =	sadd.s32 $0x1800, s4;
	s4 =	simm.s32 $0x3900;
	[dreg:$0x1a] =	wrdreg s19  }
0x23: {  	v2 =	vlaneseq.u32;
	s6 =	smax.u32 s20, $0x1;
	s19 =	simm.s32 $0x12900;
	[dreg:$0x6] =	wrdreg s21  }
0x24: {  	vm0 =	vmmov $0xffff;
	v1 =	vshrl.u32 v2, $0x3;
	s20 =	simm.s32 $0x13100;
	[dreg:$0xd] =	wrdreg s4;
	s21 =	simm.s32 $0xA900  }
0x25: {  	v0 =	vand.u32 $0x7, v2;
	v2 =	vor.u32 $0x8, v2;
	v1 =	vmul.u32 $0x8, v1;
	s4 =	sadd.s32 $0x100, s1;
	[dreg:$0x1b] =	wrdreg s21;
	s21 =	simm.s32 $0x13900  }
.LBB2_1:
0x26: {  	s0 =	rddreg [dreg:$0x4]  }
0x27: {  	[tilespmem:s3], [sflag:$0x3] =	stream.linear.gather [hbm4b:s0+s3], $0x100, $0x38;
	[tilespmem:$0x18100] =	vst v63  }
0x28: {  	_ =	swait.ge [sflag:s7], $0x100  }
0x29: {  	[sflag:s7] =	ssyncset.done $0x0  }
0x2a: {  	[sflag:s7] =	ssyncadd.s32 $0xFFFFFF00  }
0x2b: {  	v3 =	vld [tilespmem:$0x0];
	_ =	sdelay $0x4  }
0x2c: {  	v4 =	vshrl.u32 v3, $0x3  }
0x2d: {  	v4 =	vmul.u32 $0x30, v4  }
0x2e: {  	v3 =	vand.u32 $0x7, v3  }
0x2f: {  	v3 =	vor.u32 v3, v4  }
0x30: {  	v4 =	vperm.xlane v3, v0;
	_ =	sdelay $0x1  }
0x31: {  	v4 =	vadd.s32 v1, v4;
	_ =	sdelay $0x3  }
0x32: {  	v3 =	vperm.xlane v3, v2  }
0x33: {  	[tilespmem:s8], [sflag:$0x1] =	stream.indirect_vreg.gather [hbm4b:s1+s3], $0x80, v4, vm0, $0xb8;
	[tilespmem:$0x18100] =	vst v63  }
0x34: {  	s0 =	rddreg [dreg:$0x7];
	v3 =	vadd.s32 v1, v3  }
0x35: {  	[tilespmem:s0], [sflag:$0x1] =	stream.indirect_vreg.gather [hbm4b:s4+s3], $0x80, v4, vm0, $0xb8;
	[tilespmem:$0x18100] =	vst v63  }
0x36: {  	s10 =	rddreg [dreg:$0x8]  }
0x37: {  	[tilespmem:s10], [sflag:$0x1] =	stream.indirect_vreg.gather [hbm4b:s5+s3], $0x80, v4, vm0, $0xb8;
	[tilespmem:$0x18100] =	vst v63  }
0x38: {  	s0 =	rddreg [dreg:$0x9]  }
0x39: {  	[tilespmem:s0], [sflag:$0x1] =	stream.indirect_vreg.gather [hbm4b:s1+s3], $0x80, v3, vm0, $0xb8;
	[tilespmem:$0x18100] =	vst v63  }
0x3a: {  	s10 =	rddreg [dreg:$0xa]  }
0x3b: {  	[tilespmem:s10], [sflag:$0x1] =	stream.indirect_vreg.gather [hbm4b:s4+s3], $0x80, v3, vm0, $0xb8;
	[tilespmem:$0x18100] =	vst v63  }
0x3c: {  	s0 =	rddreg [dreg:$0xb]  }
0x3d: {  	[tilespmem:s0], [sflag:$0x1] =	stream.indirect_vreg.gather [hbm4b:s5+s3], $0x80, v3, vm0, $0xb8;
	[tilespmem:$0x18100] =	vst v63  }
0x3e: {  	v3 =	vld [tilespmem:$0x10];
	_ =	sdelay $0x4  }
0x3f: {  	v57 =	vshrl.u32 v3, $0x3  }
0x40: {  	v4 =	vmul.u32 $0x30, v57  }
0x41: {  	v3 =	vand.u32 $0x7, v3  }
0x42: {  	v3 =	vor.u32 v3, v4  }
0x43: {  	v4 =	vperm.xlane v3, v0;
	_ =	sdelay $0x1  }
0x44: {  	v4 =	vadd.s32 v1, v4;
	_ =	sdelay $0x3  }
0x45: {  	s0 =	rddreg [dreg:$0xc];
	v3 =	vperm.xlane v3, v2  }
0x46: {  	[tilespmem:s0], [sflag:$0x1] =	stream.indirect_vreg.gather [hbm4b:s1+s3], $0x80, v4, vm0, $0xb8;
	[tilespmem:$0x18100] =	vst v63  }
0x47: {  	s10 =	rddreg [dreg:$0xd];
	v3 =	vadd.s32 v1, v3  }
0x48: {  	[tilespmem:s10], [sflag:$0x1] =	stream.indirect_vreg.gather [hbm4b:s4+s3], $0x80, v4, vm0, $0xb8;
	[tilespmem:$0x18100] =	vst v63  }
0x49: {  	s0 =	rddreg [dreg:$0xe]  }
0x4a: {  	[tilespmem:s0], [sflag:$0x1] =	stream.indirect_vreg.gather [hbm4b:s5+s3], $0x80, v4, vm0, $0xb8;
	[tilespmem:$0x18100] =	vst v63  }
0x4b: {  	s10 =	rddreg [dreg:$0xf]  }
0x4c: {  	[tilespmem:s10], [sflag:$0x1] =	stream.indirect_vreg.gather [hbm4b:s1+s3], $0x80, v3, vm0, $0xb8;
	[tilespmem:$0x18100] =	vst v63  }
0x4d: {  	s0 =	rddreg [dreg:$0x10]  }
0x4e: {  	[tilespmem:s0], [sflag:$0x1] =	stream.indirect_vreg.gather [hbm4b:s4+s3], $0x80, v3, vm0, $0xb8;
	[tilespmem:$0x18100] =	vst v63  }
0x4f: {  	s10 =	rddreg [dreg:$0x11]  }
0x50: {  	[tilespmem:s10], [sflag:$0x1] =	stream.indirect_vreg.gather [hbm4b:s5+s3], $0x80, v3, vm0, $0xb8;
	[tilespmem:$0x18100] =	vst v63  }
0x51: {  	v3 =	vld [tilespmem:$0x20];
	_ =	sdelay $0x4  }
0x52: {  	v58 =	vshrl.u32 v3, $0x3  }
0x53: {  	v4 =	vmul.u32 $0x30, v58  }
0x54: {  	v3 =	vand.u32 $0x7, v3  }
0x55: {  	v3 =	vor.u32 v3, v4  }
0x56: {  	v4 =	vperm.xlane v3, v0;
	_ =	sdelay $0x1  }
0x57: {  	v4 =	vadd.s32 v1, v4;
	_ =	sdelay $0x3  }
0x58: {  	s0 =	rddreg [dreg:$0x12];
	v3 =	vperm.xlane v3, v2  }
0x59: {  	[tilespmem:s0], [sflag:$0x1] =	stream.indirect_vreg.gather [hbm4b:s1+s3], $0x80, v4, vm0, $0xb8;
	[tilespmem:$0x18100] =	vst v63  }
0x5a: {  	s10 =	rddreg [dreg:$0x13];
	v3 =	vadd.s32 v1, v3  }
0x5b: {  	[tilespmem:s10], [sflag:$0x1] =	stream.indirect_vreg.gather [hbm4b:s4+s3], $0x80, v4, vm0, $0xb8;
	[tilespmem:$0x18100] =	vst v63  }
0x5c: {  	s0 =	rddreg [dreg:$0x14]  }
0x5d: {  	[tilespmem:s0], [sflag:$0x1] =	stream.indirect_vreg.gather [hbm4b:s5+s3], $0x80, v4, vm0, $0xb8;
	[tilespmem:$0x18100] =	vst v63  }
0x5e: {  	s10 =	rddreg [dreg:$0x15]  }
0x5f: {  	[tilespmem:s10], [sflag:$0x1] =	stream.indirect_vreg.gather [hbm4b:s1+s3], $0x80, v3, vm0, $0xb8;
	[tilespmem:$0x18100] =	vst v63  }
0x60: {  	s0 =	rddreg [dreg:$0x16]  }
0x61: {  	[tilespmem:s0], [sflag:$0x1] =	stream.indirect_vreg.gather [hbm4b:s4+s3], $0x80, v3, vm0, $0xb8;
	[tilespmem:$0x18100] =	vst v63  }
0x62: {  	s10 =	rddreg [dreg:$0x17]  }
0x63: {  	[tilespmem:s10], [sflag:$0x1] =	stream.indirect_vreg.gather [hbm4b:s5+s3], $0x80, v3, vm0, $0xb8;
	[tilespmem:$0x18100] =	vst v63  }
0x64: {  	v3 =	vld [tilespmem:$0x30];
	_ =	sdelay $0x4  }
0x65: {  	v59 =	vshrl.u32 v3, $0x3  }
0x66: {  	v4 =	vmul.u32 $0x30, v59  }
0x67: {  	v3 =	vand.u32 $0x7, v3  }
0x68: {  	v3 =	vor.u32 v3, v4  }
0x69: {  	v4 =	vperm.xlane v3, v0;
	_ =	sdelay $0x1  }
0x6a: {  	v4 =	vadd.s32 v1, v4;
	_ =	sdelay $0x3  }
0x6b: {  	s0 =	rddreg [dreg:$0x18];
	v3 =	vperm.xlane v3, v2  }
0x6c: {  	[tilespmem:s0], [sflag:$0x1] =	stream.indirect_vreg.gather [hbm4b:s1+s3], $0x80, v4, vm0, $0xb8;
	[tilespmem:$0x18100] =	vst v63  }
0x6d: {  	s10 =	rddreg [dreg:$0x19];
	v3 =	vadd.s32 v1, v3  }
0x6e: {  	[tilespmem:s10], [sflag:$0x1] =	stream.indirect_vreg.gather [hbm4b:s4+s3], $0x80, v4, vm0, $0xb8;
	[tilespmem:$0x18100] =	vst v63  }
0x6f: {  	s0 =	rddreg [dreg:$0x1a]  }
0x70: {  	[tilespmem:s0], [sflag:$0x1] =	stream.indirect_vreg.gather [hbm4b:s5+s3], $0x80, v4, vm0, $0xb8;
	[tilespmem:$0x18100] =	vst v63  }
0x71: {  	s10 =	rddreg [dreg:$0x1b]  }
0x72: {  	[tilespmem:s10], [sflag:$0x1] =	stream.indirect_vreg.gather [hbm4b:s1+s3], $0x80, v3, vm0, $0xb8;
	[tilespmem:$0x18100] =	vst v63  }
0x73: {  	s0 =	rddreg [dreg:$0x1c]  }
0x74: {  	[tilespmem:s0], [sflag:$0x1] =	stream.indirect_vreg.gather [hbm4b:s4+s3], $0x80, v3, vm0, $0xb8;
	[tilespmem:$0x18100] =	vst v63  }
0x75: {  	s10 =	rddreg [dreg:$0x1d]  }
0x76: {  	[tilespmem:s10], [sflag:$0x1] =	stream.indirect_vreg.gather [hbm4b:s5+s3], $0x80, v3, vm0, $0xb8;
	[tilespmem:$0x18100] =	vst v63  }
0x77: {  	v3 =	vld [tilespmem:$0x80];
	_ =	sdelay $0x4  }
0x78: {  	v60 =	vshrl.u32 v3, $0x3  }
0x79: {  	v4 =	vmul.u32 $0x30, v60  }
0x7a: {  	v3 =	vand.u32 $0x7, v3  }
0x7b: {  	v3 =	vor.u32 v3, v4  }
0x7c: {  	v4 =	vperm.xlane v3, v0;
	_ =	sdelay $0x1  }
0x7d: {  	v4 =	vadd.s32 v1, v4;
	_ =	sdelay $0x3  }
0x7e: {  	s0 =	rddreg [dreg:$0x1e];
	v3 =	vperm.xlane v3, v2  }
0x7f: {  	[tilespmem:s9], [sflag:$0x2] =	stream.indirect_vreg.gather [hbm4b:s1+s3], $0x80, v4, vm0, $0xb8;
	[tilespmem:$0x18100] =	vst v63  }
0x80: {  	s10 =	rddreg [dreg:$0x1f];
	v3 =	vadd.s32 v1, v3  }
0x81: {  	[tilespmem:s0], [sflag:$0x2] =	stream.indirect_vreg.gather [hbm4b:s4+s3], $0x80, v4, vm0, $0xb8;
	[tilespmem:$0x18100] =	vst v63  }
0x82: {  	s0 =	sld [smem:$0x7FD]  }
0x83: {  	[tilespmem:s10], [sflag:$0x2] =	stream.indirect_vreg.gather [hbm4b:s5+s3], $0x80, v4, vm0, $0xb8;
	[tilespmem:$0x18100] =	vst v63  }
0x84: {  	_ = 	snop  }
0x85: {  	[tilespmem:s0], [sflag:$0x2] =	stream.indirect_vreg.gather [hbm4b:s1+s3], $0x80, v3, vm0, $0xb8;
	[tilespmem:$0x18100] =	vst v63  }
0x86: {  	s10 =	simm.s32 $0xE100  }
0x87: {  	[tilespmem:s10], [sflag:$0x2] =	stream.indirect_vreg.gather [hbm4b:s4+s3], $0x80, v3, vm0, $0xb8;
	[tilespmem:$0x18100] =	vst v63  }
0x88: {  	_ = 	snop  }
0x89: {  	[tilespmem:s11], [sflag:$0x2] =	stream.indirect_vreg.gather [hbm4b:s5+s3], $0x80, v3, vm0, $0xb8;
	[tilespmem:$0x18100] =	vst v63  }
0x8a: {  	v3 =	vld [tilespmem:$0x90];
	_ =	sdelay $0x4  }
0x8b: {  	v61 =	vshrl.u32 v3, $0x3  }
0x8c: {  	v4 =	vmul.u32 $0x30, v61  }
0x8d: {  	v3 =	vand.u32 $0x7, v3  }
0x8e: {  	v3 =	vor.u32 v3, v4  }
0x8f: {  	v4 =	vperm.xlane v3, v0;
	_ =	sdelay $0x1  }
0x90: {  	v4 =	vadd.s32 v1, v4;
	_ =	sdelay $0x3  }
0x91: {  	v3 =	vperm.xlane v3, v2  }
0x92: {  	[tilespmem:s12], [sflag:$0x2] =	stream.indirect_vreg.gather [hbm4b:s1+s3], $0x80, v4, vm0, $0xb8;
	[tilespmem:$0x18100] =	vst v63  }
0x93: {  	v3 =	vadd.s32 v1, v3  }
0x94: {  	[tilespmem:s13], [sflag:$0x2] =	stream.indirect_vreg.gather [hbm4b:s4+s3], $0x80, v4, vm0, $0xb8;
	[tilespmem:$0x18100] =	vst v63  }
0x95: {  	_ = 	snop  }
0x96: {  	[tilespmem:s14], [sflag:$0x2] =	stream.indirect_vreg.gather [hbm4b:s5+s3], $0x80, v4, vm0, $0xb8;
	[tilespmem:$0x18100] =	vst v63  }
0x97: {  	_ = 	snop  }
0x98: {  	[tilespmem:s15], [sflag:$0x2] =	stream.indirect_vreg.gather [hbm4b:s1+s3], $0x80, v3, vm0, $0xb8;
	[tilespmem:$0x18100] =	vst v63  }
0x99: {  	_ = 	snop  }
0x9a: {  	[tilespmem:s16], [sflag:$0x2] =	stream.indirect_vreg.gather [hbm4b:s4+s3], $0x80, v3, vm0, $0xb8;
	[tilespmem:$0x18100] =	vst v63  }
0x9b: {  	_ = 	snop  }
0x9c: {  	[tilespmem:s17], [sflag:$0x2] =	stream.indirect_vreg.gather [hbm4b:s5+s3], $0x80, v3, vm0, $0xb8;
	[tilespmem:$0x18100] =	vst v63  }
0x9d: {  	v3 =	vld [tilespmem:$0xA0];
	_ =	sdelay $0x4  }
0x9e: {  	v62 =	vshrl.u32 v3, $0x3  }
0x9f: {  	v4 =	vmul.u32 $0x30, v62  }
0xa0: {  	v3 =	vand.u32 $0x7, v3  }
0xa1: {  	v3 =	vor.u32 v3, v4  }
0xa2: {  	v4 =	vperm.xlane v3, v0;
	_ =	sdelay $0x1  }
0xa3: {  	v4 =	vadd.s32 v1, v4;
	_ =	sdelay $0x3  }
0xa4: {  	v3 =	vperm.xlane v3, v2  }
0xa5: {  	[tilespmem:s18], [sflag:$0x2] =	stream.indirect_vreg.gather [hbm4b:s1+s3], $0x80, v4, vm0, $0xb8;
	[tilespmem:$0x18100] =	vst v63  }
0xa6: {  	v3 =	vadd.s32 v1, v3  }
0xa7: {  	[tilespmem:s19], [sflag:$0x2] =	stream.indirect_vreg.gather [hbm4b:s4+s3], $0x80, v4, vm0, $0xb8;
	[tilespmem:$0x18100] =	vst v63  }
0xa8: {  	_ = 	snop  }
0xa9: {  	[tilespmem:s20], [sflag:$0x2] =	stream.indirect_vreg.gather [hbm4b:s5+s3], $0x80, v4, vm0, $0xb8;
	[tilespmem:$0x18100] =	vst v63  }
0xaa: {  	_ = 	snop  }
0xab: {  	[tilespmem:s21], [sflag:$0x2] =	stream.indirect_vreg.gather [hbm4b:s1+s3], $0x80, v3, vm0, $0xb8;
	[tilespmem:$0x18100] =	vst v63  }
0xac: {  	_ = 	snop  }
0xad: {  	[tilespmem:s22], [sflag:$0x2] =	stream.indirect_vreg.gather [hbm4b:s4+s3], $0x80, v3, vm0, $0xb8;
	[tilespmem:$0x18100] =	vst v63  }
0xae: {  	_ = 	snop  }
0xaf: {  	[tilespmem:s23], [sflag:$0x2] =	stream.indirect_vreg.gather [hbm4b:s5+s3], $0x80, v3, vm0, $0xb8;
	[tilespmem:$0x18100] =	vst v63  }
0xb0: {  	v3 =	vld [tilespmem:$0xB0];
	_ =	sdelay $0x4  }
0xb1: {  	v63 =	vshrl.u32 v3, $0x3  }
0xb2: {  	v4 =	vmul.u32 $0x30, v63  }
0xb3: {  	v3 =	vand.u32 $0x7, v3  }
0xb4: {  	v3 =	vor.u32 v3, v4  }
0xb5: {  	v4 =	vperm.xlane v3, v0;
	_ =	sdelay $0x1  }
0xb6: {  	v4 =	vadd.s32 v1, v4;
	_ =	sdelay $0x3  }
0xb7: {  	v3 =	vperm.xlane v3, v2  }
0xb8: {  	[tilespmem:s24], [sflag:$0x2] =	stream.indirect_vreg.gather [hbm4b:s1+s3], $0x80, v4, vm0, $0xb8;
	[tilespmem:$0x18100] =	vst v63  }
0xb9: {  	v3 =	vadd.s32 v1, v3  }
0xba: {  	[tilespmem:s25], [sflag:$0x2] =	stream.indirect_vreg.gather [hbm4b:s4+s3], $0x80, v4, vm0, $0xb8;
	[tilespmem:$0x18100] =	vst v63  }
0xbb: {  	_ = 	snop  }
0xbc: {  	[tilespmem:s26], [sflag:$0x2] =	stream.indirect_vreg.gather [hbm4b:s5+s3], $0x80, v4, vm0, $0xb8;
	[tilespmem:$0x18100] =	vst v63  }
0xbd: {  	_ = 	snop  }
0xbe: {  	[tilespmem:s28], [sflag:$0x2] =	stream.indirect_vreg.gather [hbm4b:s1+s3], $0x80, v3, vm0, $0xb8;
	[tilespmem:$0x18100] =	vst v63  }
0xbf: {  	_ = 	snop  }
0xc0: {  	[tilespmem:s29], [sflag:$0x2] =	stream.indirect_vreg.gather [hbm4b:s4+s3], $0x80, v3, vm0, $0xb8;
	[tilespmem:$0x18100] =	vst v63  }
0xc1: {  	_ = 	snop  }
0xc2: {  	[tilespmem:s30], [sflag:$0x2] =	stream.indirect_vreg.gather [hbm4b:s5+s3], $0x80, v3, vm0, $0xb8;
	[tilespmem:$0x18100] =	vst v63  }
0xc3: {  	_ =	swait.ge [sflag:s31], $0xC000  }
0xc4: {  	[sflag:s31] =	ssyncset.done $0x0  }
0xc5: {  	s10 =	rddreg [dreg:$0x5];
	[sflag:s31] =	ssyncadd.s32 $0xFFFF4000  }
0xc6: {  	[hbm4b:s10+s3] =	stream.linear.scatter [tilespmem:s8], [sflag:$0x3], $0xC000, $0x38;
	[tilespmem:$0x18100] =	vst v63  }
0xc7: {  	_ =	swait.ge [sflag:s7], $0xC000  }
0xc8: {  	[sflag:s7] =	ssyncset.done $0x0  }
0xc9: {  	[sflag:s7] =	ssyncadd.s32 $0xFFFF4000  }
0xca: {  	_ =	swait.ge [sflag:s2], $0xC000  }
0xcb: {  	p0 =	sne.s32 s6, $0x1;
	[sflag:s2] =	ssyncset.done $0x0  }
.Ltmp0:
0xcc: {  	s10 =	rddreg [dreg:$0x6];
	[sflag:s2] =	ssyncadd.s32 $0xFFFF4000;
	(pc) =	sbr.rel @p0 .LBB2_1-.Ltmp0, $4  }
0xcd: {  	[hbm4b:s10+s3] =	stream.linear.scatter [tilespmem:s9], [sflag:$0x3], $0xC000, $0x38;
	[tilespmem:$0x18100] =	vst v63  }
0xce: {  	_ =	swait.ge [sflag:s7], $0xC000  }
0xcf: {  	[sflag:s7] =	ssyncset.done $0x0  }
0xd0: {  	s6 =	sadd.s32 $0xFFFFFFFF, s6;
	[sflag:s7] =	ssyncadd.s32 $0xFFFF4000  }
0xd1: {  	_ =	sfence.sel $0x180000  }
0xd2: {  	[bflag:$0x0] =	sbarrier.arrive $0xFFFF  }
0xd3: {  	_ =	strace $0x90000047  }
0xd4: {  	s0 =	stileid.u32;
	[bflag:$0x2] =	sbarrier.arrive $0xFFFF  }
0xd5: {  	p0 =	sne.s32 s0, $0x0;
	s0 =	rddreg [dreg:$0x3]  }
0xd6: {  	s0 =	sadd.s32 @!p0 $0x100000, s0  }
0xd7: {  	[sflag:s0] =	ssyncadd.tile.s32 @!p0 $0x1;
	_ =	shalt  }
.Lfunc_end2:
_tile_overlayer_lowered:
.L_overlay_start_2:
0xd8: {  	(tag) =	ssettag $0x2  }
0xd9: {  	s0 =	rddreg [dreg:$0x0];
	s2 =	stileid.u32  }
0xda: {  	s1 =	rddreg [dreg:$0x1];
	p0 =	sne.s32 s2, $0x0  }
0xdb: {  	s3 =	rddreg [dreg:$0x2];
	[bflag:$0x3] =	sbarrier.arrive $0xFFFF;
	s2 =	simm.s32 @!p0 $0x1C03  }
0xdc: {  	[timem:s3], [sflag:s2] =	dma.local @!p0 [hbm:s0], s1  }
0xdd: {  	s0 =	simm.s32 @!p0 $0x3  }
0xde: {  	_ =	swait.ge @!p0 [sflag:s0], s1  }
0xdf: {  	s1 =	ssub.s32 @!p0 $0x0, s1;
	[sflag:s0] =	ssyncset.done @!p0 $0x0  }
0xe0: {  	[sflag:s0] =	ssyncadd.s32 @!p0 s1  }
0xe1: {  	[bflag:$0x3] =	sbarrier.arrive $0xFFFF  }
0xe2: {  	_ =	shalt  }

// kernel: kernel.21.cloned.1.call-start
scs
__scs_entry_jumppad:
0x0: {  	(pc) =	sbr.rel $0x88, $3  }
0x1: {  	(tag) =	ssettag $0x0;
	lr =	simm.s32 $0x1  }
0x2: {  	[smem:$0x3F9A] =	sst lr;
	_ =	strace $0xD0000000  }
0x3: {  	_ = 	snop  }
0x4: {  	_ = 	snop  }
0x5: {  	_ = 	snop  }
0x6: {  	_ = 	snop  }
0x7: {  	_ = 	snop  }
__scs_overlays_trampoline_lowered:
0x8: {  	[smem:$0x3FA9] =	sst s0  }
0x9: {  	[smem:$0x3FAA] =	sst s1  }
0xa: {  	[smem:$0x3FAB] =	sst s2  }
0xb: {  	[smem:$0x3FAC] =	sst s3  }
0xc: {  	[smem:$0x3FAD] =	sst s4  }
0xd: {  	[smem:$0x3FAE] =	sst s5  }
0xe: {  	[smem:$0x3FAF] =	sst s6  }
0xf: {  	[smem:$0x3FB0] =	sst s7  }
0x10: {  	[smem:$0x3FB1] =	sst s8  }
0x11: {  	[smem:$0x3FB2] =	sst s9;
	s0 =	simm.s32 @!p0 $0x0  }
0x12: {  	s1 =	sld [smem:$0x3F98];
	s0 =	simm.s32 @p0 $0x1  }
0x13: {  	[smem:$0x3FB3] =	sst s0;
	s0 =	simm.s32 @!p1 $0x0  }
0x14: {  	s2 =	sld [smem:$0x3F97];
	s0 =	simm.s32 @p1 $0x1  }
0x15: {  	[smem:$0x3FB4] =	sst s0;
	s0 =	simm.s32 @!p2 $0x0  }
0x16: {  	s3 =	sld [smem:$0x3FDB];
	s0 =	simm.s32 @p2 $0x1  }
0x17: {  	s4 =	simm.s32 $0x1BF5;
	[smem:$0x3FB6] =	sst s0  }
0x18: {  	s0 =	sld [smem:$0x3F99];
	_ =	swait.ge [sflag:s4], $0x0  }
0x19: {  	s7 =	sld [smem:$0x3F9A]  }
0x1a: {  	s8 =	sadd.s32 $0xFFFFE003, lr  }
0x1b: {  	s9 =	sadd.s32 $0xFFFFFEF7, lr;
	s5 =	simm.s32 $0xFFFFFFFF;
	p2 =	slt.u32 s8, $0xFFFFF086  }
0x1c: {  	p1 =	slt.u32 s9, $0xF7A;
	s5 =	simm.s32 @!p2 $0x0  }
0x1d: {  	s5 =	simm.s32 @p1 $0x1;
	p0 =	seq.s32 s7, s2  }
0x1e: {  	s7 =	smul.u32 @!p0 $0xF7A, s2;
	p2 =	seq.s32 @!p0 s5, $0x0  }
0x1f: {  	s9 =	smul.u32 $0xF7A, s1;
	s8 =	simm.s32 @!p0 $0x1BF5;
	p2 =	por !p2, p0  }
0x20: {  	[sflag:s8] =	ssyncset.s32 @!p0 $0xFFFFF086;
	s6 =	sadd.s32 @!p0 s3, s7;
	s7 =	simm.s32 @!p0 $0x108  }
0x21: {  	s3 =	sadd.s32 s3, s9;
	s6 =	sadd.s32 @!p0 $0x88, s6;
	s7 =	simm.s32 @p2 $0x1082  }
0x22: {  	[simem:s7], [sflag:s8] =	dma.local @!p0 [hbm:s6], $0xF7A  }
0x23: {  	s9 =	sor.u32 $0xD0000000, s2;
	s6 =	simm.s32 $0x108;
	_ =	swait.ge @!p0 [sflag:s8], $0x0  }
0x24: {  	s3 =	sadd.s32 $0x88, s3;
	s6 =	simm.s32 @!p1 $0x1082;
	[sflag:s4] =	ssyncset.s32 $0xFFFFF086  }
0x25: {  	[simem:s6], [sflag:s4] =	dma.local [hbm:s3], $0xF7A  }
0x26: {  	[smem:$0x3F9A] =	sst s1;
	(tag) =	ssettag s2;
	_ =	strace s9  }
0x27: {  	s1 =	sld [smem:$0x3FAA]  }
0x28: {  	s2 =	sld [smem:$0x3FAB]  }
0x29: {  	s4 =	sld [smem:$0x3FAD]  }
0x2a: {  	p0 =	seq.s32 s5, $0x0;
	s5 =	sld [smem:$0x3FAE]  }
0x2b: {  	s6 =	sld [smem:$0x3FAF]  }
0x2c: {  	s7 =	sld [smem:$0x3FB0]  }
0x2d: {  	s3 =	simm.s32 $0x108;
	s8 =	sld [smem:$0x3FB1]  }
0x2e: {  	s3 =	simm.s32 @!p0 $0x1082;
	s9 =	sld [smem:$0x3FB2]  }
0x2f: {  	lr =	sadd.s32 s0, s3;
	s0 =	sld [smem:$0x3FA9]  }
0x30: {  	s3 =	sld [smem:$0x3FAC]  }
0x31: {  	[smem:$0x3FB5] =	sst s10  }
0x32: {  	s10 =	sld [smem:$0x3FB3];
	_ =	sdelay $0x3  }
0x33: {  	p0 =	seq.s32 s10, $0x1;
	s10 =	sld [smem:$0x3FB5];
	_ =	sdelay $0x3  }
0x34: {  	[smem:$0x3FB5] =	sst s10  }
0x35: {  	s10 =	sld [smem:$0x3FB4];
	_ =	sdelay $0x3  }
0x36: {  	p1 =	seq.s32 s10, $0x1;
	s10 =	sld [smem:$0x3FB5];
	_ =	sdelay $0x3  }
0x37: {  	[smem:$0x3FB5] =	sst s10  }
0x38: {  	s10 =	sld [smem:$0x3FB6]  }
0x39: {  	_ = 	snop;
	(pc) =	sbr.ind lr, $3  }
0x3a: {  	_ = 	snop  }
0x3b: {  	_ = 	snop  }
0x3c: {  	p2 =	seq.s32 s10, $0x1;
	s10 =	sld [smem:$0x3FB5]  }
0x3d: {  	_ =	shalt  }
0x3e: {  	_ =	shalt  }
0x3f: {  	_ =	shalt  }
0x40: {  	_ =	shalt  }
0x41: {  	_ =	shalt  }
0x42: {  	_ =	shalt  }
0x43: {  	_ =	shalt  }
0x44: {  	_ =	shalt  }
0x45: {  	_ =	shalt  }
0x46: {  	_ =	shalt  }
0x47: {  	_ =	shalt  }
0x48: {  	_ =	shalt  }
0x49: {  	_ =	shalt  }
0x4a: {  	_ =	shalt  }
0x4b: {  	_ =	shalt  }
0x4c: {  	_ =	shalt  }
0x4d: {  	_ =	shalt  }
0x4e: {  	_ =	shalt  }
0x4f: {  	_ =	shalt  }
0x50: {  	_ =	shalt  }
0x51: {  	_ =	shalt  }
0x52: {  	_ =	shalt  }
0x53: {  	_ =	shalt  }
0x54: {  	_ =	shalt  }
0x55: {  	_ =	shalt  }
0x56: {  	_ =	shalt  }
0x57: {  	_ =	shalt  }
0x58: {  	_ =	shalt  }
0x59: {  	_ =	shalt  }
0x5a: {  	_ =	shalt  }
0x5b: {  	_ =	shalt  }
0x5c: {  	_ =	shalt  }
0x5d: {  	_ =	shalt  }
0x5e: {  	_ =	shalt  }
0x5f: {  	_ =	shalt  }
0x60: {  	_ =	shalt  }
0x61: {  	_ =	shalt  }
0x62: {  	_ =	shalt  }
0x63: {  	_ =	shalt  }
0x64: {  	_ =	shalt  }
0x65: {  	_ =	shalt  }
0x66: {  	_ =	shalt  }
0x67: {  	_ =	shalt  }
0x68: {  	_ =	shalt  }
0x69: {  	_ =	shalt  }
0x6a: {  	_ =	shalt  }
0x6b: {  	_ =	shalt  }
0x6c: {  	_ =	shalt  }
0x6d: {  	_ =	shalt  }
0x6e: {  	_ =	shalt  }
0x6f: {  	_ =	shalt  }
0x70: {  	_ =	shalt  }
0x71: {  	_ =	shalt  }
0x72: {  	_ =	shalt  }
0x73: {  	_ =	shalt  }
0x74: {  	_ =	shalt  }
0x75: {  	_ =	shalt  }
0x76: {  	_ =	shalt  }
0x77: {  	_ =	shalt  }
0x78: {  	_ =	shalt  }
0x79: {  	_ =	shalt  }
0x7a: {  	_ =	shalt  }
0x7b: {  	_ =	shalt  }
0x7c: {  	_ =	shalt  }
0x7d: {  	_ =	shalt  }
0x7e: {  	_ =	shalt  }
0x7f: {  	_ =	shalt  }
0x80: {  	_ =	shalt  }
0x81: {  	_ =	shalt  }
0x82: {  	_ =	shalt  }
0x83: {  	_ =	shalt  }
0x84: {  	_ =	shalt  }
0x85: {  	_ =	shalt  }
0x86: {  	_ =	shalt  }
0x87: {  	_ =	shalt  }
.Lfunc_end0:
.L_simem_size_0:
called_computation.1_lowered:
.L_overlay_start_0:
0x88: {  	s2 =	sld [smem:$0x3FD9]  }
0x89: {  	s3 =	sld [smem:$0x3FFE];
	_ =	sdelay $0x1  }
0x8a: {  	s1 =	srdreg.scid  }
0x8b: {  	s0 =	sand.u32 $0x1, s1  }
0x8c: {  	s17 =	sshll.u32 s0, $0xA;
	s2 =	sadd.s32 s3, s2  }
0x8d: {  	s2 =	sadd.s32 s2, s17  }
0x8e: {  	[smem:$0x3FC1] =	sst s2  }
0x8f: {  	_ = 	snop  }
0x90: {  	s18 =	sld [smem:$0x3FC7];
	(tm) =	ssettm $0x1  }
0x91: {  	s19 =	sld [smem:$0x3FFB];
	_ =	sdelay $0x3  }
0x92: {  	_ =	strace s19  }
0x93: {  	s2 =	sld [smem:$0x3FFC];
	_ =	sdelay $0x3  }
0x94: {  	_ =	strace s2  }
0x95: {  	s2 =	sld [smem:$0x3FFD];
	_ =	sdelay $0x3  }
0x96: {  	_ =	strace s2  }
0x97: {  	_ =	strace $0x8FFFFFFF  }
0x98: {  	s20 =	sld [smem:$0x3FDB];
	_ =	sdelay $0x1  }
0x99: {  	s4 =	simm.s32 $_scs_section_size  }
0x9a: {  	s5 =	simm.s32 $_size__tile_overlayer_lowered;
	s6 =	simm.s32 $_tile_overlayer_lowered  }
0x9b: {  	s7 =	simm.s32 $0x1BFF;
	s21 =	sshll.u32 s6, $0x1;
	s4 =	sadd.s32 s4, s20  }
0x9c: {  	s22 =	simm.s32 $0x0;
	s5 =	sshll.u32 s5, $0x1;
	s6 =	sadd.s32 s21, s4  }
0x9d: {  	[timem:s22], [sflag:s7] =	dma.local [hbm:s6], s5  }
0x9e: {  	_ =	swait.ge [sflag:s7], s5  }
0x9f: {  	s5 =	ssub.s32 $0x0, s5;
	[sflag:s7] =	ssyncset.done $0x0  }
0xa0: {  	[sflag:s7] =	ssyncadd.s32 s5;
	_ =	sdelay $0x1  }
0xa1: {  	s23 =	simm.s32 $0x1B8B  }
0xa2: {  	_ =	swait.ge [sflag:s23], $0x1  }
0xa3: {  	[sflag:s23] =	ssyncset.done $0x0  }
0xa4: {  	[sflag:s23] =	ssyncadd.s32 $0xFFFFFFFF  }
0xa5: {  	s5 =	sld [smem:$0x0]  }
0xa6: {  	s6 =	sand.u32 $0xFFFFFFFE, s1  }
0xa7: {  	p0 =	sne.s32 s1, s6  }
0xa8: {  	s6 =	sshll.u32 @p0 s6, $0xE  }
0xa9: {  	s6 =	sadd.s32 @p0 $0x11B8D, s6;
	s7 =	sshll.u32 @p0 s5, $0x11  }
0xaa: {  	s6 =	sor.u32 @p0 s7, s6  }
0xab: {  	[sflag:s6] =	ssyncadd.remote.s32 @p0 $0x1;
	_ =	sdelay $0x1  }
0xac: {  	s6 =	simm.s32 @p0 $0x1B8D  }
0xad: {  	_ =	swait.eq @p0 [sflag:s6], $0x1  }
0xae: {  	[sflag:s6] =	ssyncadd.s32 @p0 $0xFFFFFFFF  }
0xaf: {  	s7 =	sshll.u32 @!p0 s1, $0xE  }
0xb0: {  	s7 =	sor.u32 @!p0 $0x4000, s7;
	s6 =	simm.s32 @!p0 $0x1B8D  }
0xb1: {  	s5 =	sshll.u32 @!p0 s5, $0x11;
	s7 =	sadd.s32 @!p0 $0x11B8D, s7;
	_ =	swait.eq @!p0 [sflag:s6], $0x1  }
0xb2: {  	s5 =	sor.u32 @!p0 s5, s7;
	[sflag:s6] =	ssyncadd.s32 @!p0 $0xFFFFFFFF  }
0xb3: {  	s25 =	simm.s32 $0x1B8E;
	s24 =	sld [smem:$0x3FFE];
	[sflag:s5] =	ssyncadd.remote.s32 @!p0 $0x1  }
0xb4: {  	s26 =	simm.s32 $execute0_lowered;
	[smem:$0x3FD2] =	sst s25  }
0xb5: {  	s6 =	sshll.u32 s26, $0x1;
	_ =	strace $0x80000049;
	[dreg:$0x1] =	wrdreg $0xFFFFFFFF  }
0xb6: {  	s28 =	simm.s32 $_size_execute0_lowered;
	s4 =	sadd.s32 s4, s6;
	[dreg:$0x0] =	wrdreg $0x0  }
0xb7: {  	s6 =	sshll.u32 s28, $0x1;
	[dreg:$0x2] =	wrdreg s4  }
0xb8: {  	[dreg:$0x3] =	wrdreg s6  }
0xb9: {  	[dreg:$0x4] =	wrdreg $0xC0  }
0xba: {  	_ =	task [dreg:s22], $0x5FFFF  }
0xbb: {  	[dreg:$0x1] =	wrdreg $0xFFFFFFFF  }
0xbc: {  	[dreg:$0x0] =	wrdreg $0x60  }
0xbd: {  	[dreg:$0x2] =	wrdreg s18  }
0xbe: {  	[dreg:$0x3] =	wrdreg s24  }
0xbf: {  	[dreg:$0x4] =	wrdreg $0xA  }
0xc0: {  	_ =	task.clear_ibuf [dreg:s22], $0x5FFFF;
	_ =	strace $0x90000049  }
0xc1: {  	s29 =	simm.s32 $0xA;
	_ =	strace $0x8000004B  }
0xc2: {  	_ =	swait.ge [sflag:s29], $0x1  }
0xc3: {  	[sflag:s29] =	ssyncadd.s32 $0xFFFFFFFF  }
0xc4: {  	_ =	strace $0x9000004B  }
0xc5: {  	_ =	sfence  }
0xc6: {  	s30 =	sld [smem:$0x0];
	_ =	sdelay $0x2  }
0xc7: {  	s31 =	sshll.u32 s1, $0xD;
	s1 =	sshrl.u32 s1, $0x2  }
0xc8: {  	s4 =	sand.u32 $0x4000, s31;
	s1 =	sadd.s32 s1, s30  }
0xc9: {  	s0 =	sor.u32 s4, s0;
	s1 =	sshll.u32 s1, $0x11  }
0xca: {  	s0 =	sor.u32 s1, s0  }
0xcb: {  	s0 =	sadd.s32 $0x8F2B, s0  }
0xcc: {  	[sflag:s0] =	ssyncadd.remote.s32 $0x1  }
0xcd: {  	_ =	sfence.sel $0xFFFF  }
0xce: {  	[dreg:$0x0] =	wrdreg $0xFFFFFFFF;
	(pc) =	sbr.abs _section_cstart, $3  }
0xcf: {  	[dreg:$0x1] =	wrdreg $0xFFFFFFFF  }
0xd0: {  	_ =	task.clear_ibuf [dreg:s22], $0x2FFFF;
	_ =	strace $0x9FFFFFFF  }
0xd1: {  	(tm) =	ssettm $0x7FFFFFFF  }
tec
execute0_lowered:
.L_overlay_start_1:
0x0: {  	(tag) =	ssettag $0x1  }
0x1: {  	s2 =	rddreg [dreg:$0x0]  }
0x2: {  	s4 =	rddreg [dreg:$0x1];
	s3 =	simm.s32 $0x0  }
0x3: {  	s23 =	simm.s32 $0x900;
	[smem:$0x7FF] =	sst s3  }
0x4: {  	s24 =	simm.s32 $0x1100;
	_ =	strace $0x8000004A;
	[dreg:$0x6] =	wrdreg s23  }
0x5: {  	s25 =	simm.s32 $0x1900;
	[dreg:$0x7] =	wrdreg s24  }
0x6: {  	s0 =	stileid.u32;
	s26 =	simm.s32 $0x2100;
	[dreg:$0x8] =	wrdreg s25  }
0x7: {  	s5 =	sshll.u32 s0, $0x1;
	s0 =	simm.s32 $0x2900;
	[dreg:$0x9] =	wrdreg s26  }
0x8: {  	s8 =	simm.s32 $0x4900;
	[dreg:$0xa] =	wrdreg s0  }
0x9: {  	s9 =	simm.s32 $0x5100;
	[dreg:$0xe] =	wrdreg s8  }
0xa: {  	s10 =	simm.s32 $0x5900;
	[dreg:$0xf] =	wrdreg s9  }
0xb: {  	s11 =	simm.s32 $0x6100;
	[dreg:$0x10] =	wrdreg s10  }
0xc: {  	s12 =	simm.s32 $0x6900;
	[dreg:$0x11] =	wrdreg s11  }
0xd: {  	s13 =	simm.s32 $0x7100;
	[dreg:$0x12] =	wrdreg s12  }
0xe: {  	s14 =	simm.s32 $0x7900;
	[dreg:$0x13] =	wrdreg s13  }
0xf: {  	s1 =	srdreg.scid;
	s15 =	simm.s32 $0x8100;
	[dreg:$0x14] =	wrdreg s14  }
0x10: {  	s16 =	simm.s32 $0x8900;
	s17 =	simm.s32 $0x9100;
	[dreg:$0x15] =	wrdreg s15  }
0x11: {  	s18 =	simm.s32 $0x9900;
	s20 =	simm.s32 $0xA100;
	[dreg:$0x16] =	wrdreg s16  }
0x12: {  	s21 =	simm.s32 $0xA900;
	s22 =	simm.s32 $0xB100;
	[dreg:$0x17] =	wrdreg s17  }
0x13: {  	s28 =	simm.s32 $0x16900;
	s29 =	simm.s32 $0x17100;
	[dreg:$0x18] =	wrdreg s18  }
0x14: {  	s30 =	simm.s32 $0x17900;
	s1 =	sand.u32 $0x1, s1;
	[dreg:$0x19] =	wrdreg s20  }
0x15: {  	s31 =	simm.s32 $0x1;
	s5 =	sor.u32 s1, s5;
	[dreg:$0x1a] =	wrdreg s21  }
0x16: {  	s1 =	ssub.s32 $0x2, s1;
	[dreg:$0x1b] =	wrdreg s22;
	s23 =	simm.s32 $0xB900  }
0x17: {  	s24 =	simm.s32 $0xC900;
	s25 =	simm.s32 $0xD100;
	s8 =	simm.s32 $0x100  }
0x18: {  	s26 =	simm.s32 $0xD900;
	s9 =	simm.s32 $0xC100;
	s11 =	simm.s32 $0xE900  }
0x19: {  	s12 =	simm.s32 $0xF100;
	s13 =	simm.s32 $0xF900;
	s14 =	simm.s32 $0x10100  }
0x1a: {  	s15 =	simm.s32 $0x10900;
	s16 =	simm.s32 $0x11100;
	s17 =	simm.s32 $0x11900  }
0x1b: {  	s18 =	simm.s32 $0x12100;
	s20 =	simm.s32 $0x13100;
	[dreg:$0x1c] =	wrdreg s23  }
0x1c: {  	s21 =	simm.s32 $0x13900;
	s22 =	simm.s32 $0x14100;
	[dreg:$0x1d] =	wrdreg s24  }
0x1d: {  	s6 =	sshll.u32 s5, $0x5;
	s7 =	smul.u32 $0x18000, s5;
	[dreg:$0x1e] =	wrdreg s25  }
0x1e: {  	s5 =	smul.u32 $0x3000, s5;
	s19 =	sshrl.u32 s1, $0x1;
	[dreg:$0x1f] =	wrdreg s26  }
0x1f: {  	s23 =	simm.s32 $0x14900;
	s24 =	simm.s32 $0x15100;
	s6 =	sadd.s32 s6, s4  }
0x20: {  	s25 =	simm.s32 $0x15900;
	s4 =	sadd.s32 $0x6600, s4;
	s6 =	sadd.s32 $0x4A00, s6  }
0x21: {  	s26 =	simm.s32 $0x16100;
	s5 =	sadd.s32 s4, s5;
	[dreg:$0x3] =	wrdreg s6  }
0x22: {  	s1 =	ssub.s32 s1, s19;
	[dreg:$0x4] =	wrdreg s5;
	s5 =	simm.s32 $0x3100  }
0x23: {  	s7 =	sshrl.u32 s7, $0x3;
	s6 =	simm.s32 $0x3900;
	[dreg:$0xb] =	wrdreg s5  }
0x24: {  	s4 =	sadd.s32 s4, s7;
	s7 =	simm.s32 $0x4100;
	[dreg:$0xc] =	wrdreg s6  }
0x25: {  	v2 =	vlaneseq.u32;
	s19 =	simm.s32 $0x12900;
	s4 =	sadd.s32 $0x1800, s4;
	[dreg:$0xd] =	wrdreg s7  }
0x26: {  	vm0 =	vmmov $0xffff;
	v1 =	vshrl.u32 v2, $0x3;
	s5 =	sadd.s32 $0x200, s2;
	s6 =	smax.u32 s1, $0x1;
	s7 =	simm.s32 $0x3  }
0x27: {  	v0 =	vand.u32 $0x7, v2;
	v2 =	vor.u32 $0x8, v2;
	v1 =	vmul.u32 $0x8, v1;
	s1 =	simm.s32 $0x2;
	[dreg:$0x5] =	wrdreg s4;
	s4 =	sadd.s32 $0x100, s2  }
.LBB2_1:
0x28: {  	s0 =	rddreg [dreg:$0x3]  }
0x29: {  	[tilespmem:s3], [sflag:$0x3] =	stream.linear.gather [hbm4b:s0+s3], $0x100, $0x38;
	[tilespmem:$0x18100] =	vst v63  }
0x2a: {  	_ =	swait.ge [sflag:s7], $0x100  }
0x2b: {  	[sflag:s7] =	ssyncset.done $0x0  }
0x2c: {  	[sflag:s7] =	ssyncadd.s32 $0xFFFFFF00  }
0x2d: {  	v3 =	vld [tilespmem:$0x0];
	_ =	sdelay $0x4  }
0x2e: {  	v4 =	vshrl.u32 v3, $0x3  }
0x2f: {  	v4 =	vmul.u32 $0x30, v4  }
0x30: {  	v3 =	vand.u32 $0x7, v3  }
0x31: {  	v3 =	vor.u32 v3, v4  }
0x32: {  	v4 =	vperm.xlane v3, v0;
	_ =	sdelay $0x1  }
0x33: {  	v4 =	vadd.s32 v1, v4;
	_ =	sdelay $0x3  }
0x34: {  	v3 =	vperm.xlane v3, v2  }
0x35: {  	[tilespmem:s8], [sflag:$0x1] =	stream.indirect_vreg.gather [hbm4b:s2+s3], $0x80, v4, vm0, $0xb8;
	[tilespmem:$0x18100] =	vst v63  }
0x36: {  	s0 =	rddreg [dreg:$0x6];
	v3 =	vadd.s32 v1, v3  }
0x37: {  	[tilespmem:s0], [sflag:$0x1] =	stream.indirect_vreg.gather [hbm4b:s4+s3], $0x80, v4, vm0, $0xb8;
	[tilespmem:$0x18100] =	vst v63  }
0x38: {  	s10 =	rddreg [dreg:$0x7]  }
0x39: {  	[tilespmem:s10], [sflag:$0x1] =	stream.indirect_vreg.gather [hbm4b:s5+s3], $0x80, v4, vm0, $0xb8;
	[tilespmem:$0x18100] =	vst v63  }
0x3a: {  	s0 =	rddreg [dreg:$0x8]  }
0x3b: {  	[tilespmem:s0], [sflag:$0x1] =	stream.indirect_vreg.gather [hbm4b:s2+s3], $0x80, v3, vm0, $0xb8;
	[tilespmem:$0x18100] =	vst v63  }
0x3c: {  	s10 =	rddreg [dreg:$0x9]  }
0x3d: {  	[tilespmem:s10], [sflag:$0x1] =	stream.indirect_vreg.gather [hbm4b:s4+s3], $0x80, v3, vm0, $0xb8;
	[tilespmem:$0x18100] =	vst v63  }
0x3e: {  	s0 =	rddreg [dreg:$0xa]  }
0x3f: {  	[tilespmem:s0], [sflag:$0x1] =	stream.indirect_vreg.gather [hbm4b:s5+s3], $0x80, v3, vm0, $0xb8;
	[tilespmem:$0x18100] =	vst v63  }
0x40: {  	v3 =	vld [tilespmem:$0x10];
	_ =	sdelay $0x4  }
0x41: {  	v57 =	vshrl.u32 v3, $0x3  }
0x42: {  	v4 =	vmul.u32 $0x30, v57  }
0x43: {  	v3 =	vand.u32 $0x7, v3  }
0x44: {  	v3 =	vor.u32 v3, v4  }
0x45: {  	v4 =	vperm.xlane v3, v0;
	_ =	sdelay $0x1  }
0x46: {  	v4 =	vadd.s32 v1, v4;
	_ =	sdelay $0x3  }
0x47: {  	s0 =	rddreg [dreg:$0xb];
	v3 =	vperm.xlane v3, v2  }
0x48: {  	[tilespmem:s0], [sflag:$0x1] =	stream.indirect_vreg.gather [hbm4b:s2+s3], $0x80, v4, vm0, $0xb8;
	[tilespmem:$0x18100] =	vst v63  }
0x49: {  	s10 =	rddreg [dreg:$0xc];
	v3 =	vadd.s32 v1, v3  }
0x4a: {  	[tilespmem:s10], [sflag:$0x1] =	stream.indirect_vreg.gather [hbm4b:s4+s3], $0x80, v4, vm0, $0xb8;
	[tilespmem:$0x18100] =	vst v63  }
0x4b: {  	s0 =	rddreg [dreg:$0xd]  }
0x4c: {  	[tilespmem:s0], [sflag:$0x1] =	stream.indirect_vreg.gather [hbm4b:s5+s3], $0x80, v4, vm0, $0xb8;
	[tilespmem:$0x18100] =	vst v63  }
0x4d: {  	s10 =	rddreg [dreg:$0xe]  }
0x4e: {  	[tilespmem:s10], [sflag:$0x1] =	stream.indirect_vreg.gather [hbm4b:s2+s3], $0x80, v3, vm0, $0xb8;
	[tilespmem:$0x18100] =	vst v63  }
0x4f: {  	s0 =	rddreg [dreg:$0xf]  }
0x50: {  	[tilespmem:s0], [sflag:$0x1] =	stream.indirect_vreg.gather [hbm4b:s4+s3], $0x80, v3, vm0, $0xb8;
	[tilespmem:$0x18100] =	vst v63  }
0x51: {  	s10 =	rddreg [dreg:$0x10]  }
0x52: {  	[tilespmem:s10], [sflag:$0x1] =	stream.indirect_vreg.gather [hbm4b:s5+s3], $0x80, v3, vm0, $0xb8;
	[tilespmem:$0x18100] =	vst v63  }
0x53: {  	v3 =	vld [tilespmem:$0x20];
	_ =	sdelay $0x4  }
0x54: {  	v58 =	vshrl.u32 v3, $0x3  }
0x55: {  	v4 =	vmul.u32 $0x30, v58  }
0x56: {  	v3 =	vand.u32 $0x7, v3  }
0x57: {  	v3 =	vor.u32 v3, v4  }
0x58: {  	v4 =	vperm.xlane v3, v0;
	_ =	sdelay $0x1  }
0x59: {  	v4 =	vadd.s32 v1, v4;
	_ =	sdelay $0x3  }
0x5a: {  	s0 =	rddreg [dreg:$0x11];
	v3 =	vperm.xlane v3, v2  }
0x5b: {  	[tilespmem:s0], [sflag:$0x1] =	stream.indirect_vreg.gather [hbm4b:s2+s3], $0x80, v4, vm0, $0xb8;
	[tilespmem:$0x18100] =	vst v63  }
0x5c: {  	s10 =	rddreg [dreg:$0x12];
	v3 =	vadd.s32 v1, v3  }
0x5d: {  	[tilespmem:s10], [sflag:$0x1] =	stream.indirect_vreg.gather [hbm4b:s4+s3], $0x80, v4, vm0, $0xb8;
	[tilespmem:$0x18100] =	vst v63  }
0x5e: {  	s0 =	rddreg [dreg:$0x13]  }
0x5f: {  	[tilespmem:s0], [sflag:$0x1] =	stream.indirect_vreg.gather [hbm4b:s5+s3], $0x80, v4, vm0, $0xb8;
	[tilespmem:$0x18100] =	vst v63  }
0x60: {  	s10 =	rddreg [dreg:$0x14]  }
0x61: {  	[tilespmem:s10], [sflag:$0x1] =	stream.indirect_vreg.gather [hbm4b:s2+s3], $0x80, v3, vm0, $0xb8;
	[tilespmem:$0x18100] =	vst v63  }
0x62: {  	s0 =	rddreg [dreg:$0x15]  }
0x63: {  	[tilespmem:s0], [sflag:$0x1] =	stream.indirect_vreg.gather [hbm4b:s4+s3], $0x80, v3, vm0, $0xb8;
	[tilespmem:$0x18100] =	vst v63  }
0x64: {  	s10 =	rddreg [dreg:$0x16]  }
0x65: {  	[tilespmem:s10], [sflag:$0x1] =	stream.indirect_vreg.gather [hbm4b:s5+s3], $0x80, v3, vm0, $0xb8;
	[tilespmem:$0x18100] =	vst v63  }
0x66: {  	v3 =	vld [tilespmem:$0x30];
	_ =	sdelay $0x4  }
0x67: {  	v59 =	vshrl.u32 v3, $0x3  }
0x68: {  	v4 =	vmul.u32 $0x30, v59  }
0x69: {  	v3 =	vand.u32 $0x7, v3  }
0x6a: {  	v3 =	vor.u32 v3, v4  }
0x6b: {  	v4 =	vperm.xlane v3, v0;
	_ =	sdelay $0x1  }
0x6c: {  	v4 =	vadd.s32 v1, v4;
	_ =	sdelay $0x3  }
0x6d: {  	s0 =	rddreg [dreg:$0x17];
	v3 =	vperm.xlane v3, v2  }
0x6e: {  	[tilespmem:s0], [sflag:$0x1] =	stream.indirect_vreg.gather [hbm4b:s2+s3], $0x80, v4, vm0, $0xb8;
	[tilespmem:$0x18100] =	vst v63  }
0x6f: {  	s10 =	rddreg [dreg:$0x18];
	v3 =	vadd.s32 v1, v3  }
0x70: {  	[tilespmem:s10], [sflag:$0x1] =	stream.indirect_vreg.gather [hbm4b:s4+s3], $0x80, v4, vm0, $0xb8;
	[tilespmem:$0x18100] =	vst v63  }
0x71: {  	s0 =	rddreg [dreg:$0x19]  }
0x72: {  	[tilespmem:s0], [sflag:$0x1] =	stream.indirect_vreg.gather [hbm4b:s5+s3], $0x80, v4, vm0, $0xb8;
	[tilespmem:$0x18100] =	vst v63  }
0x73: {  	s10 =	rddreg [dreg:$0x1a]  }
0x74: {  	[tilespmem:s10], [sflag:$0x1] =	stream.indirect_vreg.gather [hbm4b:s2+s3], $0x80, v3, vm0, $0xb8;
	[tilespmem:$0x18100] =	vst v63  }
0x75: {  	s0 =	rddreg [dreg:$0x1b]  }
0x76: {  	[tilespmem:s0], [sflag:$0x1] =	stream.indirect_vreg.gather [hbm4b:s4+s3], $0x80, v3, vm0, $0xb8;
	[tilespmem:$0x18100] =	vst v63  }
0x77: {  	s10 =	rddreg [dreg:$0x1c]  }
0x78: {  	[tilespmem:s10], [sflag:$0x1] =	stream.indirect_vreg.gather [hbm4b:s5+s3], $0x80, v3, vm0, $0xb8;
	[tilespmem:$0x18100] =	vst v63  }
0x79: {  	v3 =	vld [tilespmem:$0x80];
	_ =	sdelay $0x4  }
0x7a: {  	v60 =	vshrl.u32 v3, $0x3  }
0x7b: {  	v4 =	vmul.u32 $0x30, v60  }
0x7c: {  	v3 =	vand.u32 $0x7, v3  }
0x7d: {  	v3 =	vor.u32 v3, v4  }
0x7e: {  	v4 =	vperm.xlane v3, v0;
	_ =	sdelay $0x1  }
0x7f: {  	v4 =	vadd.s32 v1, v4;
	_ =	sdelay $0x3  }
0x80: {  	v3 =	vperm.xlane v3, v2  }
0x81: {  	[tilespmem:s9], [sflag:$0x2] =	stream.indirect_vreg.gather [hbm4b:s2+s3], $0x80, v4, vm0, $0xb8;
	[tilespmem:$0x18100] =	vst v63  }
0x82: {  	s0 =	rddreg [dreg:$0x1d];
	v3 =	vadd.s32 v1, v3  }
0x83: {  	[tilespmem:s0], [sflag:$0x2] =	stream.indirect_vreg.gather [hbm4b:s4+s3], $0x80, v4, vm0, $0xb8;
	[tilespmem:$0x18100] =	vst v63  }
0x84: {  	s10 =	rddreg [dreg:$0x1e]  }
0x85: {  	[tilespmem:s10], [sflag:$0x2] =	stream.indirect_vreg.gather [hbm4b:s5+s3], $0x80, v4, vm0, $0xb8;
	[tilespmem:$0x18100] =	vst v63  }
0x86: {  	s0 =	rddreg [dreg:$0x1f]  }
0x87: {  	[tilespmem:s0], [sflag:$0x2] =	stream.indirect_vreg.gather [hbm4b:s2+s3], $0x80, v3, vm0, $0xb8;
	[tilespmem:$0x18100] =	vst v63  }
0x88: {  	s10 =	simm.s32 $0xE100  }
0x89: {  	[tilespmem:s10], [sflag:$0x2] =	stream.indirect_vreg.gather [hbm4b:s4+s3], $0x80, v3, vm0, $0xb8;
	[tilespmem:$0x18100] =	vst v63  }
0x8a: {  	_ = 	snop  }
0x8b: {  	[tilespmem:s11], [sflag:$0x2] =	stream.indirect_vreg.gather [hbm4b:s5+s3], $0x80, v3, vm0, $0xb8;
	[tilespmem:$0x18100] =	vst v63  }
0x8c: {  	v3 =	vld [tilespmem:$0x90];
	_ =	sdelay $0x4  }
0x8d: {  	v61 =	vshrl.u32 v3, $0x3  }
0x8e: {  	v4 =	vmul.u32 $0x30, v61  }
0x8f: {  	v3 =	vand.u32 $0x7, v3  }
0x90: {  	v3 =	vor.u32 v3, v4  }
0x91: {  	v4 =	vperm.xlane v3, v0;
	_ =	sdelay $0x1  }
0x92: {  	v4 =	vadd.s32 v1, v4;
	_ =	sdelay $0x3  }
0x93: {  	v3 =	vperm.xlane v3, v2  }
0x94: {  	[tilespmem:s12], [sflag:$0x2] =	stream.indirect_vreg.gather [hbm4b:s2+s3], $0x80, v4, vm0, $0xb8;
	[tilespmem:$0x18100] =	vst v63  }
0x95: {  	v3 =	vadd.s32 v1, v3  }
0x96: {  	[tilespmem:s13], [sflag:$0x2] =	stream.indirect_vreg.gather [hbm4b:s4+s3], $0x80, v4, vm0, $0xb8;
	[tilespmem:$0x18100] =	vst v63  }
0x97: {  	_ = 	snop  }
0x98: {  	[tilespmem:s14], [sflag:$0x2] =	stream.indirect_vreg.gather [hbm4b:s5+s3], $0x80, v4, vm0, $0xb8;
	[tilespmem:$0x18100] =	vst v63  }
0x99: {  	_ = 	snop  }
0x9a: {  	[tilespmem:s15], [sflag:$0x2] =	stream.indirect_vreg.gather [hbm4b:s2+s3], $0x80, v3, vm0, $0xb8;
	[tilespmem:$0x18100] =	vst v63  }
0x9b: {  	_ = 	snop  }
0x9c: {  	[tilespmem:s16], [sflag:$0x2] =	stream.indirect_vreg.gather [hbm4b:s4+s3], $0x80, v3, vm0, $0xb8;
	[tilespmem:$0x18100] =	vst v63  }
0x9d: {  	_ = 	snop  }
0x9e: {  	[tilespmem:s17], [sflag:$0x2] =	stream.indirect_vreg.gather [hbm4b:s5+s3], $0x80, v3, vm0, $0xb8;
	[tilespmem:$0x18100] =	vst v63  }
0x9f: {  	v3 =	vld [tilespmem:$0xA0];
	_ =	sdelay $0x4  }
0xa0: {  	v62 =	vshrl.u32 v3, $0x3  }
0xa1: {  	v4 =	vmul.u32 $0x30, v62  }
0xa2: {  	v3 =	vand.u32 $0x7, v3  }
0xa3: {  	v3 =	vor.u32 v3, v4  }
0xa4: {  	v4 =	vperm.xlane v3, v0;
	_ =	sdelay $0x1  }
0xa5: {  	v4 =	vadd.s32 v1, v4;
	_ =	sdelay $0x3  }
0xa6: {  	v3 =	vperm.xlane v3, v2  }
0xa7: {  	[tilespmem:s18], [sflag:$0x2] =	stream.indirect_vreg.gather [hbm4b:s2+s3], $0x80, v4, vm0, $0xb8;
	[tilespmem:$0x18100] =	vst v63  }
0xa8: {  	v3 =	vadd.s32 v1, v3  }
0xa9: {  	[tilespmem:s19], [sflag:$0x2] =	stream.indirect_vreg.gather [hbm4b:s4+s3], $0x80, v4, vm0, $0xb8;
	[tilespmem:$0x18100] =	vst v63  }
0xaa: {  	_ = 	snop  }
0xab: {  	[tilespmem:s20], [sflag:$0x2] =	stream.indirect_vreg.gather [hbm4b:s5+s3], $0x80, v4, vm0, $0xb8;
	[tilespmem:$0x18100] =	vst v63  }
0xac: {  	_ = 	snop  }
0xad: {  	[tilespmem:s21], [sflag:$0x2] =	stream.indirect_vreg.gather [hbm4b:s2+s3], $0x80, v3, vm0, $0xb8;
	[tilespmem:$0x18100] =	vst v63  }
0xae: {  	_ = 	snop  }
0xaf: {  	[tilespmem:s22], [sflag:$0x2] =	stream.indirect_vreg.gather [hbm4b:s4+s3], $0x80, v3, vm0, $0xb8;
	[tilespmem:$0x18100] =	vst v63  }
0xb0: {  	_ = 	snop  }
0xb1: {  	[tilespmem:s23], [sflag:$0x2] =	stream.indirect_vreg.gather [hbm4b:s5+s3], $0x80, v3, vm0, $0xb8;
	[tilespmem:$0x18100] =	vst v63  }
0xb2: {  	v3 =	vld [tilespmem:$0xB0];
	_ =	sdelay $0x4  }
0xb3: {  	v63 =	vshrl.u32 v3, $0x3  }
0xb4: {  	v4 =	vmul.u32 $0x30, v63  }
0xb5: {  	v3 =	vand.u32 $0x7, v3  }
0xb6: {  	v3 =	vor.u32 v3, v4  }
0xb7: {  	v4 =	vperm.xlane v3, v0;
	_ =	sdelay $0x1  }
0xb8: {  	v4 =	vadd.s32 v1, v4;
	_ =	sdelay $0x3  }
0xb9: {  	v3 =	vperm.xlane v3, v2  }
0xba: {  	[tilespmem:s24], [sflag:$0x2] =	stream.indirect_vreg.gather [hbm4b:s2+s3], $0x80, v4, vm0, $0xb8;
	[tilespmem:$0x18100] =	vst v63  }
0xbb: {  	v3 =	vadd.s32 v1, v3  }
0xbc: {  	[tilespmem:s25], [sflag:$0x2] =	stream.indirect_vreg.gather [hbm4b:s4+s3], $0x80, v4, vm0, $0xb8;
	[tilespmem:$0x18100] =	vst v63  }
0xbd: {  	_ = 	snop  }
0xbe: {  	[tilespmem:s26], [sflag:$0x2] =	stream.indirect_vreg.gather [hbm4b:s5+s3], $0x80, v4, vm0, $0xb8;
	[tilespmem:$0x18100] =	vst v63  }
0xbf: {  	_ = 	snop  }
0xc0: {  	[tilespmem:s28], [sflag:$0x2] =	stream.indirect_vreg.gather [hbm4b:s2+s3], $0x80, v3, vm0, $0xb8;
	[tilespmem:$0x18100] =	vst v63  }
0xc1: {  	_ = 	snop  }
0xc2: {  	[tilespmem:s29], [sflag:$0x2] =	stream.indirect_vreg.gather [hbm4b:s4+s3], $0x80, v3, vm0, $0xb8;
	[tilespmem:$0x18100] =	vst v63  }
0xc3: {  	_ = 	snop  }
0xc4: {  	[tilespmem:s30], [sflag:$0x2] =	stream.indirect_vreg.gather [hbm4b:s5+s3], $0x80, v3, vm0, $0xb8;
	[tilespmem:$0x18100] =	vst v63  }
0xc5: {  	_ =	swait.ge [sflag:s31], $0xC000  }
0xc6: {  	[sflag:s31] =	ssyncset.done $0x0  }
0xc7: {  	s10 =	rddreg [dreg:$0x4];
	[sflag:s31] =	ssyncadd.s32 $0xFFFF4000  }
0xc8: {  	[hbm4b:s10+s3] =	stream.linear.scatter [tilespmem:s8], [sflag:$0x3], $0xC000, $0x38;
	[tilespmem:$0x18100] =	vst v63  }
0xc9: {  	_ =	swait.ge [sflag:s7], $0xC000  }
0xca: {  	[sflag:s7] =	ssyncset.done $0x0  }
0xcb: {  	[sflag:s7] =	ssyncadd.s32 $0xFFFF4000  }
0xcc: {  	_ =	swait.ge [sflag:s1], $0xC000  }
0xcd: {  	p0 =	sne.s32 s6, $0x1;
	[sflag:s1] =	ssyncset.done $0x0  }
.Ltmp0:
0xce: {  	s10 =	rddreg [dreg:$0x5];
	[sflag:s1] =	ssyncadd.s32 $0xFFFF4000;
	(pc) =	sbr.rel @p0 .LBB2_1-.Ltmp0, $4  }
0xcf: {  	[hbm4b:s10+s3] =	stream.linear.scatter [tilespmem:s9], [sflag:$0x3], $0xC000, $0x38;
	[tilespmem:$0x18100] =	vst v63  }
0xd0: {  	_ =	swait.ge [sflag:s7], $0xC000  }
0xd1: {  	[sflag:s7] =	ssyncset.done $0x0  }
0xd2: {  	s6 =	sadd.s32 $0xFFFFFFFF, s6;
	[sflag:s7] =	ssyncadd.s32 $0xFFFF4000  }
0xd3: {  	_ =	sfence.sel $0x180000  }
0xd4: {  	[bflag:$0x0] =	sbarrier.arrive $0xFFFF  }
0xd5: {  	_ =	strace $0x9000004A  }
0xd6: {  	s0 =	stileid.u32;
	[bflag:$0x2] =	sbarrier.arrive $0xFFFF  }
0xd7: {  	p0 =	sne.s32 s0, $0x0;
	s0 =	rddreg [dreg:$0x2]  }
0xd8: {  	s0 =	sadd.s32 @!p0 $0x100000, s0  }
0xd9: {  	[sflag:s0] =	ssyncadd.tile.s32 @!p0 $0x1;
	_ =	shalt  }
.Lfunc_end2:
_tile_overlayer_lowered:
.L_overlay_start_2:
0xda: {  	(tag) =	ssettag $0x2  }
0xdb: {  	s0 =	rddreg [dreg:$0x0];
	s2 =	stileid.u32  }
0xdc: {  	s1 =	rddreg [dreg:$0x1];
	p0 =	sne.s32 s2, $0x0  }
0xdd: {  	s3 =	rddreg [dreg:$0x2];
	[bflag:$0x3] =	sbarrier.arrive $0xFFFF;
	s2 =	simm.s32 @!p0 $0x1C03  }
0xde: {  	[timem:s3], [sflag:s2] =	dma.local @!p0 [hbm:s0], s1  }
0xdf: {  	s0 =	simm.s32 @!p0 $0x3  }
0xe0: {  	_ =	swait.ge @!p0 [sflag:s0], s1  }
0xe1: {  	s1 =	ssub.s32 @!p0 $0x0, s1;
	[sflag:s0] =	ssyncset.done @!p0 $0x0  }
0xe2: {  	[sflag:s0] =	ssyncadd.s32 @!p0 s1  }
0xe3: {  	[bflag:$0x3] =	sbarrier.arrive $0xFFFF  }
0xe4: {  	_ =	shalt  }

// kernel: kernel.24.cloned.1.call-start
scs
__scs_entry_jumppad:
0x0: {  	(pc) =	sbr.rel $0x88, $3  }
0x1: {  	(tag) =	ssettag $0x0;
	lr =	simm.s32 $0x1  }
0x2: {  	[smem:$0x3F9A] =	sst lr;
	_ =	strace $0xD0000000  }
0x3: {  	_ = 	snop  }
0x4: {  	_ = 	snop  }
0x5: {  	_ = 	snop  }
0x6: {  	_ = 	snop  }
0x7: {  	_ = 	snop  }
__scs_overlays_trampoline_lowered:
0x8: {  	[smem:$0x3FA9] =	sst s0  }
0x9: {  	[smem:$0x3FAA] =	sst s1  }
0xa: {  	[smem:$0x3FAB] =	sst s2  }
0xb: {  	[smem:$0x3FAC] =	sst s3  }
0xc: {  	[smem:$0x3FAD] =	sst s4  }
0xd: {  	[smem:$0x3FAE] =	sst s5  }
0xe: {  	[smem:$0x3FAF] =	sst s6  }
0xf: {  	[smem:$0x3FB0] =	sst s7  }
0x10: {  	[smem:$0x3FB1] =	sst s8  }
0x11: {  	[smem:$0x3FB2] =	sst s9;
	s0 =	simm.s32 @!p0 $0x0  }
0x12: {  	s1 =	sld [smem:$0x3F98];
	s0 =	simm.s32 @p0 $0x1  }
0x13: {  	[smem:$0x3FB3] =	sst s0;
	s0 =	simm.s32 @!p1 $0x0  }
0x14: {  	s2 =	sld [smem:$0x3F97];
	s0 =	simm.s32 @p1 $0x1  }
0x15: {  	[smem:$0x3FB4] =	sst s0;
	s0 =	simm.s32 @!p2 $0x0  }
0x16: {  	s3 =	sld [smem:$0x3FDB];
	s0 =	simm.s32 @p2 $0x1  }
0x17: {  	s4 =	simm.s32 $0x1BF5;
	[smem:$0x3FB6] =	sst s0  }
0x18: {  	s0 =	sld [smem:$0x3F99];
	_ =	swait.ge [sflag:s4], $0x0  }
0x19: {  	s7 =	sld [smem:$0x3F9A]  }
0x1a: {  	s8 =	sadd.s32 $0xFFFFE003, lr  }
0x1b: {  	s9 =	sadd.s32 $0xFFFFFEF7, lr;
	s5 =	simm.s32 $0xFFFFFFFF;
	p2 =	slt.u32 s8, $0xFFFFF086  }
0x1c: {  	p1 =	slt.u32 s9, $0xF7A;
	s5 =	simm.s32 @!p2 $0x0  }
0x1d: {  	s5 =	simm.s32 @p1 $0x1;
	p0 =	seq.s32 s7, s2  }
0x1e: {  	s7 =	smul.u32 @!p0 $0xF7A, s2;
	p2 =	seq.s32 @!p0 s5, $0x0  }
0x1f: {  	s9 =	smul.u32 $0xF7A, s1;
	s8 =	simm.s32 @!p0 $0x1BF5;
	p2 =	por !p2, p0  }
0x20: {  	[sflag:s8] =	ssyncset.s32 @!p0 $0xFFFFF086;
	s6 =	sadd.s32 @!p0 s3, s7;
	s7 =	simm.s32 @!p0 $0x108  }
0x21: {  	s3 =	sadd.s32 s3, s9;
	s6 =	sadd.s32 @!p0 $0x88, s6;
	s7 =	simm.s32 @p2 $0x1082  }
0x22: {  	[simem:s7], [sflag:s8] =	dma.local @!p0 [hbm:s6], $0xF7A  }
0x23: {  	s9 =	sor.u32 $0xD0000000, s2;
	s6 =	simm.s32 $0x108;
	_ =	swait.ge @!p0 [sflag:s8], $0x0  }
0x24: {  	s3 =	sadd.s32 $0x88, s3;
	s6 =	simm.s32 @!p1 $0x1082;
	[sflag:s4] =	ssyncset.s32 $0xFFFFF086  }
0x25: {  	[simem:s6], [sflag:s4] =	dma.local [hbm:s3], $0xF7A  }
0x26: {  	[smem:$0x3F9A] =	sst s1;
	(tag) =	ssettag s2;
	_ =	strace s9  }
0x27: {  	s1 =	sld [smem:$0x3FAA]  }
0x28: {  	s2 =	sld [smem:$0x3FAB]  }
0x29: {  	s4 =	sld [smem:$0x3FAD]  }
0x2a: {  	p0 =	seq.s32 s5, $0x0;
	s5 =	sld [smem:$0x3FAE]  }
0x2b: {  	s6 =	sld [smem:$0x3FAF]  }
0x2c: {  	s7 =	sld [smem:$0x3FB0]  }
0x2d: {  	s3 =	simm.s32 $0x108;
	s8 =	sld [smem:$0x3FB1]  }
0x2e: {  	s3 =	simm.s32 @!p0 $0x1082;
	s9 =	sld [smem:$0x3FB2]  }
0x2f: {  	lr =	sadd.s32 s0, s3;
	s0 =	sld [smem:$0x3FA9]  }
0x30: {  	s3 =	sld [smem:$0x3FAC]  }
0x31: {  	[smem:$0x3FB5] =	sst s10  }
0x32: {  	s10 =	sld [smem:$0x3FB3];
	_ =	sdelay $0x3  }
0x33: {  	p0 =	seq.s32 s10, $0x1;
	s10 =	sld [smem:$0x3FB5];
	_ =	sdelay $0x3  }
0x34: {  	[smem:$0x3FB5] =	sst s10  }
0x35: {  	s10 =	sld [smem:$0x3FB4];
	_ =	sdelay $0x3  }
0x36: {  	p1 =	seq.s32 s10, $0x1;
	s10 =	sld [smem:$0x3FB5];
	_ =	sdelay $0x3  }
0x37: {  	[smem:$0x3FB5] =	sst s10  }
0x38: {  	s10 =	sld [smem:$0x3FB6]  }
0x39: {  	_ = 	snop;
	(pc) =	sbr.ind lr, $3  }
0x3a: {  	_ = 	snop  }
0x3b: {  	_ = 	snop  }
0x3c: {  	p2 =	seq.s32 s10, $0x1;
	s10 =	sld [smem:$0x3FB5]  }
0x3d: {  	_ =	shalt  }
0x3e: {  	_ =	shalt  }
0x3f: {  	_ =	shalt  }
0x40: {  	_ =	shalt  }
0x41: {  	_ =	shalt  }
0x42: {  	_ =	shalt  }
0x43: {  	_ =	shalt  }
0x44: {  	_ =	shalt  }
0x45: {  	_ =	shalt  }
0x46: {  	_ =	shalt  }
0x47: {  	_ =	shalt  }
0x48: {  	_ =	shalt  }
0x49: {  	_ =	shalt  }
0x4a: {  	_ =	shalt  }
0x4b: {  	_ =	shalt  }
0x4c: {  	_ =	shalt  }
0x4d: {  	_ =	shalt  }
0x4e: {  	_ =	shalt  }
0x4f: {  	_ =	shalt  }
0x50: {  	_ =	shalt  }
0x51: {  	_ =	shalt  }
0x52: {  	_ =	shalt  }
0x53: {  	_ =	shalt  }
0x54: {  	_ =	shalt  }
0x55: {  	_ =	shalt  }
0x56: {  	_ =	shalt  }
0x57: {  	_ =	shalt  }
0x58: {  	_ =	shalt  }
0x59: {  	_ =	shalt  }
0x5a: {  	_ =	shalt  }
0x5b: {  	_ =	shalt  }
0x5c: {  	_ =	shalt  }
0x5d: {  	_ =	shalt  }
0x5e: {  	_ =	shalt  }
0x5f: {  	_ =	shalt  }
0x60: {  	_ =	shalt  }
0x61: {  	_ =	shalt  }
0x62: {  	_ =	shalt  }
0x63: {  	_ =	shalt  }
0x64: {  	_ =	shalt  }
0x65: {  	_ =	shalt  }
0x66: {  	_ =	shalt  }
0x67: {  	_ =	shalt  }
0x68: {  	_ =	shalt  }
0x69: {  	_ =	shalt  }
0x6a: {  	_ =	shalt  }
0x6b: {  	_ =	shalt  }
0x6c: {  	_ =	shalt  }
0x6d: {  	_ =	shalt  }
0x6e: {  	_ =	shalt  }
0x6f: {  	_ =	shalt  }
0x70: {  	_ =	shalt  }
0x71: {  	_ =	shalt  }
0x72: {  	_ =	shalt  }
0x73: {  	_ =	shalt  }
0x74: {  	_ =	shalt  }
0x75: {  	_ =	shalt  }
0x76: {  	_ =	shalt  }
0x77: {  	_ =	shalt  }
0x78: {  	_ =	shalt  }
0x79: {  	_ =	shalt  }
0x7a: {  	_ =	shalt  }
0x7b: {  	_ =	shalt  }
0x7c: {  	_ =	shalt  }
0x7d: {  	_ =	shalt  }
0x7e: {  	_ =	shalt  }
0x7f: {  	_ =	shalt  }
0x80: {  	_ =	shalt  }
0x81: {  	_ =	shalt  }
0x82: {  	_ =	shalt  }
0x83: {  	_ =	shalt  }
0x84: {  	_ =	shalt  }
0x85: {  	_ =	shalt  }
0x86: {  	_ =	shalt  }
0x87: {  	_ =	shalt  }
.Lfunc_end0:
.L_simem_size_0:
called_computation.2_lowered:
.L_overlay_start_0:
0x88: {  	s2 =	sld [smem:$0x3FD9]  }
0x89: {  	s3 =	sld [smem:$0x3FFE];
	_ =	sdelay $0x1  }
0x8a: {  	s1 =	srdreg.scid  }
0x8b: {  	s0 =	sand.u32 $0x1, s1  }
0x8c: {  	s17 =	sshll.u32 s0, $0xA;
	s2 =	sadd.s32 s3, s2  }
0x8d: {  	s2 =	sadd.s32 s2, s17  }
0x8e: {  	[smem:$0x3FC1] =	sst s2  }
0x8f: {  	_ = 	snop  }
0x90: {  	s18 =	sld [smem:$0x3FC7];
	(tm) =	ssettm $0x1  }
0x91: {  	s19 =	sld [smem:$0x3FFB];
	_ =	sdelay $0x3  }
0x92: {  	_ =	strace s19  }
0x93: {  	s2 =	sld [smem:$0x3FFC];
	_ =	sdelay $0x3  }
0x94: {  	_ =	strace s2  }
0x95: {  	s2 =	sld [smem:$0x3FFD];
	_ =	sdelay $0x3  }
0x96: {  	_ =	strace s2  }
0x97: {  	_ =	strace $0x8FFFFFFF  }
0x98: {  	s20 =	sld [smem:$0x3FDB];
	_ =	sdelay $0x1  }
0x99: {  	s4 =	simm.s32 $_scs_section_size  }
0x9a: {  	s5 =	simm.s32 $_size__tile_overlayer_lowered;
	s6 =	simm.s32 $_tile_overlayer_lowered  }
0x9b: {  	s7 =	simm.s32 $0x1BFF;
	s21 =	sshll.u32 s6, $0x1;
	s4 =	sadd.s32 s4, s20  }
0x9c: {  	s22 =	simm.s32 $0x0;
	s5 =	sshll.u32 s5, $0x1;
	s6 =	sadd.s32 s21, s4  }
0x9d: {  	[timem:s22], [sflag:s7] =	dma.local [hbm:s6], s5  }
0x9e: {  	_ =	swait.ge [sflag:s7], s5  }
0x9f: {  	s5 =	ssub.s32 $0x0, s5;
	[sflag:s7] =	ssyncset.done $0x0  }
0xa0: {  	[sflag:s7] =	ssyncadd.s32 s5;
	_ =	sdelay $0x1  }
0xa1: {  	s23 =	simm.s32 $0x1B8B  }
0xa2: {  	_ =	swait.ge [sflag:s23], $0x1  }
0xa3: {  	[sflag:s23] =	ssyncset.done $0x0  }
0xa4: {  	[sflag:s23] =	ssyncadd.s32 $0xFFFFFFFF  }
0xa5: {  	s5 =	sld [smem:$0x0]  }
0xa6: {  	s6 =	sand.u32 $0xFFFFFFFE, s1  }
0xa7: {  	p0 =	sne.s32 s1, s6  }
0xa8: {  	s6 =	sshll.u32 @p0 s6, $0xE  }
0xa9: {  	s6 =	sadd.s32 @p0 $0x11B8D, s6;
	s7 =	sshll.u32 @p0 s5, $0x11  }
0xaa: {  	s6 =	sor.u32 @p0 s7, s6  }
0xab: {  	[sflag:s6] =	ssyncadd.remote.s32 @p0 $0x1;
	_ =	sdelay $0x1  }
0xac: {  	s6 =	simm.s32 @p0 $0x1B8D  }
0xad: {  	_ =	swait.eq @p0 [sflag:s6], $0x1  }
0xae: {  	[sflag:s6] =	ssyncadd.s32 @p0 $0xFFFFFFFF  }
0xaf: {  	s7 =	sshll.u32 @!p0 s1, $0xE  }
0xb0: {  	s7 =	sor.u32 @!p0 $0x4000, s7;
	s6 =	simm.s32 @!p0 $0x1B8D  }
0xb1: {  	s5 =	sshll.u32 @!p0 s5, $0x11;
	s7 =	sadd.s32 @!p0 $0x11B8D, s7;
	_ =	swait.eq @!p0 [sflag:s6], $0x1  }
0xb2: {  	s5 =	sor.u32 @!p0 s5, s7;
	[sflag:s6] =	ssyncadd.s32 @!p0 $0xFFFFFFFF  }
0xb3: {  	s25 =	simm.s32 $0x1B8E;
	s24 =	sld [smem:$0x3FFE];
	[sflag:s5] =	ssyncadd.remote.s32 @!p0 $0x1  }
0xb4: {  	s26 =	simm.s32 $execute0_lowered;
	[smem:$0x3FD2] =	sst s25  }
0xb5: {  	s6 =	sshll.u32 s26, $0x1;
	_ =	strace $0x8000004C;
	[dreg:$0x1] =	wrdreg $0xFFFFFFFF  }
0xb6: {  	s28 =	simm.s32 $_size_execute0_lowered;
	s4 =	sadd.s32 s4, s6;
	[dreg:$0x0] =	wrdreg $0x0  }
0xb7: {  	s6 =	sshll.u32 s28, $0x1;
	[dreg:$0x2] =	wrdreg s4  }
0xb8: {  	[dreg:$0x3] =	wrdreg s6  }
0xb9: {  	[dreg:$0x4] =	wrdreg $0xC0  }
0xba: {  	_ =	task [dreg:s22], $0x5FFFF  }
0xbb: {  	[dreg:$0x1] =	wrdreg $0xFFFFFFFF  }
0xbc: {  	[dreg:$0x0] =	wrdreg $0x60  }
0xbd: {  	[dreg:$0x2] =	wrdreg s18  }
0xbe: {  	[dreg:$0x3] =	wrdreg s24  }
0xbf: {  	[dreg:$0x4] =	wrdreg $0xB  }
0xc0: {  	_ =	task.clear_ibuf [dreg:s22], $0x5FFFF;
	_ =	strace $0x9000004C  }
0xc1: {  	s29 =	simm.s32 $0xB;
	_ =	strace $0x8000004E  }
0xc2: {  	_ =	swait.ge [sflag:s29], $0x1  }
0xc3: {  	[sflag:s29] =	ssyncadd.s32 $0xFFFFFFFF  }
0xc4: {  	_ =	strace $0x9000004E  }
0xc5: {  	_ =	sfence  }
0xc6: {  	s30 =	sld [smem:$0x0];
	_ =	sdelay $0x2  }
0xc7: {  	s31 =	sshll.u32 s1, $0xD;
	s1 =	sshrl.u32 s1, $0x2  }
0xc8: {  	s4 =	sand.u32 $0x4000, s31;
	s1 =	sadd.s32 s1, s30  }
0xc9: {  	s0 =	sor.u32 s4, s0;
	s1 =	sshll.u32 s1, $0x11  }
0xca: {  	s0 =	sor.u32 s1, s0  }
0xcb: {  	s0 =	sadd.s32 $0x8F2B, s0  }
0xcc: {  	[sflag:s0] =	ssyncadd.remote.s32 $0x1  }
0xcd: {  	_ =	sfence.sel $0xFFFF  }
0xce: {  	[dreg:$0x0] =	wrdreg $0xFFFFFFFF;
	(pc) =	sbr.abs _section_cstart, $3  }
0xcf: {  	[dreg:$0x1] =	wrdreg $0xFFFFFFFF  }
0xd0: {  	_ =	task.clear_ibuf [dreg:s22], $0x2FFFF;
	_ =	strace $0x9FFFFFFF  }
0xd1: {  	(tm) =	ssettm $0x7FFFFFFF  }
tec
execute0_lowered:
.L_overlay_start_1:
0x0: {  	(tag) =	ssettag $0x1  }
0x1: {  	s2 =	rddreg [dreg:$0x0]  }
0x2: {  	s4 =	rddreg [dreg:$0x1];
	s3 =	simm.s32 $0x0  }
0x3: {  	s23 =	simm.s32 $0x900;
	[smem:$0x7FF] =	sst s3  }
0x4: {  	s24 =	simm.s32 $0x1100;
	_ =	strace $0x8000004D;
	[dreg:$0x6] =	wrdreg s23  }
0x5: {  	s25 =	simm.s32 $0x1900;
	[dreg:$0x7] =	wrdreg s24  }
0x6: {  	s0 =	stileid.u32;
	s26 =	simm.s32 $0x2100;
	[dreg:$0x8] =	wrdreg s25  }
0x7: {  	s5 =	sshll.u32 s0, $0x1;
	s0 =	simm.s32 $0x2900;
	[dreg:$0x9] =	wrdreg s26  }
0x8: {  	s8 =	simm.s32 $0x4900;
	[dreg:$0xa] =	wrdreg s0  }
0x9: {  	s9 =	simm.s32 $0x5100;
	[dreg:$0xe] =	wrdreg s8  }
0xa: {  	s10 =	simm.s32 $0x5900;
	[dreg:$0xf] =	wrdreg s9  }
0xb: {  	s11 =	simm.s32 $0x6100;
	[dreg:$0x10] =	wrdreg s10  }
0xc: {  	s12 =	simm.s32 $0x6900;
	[dreg:$0x11] =	wrdreg s11  }
0xd: {  	s13 =	simm.s32 $0x7100;
	[dreg:$0x12] =	wrdreg s12  }
0xe: {  	s14 =	simm.s32 $0x7900;
	[dreg:$0x13] =	wrdreg s13  }
0xf: {  	s1 =	srdreg.scid;
	s15 =	simm.s32 $0x8100;
	[dreg:$0x14] =	wrdreg s14  }
0x10: {  	s16 =	simm.s32 $0x8900;
	s17 =	simm.s32 $0x9100;
	[dreg:$0x15] =	wrdreg s15  }
0x11: {  	s18 =	simm.s32 $0x9900;
	s20 =	simm.s32 $0xA100;
	[dreg:$0x16] =	wrdreg s16  }
0x12: {  	s21 =	simm.s32 $0xA900;
	s22 =	simm.s32 $0xB100;
	[dreg:$0x17] =	wrdreg s17  }
0x13: {  	s28 =	simm.s32 $0x16900;
	s29 =	simm.s32 $0x17100;
	[dreg:$0x18] =	wrdreg s18  }
0x14: {  	s30 =	simm.s32 $0x17900;
	s1 =	sand.u32 $0x1, s1;
	[dreg:$0x19] =	wrdreg s20  }
0x15: {  	s31 =	simm.s32 $0x1;
	s5 =	sor.u32 s1, s5;
	[dreg:$0x1a] =	wrdreg s21  }
0x16: {  	s1 =	ssub.s32 $0x2, s1;
	[dreg:$0x1b] =	wrdreg s22;
	s23 =	simm.s32 $0xB900  }
0x17: {  	s24 =	simm.s32 $0xC900;
	s25 =	simm.s32 $0xD100;
	s8 =	simm.s32 $0x100  }
0x18: {  	s26 =	simm.s32 $0xD900;
	s9 =	simm.s32 $0xC100;
	s11 =	simm.s32 $0xE900  }
0x19: {  	s12 =	simm.s32 $0xF100;
	s13 =	simm.s32 $0xF900;
	s14 =	simm.s32 $0x10100  }
0x1a: {  	s15 =	simm.s32 $0x10900;
	s16 =	simm.s32 $0x11100;
	s17 =	simm.s32 $0x11900  }
0x1b: {  	s18 =	simm.s32 $0x12100;
	s20 =	simm.s32 $0x13100;
	[dreg:$0x1c] =	wrdreg s23  }
0x1c: {  	s21 =	simm.s32 $0x13900;
	s22 =	simm.s32 $0x14100;
	[dreg:$0x1d] =	wrdreg s24  }
0x1d: {  	s6 =	sshll.u32 s5, $0x5;
	s7 =	smul.u32 $0x18000, s5;
	[dreg:$0x1e] =	wrdreg s25  }
0x1e: {  	s5 =	smul.u32 $0x3000, s5;
	s19 =	sshrl.u32 s1, $0x1;
	[dreg:$0x1f] =	wrdreg s26  }
0x1f: {  	s23 =	simm.s32 $0x14900;
	s24 =	simm.s32 $0x15100;
	s6 =	sadd.s32 s6, s4  }
0x20: {  	s25 =	simm.s32 $0x15900;
	s4 =	sadd.s32 $0x66600, s4;
	s6 =	sadd.s32 $0x4E00, s6  }
0x21: {  	s26 =	simm.s32 $0x16100;
	s5 =	sadd.s32 s4, s5;
	[dreg:$0x3] =	wrdreg s6  }
0x22: {  	s1 =	ssub.s32 s1, s19;
	[dreg:$0x4] =	wrdreg s5;
	s5 =	simm.s32 $0x3100  }
0x23: {  	s7 =	sshrl.u32 s7, $0x3;
	s6 =	simm.s32 $0x3900;
	[dreg:$0xb] =	wrdreg s5  }
0x24: {  	s4 =	sadd.s32 s4, s7;
	s7 =	simm.s32 $0x4100;
	[dreg:$0xc] =	wrdreg s6  }
0x25: {  	v2 =	vlaneseq.u32;
	s19 =	simm.s32 $0x12900;
	s4 =	sadd.s32 $0x1800, s4;
	[dreg:$0xd] =	wrdreg s7  }
0x26: {  	vm0 =	vmmov $0xffff;
	v1 =	vshrl.u32 v2, $0x3;
	s5 =	sadd.s32 $0x200, s2;
	s6 =	smax.u32 s1, $0x1;
	s7 =	simm.s32 $0x3  }
0x27: {  	v0 =	vand.u32 $0x7, v2;
	v2 =	vor.u32 $0x8, v2;
	v1 =	vmul.u32 $0x8, v1;
	s1 =	simm.s32 $0x2;
	[dreg:$0x5] =	wrdreg s4;
	s4 =	sadd.s32 $0x100, s2  }
.LBB2_1:
0x28: {  	s0 =	rddreg [dreg:$0x3]  }
0x29: {  	[tilespmem:s3], [sflag:$0x3] =	stream.linear.gather [hbm4b:s0+s3], $0x100, $0x38;
	[tilespmem:$0x18100] =	vst v63  }
0x2a: {  	_ =	swait.ge [sflag:s7], $0x100  }
0x2b: {  	[sflag:s7] =	ssyncset.done $0x0  }
0x2c: {  	[sflag:s7] =	ssyncadd.s32 $0xFFFFFF00  }
0x2d: {  	v3 =	vld [tilespmem:$0x0];
	_ =	sdelay $0x4  }
0x2e: {  	v4 =	vshrl.u32 v3, $0x3  }
0x2f: {  	v4 =	vmul.u32 $0x30, v4  }
0x30: {  	v3 =	vand.u32 $0x7, v3  }
0x31: {  	v3 =	vor.u32 v3, v4  }
0x32: {  	v4 =	vperm.xlane v3, v0;
	_ =	sdelay $0x1  }
0x33: {  	v4 =	vadd.s32 v1, v4;
	_ =	sdelay $0x3  }
0x34: {  	v3 =	vperm.xlane v3, v2  }
0x35: {  	[tilespmem:s8], [sflag:$0x1] =	stream.indirect_vreg.gather [hbm4b:s2+s3], $0x80, v4, vm0, $0xb8;
	[tilespmem:$0x18100] =	vst v63  }
0x36: {  	s0 =	rddreg [dreg:$0x6];
	v3 =	vadd.s32 v1, v3  }
0x37: {  	[tilespmem:s0], [sflag:$0x1] =	stream.indirect_vreg.gather [hbm4b:s4+s3], $0x80, v4, vm0, $0xb8;
	[tilespmem:$0x18100] =	vst v63  }
0x38: {  	s10 =	rddreg [dreg:$0x7]  }
0x39: {  	[tilespmem:s10], [sflag:$0x1] =	stream.indirect_vreg.gather [hbm4b:s5+s3], $0x80, v4, vm0, $0xb8;
	[tilespmem:$0x18100] =	vst v63  }
0x3a: {  	s0 =	rddreg [dreg:$0x8]  }
0x3b: {  	[tilespmem:s0], [sflag:$0x1] =	stream.indirect_vreg.gather [hbm4b:s2+s3], $0x80, v3, vm0, $0xb8;
	[tilespmem:$0x18100] =	vst v63  }
0x3c: {  	s10 =	rddreg [dreg:$0x9]  }
0x3d: {  	[tilespmem:s10], [sflag:$0x1] =	stream.indirect_vreg.gather [hbm4b:s4+s3], $0x80, v3, vm0, $0xb8;
	[tilespmem:$0x18100] =	vst v63  }
0x3e: {  	s0 =	rddreg [dreg:$0xa]  }
0x3f: {  	[tilespmem:s0], [sflag:$0x1] =	stream.indirect_vreg.gather [hbm4b:s5+s3], $0x80, v3, vm0, $0xb8;
	[tilespmem:$0x18100] =	vst v63  }
0x40: {  	v3 =	vld [tilespmem:$0x10];
	_ =	sdelay $0x4  }
0x41: {  	v57 =	vshrl.u32 v3, $0x3  }
0x42: {  	v4 =	vmul.u32 $0x30, v57  }
0x43: {  	v3 =	vand.u32 $0x7, v3  }
0x44: {  	v3 =	vor.u32 v3, v4  }
0x45: {  	v4 =	vperm.xlane v3, v0;
	_ =	sdelay $0x1  }
0x46: {  	v4 =	vadd.s32 v1, v4;
	_ =	sdelay $0x3  }
0x47: {  	s0 =	rddreg [dreg:$0xb];
	v3 =	vperm.xlane v3, v2  }
0x48: {  	[tilespmem:s0], [sflag:$0x1] =	stream.indirect_vreg.gather [hbm4b:s2+s3], $0x80, v4, vm0, $0xb8;
	[tilespmem:$0x18100] =	vst v63  }
0x49: {  	s10 =	rddreg [dreg:$0xc];
	v3 =	vadd.s32 v1, v3  }
0x4a: {  	[tilespmem:s10], [sflag:$0x1] =	stream.indirect_vreg.gather [hbm4b:s4+s3], $0x80, v4, vm0, $0xb8;
	[tilespmem:$0x18100] =	vst v63  }
0x4b: {  	s0 =	rddreg [dreg:$0xd]  }
0x4c: {  	[tilespmem:s0], [sflag:$0x1] =	stream.indirect_vreg.gather [hbm4b:s5+s3], $0x80, v4, vm0, $0xb8;
	[tilespmem:$0x18100] =	vst v63  }
0x4d: {  	s10 =	rddreg [dreg:$0xe]  }
0x4e: {  	[tilespmem:s10], [sflag:$0x1] =	stream.indirect_vreg.gather [hbm4b:s2+s3], $0x80, v3, vm0, $0xb8;
	[tilespmem:$0x18100] =	vst v63  }
0x4f: {  	s0 =	rddreg [dreg:$0xf]  }
0x50: {  	[tilespmem:s0], [sflag:$0x1] =	stream.indirect_vreg.gather [hbm4b:s4+s3], $0x80, v3, vm0, $0xb8;
	[tilespmem:$0x18100] =	vst v63  }
0x51: {  	s10 =	rddreg [dreg:$0x10]  }
0x52: {  	[tilespmem:s10], [sflag:$0x1] =	stream.indirect_vreg.gather [hbm4b:s5+s3], $0x80, v3, vm0, $0xb8;
	[tilespmem:$0x18100] =	vst v63  }
0x53: {  	v3 =	vld [tilespmem:$0x20];
	_ =	sdelay $0x4  }
0x54: {  	v58 =	vshrl.u32 v3, $0x3  }
0x55: {  	v4 =	vmul.u32 $0x30, v58  }
0x56: {  	v3 =	vand.u32 $0x7, v3  }
0x57: {  	v3 =	vor.u32 v3, v4  }
0x58: {  	v4 =	vperm.xlane v3, v0;
	_ =	sdelay $0x1  }
0x59: {  	v4 =	vadd.s32 v1, v4;
	_ =	sdelay $0x3  }
0x5a: {  	s0 =	rddreg [dreg:$0x11];
	v3 =	vperm.xlane v3, v2  }
0x5b: {  	[tilespmem:s0], [sflag:$0x1] =	stream.indirect_vreg.gather [hbm4b:s2+s3], $0x80, v4, vm0, $0xb8;
	[tilespmem:$0x18100] =	vst v63  }
0x5c: {  	s10 =	rddreg [dreg:$0x12];
	v3 =	vadd.s32 v1, v3  }
0x5d: {  	[tilespmem:s10], [sflag:$0x1] =	stream.indirect_vreg.gather [hbm4b:s4+s3], $0x80, v4, vm0, $0xb8;
	[tilespmem:$0x18100] =	vst v63  }
0x5e: {  	s0 =	rddreg [dreg:$0x13]  }
0x5f: {  	[tilespmem:s0], [sflag:$0x1] =	stream.indirect_vreg.gather [hbm4b:s5+s3], $0x80, v4, vm0, $0xb8;
	[tilespmem:$0x18100] =	vst v63  }
0x60: {  	s10 =	rddreg [dreg:$0x14]  }
0x61: {  	[tilespmem:s10], [sflag:$0x1] =	stream.indirect_vreg.gather [hbm4b:s2+s3], $0x80, v3, vm0, $0xb8;
	[tilespmem:$0x18100] =	vst v63  }
0x62: {  	s0 =	rddreg [dreg:$0x15]  }
0x63: {  	[tilespmem:s0], [sflag:$0x1] =	stream.indirect_vreg.gather [hbm4b:s4+s3], $0x80, v3, vm0, $0xb8;
	[tilespmem:$0x18100] =	vst v63  }
0x64: {  	s10 =	rddreg [dreg:$0x16]  }
0x65: {  	[tilespmem:s10], [sflag:$0x1] =	stream.indirect_vreg.gather [hbm4b:s5+s3], $0x80, v3, vm0, $0xb8;
	[tilespmem:$0x18100] =	vst v63  }
0x66: {  	v3 =	vld [tilespmem:$0x30];
	_ =	sdelay $0x4  }
0x67: {  	v59 =	vshrl.u32 v3, $0x3  }
0x68: {  	v4 =	vmul.u32 $0x30, v59  }
0x69: {  	v3 =	vand.u32 $0x7, v3  }
0x6a: {  	v3 =	vor.u32 v3, v4  }
0x6b: {  	v4 =	vperm.xlane v3, v0;
	_ =	sdelay $0x1  }
0x6c: {  	v4 =	vadd.s32 v1, v4;
	_ =	sdelay $0x3  }
0x6d: {  	s0 =	rddreg [dreg:$0x17];
	v3 =	vperm.xlane v3, v2  }
0x6e: {  	[tilespmem:s0], [sflag:$0x1] =	stream.indirect_vreg.gather [hbm4b:s2+s3], $0x80, v4, vm0, $0xb8;
	[tilespmem:$0x18100] =	vst v63  }
0x6f: {  	s10 =	rddreg [dreg:$0x18];
	v3 =	vadd.s32 v1, v3  }
0x70: {  	[tilespmem:s10], [sflag:$0x1] =	stream.indirect_vreg.gather [hbm4b:s4+s3], $0x80, v4, vm0, $0xb8;
	[tilespmem:$0x18100] =	vst v63  }
0x71: {  	s0 =	rddreg [dreg:$0x19]  }
0x72: {  	[tilespmem:s0], [sflag:$0x1] =	stream.indirect_vreg.gather [hbm4b:s5+s3], $0x80, v4, vm0, $0xb8;
	[tilespmem:$0x18100] =	vst v63  }
0x73: {  	s10 =	rddreg [dreg:$0x1a]  }
0x74: {  	[tilespmem:s10], [sflag:$0x1] =	stream.indirect_vreg.gather [hbm4b:s2+s3], $0x80, v3, vm0, $0xb8;
	[tilespmem:$0x18100] =	vst v63  }
0x75: {  	s0 =	rddreg [dreg:$0x1b]  }
0x76: {  	[tilespmem:s0], [sflag:$0x1] =	stream.indirect_vreg.gather [hbm4b:s4+s3], $0x80, v3, vm0, $0xb8;
	[tilespmem:$0x18100] =	vst v63  }
0x77: {  	s10 =	rddreg [dreg:$0x1c]  }
0x78: {  	[tilespmem:s10], [sflag:$0x1] =	stream.indirect_vreg.gather [hbm4b:s5+s3], $0x80, v3, vm0, $0xb8;
	[tilespmem:$0x18100] =	vst v63  }
0x79: {  	v3 =	vld [tilespmem:$0x80];
	_ =	sdelay $0x4  }
0x7a: {  	v60 =	vshrl.u32 v3, $0x3  }
0x7b: {  	v4 =	vmul.u32 $0x30, v60  }
0x7c: {  	v3 =	vand.u32 $0x7, v3  }
0x7d: {  	v3 =	vor.u32 v3, v4  }
0x7e: {  	v4 =	vperm.xlane v3, v0;
	_ =	sdelay $0x1  }
0x7f: {  	v4 =	vadd.s32 v1, v4;
	_ =	sdelay $0x3  }
0x80: {  	v3 =	vperm.xlane v3, v2  }
0x81: {  	[tilespmem:s9], [sflag:$0x2] =	stream.indirect_vreg.gather [hbm4b:s2+s3], $0x80, v4, vm0, $0xb8;
	[tilespmem:$0x18100] =	vst v63  }
0x82: {  	s0 =	rddreg [dreg:$0x1d];
	v3 =	vadd.s32 v1, v3  }
0x83: {  	[tilespmem:s0], [sflag:$0x2] =	stream.indirect_vreg.gather [hbm4b:s4+s3], $0x80, v4, vm0, $0xb8;
	[tilespmem:$0x18100] =	vst v63  }
0x84: {  	s10 =	rddreg [dreg:$0x1e]  }
0x85: {  	[tilespmem:s10], [sflag:$0x2] =	stream.indirect_vreg.gather [hbm4b:s5+s3], $0x80, v4, vm0, $0xb8;
	[tilespmem:$0x18100] =	vst v63  }
0x86: {  	s0 =	rddreg [dreg:$0x1f]  }
0x87: {  	[tilespmem:s0], [sflag:$0x2] =	stream.indirect_vreg.gather [hbm4b:s2+s3], $0x80, v3, vm0, $0xb8;
	[tilespmem:$0x18100] =	vst v63  }
0x88: {  	s10 =	simm.s32 $0xE100  }
0x89: {  	[tilespmem:s10], [sflag:$0x2] =	stream.indirect_vreg.gather [hbm4b:s4+s3], $0x80, v3, vm0, $0xb8;
	[tilespmem:$0x18100] =	vst v63  }
0x8a: {  	_ = 	snop  }
0x8b: {  	[tilespmem:s11], [sflag:$0x2] =	stream.indirect_vreg.gather [hbm4b:s5+s3], $0x80, v3, vm0, $0xb8;
	[tilespmem:$0x18100] =	vst v63  }
0x8c: {  	v3 =	vld [tilespmem:$0x90];
	_ =	sdelay $0x4  }
0x8d: {  	v61 =	vshrl.u32 v3, $0x3  }
0x8e: {  	v4 =	vmul.u32 $0x30, v61  }
0x8f: {  	v3 =	vand.u32 $0x7, v3  }
0x90: {  	v3 =	vor.u32 v3, v4  }
0x91: {  	v4 =	vperm.xlane v3, v0;
	_ =	sdelay $0x1  }
0x92: {  	v4 =	vadd.s32 v1, v4;
	_ =	sdelay $0x3  }
0x93: {  	v3 =	vperm.xlane v3, v2  }
0x94: {  	[tilespmem:s12], [sflag:$0x2] =	stream.indirect_vreg.gather [hbm4b:s2+s3], $0x80, v4, vm0, $0xb8;
	[tilespmem:$0x18100] =	vst v63  }
0x95: {  	v3 =	vadd.s32 v1, v3  }
0x96: {  	[tilespmem:s13], [sflag:$0x2] =	stream.indirect_vreg.gather [hbm4b:s4+s3], $0x80, v4, vm0, $0xb8;
	[tilespmem:$0x18100] =	vst v63  }
0x97: {  	_ = 	snop  }
0x98: {  	[tilespmem:s14], [sflag:$0x2] =	stream.indirect_vreg.gather [hbm4b:s5+s3], $0x80, v4, vm0, $0xb8;
	[tilespmem:$0x18100] =	vst v63  }
0x99: {  	_ = 	snop  }
0x9a: {  	[tilespmem:s15], [sflag:$0x2] =	stream.indirect_vreg.gather [hbm4b:s2+s3], $0x80, v3, vm0, $0xb8;
	[tilespmem:$0x18100] =	vst v63  }
0x9b: {  	_ = 	snop  }
0x9c: {  	[tilespmem:s16], [sflag:$0x2] =	stream.indirect_vreg.gather [hbm4b:s4+s3], $0x80, v3, vm0, $0xb8;
	[tilespmem:$0x18100] =	vst v63  }
0x9d: {  	_ = 	snop  }
0x9e: {  	[tilespmem:s17], [sflag:$0x2] =	stream.indirect_vreg.gather [hbm4b:s5+s3], $0x80, v3, vm0, $0xb8;
	[tilespmem:$0x18100] =	vst v63  }
0x9f: {  	v3 =	vld [tilespmem:$0xA0];
	_ =	sdelay $0x4  }
0xa0: {  	v62 =	vshrl.u32 v3, $0x3  }
0xa1: {  	v4 =	vmul.u32 $0x30, v62  }
0xa2: {  	v3 =	vand.u32 $0x7, v3  }
0xa3: {  	v3 =	vor.u32 v3, v4  }
0xa4: {  	v4 =	vperm.xlane v3, v0;
	_ =	sdelay $0x1  }
0xa5: {  	v4 =	vadd.s32 v1, v4;
	_ =	sdelay $0x3  }
0xa6: {  	v3 =	vperm.xlane v3, v2  }
0xa7: {  	[tilespmem:s18], [sflag:$0x2] =	stream.indirect_vreg.gather [hbm4b:s2+s3], $0x80, v4, vm0, $0xb8;
	[tilespmem:$0x18100] =	vst v63  }
0xa8: {  	v3 =	vadd.s32 v1, v3  }
0xa9: {  	[tilespmem:s19], [sflag:$0x2] =	stream.indirect_vreg.gather [hbm4b:s4+s3], $0x80, v4, vm0, $0xb8;
	[tilespmem:$0x18100] =	vst v63  }
0xaa: {  	_ = 	snop  }
0xab: {  	[tilespmem:s20], [sflag:$0x2] =	stream.indirect_vreg.gather [hbm4b:s5+s3], $0x80, v4, vm0, $0xb8;
	[tilespmem:$0x18100] =	vst v63  }
0xac: {  	_ = 	snop  }
0xad: {  	[tilespmem:s21], [sflag:$0x2] =	stream.indirect_vreg.gather [hbm4b:s2+s3], $0x80, v3, vm0, $0xb8;
	[tilespmem:$0x18100] =	vst v63  }
0xae: {  	_ = 	snop  }
0xaf: {  	[tilespmem:s22], [sflag:$0x2] =	stream.indirect_vreg.gather [hbm4b:s4+s3], $0x80, v3, vm0, $0xb8;
	[tilespmem:$0x18100] =	vst v63  }
0xb0: {  	_ = 	snop  }
0xb1: {  	[tilespmem:s23], [sflag:$0x2] =	stream.indirect_vreg.gather [hbm4b:s5+s3], $0x80, v3, vm0, $0xb8;
	[tilespmem:$0x18100] =	vst v63  }
0xb2: {  	v3 =	vld [tilespmem:$0xB0];
	_ =	sdelay $0x4  }
0xb3: {  	v63 =	vshrl.u32 v3, $0x3  }
0xb4: {  	v4 =	vmul.u32 $0x30, v63  }
0xb5: {  	v3 =	vand.u32 $0x7, v3  }
0xb6: {  	v3 =	vor.u32 v3, v4  }
0xb7: {  	v4 =	vperm.xlane v3, v0;
	_ =	sdelay $0x1  }
0xb8: {  	v4 =	vadd.s32 v1, v4;
	_ =	sdelay $0x3  }
0xb9: {  	v3 =	vperm.xlane v3, v2  }
0xba: {  	[tilespmem:s24], [sflag:$0x2] =	stream.indirect_vreg.gather [hbm4b:s2+s3], $0x80, v4, vm0, $0xb8;
	[tilespmem:$0x18100] =	vst v63  }
0xbb: {  	v3 =	vadd.s32 v1, v3  }
0xbc: {  	[tilespmem:s25], [sflag:$0x2] =	stream.indirect_vreg.gather [hbm4b:s4+s3], $0x80, v4, vm0, $0xb8;
	[tilespmem:$0x18100] =	vst v63  }
0xbd: {  	_ = 	snop  }
0xbe: {  	[tilespmem:s26], [sflag:$0x2] =	stream.indirect_vreg.gather [hbm4b:s5+s3], $0x80, v4, vm0, $0xb8;
	[tilespmem:$0x18100] =	vst v63  }
0xbf: {  	_ = 	snop  }
0xc0: {  	[tilespmem:s28], [sflag:$0x2] =	stream.indirect_vreg.gather [hbm4b:s2+s3], $0x80, v3, vm0, $0xb8;
	[tilespmem:$0x18100] =	vst v63  }
0xc1: {  	_ = 	snop  }
0xc2: {  	[tilespmem:s29], [sflag:$0x2] =	stream.indirect_vreg.gather [hbm4b:s4+s3], $0x80, v3, vm0, $0xb8;
	[tilespmem:$0x18100] =	vst v63  }
0xc3: {  	_ = 	snop  }
0xc4: {  	[tilespmem:s30], [sflag:$0x2] =	stream.indirect_vreg.gather [hbm4b:s5+s3], $0x80, v3, vm0, $0xb8;
	[tilespmem:$0x18100] =	vst v63  }
0xc5: {  	_ =	swait.ge [sflag:s31], $0xC000  }
0xc6: {  	[sflag:s31] =	ssyncset.done $0x0  }
0xc7: {  	s10 =	rddreg [dreg:$0x4];
	[sflag:s31] =	ssyncadd.s32 $0xFFFF4000  }
0xc8: {  	[hbm4b:s10+s3] =	stream.linear.scatter [tilespmem:s8], [sflag:$0x3], $0xC000, $0x38;
	[tilespmem:$0x18100] =	vst v63  }
0xc9: {  	_ =	swait.ge [sflag:s7], $0xC000  }
0xca: {  	[sflag:s7] =	ssyncset.done $0x0  }
0xcb: {  	[sflag:s7] =	ssyncadd.s32 $0xFFFF4000  }
0xcc: {  	_ =	swait.ge [sflag:s1], $0xC000  }
0xcd: {  	p0 =	sne.s32 s6, $0x1;
	[sflag:s1] =	ssyncset.done $0x0  }
.Ltmp0:
0xce: {  	s10 =	rddreg [dreg:$0x5];
	[sflag:s1] =	ssyncadd.s32 $0xFFFF4000;
	(pc) =	sbr.rel @p0 .LBB2_1-.Ltmp0, $4  }
0xcf: {  	[hbm4b:s10+s3] =	stream.linear.scatter [tilespmem:s9], [sflag:$0x3], $0xC000, $0x38;
	[tilespmem:$0x18100] =	vst v63  }
0xd0: {  	_ =	swait.ge [sflag:s7], $0xC000  }
0xd1: {  	[sflag:s7] =	ssyncset.done $0x0  }
0xd2: {  	s6 =	sadd.s32 $0xFFFFFFFF, s6;
	[sflag:s7] =	ssyncadd.s32 $0xFFFF4000  }
0xd3: {  	_ =	sfence.sel $0x180000  }
0xd4: {  	[bflag:$0x0] =	sbarrier.arrive $0xFFFF  }
0xd5: {  	_ =	strace $0x9000004D  }
0xd6: {  	s0 =	stileid.u32;
	[bflag:$0x2] =	sbarrier.arrive $0xFFFF  }
0xd7: {  	p0 =	sne.s32 s0, $0x0;
	s0 =	rddreg [dreg:$0x2]  }
0xd8: {  	s0 =	sadd.s32 @!p0 $0x100000, s0  }
0xd9: {  	[sflag:s0] =	ssyncadd.tile.s32 @!p0 $0x1;
	_ =	shalt  }
.Lfunc_end2:
_tile_overlayer_lowered:
.L_overlay_start_2:
0xda: {  	(tag) =	ssettag $0x2  }
0xdb: {  	s0 =	rddreg [dreg:$0x0];
	s2 =	stileid.u32  }
0xdc: {  	s1 =	rddreg [dreg:$0x1];
	p0 =	sne.s32 s2, $0x0  }
0xdd: {  	s3 =	rddreg [dreg:$0x2];
	[bflag:$0x3] =	sbarrier.arrive $0xFFFF;
	s2 =	simm.s32 @!p0 $0x1C03  }
0xde: {  	[timem:s3], [sflag:s2] =	dma.local @!p0 [hbm:s0], s1  }
0xdf: {  	s0 =	simm.s32 @!p0 $0x3  }
0xe0: {  	_ =	swait.ge @!p0 [sflag:s0], s1  }
0xe1: {  	s1 =	ssub.s32 @!p0 $0x0, s1;
	[sflag:s0] =	ssyncset.done @!p0 $0x0  }
0xe2: {  	[sflag:s0] =	ssyncadd.s32 @!p0 s1  }
0xe3: {  	[bflag:$0x3] =	sbarrier.arrive $0xFFFF  }
0xe4: {  	_ =	shalt  }

// kernel: kernel.27.cloned.1.call-start
scs
__scs_entry_jumppad:
0x0: {  	(pc) =	sbr.rel $0x88, $3  }
0x1: {  	(tag) =	ssettag $0x0;
	lr =	simm.s32 $0x1  }
0x2: {  	[smem:$0x3F9A] =	sst lr;
	_ =	strace $0xD0000000  }
0x3: {  	_ = 	snop  }
0x4: {  	_ = 	snop  }
0x5: {  	_ = 	snop  }
0x6: {  	_ = 	snop  }
0x7: {  	_ = 	snop  }
__scs_overlays_trampoline_lowered:
0x8: {  	[smem:$0x3FA9] =	sst s0  }
0x9: {  	[smem:$0x3FAA] =	sst s1  }
0xa: {  	[smem:$0x3FAB] =	sst s2  }
0xb: {  	[smem:$0x3FAC] =	sst s3  }
0xc: {  	[smem:$0x3FAD] =	sst s4  }
0xd: {  	[smem:$0x3FAE] =	sst s5  }
0xe: {  	[smem:$0x3FAF] =	sst s6  }
0xf: {  	[smem:$0x3FB0] =	sst s7  }
0x10: {  	[smem:$0x3FB1] =	sst s8  }
0x11: {  	[smem:$0x3FB2] =	sst s9;
	s0 =	simm.s32 @!p0 $0x0  }
0x12: {  	s1 =	sld [smem:$0x3F98];
	s0 =	simm.s32 @p0 $0x1  }
0x13: {  	[smem:$0x3FB3] =	sst s0;
	s0 =	simm.s32 @!p1 $0x0  }
0x14: {  	s2 =	sld [smem:$0x3F97];
	s0 =	simm.s32 @p1 $0x1  }
0x15: {  	[smem:$0x3FB4] =	sst s0;
	s0 =	simm.s32 @!p2 $0x0  }
0x16: {  	s3 =	sld [smem:$0x3FDB];
	s0 =	simm.s32 @p2 $0x1  }
0x17: {  	s4 =	simm.s32 $0x1BF5;
	[smem:$0x3FB6] =	sst s0  }
0x18: {  	s0 =	sld [smem:$0x3F99];
	_ =	swait.ge [sflag:s4], $0x0  }
0x19: {  	s7 =	sld [smem:$0x3F9A]  }
0x1a: {  	s8 =	sadd.s32 $0xFFFFE003, lr  }
0x1b: {  	s9 =	sadd.s32 $0xFFFFFEF7, lr;
	s5 =	simm.s32 $0xFFFFFFFF;
	p2 =	slt.u32 s8, $0xFFFFF086  }
0x1c: {  	p1 =	slt.u32 s9, $0xF7A;
	s5 =	simm.s32 @!p2 $0x0  }
0x1d: {  	s5 =	simm.s32 @p1 $0x1;
	p0 =	seq.s32 s7, s2  }
0x1e: {  	s7 =	smul.u32 @!p0 $0xF7A, s2;
	p2 =	seq.s32 @!p0 s5, $0x0  }
0x1f: {  	s9 =	smul.u32 $0xF7A, s1;
	s8 =	simm.s32 @!p0 $0x1BF5;
	p2 =	por !p2, p0  }
0x20: {  	[sflag:s8] =	ssyncset.s32 @!p0 $0xFFFFF086;
	s6 =	sadd.s32 @!p0 s3, s7;
	s7 =	simm.s32 @!p0 $0x108  }
0x21: {  	s3 =	sadd.s32 s3, s9;
	s6 =	sadd.s32 @!p0 $0x88, s6;
	s7 =	simm.s32 @p2 $0x1082  }
0x22: {  	[simem:s7], [sflag:s8] =	dma.local @!p0 [hbm:s6], $0xF7A  }
0x23: {  	s9 =	sor.u32 $0xD0000000, s2;
	s6 =	simm.s32 $0x108;
	_ =	swait.ge @!p0 [sflag:s8], $0x0  }
0x24: {  	s3 =	sadd.s32 $0x88, s3;
	s6 =	simm.s32 @!p1 $0x1082;
	[sflag:s4] =	ssyncset.s32 $0xFFFFF086  }
0x25: {  	[simem:s6], [sflag:s4] =	dma.local [hbm:s3], $0xF7A  }
0x26: {  	[smem:$0x3F9A] =	sst s1;
	(tag) =	ssettag s2;
	_ =	strace s9  }
0x27: {  	s1 =	sld [smem:$0x3FAA]  }
0x28: {  	s2 =	sld [smem:$0x3FAB]  }
0x29: {  	s4 =	sld [smem:$0x3FAD]  }
0x2a: {  	p0 =	seq.s32 s5, $0x0;
	s5 =	sld [smem:$0x3FAE]  }
0x2b: {  	s6 =	sld [smem:$0x3FAF]  }
0x2c: {  	s7 =	sld [smem:$0x3FB0]  }
0x2d: {  	s3 =	simm.s32 $0x108;
	s8 =	sld [smem:$0x3FB1]  }
0x2e: {  	s3 =	simm.s32 @!p0 $0x1082;
	s9 =	sld [smem:$0x3FB2]  }
0x2f: {  	lr =	sadd.s32 s0, s3;
	s0 =	sld [smem:$0x3FA9]  }
0x30: {  	s3 =	sld [smem:$0x3FAC]  }
0x31: {  	[smem:$0x3FB5] =	sst s10  }
0x32: {  	s10 =	sld [smem:$0x3FB3];
	_ =	sdelay $0x3  }
0x33: {  	p0 =	seq.s32 s10, $0x1;
	s10 =	sld [smem:$0x3FB5];
	_ =	sdelay $0x3  }
0x34: {  	[smem:$0x3FB5] =	sst s10  }
0x35: {  	s10 =	sld [smem:$0x3FB4];
	_ =	sdelay $0x3  }
0x36: {  	p1 =	seq.s32 s10, $0x1;
	s10 =	sld [smem:$0x3FB5];
	_ =	sdelay $0x3  }
0x37: {  	[smem:$0x3FB5] =	sst s10  }
0x38: {  	s10 =	sld [smem:$0x3FB6]  }
0x39: {  	_ = 	snop;
	(pc) =	sbr.ind lr, $3  }
0x3a: {  	_ = 	snop  }
0x3b: {  	_ = 	snop  }
0x3c: {  	p2 =	seq.s32 s10, $0x1;
	s10 =	sld [smem:$0x3FB5]  }
0x3d: {  	_ =	shalt  }
0x3e: {  	_ =	shalt  }
0x3f: {  	_ =	shalt  }
0x40: {  	_ =	shalt  }
0x41: {  	_ =	shalt  }
0x42: {  	_ =	shalt  }
0x43: {  	_ =	shalt  }
0x44: {  	_ =	shalt  }
0x45: {  	_ =	shalt  }
0x46: {  	_ =	shalt  }
0x47: {  	_ =	shalt  }
0x48: {  	_ =	shalt  }
0x49: {  	_ =	shalt  }
0x4a: {  	_ =	shalt  }
0x4b: {  	_ =	shalt  }
0x4c: {  	_ =	shalt  }
0x4d: {  	_ =	shalt  }
0x4e: {  	_ =	shalt  }
0x4f: {  	_ =	shalt  }
0x50: {  	_ =	shalt  }
0x51: {  	_ =	shalt  }
0x52: {  	_ =	shalt  }
0x53: {  	_ =	shalt  }
0x54: {  	_ =	shalt  }
0x55: {  	_ =	shalt  }
0x56: {  	_ =	shalt  }
0x57: {  	_ =	shalt  }
0x58: {  	_ =	shalt  }
0x59: {  	_ =	shalt  }
0x5a: {  	_ =	shalt  }
0x5b: {  	_ =	shalt  }
0x5c: {  	_ =	shalt  }
0x5d: {  	_ =	shalt  }
0x5e: {  	_ =	shalt  }
0x5f: {  	_ =	shalt  }
0x60: {  	_ =	shalt  }
0x61: {  	_ =	shalt  }
0x62: {  	_ =	shalt  }
0x63: {  	_ =	shalt  }
0x64: {  	_ =	shalt  }
0x65: {  	_ =	shalt  }
0x66: {  	_ =	shalt  }
0x67: {  	_ =	shalt  }
0x68: {  	_ =	shalt  }
0x69: {  	_ =	shalt  }
0x6a: {  	_ =	shalt  }
0x6b: {  	_ =	shalt  }
0x6c: {  	_ =	shalt  }
0x6d: {  	_ =	shalt  }
0x6e: {  	_ =	shalt  }
0x6f: {  	_ =	shalt  }
0x70: {  	_ =	shalt  }
0x71: {  	_ =	shalt  }
0x72: {  	_ =	shalt  }
0x73: {  	_ =	shalt  }
0x74: {  	_ =	shalt  }
0x75: {  	_ =	shalt  }
0x76: {  	_ =	shalt  }
0x77: {  	_ =	shalt  }
0x78: {  	_ =	shalt  }
0x79: {  	_ =	shalt  }
0x7a: {  	_ =	shalt  }
0x7b: {  	_ =	shalt  }
0x7c: {  	_ =	shalt  }
0x7d: {  	_ =	shalt  }
0x7e: {  	_ =	shalt  }
0x7f: {  	_ =	shalt  }
0x80: {  	_ =	shalt  }
0x81: {  	_ =	shalt  }
0x82: {  	_ =	shalt  }
0x83: {  	_ =	shalt  }
0x84: {  	_ =	shalt  }
0x85: {  	_ =	shalt  }
0x86: {  	_ =	shalt  }
0x87: {  	_ =	shalt  }
.Lfunc_end0:
.L_simem_size_0:
called_computation.3_lowered:
.L_overlay_start_0:
0x88: {  	s2 =	sld [smem:$0x3FD9]  }
0x89: {  	s3 =	sld [smem:$0x3FFE];
	_ =	sdelay $0x1  }
0x8a: {  	s1 =	srdreg.scid  }
0x8b: {  	s0 =	sand.u32 $0x1, s1  }
0x8c: {  	s17 =	sshll.u32 s0, $0xA;
	s2 =	sadd.s32 s3, s2  }
0x8d: {  	s2 =	sadd.s32 s2, s17  }
0x8e: {  	[smem:$0x3FC1] =	sst s2  }
0x8f: {  	_ = 	snop  }
0x90: {  	s18 =	sld [smem:$0x3FC7];
	(tm) =	ssettm $0x1  }
0x91: {  	s19 =	sld [smem:$0x3FFB];
	_ =	sdelay $0x3  }
0x92: {  	_ =	strace s19  }
0x93: {  	s2 =	sld [smem:$0x3FFC];
	_ =	sdelay $0x3  }
0x94: {  	_ =	strace s2  }
0x95: {  	s2 =	sld [smem:$0x3FFD];
	_ =	sdelay $0x3  }
0x96: {  	_ =	strace s2  }
0x97: {  	_ =	strace $0x8FFFFFFF  }
0x98: {  	s20 =	sld [smem:$0x3FDB];
	_ =	sdelay $0x1  }
0x99: {  	s4 =	simm.s32 $_scs_section_size  }
0x9a: {  	s5 =	simm.s32 $_size__tile_overlayer_lowered;
	s6 =	simm.s32 $_tile_overlayer_lowered  }
0x9b: {  	s7 =	simm.s32 $0x1BFF;
	s21 =	sshll.u32 s6, $0x1;
	s4 =	sadd.s32 s4, s20  }
0x9c: {  	s22 =	simm.s32 $0x0;
	s5 =	sshll.u32 s5, $0x1;
	s6 =	sadd.s32 s21, s4  }
0x9d: {  	[timem:s22], [sflag:s7] =	dma.local [hbm:s6], s5  }
0x9e: {  	_ =	swait.ge [sflag:s7], s5  }
0x9f: {  	s5 =	ssub.s32 $0x0, s5;
	[sflag:s7] =	ssyncset.done $0x0  }
0xa0: {  	[sflag:s7] =	ssyncadd.s32 s5;
	_ =	sdelay $0x1  }
0xa1: {  	s23 =	simm.s32 $0x1B8B  }
0xa2: {  	_ =	swait.ge [sflag:s23], $0x1  }
0xa3: {  	[sflag:s23] =	ssyncset.done $0x0  }
0xa4: {  	[sflag:s23] =	ssyncadd.s32 $0xFFFFFFFF  }
0xa5: {  	s5 =	sld [smem:$0x0]  }
0xa6: {  	s6 =	sand.u32 $0xFFFFFFFE, s1  }
0xa7: {  	p0 =	sne.s32 s1, s6  }
0xa8: {  	s6 =	sshll.u32 @p0 s6, $0xE  }
0xa9: {  	s6 =	sadd.s32 @p0 $0x11B8D, s6;
	s7 =	sshll.u32 @p0 s5, $0x11  }
0xaa: {  	s6 =	sor.u32 @p0 s7, s6  }
0xab: {  	[sflag:s6] =	ssyncadd.remote.s32 @p0 $0x1;
	_ =	sdelay $0x1  }
0xac: {  	s6 =	simm.s32 @p0 $0x1B8D  }
0xad: {  	_ =	swait.eq @p0 [sflag:s6], $0x1  }
0xae: {  	[sflag:s6] =	ssyncadd.s32 @p0 $0xFFFFFFFF  }
0xaf: {  	s7 =	sshll.u32 @!p0 s1, $0xE  }
0xb0: {  	s7 =	sor.u32 @!p0 $0x4000, s7;
	s6 =	simm.s32 @!p0 $0x1B8D  }
0xb1: {  	s5 =	sshll.u32 @!p0 s5, $0x11;
	s7 =	sadd.s32 @!p0 $0x11B8D, s7;
	_ =	swait.eq @!p0 [sflag:s6], $0x1  }
0xb2: {  	s5 =	sor.u32 @!p0 s5, s7;
	[sflag:s6] =	ssyncadd.s32 @!p0 $0xFFFFFFFF  }
0xb3: {  	s25 =	simm.s32 $0x1B8E;
	s24 =	sld [smem:$0x3FFE];
	[sflag:s5] =	ssyncadd.remote.s32 @!p0 $0x1  }
0xb4: {  	s26 =	simm.s32 $execute0_lowered;
	[smem:$0x3FD2] =	sst s25  }
0xb5: {  	s6 =	sshll.u32 s26, $0x1;
	_ =	strace $0x8000004F;
	[dreg:$0x1] =	wrdreg $0xFFFFFFFF  }
0xb6: {  	s28 =	simm.s32 $_size_execute0_lowered;
	s4 =	sadd.s32 s4, s6;
	[dreg:$0x0] =	wrdreg $0x0  }
0xb7: {  	s6 =	sshll.u32 s28, $0x1;
	[dreg:$0x2] =	wrdreg s4  }
0xb8: {  	[dreg:$0x3] =	wrdreg s6  }
0xb9: {  	[dreg:$0x4] =	wrdreg $0xC0  }
0xba: {  	_ =	task [dreg:s22], $0x5FFFF  }
0xbb: {  	[dreg:$0x1] =	wrdreg $0xFFFFFFFF  }
0xbc: {  	[dreg:$0x0] =	wrdreg $0x60  }
0xbd: {  	[dreg:$0x2] =	wrdreg s18  }
0xbe: {  	[dreg:$0x3] =	wrdreg s24  }
0xbf: {  	[dreg:$0x4] =	wrdreg $0xC  }
0xc0: {  	_ =	task.clear_ibuf [dreg:s22], $0x5FFFF;
	_ =	strace $0x9000004F  }
0xc1: {  	s29 =	simm.s32 $0xC;
	_ =	strace $0x80000051  }
0xc2: {  	_ =	swait.ge [sflag:s29], $0x1  }
0xc3: {  	[sflag:s29] =	ssyncadd.s32 $0xFFFFFFFF  }
0xc4: {  	_ =	strace $0x90000051  }
0xc5: {  	_ =	sfence  }
0xc6: {  	s30 =	sld [smem:$0x0];
	_ =	sdelay $0x2  }
0xc7: {  	s31 =	sshll.u32 s1, $0xD;
	s1 =	sshrl.u32 s1, $0x2  }
0xc8: {  	s4 =	sand.u32 $0x4000, s31;
	s1 =	sadd.s32 s1, s30  }
0xc9: {  	s0 =	sor.u32 s4, s0;
	s1 =	sshll.u32 s1, $0x11  }
0xca: {  	s0 =	sor.u32 s1, s0  }
0xcb: {  	s0 =	sadd.s32 $0x8F2B, s0  }
0xcc: {  	[sflag:s0] =	ssyncadd.remote.s32 $0x1  }
0xcd: {  	_ =	sfence.sel $0xFFFF  }
0xce: {  	[dreg:$0x0] =	wrdreg $0xFFFFFFFF;
	(pc) =	sbr.abs _section_cstart, $3  }
0xcf: {  	[dreg:$0x1] =	wrdreg $0xFFFFFFFF  }
0xd0: {  	_ =	task.clear_ibuf [dreg:s22], $0x2FFFF;
	_ =	strace $0x9FFFFFFF  }
0xd1: {  	(tm) =	ssettm $0x7FFFFFFF  }
tec
execute0_lowered:
.L_overlay_start_1:
0x0: {  	(tag) =	ssettag $0x1  }
0x1: {  	s2 =	rddreg [dreg:$0x0]  }
0x2: {  	s4 =	rddreg [dreg:$0x1];
	s3 =	simm.s32 $0x0  }
0x3: {  	s23 =	simm.s32 $0x900;
	[smem:$0x7FF] =	sst s3  }
0x4: {  	s24 =	simm.s32 $0x1100;
	_ =	strace $0x80000050;
	[dreg:$0x6] =	wrdreg s23  }
0x5: {  	s25 =	simm.s32 $0x1900;
	[dreg:$0x7] =	wrdreg s24  }
0x6: {  	s0 =	stileid.u32;
	s26 =	simm.s32 $0x2100;
	[dreg:$0x8] =	wrdreg s25  }
0x7: {  	s5 =	sshll.u32 s0, $0x1;
	s0 =	simm.s32 $0x2900;
	[dreg:$0x9] =	wrdreg s26  }
0x8: {  	s8 =	simm.s32 $0x4900;
	[dreg:$0xa] =	wrdreg s0  }
0x9: {  	s9 =	simm.s32 $0x5100;
	[dreg:$0xe] =	wrdreg s8  }
0xa: {  	s10 =	simm.s32 $0x5900;
	[dreg:$0xf] =	wrdreg s9  }
0xb: {  	s11 =	simm.s32 $0x6100;
	[dreg:$0x10] =	wrdreg s10  }
0xc: {  	s12 =	simm.s32 $0x6900;
	[dreg:$0x11] =	wrdreg s11  }
0xd: {  	s13 =	simm.s32 $0x7100;
	[dreg:$0x12] =	wrdreg s12  }
0xe: {  	s14 =	simm.s32 $0x7900;
	[dreg:$0x13] =	wrdreg s13  }
0xf: {  	s1 =	srdreg.scid;
	s15 =	simm.s32 $0x8100;
	[dreg:$0x14] =	wrdreg s14  }
0x10: {  	s16 =	simm.s32 $0x8900;
	s17 =	simm.s32 $0x9100;
	[dreg:$0x15] =	wrdreg s15  }
0x11: {  	s18 =	simm.s32 $0x9900;
	s20 =	simm.s32 $0xA100;
	[dreg:$0x16] =	wrdreg s16  }
0x12: {  	s21 =	simm.s32 $0xA900;
	s22 =	simm.s32 $0xB100;
	[dreg:$0x17] =	wrdreg s17  }
0x13: {  	s28 =	simm.s32 $0x16900;
	s29 =	simm.s32 $0x17100;
	[dreg:$0x18] =	wrdreg s18  }
0x14: {  	s30 =	simm.s32 $0x17900;
	s1 =	sand.u32 $0x1, s1;
	[dreg:$0x19] =	wrdreg s20  }
0x15: {  	s31 =	simm.s32 $0x1;
	s5 =	sor.u32 s1, s5;
	[dreg:$0x1a] =	wrdreg s21  }
0x16: {  	s1 =	ssub.s32 $0x2, s1;
	[dreg:$0x1b] =	wrdreg s22;
	s23 =	simm.s32 $0xB900  }
0x17: {  	s24 =	simm.s32 $0xC900;
	s25 =	simm.s32 $0xD100;
	s8 =	simm.s32 $0x100  }
0x18: {  	s26 =	simm.s32 $0xD900;
	s9 =	simm.s32 $0xC100;
	s11 =	simm.s32 $0xE900  }
0x19: {  	s12 =	simm.s32 $0xF100;
	s13 =	simm.s32 $0xF900;
	s14 =	simm.s32 $0x10100  }
0x1a: {  	s15 =	simm.s32 $0x10900;
	s16 =	simm.s32 $0x11100;
	s17 =	simm.s32 $0x11900  }
0x1b: {  	s18 =	simm.s32 $0x12100;
	s20 =	simm.s32 $0x13100;
	[dreg:$0x1c] =	wrdreg s23  }
0x1c: {  	s21 =	simm.s32 $0x13900;
	s22 =	simm.s32 $0x14100;
	[dreg:$0x1d] =	wrdreg s24  }
0x1d: {  	s6 =	sshll.u32 s5, $0x5;
	s7 =	smul.u32 $0x18000, s5;
	[dreg:$0x1e] =	wrdreg s25  }
0x1e: {  	s5 =	smul.u32 $0x3000, s5;
	s19 =	sshrl.u32 s1, $0x1;
	[dreg:$0x1f] =	wrdreg s26  }
0x1f: {  	s23 =	simm.s32 $0x14900;
	s24 =	simm.s32 $0x15100;
	s6 =	sadd.s32 s6, s4  }
0x20: {  	s25 =	simm.s32 $0x15900;
	s4 =	sadd.s32 $0xC6600, s4;
	s6 =	sadd.s32 $0x5200, s6  }
0x21: {  	s26 =	simm.s32 $0x16100;
	s5 =	sadd.s32 s4, s5;
	[dreg:$0x3] =	wrdreg s6  }
0x22: {  	s1 =	ssub.s32 s1, s19;
	[dreg:$0x4] =	wrdreg s5;
	s5 =	simm.s32 $0x3100  }
0x23: {  	s7 =	sshrl.u32 s7, $0x3;
	s6 =	simm.s32 $0x3900;
	[dreg:$0xb] =	wrdreg s5  }
0x24: {  	s4 =	sadd.s32 s4, s7;
	s7 =	simm.s32 $0x4100;
	[dreg:$0xc] =	wrdreg s6  }
0x25: {  	v2 =	vlaneseq.u32;
	s19 =	simm.s32 $0x12900;
	s4 =	sadd.s32 $0x1800, s4;
	[dreg:$0xd] =	wrdreg s7  }
0x26: {  	vm0 =	vmmov $0xffff;
	v1 =	vshrl.u32 v2, $0x3;
	s5 =	sadd.s32 $0x200, s2;
	s6 =	smax.u32 s1, $0x1;
	s7 =	simm.s32 $0x3  }
0x27: {  	v0 =	vand.u32 $0x7, v2;
	v2 =	vor.u32 $0x8, v2;
	v1 =	vmul.u32 $0x8, v1;
	s1 =	simm.s32 $0x2;
	[dreg:$0x5] =	wrdreg s4;
	s4 =	sadd.s32 $0x100, s2  }
.LBB2_1:
0x28: {  	s0 =	rddreg [dreg:$0x3]  }
0x29: {  	[tilespmem:s3], [sflag:$0x3] =	stream.linear.gather [hbm4b:s0+s3], $0x100, $0x38;
	[tilespmem:$0x18100] =	vst v63  }
0x2a: {  	_ =	swait.ge [sflag:s7], $0x100  }
0x2b: {  	[sflag:s7] =	ssyncset.done $0x0  }
0x2c: {  	[sflag:s7] =	ssyncadd.s32 $0xFFFFFF00  }
0x2d: {  	v3 =	vld [tilespmem:$0x0];
	_ =	sdelay $0x4  }
0x2e: {  	v4 =	vshrl.u32 v3, $0x3  }
0x2f: {  	v4 =	vmul.u32 $0x30, v4  }
0x30: {  	v3 =	vand.u32 $0x7, v3  }
0x31: {  	v3 =	vor.u32 v3, v4  }
0x32: {  	v4 =	vperm.xlane v3, v0;
	_ =	sdelay $0x1  }
0x33: {  	v4 =	vadd.s32 v1, v4;
	_ =	sdelay $0x3  }
0x34: {  	v3 =	vperm.xlane v3, v2  }
0x35: {  	[tilespmem:s8], [sflag:$0x1] =	stream.indirect_vreg.gather [hbm4b:s2+s3], $0x80, v4, vm0, $0xb8;
	[tilespmem:$0x18100] =	vst v63  }
0x36: {  	s0 =	rddreg [dreg:$0x6];
	v3 =	vadd.s32 v1, v3  }
0x37: {  	[tilespmem:s0], [sflag:$0x1] =	stream.indirect_vreg.gather [hbm4b:s4+s3], $0x80, v4, vm0, $0xb8;
	[tilespmem:$0x18100] =	vst v63  }
0x38: {  	s10 =	rddreg [dreg:$0x7]  }
0x39: {  	[tilespmem:s10], [sflag:$0x1] =	stream.indirect_vreg.gather [hbm4b:s5+s3], $0x80, v4, vm0, $0xb8;
	[tilespmem:$0x18100] =	vst v63  }
0x3a: {  	s0 =	rddreg [dreg:$0x8]  }
0x3b: {  	[tilespmem:s0], [sflag:$0x1] =	stream.indirect_vreg.gather [hbm4b:s2+s3], $0x80, v3, vm0, $0xb8;
	[tilespmem:$0x18100] =	vst v63  }
0x3c: {  	s10 =	rddreg [dreg:$0x9]  }
0x3d: {  	[tilespmem:s10], [sflag:$0x1] =	stream.indirect_vreg.gather [hbm4b:s4+s3], $0x80, v3, vm0, $0xb8;
	[tilespmem:$0x18100] =	vst v63  }
0x3e: {  	s0 =	rddreg [dreg:$0xa]  }
0x3f: {  	[tilespmem:s0], [sflag:$0x1] =	stream.indirect_vreg.gather [hbm4b:s5+s3], $0x80, v3, vm0, $0xb8;
	[tilespmem:$0x18100] =	vst v63  }
0x40: {  	v3 =	vld [tilespmem:$0x10];
	_ =	sdelay $0x4  }
0x41: {  	v57 =	vshrl.u32 v3, $0x3  }
0x42: {  	v4 =	vmul.u32 $0x30, v57  }
0x43: {  	v3 =	vand.u32 $0x7, v3  }
0x44: {  	v3 =	vor.u32 v3, v4  }
0x45: {  	v4 =	vperm.xlane v3, v0;
	_ =	sdelay $0x1  }
0x46: {  	v4 =	vadd.s32 v1, v4;
	_ =	sdelay $0x3  }
0x47: {  	s0 =	rddreg [dreg:$0xb];
	v3 =	vperm.xlane v3, v2  }
0x48: {  	[tilespmem:s0], [sflag:$0x1] =	stream.indirect_vreg.gather [hbm4b:s2+s3], $0x80, v4, vm0, $0xb8;
	[tilespmem:$0x18100] =	vst v63  }
0x49: {  	s10 =	rddreg [dreg:$0xc];
	v3 =	vadd.s32 v1, v3  }
0x4a: {  	[tilespmem:s10], [sflag:$0x1] =	stream.indirect_vreg.gather [hbm4b:s4+s3], $0x80, v4, vm0, $0xb8;
	[tilespmem:$0x18100] =	vst v63  }
0x4b: {  	s0 =	rddreg [dreg:$0xd]  }
0x4c: {  	[tilespmem:s0], [sflag:$0x1] =	stream.indirect_vreg.gather [hbm4b:s5+s3], $0x80, v4, vm0, $0xb8;
	[tilespmem:$0x18100] =	vst v63  }
0x4d: {  	s10 =	rddreg [dreg:$0xe]  }
0x4e: {  	[tilespmem:s10], [sflag:$0x1] =	stream.indirect_vreg.gather [hbm4b:s2+s3], $0x80, v3, vm0, $0xb8;
	[tilespmem:$0x18100] =	vst v63  }
0x4f: {  	s0 =	rddreg [dreg:$0xf]  }
0x50: {  	[tilespmem:s0], [sflag:$0x1] =	stream.indirect_vreg.gather [hbm4b:s4+s3], $0x80, v3, vm0, $0xb8;
	[tilespmem:$0x18100] =	vst v63  }
0x51: {  	s10 =	rddreg [dreg:$0x10]  }
0x52: {  	[tilespmem:s10], [sflag:$0x1] =	stream.indirect_vreg.gather [hbm4b:s5+s3], $0x80, v3, vm0, $0xb8;
	[tilespmem:$0x18100] =	vst v63  }
0x53: {  	v3 =	vld [tilespmem:$0x20];
	_ =	sdelay $0x4  }
0x54: {  	v58 =	vshrl.u32 v3, $0x3  }
0x55: {  	v4 =	vmul.u32 $0x30, v58  }
0x56: {  	v3 =	vand.u32 $0x7, v3  }
0x57: {  	v3 =	vor.u32 v3, v4  }
0x58: {  	v4 =	vperm.xlane v3, v0;
	_ =	sdelay $0x1  }
0x59: {  	v4 =	vadd.s32 v1, v4;
	_ =	sdelay $0x3  }
0x5a: {  	s0 =	rddreg [dreg:$0x11];
	v3 =	vperm.xlane v3, v2  }
0x5b: {  	[tilespmem:s0], [sflag:$0x1] =	stream.indirect_vreg.gather [hbm4b:s2+s3], $0x80, v4, vm0, $0xb8;
	[tilespmem:$0x18100] =	vst v63  }
0x5c: {  	s10 =	rddreg [dreg:$0x12];
	v3 =	vadd.s32 v1, v3  }
0x5d: {  	[tilespmem:s10], [sflag:$0x1] =	stream.indirect_vreg.gather [hbm4b:s4+s3], $0x80, v4, vm0, $0xb8;
	[tilespmem:$0x18100] =	vst v63  }
0x5e: {  	s0 =	rddreg [dreg:$0x13]  }
0x5f: {  	[tilespmem:s0], [sflag:$0x1] =	stream.indirect_vreg.gather [hbm4b:s5+s3], $0x80, v4, vm0, $0xb8;
	[tilespmem:$0x18100] =	vst v63  }
0x60: {  	s10 =	rddreg [dreg:$0x14]  }
0x61: {  	[tilespmem:s10], [sflag:$0x1] =	stream.indirect_vreg.gather [hbm4b:s2+s3], $0x80, v3, vm0, $0xb8;
	[tilespmem:$0x18100] =	vst v63  }
0x62: {  	s0 =	rddreg [dreg:$0x15]  }
0x63: {  	[tilespmem:s0], [sflag:$0x1] =	stream.indirect_vreg.gather [hbm4b:s4+s3], $0x80, v3, vm0, $0xb8;
	[tilespmem:$0x18100] =	vst v63  }
0x64: {  	s10 =	rddreg [dreg:$0x16]  }
0x65: {  	[tilespmem:s10], [sflag:$0x1] =	stream.indirect_vreg.gather [hbm4b:s5+s3], $0x80, v3, vm0, $0xb8;
	[tilespmem:$0x18100] =	vst v63  }
0x66: {  	v3 =	vld [tilespmem:$0x30];
	_ =	sdelay $0x4  }
0x67: {  	v59 =	vshrl.u32 v3, $0x3  }
0x68: {  	v4 =	vmul.u32 $0x30, v59  }
0x69: {  	v3 =	vand.u32 $0x7, v3  }
0x6a: {  	v3 =	vor.u32 v3, v4  }
0x6b: {  	v4 =	vperm.xlane v3, v0;
	_ =	sdelay $0x1  }
0x6c: {  	v4 =	vadd.s32 v1, v4;
	_ =	sdelay $0x3  }
0x6d: {  	s0 =	rddreg [dreg:$0x17];
	v3 =	vperm.xlane v3, v2  }
0x6e: {  	[tilespmem:s0], [sflag:$0x1] =	stream.indirect_vreg.gather [hbm4b:s2+s3], $0x80, v4, vm0, $0xb8;
	[tilespmem:$0x18100] =	vst v63  }
0x6f: {  	s10 =	rddreg [dreg:$0x18];
	v3 =	vadd.s32 v1, v3  }
0x70: {  	[tilespmem:s10], [sflag:$0x1] =	stream.indirect_vreg.gather [hbm4b:s4+s3], $0x80, v4, vm0, $0xb8;
	[tilespmem:$0x18100] =	vst v63  }
0x71: {  	s0 =	rddreg [dreg:$0x19]  }
0x72: {  	[tilespmem:s0], [sflag:$0x1] =	stream.indirect_vreg.gather [hbm4b:s5+s3], $0x80, v4, vm0, $0xb8;
	[tilespmem:$0x18100] =	vst v63  }
0x73: {  	s10 =	rddreg [dreg:$0x1a]  }
0x74: {  	[tilespmem:s10], [sflag:$0x1] =	stream.indirect_vreg.gather [hbm4b:s2+s3], $0x80, v3, vm0, $0xb8;
	[tilespmem:$0x18100] =	vst v63  }
0x75: {  	s0 =	rddreg [dreg:$0x1b]  }
0x76: {  	[tilespmem:s0], [sflag:$0x1] =	stream.indirect_vreg.gather [hbm4b:s4+s3], $0x80, v3, vm0, $0xb8;
	[tilespmem:$0x18100] =	vst v63  }
0x77: {  	s10 =	rddreg [dreg:$0x1c]  }
0x78: {  	[tilespmem:s10], [sflag:$0x1] =	stream.indirect_vreg.gather [hbm4b:s5+s3], $0x80, v3, vm0, $0xb8;
	[tilespmem:$0x18100] =	vst v63  }
0x79: {  	v3 =	vld [tilespmem:$0x80];
	_ =	sdelay $0x4  }
0x7a: {  	v60 =	vshrl.u32 v3, $0x3  }
0x7b: {  	v4 =	vmul.u32 $0x30, v60  }
0x7c: {  	v3 =	vand.u32 $0x7, v3  }
0x7d: {  	v3 =	vor.u32 v3, v4  }
0x7e: {  	v4 =	vperm.xlane v3, v0;
	_ =	sdelay $0x1  }
0x7f: {  	v4 =	vadd.s32 v1, v4;
	_ =	sdelay $0x3  }
0x80: {  	v3 =	vperm.xlane v3, v2  }
0x81: {  	[tilespmem:s9], [sflag:$0x2] =	stream.indirect_vreg.gather [hbm4b:s2+s3], $0x80, v4, vm0, $0xb8;
	[tilespmem:$0x18100] =	vst v63  }
0x82: {  	s0 =	rddreg [dreg:$0x1d];
	v3 =	vadd.s32 v1, v3  }
0x83: {  	[tilespmem:s0], [sflag:$0x2] =	stream.indirect_vreg.gather [hbm4b:s4+s3], $0x80, v4, vm0, $0xb8;
	[tilespmem:$0x18100] =	vst v63  }
0x84: {  	s10 =	rddreg [dreg:$0x1e]  }
0x85: {  	[tilespmem:s10], [sflag:$0x2] =	stream.indirect_vreg.gather [hbm4b:s5+s3], $0x80, v4, vm0, $0xb8;
	[tilespmem:$0x18100] =	vst v63  }
0x86: {  	s0 =	rddreg [dreg:$0x1f]  }
0x87: {  	[tilespmem:s0], [sflag:$0x2] =	stream.indirect_vreg.gather [hbm4b:s2+s3], $0x80, v3, vm0, $0xb8;
	[tilespmem:$0x18100] =	vst v63  }
0x88: {  	s10 =	simm.s32 $0xE100  }
0x89: {  	[tilespmem:s10], [sflag:$0x2] =	stream.indirect_vreg.gather [hbm4b:s4+s3], $0x80, v3, vm0, $0xb8;
	[tilespmem:$0x18100] =	vst v63  }
0x8a: {  	_ = 	snop  }
0x8b: {  	[tilespmem:s11], [sflag:$0x2] =	stream.indirect_vreg.gather [hbm4b:s5+s3], $0x80, v3, vm0, $0xb8;
	[tilespmem:$0x18100] =	vst v63  }
0x8c: {  	v3 =	vld [tilespmem:$0x90];
	_ =	sdelay $0x4  }
0x8d: {  	v61 =	vshrl.u32 v3, $0x3  }
0x8e: {  	v4 =	vmul.u32 $0x30, v61  }
0x8f: {  	v3 =	vand.u32 $0x7, v3  }
0x90: {  	v3 =	vor.u32 v3, v4  }
0x91: {  	v4 =	vperm.xlane v3, v0;
	_ =	sdelay $0x1  }
0x92: {  	v4 =	vadd.s32 v1, v4;
	_ =	sdelay $0x3  }
0x93: {  	v3 =	vperm.xlane v3, v2  }
0x94: {  	[tilespmem:s12], [sflag:$0x2] =	stream.indirect_vreg.gather [hbm4b:s2+s3], $0x80, v4, vm0, $0xb8;
	[tilespmem:$0x18100] =	vst v63  }
0x95: {  	v3 =	vadd.s32 v1, v3  }
0x96: {  	[tilespmem:s13], [sflag:$0x2] =	stream.indirect_vreg.gather [hbm4b:s4+s3], $0x80, v4, vm0, $0xb8;
	[tilespmem:$0x18100] =	vst v63  }
0x97: {  	_ = 	snop  }
0x98: {  	[tilespmem:s14], [sflag:$0x2] =	stream.indirect_vreg.gather [hbm4b:s5+s3], $0x80, v4, vm0, $0xb8;
	[tilespmem:$0x18100] =	vst v63  }
0x99: {  	_ = 	snop  }
0x9a: {  	[tilespmem:s15], [sflag:$0x2] =	stream.indirect_vreg.gather [hbm4b:s2+s3], $0x80, v3, vm0, $0xb8;
	[tilespmem:$0x18100] =	vst v63  }
0x9b: {  	_ = 	snop  }
0x9c: {  	[tilespmem:s16], [sflag:$0x2] =	stream.indirect_vreg.gather [hbm4b:s4+s3], $0x80, v3, vm0, $0xb8;
	[tilespmem:$0x18100] =	vst v63  }
0x9d: {  	_ = 	snop  }
0x9e: {  	[tilespmem:s17], [sflag:$0x2] =	stream.indirect_vreg.gather [hbm4b:s5+s3], $0x80, v3, vm0, $0xb8;
	[tilespmem:$0x18100] =	vst v63  }
0x9f: {  	v3 =	vld [tilespmem:$0xA0];
	_ =	sdelay $0x4  }
0xa0: {  	v62 =	vshrl.u32 v3, $0x3  }
0xa1: {  	v4 =	vmul.u32 $0x30, v62  }
0xa2: {  	v3 =	vand.u32 $0x7, v3  }
0xa3: {  	v3 =	vor.u32 v3, v4  }
0xa4: {  	v4 =	vperm.xlane v3, v0;
	_ =	sdelay $0x1  }
0xa5: {  	v4 =	vadd.s32 v1, v4;
	_ =	sdelay $0x3  }
0xa6: {  	v3 =	vperm.xlane v3, v2  }
0xa7: {  	[tilespmem:s18], [sflag:$0x2] =	stream.indirect_vreg.gather [hbm4b:s2+s3], $0x80, v4, vm0, $0xb8;
	[tilespmem:$0x18100] =	vst v63  }
0xa8: {  	v3 =	vadd.s32 v1, v3  }
0xa9: {  	[tilespmem:s19], [sflag:$0x2] =	stream.indirect_vreg.gather [hbm4b:s4+s3], $0x80, v4, vm0, $0xb8;
	[tilespmem:$0x18100] =	vst v63  }
0xaa: {  	_ = 	snop  }
0xab: {  	[tilespmem:s20], [sflag:$0x2] =	stream.indirect_vreg.gather [hbm4b:s5+s3], $0x80, v4, vm0, $0xb8;
	[tilespmem:$0x18100] =	vst v63  }
0xac: {  	_ = 	snop  }
0xad: {  	[tilespmem:s21], [sflag:$0x2] =	stream.indirect_vreg.gather [hbm4b:s2+s3], $0x80, v3, vm0, $0xb8;
	[tilespmem:$0x18100] =	vst v63  }
0xae: {  	_ = 	snop  }
0xaf: {  	[tilespmem:s22], [sflag:$0x2] =	stream.indirect_vreg.gather [hbm4b:s4+s3], $0x80, v3, vm0, $0xb8;
	[tilespmem:$0x18100] =	vst v63  }
0xb0: {  	_ = 	snop  }
0xb1: {  	[tilespmem:s23], [sflag:$0x2] =	stream.indirect_vreg.gather [hbm4b:s5+s3], $0x80, v3, vm0, $0xb8;
	[tilespmem:$0x18100] =	vst v63  }
0xb2: {  	v3 =	vld [tilespmem:$0xB0];
	_ =	sdelay $0x4  }
0xb3: {  	v63 =	vshrl.u32 v3, $0x3  }
0xb4: {  	v4 =	vmul.u32 $0x30, v63  }
0xb5: {  	v3 =	vand.u32 $0x7, v3  }
0xb6: {  	v3 =	vor.u32 v3, v4  }
0xb7: {  	v4 =	vperm.xlane v3, v0;
	_ =	sdelay $0x1  }
0xb8: {  	v4 =	vadd.s32 v1, v4;
	_ =	sdelay $0x3  }
0xb9: {  	v3 =	vperm.xlane v3, v2  }
0xba: {  	[tilespmem:s24], [sflag:$0x2] =	stream.indirect_vreg.gather [hbm4b:s2+s3], $0x80, v4, vm0, $0xb8;
	[tilespmem:$0x18100] =	vst v63  }
0xbb: {  	v3 =	vadd.s32 v1, v3  }
0xbc: {  	[tilespmem:s25], [sflag:$0x2] =	stream.indirect_vreg.gather [hbm4b:s4+s3], $0x80, v4, vm0, $0xb8;
	[tilespmem:$0x18100] =	vst v63  }
0xbd: {  	_ = 	snop  }
0xbe: {  	[tilespmem:s26], [sflag:$0x2] =	stream.indirect_vreg.gather [hbm4b:s5+s3], $0x80, v4, vm0, $0xb8;
	[tilespmem:$0x18100] =	vst v63  }
0xbf: {  	_ = 	snop  }
0xc0: {  	[tilespmem:s28], [sflag:$0x2] =	stream.indirect_vreg.gather [hbm4b:s2+s3], $0x80, v3, vm0, $0xb8;
	[tilespmem:$0x18100] =	vst v63  }
0xc1: {  	_ = 	snop  }
0xc2: {  	[tilespmem:s29], [sflag:$0x2] =	stream.indirect_vreg.gather [hbm4b:s4+s3], $0x80, v3, vm0, $0xb8;
	[tilespmem:$0x18100] =	vst v63  }
0xc3: {  	_ = 	snop  }
0xc4: {  	[tilespmem:s30], [sflag:$0x2] =	stream.indirect_vreg.gather [hbm4b:s5+s3], $0x80, v3, vm0, $0xb8;
	[tilespmem:$0x18100] =	vst v63  }
0xc5: {  	_ =	swait.ge [sflag:s31], $0xC000  }
0xc6: {  	[sflag:s31] =	ssyncset.done $0x0  }
0xc7: {  	s10 =	rddreg [dreg:$0x4];
	[sflag:s31] =	ssyncadd.s32 $0xFFFF4000  }
0xc8: {  	[hbm4b:s10+s3] =	stream.linear.scatter [tilespmem:s8], [sflag:$0x3], $0xC000, $0x38;
	[tilespmem:$0x18100] =	vst v63  }
0xc9: {  	_ =	swait.ge [sflag:s7], $0xC000  }
0xca: {  	[sflag:s7] =	ssyncset.done $0x0  }
0xcb: {  	[sflag:s7] =	ssyncadd.s32 $0xFFFF4000  }
0xcc: {  	_ =	swait.ge [sflag:s1], $0xC000  }
0xcd: {  	p0 =	sne.s32 s6, $0x1;
	[sflag:s1] =	ssyncset.done $0x0  }
.Ltmp0:
0xce: {  	s10 =	rddreg [dreg:$0x5];
	[sflag:s1] =	ssyncadd.s32 $0xFFFF4000;
	(pc) =	sbr.rel @p0 .LBB2_1-.Ltmp0, $4  }
0xcf: {  	[hbm4b:s10+s3] =	stream.linear.scatter [tilespmem:s9], [sflag:$0x3], $0xC000, $0x38;
	[tilespmem:$0x18100] =	vst v63  }
0xd0: {  	_ =	swait.ge [sflag:s7], $0xC000  }
0xd1: {  	[sflag:s7] =	ssyncset.done $0x0  }
0xd2: {  	s6 =	sadd.s32 $0xFFFFFFFF, s6;
	[sflag:s7] =	ssyncadd.s32 $0xFFFF4000  }
0xd3: {  	_ =	sfence.sel $0x180000  }
0xd4: {  	[bflag:$0x0] =	sbarrier.arrive $0xFFFF  }
0xd5: {  	_ =	strace $0x90000050  }
0xd6: {  	s0 =	stileid.u32;
	[bflag:$0x2] =	sbarrier.arrive $0xFFFF  }
0xd7: {  	p0 =	sne.s32 s0, $0x0;
	s0 =	rddreg [dreg:$0x2]  }
0xd8: {  	s0 =	sadd.s32 @!p0 $0x100000, s0  }
0xd9: {  	[sflag:s0] =	ssyncadd.tile.s32 @!p0 $0x1;
	_ =	shalt  }
.Lfunc_end2:
_tile_overlayer_lowered:
.L_overlay_start_2:
0xda: {  	(tag) =	ssettag $0x2  }
0xdb: {  	s0 =	rddreg [dreg:$0x0];
	s2 =	stileid.u32  }
0xdc: {  	s1 =	rddreg [dreg:$0x1];
	p0 =	sne.s32 s2, $0x0  }
0xdd: {  	s3 =	rddreg [dreg:$0x2];
	[bflag:$0x3] =	sbarrier.arrive $0xFFFF;
	s2 =	simm.s32 @!p0 $0x1C03  }
0xde: {  	[timem:s3], [sflag:s2] =	dma.local @!p0 [hbm:s0], s1  }
0xdf: {  	s0 =	simm.s32 @!p0 $0x3  }
0xe0: {  	_ =	swait.ge @!p0 [sflag:s0], s1  }
0xe1: {  	s1 =	ssub.s32 @!p0 $0x0, s1;
	[sflag:s0] =	ssyncset.done @!p0 $0x0  }
0xe2: {  	[sflag:s0] =	ssyncadd.s32 @!p0 s1  }
0xe3: {  	[bflag:$0x3] =	sbarrier.arrive $0xFFFF  }
0xe4: {  	_ =	shalt  }

// kernel: kernel.30.cloned.1.call-start
scs
__scs_entry_jumppad:
0x0: {  	(pc) =	sbr.rel $0x88, $3  }
0x1: {  	(tag) =	ssettag $0x0;
	lr =	simm.s32 $0x1  }
0x2: {  	[smem:$0x3F9A] =	sst lr;
	_ =	strace $0xD0000000  }
0x3: {  	_ = 	snop  }
0x4: {  	_ = 	snop  }
0x5: {  	_ = 	snop  }
0x6: {  	_ = 	snop  }
0x7: {  	_ = 	snop  }
__scs_overlays_trampoline_lowered:
0x8: {  	[smem:$0x3FA9] =	sst s0  }
0x9: {  	[smem:$0x3FAA] =	sst s1  }
0xa: {  	[smem:$0x3FAB] =	sst s2  }
0xb: {  	[smem:$0x3FAC] =	sst s3  }
0xc: {  	[smem:$0x3FAD] =	sst s4  }
0xd: {  	[smem:$0x3FAE] =	sst s5  }
0xe: {  	[smem:$0x3FAF] =	sst s6  }
0xf: {  	[smem:$0x3FB0] =	sst s7  }
0x10: {  	[smem:$0x3FB1] =	sst s8  }
0x11: {  	[smem:$0x3FB2] =	sst s9;
	s0 =	simm.s32 @!p0 $0x0  }
0x12: {  	s1 =	sld [smem:$0x3F98];
	s0 =	simm.s32 @p0 $0x1  }
0x13: {  	[smem:$0x3FB3] =	sst s0;
	s0 =	simm.s32 @!p1 $0x0  }
0x14: {  	s2 =	sld [smem:$0x3F97];
	s0 =	simm.s32 @p1 $0x1  }
0x15: {  	[smem:$0x3FB4] =	sst s0;
	s0 =	simm.s32 @!p2 $0x0  }
0x16: {  	s3 =	sld [smem:$0x3FDB];
	s0 =	simm.s32 @p2 $0x1  }
0x17: {  	s4 =	simm.s32 $0x1BF5;
	[smem:$0x3FB6] =	sst s0  }
0x18: {  	s0 =	sld [smem:$0x3F99];
	_ =	swait.ge [sflag:s4], $0x0  }
0x19: {  	s7 =	sld [smem:$0x3F9A]  }
0x1a: {  	s8 =	sadd.s32 $0xFFFFE003, lr  }
0x1b: {  	s9 =	sadd.s32 $0xFFFFFEF7, lr;
	s5 =	simm.s32 $0xFFFFFFFF;
	p2 =	slt.u32 s8, $0xFFFFF086  }
0x1c: {  	p1 =	slt.u32 s9, $0xF7A;
	s5 =	simm.s32 @!p2 $0x0  }
0x1d: {  	s5 =	simm.s32 @p1 $0x1;
	p0 =	seq.s32 s7, s2  }
0x1e: {  	s7 =	smul.u32 @!p0 $0xF7A, s2;
	p2 =	seq.s32 @!p0 s5, $0x0  }
0x1f: {  	s9 =	smul.u32 $0xF7A, s1;
	s8 =	simm.s32 @!p0 $0x1BF5;
	p2 =	por !p2, p0  }
0x20: {  	[sflag:s8] =	ssyncset.s32 @!p0 $0xFFFFF086;
	s6 =	sadd.s32 @!p0 s3, s7;
	s7 =	simm.s32 @!p0 $0x108  }
0x21: {  	s3 =	sadd.s32 s3, s9;
	s6 =	sadd.s32 @!p0 $0x88, s6;
	s7 =	simm.s32 @p2 $0x1082  }
0x22: {  	[simem:s7], [sflag:s8] =	dma.local @!p0 [hbm:s6], $0xF7A  }
0x23: {  	s9 =	sor.u32 $0xD0000000, s2;
	s6 =	simm.s32 $0x108;
	_ =	swait.ge @!p0 [sflag:s8], $0x0  }
0x24: {  	s3 =	sadd.s32 $0x88, s3;
	s6 =	simm.s32 @!p1 $0x1082;
	[sflag:s4] =	ssyncset.s32 $0xFFFFF086  }
0x25: {  	[simem:s6], [sflag:s4] =	dma.local [hbm:s3], $0xF7A  }
0x26: {  	[smem:$0x3F9A] =	sst s1;
	(tag) =	ssettag s2;
	_ =	strace s9  }
0x27: {  	s1 =	sld [smem:$0x3FAA]  }
0x28: {  	s2 =	sld [smem:$0x3FAB]  }
0x29: {  	s4 =	sld [smem:$0x3FAD]  }
0x2a: {  	p0 =	seq.s32 s5, $0x0;
	s5 =	sld [smem:$0x3FAE]  }
0x2b: {  	s6 =	sld [smem:$0x3FAF]  }
0x2c: {  	s7 =	sld [smem:$0x3FB0]  }
0x2d: {  	s3 =	simm.s32 $0x108;
	s8 =	sld [smem:$0x3FB1]  }
0x2e: {  	s3 =	simm.s32 @!p0 $0x1082;
	s9 =	sld [smem:$0x3FB2]  }
0x2f: {  	lr =	sadd.s32 s0, s3;
	s0 =	sld [smem:$0x3FA9]  }
0x30: {  	s3 =	sld [smem:$0x3FAC]  }
0x31: {  	[smem:$0x3FB5] =	sst s10  }
0x32: {  	s10 =	sld [smem:$0x3FB3];
	_ =	sdelay $0x3  }
0x33: {  	p0 =	seq.s32 s10, $0x1;
	s10 =	sld [smem:$0x3FB5];
	_ =	sdelay $0x3  }
0x34: {  	[smem:$0x3FB5] =	sst s10  }
0x35: {  	s10 =	sld [smem:$0x3FB4];
	_ =	sdelay $0x3  }
0x36: {  	p1 =	seq.s32 s10, $0x1;
	s10 =	sld [smem:$0x3FB5];
	_ =	sdelay $0x3  }
0x37: {  	[smem:$0x3FB5] =	sst s10  }
0x38: {  	s10 =	sld [smem:$0x3FB6]  }
0x39: {  	_ = 	snop;
	(pc) =	sbr.ind lr, $3  }
0x3a: {  	_ = 	snop  }
0x3b: {  	_ = 	snop  }
0x3c: {  	p2 =	seq.s32 s10, $0x1;
	s10 =	sld [smem:$0x3FB5]  }
0x3d: {  	_ =	shalt  }
0x3e: {  	_ =	shalt  }
0x3f: {  	_ =	shalt  }
0x40: {  	_ =	shalt  }
0x41: {  	_ =	shalt  }
0x42: {  	_ =	shalt  }
0x43: {  	_ =	shalt  }
0x44: {  	_ =	shalt  }
0x45: {  	_ =	shalt  }
0x46: {  	_ =	shalt  }
0x47: {  	_ =	shalt  }
0x48: {  	_ =	shalt  }
0x49: {  	_ =	shalt  }
0x4a: {  	_ =	shalt  }
0x4b: {  	_ =	shalt  }
0x4c: {  	_ =	shalt  }
0x4d: {  	_ =	shalt  }
0x4e: {  	_ =	shalt  }
0x4f: {  	_ =	shalt  }
0x50: {  	_ =	shalt  }
0x51: {  	_ =	shalt  }
0x52: {  	_ =	shalt  }
0x53: {  	_ =	shalt  }
0x54: {  	_ =	shalt  }
0x55: {  	_ =	shalt  }
0x56: {  	_ =	shalt  }
0x57: {  	_ =	shalt  }
0x58: {  	_ =	shalt  }
0x59: {  	_ =	shalt  }
0x5a: {  	_ =	shalt  }
0x5b: {  	_ =	shalt  }
0x5c: {  	_ =	shalt  }
0x5d: {  	_ =	shalt  }
0x5e: {  	_ =	shalt  }
0x5f: {  	_ =	shalt  }
0x60: {  	_ =	shalt  }
0x61: {  	_ =	shalt  }
0x62: {  	_ =	shalt  }
0x63: {  	_ =	shalt  }
0x64: {  	_ =	shalt  }
0x65: {  	_ =	shalt  }
0x66: {  	_ =	shalt  }
0x67: {  	_ =	shalt  }
0x68: {  	_ =	shalt  }
0x69: {  	_ =	shalt  }
0x6a: {  	_ =	shalt  }
0x6b: {  	_ =	shalt  }
0x6c: {  	_ =	shalt  }
0x6d: {  	_ =	shalt  }
0x6e: {  	_ =	shalt  }
0x6f: {  	_ =	shalt  }
0x70: {  	_ =	shalt  }
0x71: {  	_ =	shalt  }
0x72: {  	_ =	shalt  }
0x73: {  	_ =	shalt  }
0x74: {  	_ =	shalt  }
0x75: {  	_ =	shalt  }
0x76: {  	_ =	shalt  }
0x77: {  	_ =	shalt  }
0x78: {  	_ =	shalt  }
0x79: {  	_ =	shalt  }
0x7a: {  	_ =	shalt  }
0x7b: {  	_ =	shalt  }
0x7c: {  	_ =	shalt  }
0x7d: {  	_ =	shalt  }
0x7e: {  	_ =	shalt  }
0x7f: {  	_ =	shalt  }
0x80: {  	_ =	shalt  }
0x81: {  	_ =	shalt  }
0x82: {  	_ =	shalt  }
0x83: {  	_ =	shalt  }
0x84: {  	_ =	shalt  }
0x85: {  	_ =	shalt  }
0x86: {  	_ =	shalt  }
0x87: {  	_ =	shalt  }
.Lfunc_end0:
.L_simem_size_0:
called_computation.4_lowered:
.L_overlay_start_0:
0x88: {  	s2 =	sld [smem:$0x3FD9]  }
0x89: {  	s3 =	sld [smem:$0x3FFE];
	_ =	sdelay $0x1  }
0x8a: {  	s1 =	srdreg.scid  }
0x8b: {  	s0 =	sand.u32 $0x1, s1  }
0x8c: {  	s17 =	sshll.u32 s0, $0xA;
	s2 =	sadd.s32 s3, s2  }
0x8d: {  	s2 =	sadd.s32 s2, s17  }
0x8e: {  	[smem:$0x3FC1] =	sst s2  }
0x8f: {  	_ = 	snop  }
0x90: {  	s18 =	sld [smem:$0x3FC7];
	(tm) =	ssettm $0x1  }
0x91: {  	s19 =	sld [smem:$0x3FFB];
	_ =	sdelay $0x3  }
0x92: {  	_ =	strace s19  }
0x93: {  	s2 =	sld [smem:$0x3FFC];
	_ =	sdelay $0x3  }
0x94: {  	_ =	strace s2  }
0x95: {  	s2 =	sld [smem:$0x3FFD];
	_ =	sdelay $0x3  }
0x96: {  	_ =	strace s2  }
0x97: {  	_ =	strace $0x8FFFFFFF  }
0x98: {  	s20 =	sld [smem:$0x3FDB];
	_ =	sdelay $0x1  }
0x99: {  	s4 =	simm.s32 $_scs_section_size  }
0x9a: {  	s5 =	simm.s32 $_size__tile_overlayer_lowered;
	s6 =	simm.s32 $_tile_overlayer_lowered  }
0x9b: {  	s7 =	simm.s32 $0x1BFF;
	s21 =	sshll.u32 s6, $0x1;
	s4 =	sadd.s32 s4, s20  }
0x9c: {  	s22 =	simm.s32 $0x0;
	s5 =	sshll.u32 s5, $0x1;
	s6 =	sadd.s32 s21, s4  }
0x9d: {  	[timem:s22], [sflag:s7] =	dma.local [hbm:s6], s5  }
0x9e: {  	_ =	swait.ge [sflag:s7], s5  }
0x9f: {  	s5 =	ssub.s32 $0x0, s5;
	[sflag:s7] =	ssyncset.done $0x0  }
0xa0: {  	[sflag:s7] =	ssyncadd.s32 s5;
	_ =	sdelay $0x1  }
0xa1: {  	s23 =	simm.s32 $0x1B8B  }
0xa2: {  	_ =	swait.ge [sflag:s23], $0x1  }
0xa3: {  	[sflag:s23] =	ssyncset.done $0x0  }
0xa4: {  	[sflag:s23] =	ssyncadd.s32 $0xFFFFFFFF  }
0xa5: {  	s5 =	sld [smem:$0x0]  }
0xa6: {  	s6 =	sand.u32 $0xFFFFFFFE, s1  }
0xa7: {  	p0 =	sne.s32 s1, s6  }
0xa8: {  	s6 =	sshll.u32 @p0 s6, $0xE  }
0xa9: {  	s6 =	sadd.s32 @p0 $0x11B8D, s6;
	s7 =	sshll.u32 @p0 s5, $0x11  }
0xaa: {  	s6 =	sor.u32 @p0 s7, s6  }
0xab: {  	[sflag:s6] =	ssyncadd.remote.s32 @p0 $0x1;
	_ =	sdelay $0x1  }
0xac: {  	s6 =	simm.s32 @p0 $0x1B8D  }
0xad: {  	_ =	swait.eq @p0 [sflag:s6], $0x1  }
0xae: {  	[sflag:s6] =	ssyncadd.s32 @p0 $0xFFFFFFFF  }
0xaf: {  	s7 =	sshll.u32 @!p0 s1, $0xE  }
0xb0: {  	s7 =	sor.u32 @!p0 $0x4000, s7;
	s6 =	simm.s32 @!p0 $0x1B8D  }
0xb1: {  	s5 =	sshll.u32 @!p0 s5, $0x11;
	s7 =	sadd.s32 @!p0 $0x11B8D, s7;
	_ =	swait.eq @!p0 [sflag:s6], $0x1  }
0xb2: {  	s5 =	sor.u32 @!p0 s5, s7;
	[sflag:s6] =	ssyncadd.s32 @!p0 $0xFFFFFFFF  }
0xb3: {  	s25 =	simm.s32 $0x1B8E;
	s24 =	sld [smem:$0x3FFE];
	[sflag:s5] =	ssyncadd.remote.s32 @!p0 $0x1  }
0xb4: {  	s26 =	simm.s32 $execute0_lowered;
	[smem:$0x3FD2] =	sst s25  }
0xb5: {  	s6 =	sshll.u32 s26, $0x1;
	_ =	strace $0x80000052;
	[dreg:$0x1] =	wrdreg $0xFFFFFFFF  }
0xb6: {  	s28 =	simm.s32 $_size_execute0_lowered;
	s4 =	sadd.s32 s4, s6;
	[dreg:$0x0] =	wrdreg $0x0  }
0xb7: {  	s6 =	sshll.u32 s28, $0x1;
	[dreg:$0x2] =	wrdreg s4  }
0xb8: {  	[dreg:$0x3] =	wrdreg s6  }
0xb9: {  	[dreg:$0x4] =	wrdreg $0xC0  }
0xba: {  	_ =	task [dreg:s22], $0x5FFFF  }
0xbb: {  	[dreg:$0x1] =	wrdreg $0xFFFFFFFF  }
0xbc: {  	[dreg:$0x0] =	wrdreg $0x60  }
0xbd: {  	[dreg:$0x2] =	wrdreg s18  }
0xbe: {  	[dreg:$0x3] =	wrdreg s24  }
0xbf: {  	[dreg:$0x4] =	wrdreg $0xD  }
0xc0: {  	_ =	task.clear_ibuf [dreg:s22], $0x5FFFF;
	_ =	strace $0x90000052  }
0xc1: {  	s29 =	simm.s32 $0xD;
	_ =	strace $0x80000054  }
0xc2: {  	_ =	swait.ge [sflag:s29], $0x1  }
0xc3: {  	[sflag:s29] =	ssyncadd.s32 $0xFFFFFFFF  }
0xc4: {  	_ =	strace $0x90000054  }
0xc5: {  	_ =	sfence  }
0xc6: {  	s30 =	sld [smem:$0x0];
	_ =	sdelay $0x2  }
0xc7: {  	s31 =	sshll.u32 s1, $0xD;
	s1 =	sshrl.u32 s1, $0x2  }
0xc8: {  	s4 =	sand.u32 $0x4000, s31;
	s1 =	sadd.s32 s1, s30  }
0xc9: {  	s0 =	sor.u32 s4, s0;
	s1 =	sshll.u32 s1, $0x11  }
0xca: {  	s0 =	sor.u32 s1, s0  }
0xcb: {  	s0 =	sadd.s32 $0x8F2B, s0  }
0xcc: {  	[sflag:s0] =	ssyncadd.remote.s32 $0x1  }
0xcd: {  	_ =	sfence.sel $0xFFFF  }
0xce: {  	[dreg:$0x0] =	wrdreg $0xFFFFFFFF;
	(pc) =	sbr.abs _section_cstart, $3  }
0xcf: {  	[dreg:$0x1] =	wrdreg $0xFFFFFFFF  }
0xd0: {  	_ =	task.clear_ibuf [dreg:s22], $0x2FFFF;
	_ =	strace $0x9FFFFFFF  }
0xd1: {  	(tm) =	ssettm $0x7FFFFFFF  }
tec
execute0_lowered:
.L_overlay_start_1:
0x0: {  	(tag) =	ssettag $0x1  }
0x1: {  	s2 =	rddreg [dreg:$0x0]  }
0x2: {  	s4 =	rddreg [dreg:$0x1];
	s3 =	simm.s32 $0x0  }
0x3: {  	s23 =	simm.s32 $0x900;
	[smem:$0x7FF] =	sst s3  }
0x4: {  	s24 =	simm.s32 $0x1100;
	_ =	strace $0x80000053;
	[dreg:$0x6] =	wrdreg s23  }
0x5: {  	s25 =	simm.s32 $0x1900;
	[dreg:$0x7] =	wrdreg s24  }
0x6: {  	s0 =	stileid.u32;
	s26 =	simm.s32 $0x2100;
	[dreg:$0x8] =	wrdreg s25  }
0x7: {  	s5 =	sshll.u32 s0, $0x1;
	s0 =	simm.s32 $0x2900;
	[dreg:$0x9] =	wrdreg s26  }
0x8: {  	s8 =	simm.s32 $0x4900;
	[dreg:$0xa] =	wrdreg s0  }
0x9: {  	s9 =	simm.s32 $0x5100;
	[dreg:$0xe] =	wrdreg s8  }
0xa: {  	s10 =	simm.s32 $0x5900;
	[dreg:$0xf] =	wrdreg s9  }
0xb: {  	s11 =	simm.s32 $0x6100;
	[dreg:$0x10] =	wrdreg s10  }
0xc: {  	s12 =	simm.s32 $0x6900;
	[dreg:$0x11] =	wrdreg s11  }
0xd: {  	s13 =	simm.s32 $0x7100;
	[dreg:$0x12] =	wrdreg s12  }
0xe: {  	s14 =	simm.s32 $0x7900;
	[dreg:$0x13] =	wrdreg s13  }
0xf: {  	s1 =	srdreg.scid;
	s15 =	simm.s32 $0x8100;
	[dreg:$0x14] =	wrdreg s14  }
0x10: {  	s16 =	simm.s32 $0x8900;
	s17 =	simm.s32 $0x9100;
	[dreg:$0x15] =	wrdreg s15  }
0x11: {  	s18 =	simm.s32 $0x9900;
	s20 =	simm.s32 $0xA100;
	[dreg:$0x16] =	wrdreg s16  }
0x12: {  	s21 =	simm.s32 $0xA900;
	s22 =	simm.s32 $0xB100;
	[dreg:$0x17] =	wrdreg s17  }
0x13: {  	s28 =	simm.s32 $0x16900;
	s29 =	simm.s32 $0x17100;
	[dreg:$0x18] =	wrdreg s18  }
0x14: {  	s30 =	simm.s32 $0x17900;
	s1 =	sand.u32 $0x1, s1;
	[dreg:$0x19] =	wrdreg s20  }
0x15: {  	s31 =	simm.s32 $0x1;
	s5 =	sor.u32 s1, s5;
	[dreg:$0x1a] =	wrdreg s21  }
0x16: {  	s1 =	ssub.s32 $0x2, s1;
	[dreg:$0x1b] =	wrdreg s22;
	s23 =	simm.s32 $0xB900  }
0x17: {  	s24 =	simm.s32 $0xC900;
	s25 =	simm.s32 $0xD100;
	s8 =	simm.s32 $0x100  }
0x18: {  	s26 =	simm.s32 $0xD900;
	s9 =	simm.s32 $0xC100;
	s11 =	simm.s32 $0xE900  }
0x19: {  	s12 =	simm.s32 $0xF100;
	s13 =	simm.s32 $0xF900;
	s14 =	simm.s32 $0x10100  }
0x1a: {  	s15 =	simm.s32 $0x10900;
	s16 =	simm.s32 $0x11100;
	s17 =	simm.s32 $0x11900  }
0x1b: {  	s18 =	simm.s32 $0x12100;
	s20 =	simm.s32 $0x13100;
	[dreg:$0x1c] =	wrdreg s23  }
0x1c: {  	s21 =	simm.s32 $0x13900;
	s22 =	simm.s32 $0x14100;
	[dreg:$0x1d] =	wrdreg s24  }
0x1d: {  	s6 =	sshll.u32 s5, $0x5;
	s7 =	smul.u32 $0x18000, s5;
	[dreg:$0x1e] =	wrdreg s25  }
0x1e: {  	s5 =	smul.u32 $0x3000, s5;
	s19 =	sshrl.u32 s1, $0x1;
	[dreg:$0x1f] =	wrdreg s26  }
0x1f: {  	s23 =	simm.s32 $0x14900;
	s24 =	simm.s32 $0x15100;
	s6 =	sadd.s32 s6, s4  }
0x20: {  	s25 =	simm.s32 $0x15900;
	s4 =	sadd.s32 $0x126600, s4;
	s6 =	sadd.s32 $0x5600, s6  }
0x21: {  	s26 =	simm.s32 $0x16100;
	s5 =	sadd.s32 s4, s5;
	[dreg:$0x3] =	wrdreg s6  }
0x22: {  	s1 =	ssub.s32 s1, s19;
	[dreg:$0x4] =	wrdreg s5;
	s5 =	simm.s32 $0x3100  }
0x23: {  	s7 =	sshrl.u32 s7, $0x3;
	s6 =	simm.s32 $0x3900;
	[dreg:$0xb] =	wrdreg s5  }
0x24: {  	s4 =	sadd.s32 s4, s7;
	s7 =	simm.s32 $0x4100;
	[dreg:$0xc] =	wrdreg s6  }
0x25: {  	v2 =	vlaneseq.u32;
	s19 =	simm.s32 $0x12900;
	s4 =	sadd.s32 $0x1800, s4;
	[dreg:$0xd] =	wrdreg s7  }
0x26: {  	vm0 =	vmmov $0xffff;
	v1 =	vshrl.u32 v2, $0x3;
	s5 =	sadd.s32 $0x200, s2;
	s6 =	smax.u32 s1, $0x1;
	s7 =	simm.s32 $0x3  }
0x27: {  	v0 =	vand.u32 $0x7, v2;
	v2 =	vor.u32 $0x8, v2;
	v1 =	vmul.u32 $0x8, v1;
	s1 =	simm.s32 $0x2;
	[dreg:$0x5] =	wrdreg s4;
	s4 =	sadd.s32 $0x100, s2  }
.LBB2_1:
0x28: {  	s0 =	rddreg [dreg:$0x3]  }
0x29: {  	[tilespmem:s3], [sflag:$0x3] =	stream.linear.gather [hbm4b:s0+s3], $0x100, $0x38;
	[tilespmem:$0x18100] =	vst v63  }
0x2a: {  	_ =	swait.ge [sflag:s7], $0x100  }
0x2b: {  	[sflag:s7] =	ssyncset.done $0x0  }
0x2c: {  	[sflag:s7] =	ssyncadd.s32 $0xFFFFFF00  }
0x2d: {  	v3 =	vld [tilespmem:$0x0];
	_ =	sdelay $0x4  }
0x2e: {  	v4 =	vshrl.u32 v3, $0x3  }
0x2f: {  	v4 =	vmul.u32 $0x30, v4  }
0x30: {  	v3 =	vand.u32 $0x7, v3  }
0x31: {  	v3 =	vor.u32 v3, v4  }
0x32: {  	v4 =	vperm.xlane v3, v0;
	_ =	sdelay $0x1  }
0x33: {  	v4 =	vadd.s32 v1, v4;
	_ =	sdelay $0x3  }
0x34: {  	v3 =	vperm.xlane v3, v2  }
0x35: {  	[tilespmem:s8], [sflag:$0x1] =	stream.indirect_vreg.gather [hbm4b:s2+s3], $0x80, v4, vm0, $0xb8;
	[tilespmem:$0x18100] =	vst v63  }
0x36: {  	s0 =	rddreg [dreg:$0x6];
	v3 =	vadd.s32 v1, v3  }
0x37: {  	[tilespmem:s0], [sflag:$0x1] =	stream.indirect_vreg.gather [hbm4b:s4+s3], $0x80, v4, vm0, $0xb8;
	[tilespmem:$0x18100] =	vst v63  }
0x38: {  	s10 =	rddreg [dreg:$0x7]  }
0x39: {  	[tilespmem:s10], [sflag:$0x1] =	stream.indirect_vreg.gather [hbm4b:s5+s3], $0x80, v4, vm0, $0xb8;
	[tilespmem:$0x18100] =	vst v63  }
0x3a: {  	s0 =	rddreg [dreg:$0x8]  }
0x3b: {  	[tilespmem:s0], [sflag:$0x1] =	stream.indirect_vreg.gather [hbm4b:s2+s3], $0x80, v3, vm0, $0xb8;
	[tilespmem:$0x18100] =	vst v63  }
0x3c: {  	s10 =	rddreg [dreg:$0x9]  }
0x3d: {  	[tilespmem:s10], [sflag:$0x1] =	stream.indirect_vreg.gather [hbm4b:s4+s3], $0x80, v3, vm0, $0xb8;
	[tilespmem:$0x18100] =	vst v63  }
0x3e: {  	s0 =	rddreg [dreg:$0xa]  }
0x3f: {  	[tilespmem:s0], [sflag:$0x1] =	stream.indirect_vreg.gather [hbm4b:s5+s3], $0x80, v3, vm0, $0xb8;
	[tilespmem:$0x18100] =	vst v63  }
0x40: {  	v3 =	vld [tilespmem:$0x10];
	_ =	sdelay $0x4  }
0x41: {  	v57 =	vshrl.u32 v3, $0x3  }
0x42: {  	v4 =	vmul.u32 $0x30, v57  }
0x43: {  	v3 =	vand.u32 $0x7, v3  }
0x44: {  	v3 =	vor.u32 v3, v4  }
0x45: {  	v4 =	vperm.xlane v3, v0;
	_ =	sdelay $0x1  }
0x46: {  	v4 =	vadd.s32 v1, v4;
	_ =	sdelay $0x3  }
0x47: {  	s0 =	rddreg [dreg:$0xb];
	v3 =	vperm.xlane v3, v2  }
0x48: {  	[tilespmem:s0], [sflag:$0x1] =	stream.indirect_vreg.gather [hbm4b:s2+s3], $0x80, v4, vm0, $0xb8;
	[tilespmem:$0x18100] =	vst v63  }
0x49: {  	s10 =	rddreg [dreg:$0xc];
	v3 =	vadd.s32 v1, v3  }
0x4a: {  	[tilespmem:s10], [sflag:$0x1] =	stream.indirect_vreg.gather [hbm4b:s4+s3], $0x80, v4, vm0, $0xb8;
	[tilespmem:$0x18100] =	vst v63  }
0x4b: {  	s0 =	rddreg [dreg:$0xd]  }
0x4c: {  	[tilespmem:s0], [sflag:$0x1] =	stream.indirect_vreg.gather [hbm4b:s5+s3], $0x80, v4, vm0, $0xb8;
	[tilespmem:$0x18100] =	vst v63  }
0x4d: {  	s10 =	rddreg [dreg:$0xe]  }
0x4e: {  	[tilespmem:s10], [sflag:$0x1] =	stream.indirect_vreg.gather [hbm4b:s2+s3], $0x80, v3, vm0, $0xb8;
	[tilespmem:$0x18100] =	vst v63  }
0x4f: {  	s0 =	rddreg [dreg:$0xf]  }
0x50: {  	[tilespmem:s0], [sflag:$0x1] =	stream.indirect_vreg.gather [hbm4b:s4+s3], $0x80, v3, vm0, $0xb8;
	[tilespmem:$0x18100] =	vst v63  }
0x51: {  	s10 =	rddreg [dreg:$0x10]  }
0x52: {  	[tilespmem:s10], [sflag:$0x1] =	stream.indirect_vreg.gather [hbm4b:s5+s3], $0x80, v3, vm0, $0xb8;
	[tilespmem:$0x18100] =	vst v63  }
0x53: {  	v3 =	vld [tilespmem:$0x20];
	_ =	sdelay $0x4  }
0x54: {  	v58 =	vshrl.u32 v3, $0x3  }
0x55: {  	v4 =	vmul.u32 $0x30, v58  }
0x56: {  	v3 =	vand.u32 $0x7, v3  }
0x57: {  	v3 =	vor.u32 v3, v4  }
0x58: {  	v4 =	vperm.xlane v3, v0;
	_ =	sdelay $0x1  }
0x59: {  	v4 =	vadd.s32 v1, v4;
	_ =	sdelay $0x3  }
0x5a: {  	s0 =	rddreg [dreg:$0x11];
	v3 =	vperm.xlane v3, v2  }
0x5b: {  	[tilespmem:s0], [sflag:$0x1] =	stream.indirect_vreg.gather [hbm4b:s2+s3], $0x80, v4, vm0, $0xb8;
	[tilespmem:$0x18100] =	vst v63  }
0x5c: {  	s10 =	rddreg [dreg:$0x12];
	v3 =	vadd.s32 v1, v3  }
0x5d: {  	[tilespmem:s10], [sflag:$0x1] =	stream.indirect_vreg.gather [hbm4b:s4+s3], $0x80, v4, vm0, $0xb8;
	[tilespmem:$0x18100] =	vst v63  }
0x5e: {  	s0 =	rddreg [dreg:$0x13]  }
0x5f: {  	[tilespmem:s0], [sflag:$0x1] =	stream.indirect_vreg.gather [hbm4b:s5+s3], $0x80, v4, vm0, $0xb8;
	[tilespmem:$0x18100] =	vst v63  }
0x60: {  	s10 =	rddreg [dreg:$0x14]  }
0x61: {  	[tilespmem:s10], [sflag:$0x1] =	stream.indirect_vreg.gather [hbm4b:s2+s3], $0x80, v3, vm0, $0xb8;
	[tilespmem:$0x18100] =	vst v63  }
0x62: {  	s0 =	rddreg [dreg:$0x15]  }
0x63: {  	[tilespmem:s0], [sflag:$0x1] =	stream.indirect_vreg.gather [hbm4b:s4+s3], $0x80, v3, vm0, $0xb8;
	[tilespmem:$0x18100] =	vst v63  }
0x64: {  	s10 =	rddreg [dreg:$0x16]  }
0x65: {  	[tilespmem:s10], [sflag:$0x1] =	stream.indirect_vreg.gather [hbm4b:s5+s3], $0x80, v3, vm0, $0xb8;
	[tilespmem:$0x18100] =	vst v63  }
0x66: {  	v3 =	vld [tilespmem:$0x30];
	_ =	sdelay $0x4  }
0x67: {  	v59 =	vshrl.u32 v3, $0x3  }
0x68: {  	v4 =	vmul.u32 $0x30, v59  }
0x69: {  	v3 =	vand.u32 $0x7, v3  }
0x6a: {  	v3 =	vor.u32 v3, v4  }
0x6b: {  	v4 =	vperm.xlane v3, v0;
	_ =	sdelay $0x1  }
0x6c: {  	v4 =	vadd.s32 v1, v4;
	_ =	sdelay $0x3  }
0x6d: {  	s0 =	rddreg [dreg:$0x17];
	v3 =	vperm.xlane v3, v2  }
0x6e: {  	[tilespmem:s0], [sflag:$0x1] =	stream.indirect_vreg.gather [hbm4b:s2+s3], $0x80, v4, vm0, $0xb8;
	[tilespmem:$0x18100] =	vst v63  }
0x6f: {  	s10 =	rddreg [dreg:$0x18];
	v3 =	vadd.s32 v1, v3  }
0x70: {  	[tilespmem:s10], [sflag:$0x1] =	stream.indirect_vreg.gather [hbm4b:s4+s3], $0x80, v4, vm0, $0xb8;
	[tilespmem:$0x18100] =	vst v63  }
0x71: {  	s0 =	rddreg [dreg:$0x19]  }
0x72: {  	[tilespmem:s0], [sflag:$0x1] =	stream.indirect_vreg.gather [hbm4b:s5+s3], $0x80, v4, vm0, $0xb8;
	[tilespmem:$0x18100] =	vst v63  }
0x73: {  	s10 =	rddreg [dreg:$0x1a]  }
0x74: {  	[tilespmem:s10], [sflag:$0x1] =	stream.indirect_vreg.gather [hbm4b:s2+s3], $0x80, v3, vm0, $0xb8;
	[tilespmem:$0x18100] =	vst v63  }
0x75: {  	s0 =	rddreg [dreg:$0x1b]  }
0x76: {  	[tilespmem:s0], [sflag:$0x1] =	stream.indirect_vreg.gather [hbm4b:s4+s3], $0x80, v3, vm0, $0xb8;
	[tilespmem:$0x18100] =	vst v63  }
0x77: {  	s10 =	rddreg [dreg:$0x1c]  }
0x78: {  	[tilespmem:s10], [sflag:$0x1] =	stream.indirect_vreg.gather [hbm4b:s5+s3], $0x80, v3, vm0, $0xb8;
	[tilespmem:$0x18100] =	vst v63  }
0x79: {  	v3 =	vld [tilespmem:$0x80];
	_ =	sdelay $0x4  }
0x7a: {  	v60 =	vshrl.u32 v3, $0x3  }
0x7b: {  	v4 =	vmul.u32 $0x30, v60  }
0x7c: {  	v3 =	vand.u32 $0x7, v3  }
0x7d: {  	v3 =	vor.u32 v3, v4  }
0x7e: {  	v4 =	vperm.xlane v3, v0;
	_ =	sdelay $0x1  }
0x7f: {  	v4 =	vadd.s32 v1, v4;
	_ =	sdelay $0x3  }
0x80: {  	v3 =	vperm.xlane v3, v2  }
0x81: {  	[tilespmem:s9], [sflag:$0x2] =	stream.indirect_vreg.gather [hbm4b:s2+s3], $0x80, v4, vm0, $0xb8;
	[tilespmem:$0x18100] =	vst v63  }
0x82: {  	s0 =	rddreg [dreg:$0x1d];
	v3 =	vadd.s32 v1, v3  }
0x83: {  	[tilespmem:s0], [sflag:$0x2] =	stream.indirect_vreg.gather [hbm4b:s4+s3], $0x80, v4, vm0, $0xb8;
	[tilespmem:$0x18100] =	vst v63  }
0x84: {  	s10 =	rddreg [dreg:$0x1e]  }
0x85: {  	[tilespmem:s10], [sflag:$0x2] =	stream.indirect_vreg.gather [hbm4b:s5+s3], $0x80, v4, vm0, $0xb8;
	[tilespmem:$0x18100] =	vst v63  }
0x86: {  	s0 =	rddreg [dreg:$0x1f]  }
0x87: {  	[tilespmem:s0], [sflag:$0x2] =	stream.indirect_vreg.gather [hbm4b:s2+s3], $0x80, v3, vm0, $0xb8;
	[tilespmem:$0x18100] =	vst v63  }
0x88: {  	s10 =	simm.s32 $0xE100  }
0x89: {  	[tilespmem:s10], [sflag:$0x2] =	stream.indirect_vreg.gather [hbm4b:s4+s3], $0x80, v3, vm0, $0xb8;
	[tilespmem:$0x18100] =	vst v63  }
0x8a: {  	_ = 	snop  }
0x8b: {  	[tilespmem:s11], [sflag:$0x2] =	stream.indirect_vreg.gather [hbm4b:s5+s3], $0x80, v3, vm0, $0xb8;
	[tilespmem:$0x18100] =	vst v63  }
0x8c: {  	v3 =	vld [tilespmem:$0x90];
	_ =	sdelay $0x4  }
0x8d: {  	v61 =	vshrl.u32 v3, $0x3  }
0x8e: {  	v4 =	vmul.u32 $0x30, v61  }
0x8f: {  	v3 =	vand.u32 $0x7, v3  }
0x90: {  	v3 =	vor.u32 v3, v4  }
0x91: {  	v4 =	vperm.xlane v3, v0;
	_ =	sdelay $0x1  }
0x92: {  	v4 =	vadd.s32 v1, v4;
	_ =	sdelay $0x3  }
0x93: {  	v3 =	vperm.xlane v3, v2  }
0x94: {  	[tilespmem:s12], [sflag:$0x2] =	stream.indirect_vreg.gather [hbm4b:s2+s3], $0x80, v4, vm0, $0xb8;
	[tilespmem:$0x18100] =	vst v63  }
0x95: {  	v3 =	vadd.s32 v1, v3  }
0x96: {  	[tilespmem:s13], [sflag:$0x2] =	stream.indirect_vreg.gather [hbm4b:s4+s3], $0x80, v4, vm0, $0xb8;
	[tilespmem:$0x18100] =	vst v63  }
0x97: {  	_ = 	snop  }
0x98: {  	[tilespmem:s14], [sflag:$0x2] =	stream.indirect_vreg.gather [hbm4b:s5+s3], $0x80, v4, vm0, $0xb8;
	[tilespmem:$0x18100] =	vst v63  }
0x99: {  	_ = 	snop  }
0x9a: {  	[tilespmem:s15], [sflag:$0x2] =	stream.indirect_vreg.gather [hbm4b:s2+s3], $0x80, v3, vm0, $0xb8;
	[tilespmem:$0x18100] =	vst v63  }
0x9b: {  	_ = 	snop  }
0x9c: {  	[tilespmem:s16], [sflag:$0x2] =	stream.indirect_vreg.gather [hbm4b:s4+s3], $0x80, v3, vm0, $0xb8;
	[tilespmem:$0x18100] =	vst v63  }
0x9d: {  	_ = 	snop  }
0x9e: {  	[tilespmem:s17], [sflag:$0x2] =	stream.indirect_vreg.gather [hbm4b:s5+s3], $0x80, v3, vm0, $0xb8;
	[tilespmem:$0x18100] =	vst v63  }
0x9f: {  	v3 =	vld [tilespmem:$0xA0];
	_ =	sdelay $0x4  }
0xa0: {  	v62 =	vshrl.u32 v3, $0x3  }
0xa1: {  	v4 =	vmul.u32 $0x30, v62  }
0xa2: {  	v3 =	vand.u32 $0x7, v3  }
0xa3: {  	v3 =	vor.u32 v3, v4  }
0xa4: {  	v4 =	vperm.xlane v3, v0;
	_ =	sdelay $0x1  }
0xa5: {  	v4 =	vadd.s32 v1, v4;
	_ =	sdelay $0x3  }
0xa6: {  	v3 =	vperm.xlane v3, v2  }
0xa7: {  	[tilespmem:s18], [sflag:$0x2] =	stream.indirect_vreg.gather [hbm4b:s2+s3], $0x80, v4, vm0, $0xb8;
	[tilespmem:$0x18100] =	vst v63  }
0xa8: {  	v3 =	vadd.s32 v1, v3  }
0xa9: {  	[tilespmem:s19], [sflag:$0x2] =	stream.indirect_vreg.gather [hbm4b:s4+s3], $0x80, v4, vm0, $0xb8;
	[tilespmem:$0x18100] =	vst v63  }
0xaa: {  	_ = 	snop  }
0xab: {  	[tilespmem:s20], [sflag:$0x2] =	stream.indirect_vreg.gather [hbm4b:s5+s3], $0x80, v4, vm0, $0xb8;
	[tilespmem:$0x18100] =	vst v63  }
0xac: {  	_ = 	snop  }
0xad: {  	[tilespmem:s21], [sflag:$0x2] =	stream.indirect_vreg.gather [hbm4b:s2+s3], $0x80, v3, vm0, $0xb8;
	[tilespmem:$0x18100] =	vst v63  }
0xae: {  	_ = 	snop  }
0xaf: {  	[tilespmem:s22], [sflag:$0x2] =	stream.indirect_vreg.gather [hbm4b:s4+s3], $0x80, v3, vm0, $0xb8;
	[tilespmem:$0x18100] =	vst v63  }
0xb0: {  	_ = 	snop  }
0xb1: {  	[tilespmem:s23], [sflag:$0x2] =	stream.indirect_vreg.gather [hbm4b:s5+s3], $0x80, v3, vm0, $0xb8;
	[tilespmem:$0x18100] =	vst v63  }
0xb2: {  	v3 =	vld [tilespmem:$0xB0];
	_ =	sdelay $0x4  }
0xb3: {  	v63 =	vshrl.u32 v3, $0x3  }
0xb4: {  	v4 =	vmul.u32 $0x30, v63  }
0xb5: {  	v3 =	vand.u32 $0x7, v3  }
0xb6: {  	v3 =	vor.u32 v3, v4  }
0xb7: {  	v4 =	vperm.xlane v3, v0;
	_ =	sdelay $0x1  }
0xb8: {  	v4 =	vadd.s32 v1, v4;
	_ =	sdelay $0x3  }
0xb9: {  	v3 =	vperm.xlane v3, v2  }
0xba: {  	[tilespmem:s24], [sflag:$0x2] =	stream.indirect_vreg.gather [hbm4b:s2+s3], $0x80, v4, vm0, $0xb8;
	[tilespmem:$0x18100] =	vst v63  }
0xbb: {  	v3 =	vadd.s32 v1, v3  }
0xbc: {  	[tilespmem:s25], [sflag:$0x2] =	stream.indirect_vreg.gather [hbm4b:s4+s3], $0x80, v4, vm0, $0xb8;
	[tilespmem:$0x18100] =	vst v63  }
0xbd: {  	_ = 	snop  }
0xbe: {  	[tilespmem:s26], [sflag:$0x2] =	stream.indirect_vreg.gather [hbm4b:s5+s3], $0x80, v4, vm0, $0xb8;
	[tilespmem:$0x18100] =	vst v63  }
0xbf: {  	_ = 	snop  }
0xc0: {  	[tilespmem:s28], [sflag:$0x2] =	stream.indirect_vreg.gather [hbm4b:s2+s3], $0x80, v3, vm0, $0xb8;
	[tilespmem:$0x18100] =	vst v63  }
0xc1: {  	_ = 	snop  }
0xc2: {  	[tilespmem:s29], [sflag:$0x2] =	stream.indirect_vreg.gather [hbm4b:s4+s3], $0x80, v3, vm0, $0xb8;
	[tilespmem:$0x18100] =	vst v63  }
0xc3: {  	_ = 	snop  }
0xc4: {  	[tilespmem:s30], [sflag:$0x2] =	stream.indirect_vreg.gather [hbm4b:s5+s3], $0x80, v3, vm0, $0xb8;
	[tilespmem:$0x18100] =	vst v63  }
0xc5: {  	_ =	swait.ge [sflag:s31], $0xC000  }
0xc6: {  	[sflag:s31] =	ssyncset.done $0x0  }
0xc7: {  	s10 =	rddreg [dreg:$0x4];
	[sflag:s31] =	ssyncadd.s32 $0xFFFF4000  }
0xc8: {  	[hbm4b:s10+s3] =	stream.linear.scatter [tilespmem:s8], [sflag:$0x3], $0xC000, $0x38;
	[tilespmem:$0x18100] =	vst v63  }
0xc9: {  	_ =	swait.ge [sflag:s7], $0xC000  }
0xca: {  	[sflag:s7] =	ssyncset.done $0x0  }
0xcb: {  	[sflag:s7] =	ssyncadd.s32 $0xFFFF4000  }
0xcc: {  	_ =	swait.ge [sflag:s1], $0xC000  }
0xcd: {  	p0 =	sne.s32 s6, $0x1;
	[sflag:s1] =	ssyncset.done $0x0  }
.Ltmp0:
0xce: {  	s10 =	rddreg [dreg:$0x5];
	[sflag:s1] =	ssyncadd.s32 $0xFFFF4000;
	(pc) =	sbr.rel @p0 .LBB2_1-.Ltmp0, $4  }
0xcf: {  	[hbm4b:s10+s3] =	stream.linear.scatter [tilespmem:s9], [sflag:$0x3], $0xC000, $0x38;
	[tilespmem:$0x18100] =	vst v63  }
0xd0: {  	_ =	swait.ge [sflag:s7], $0xC000  }
0xd1: {  	[sflag:s7] =	ssyncset.done $0x0  }
0xd2: {  	s6 =	sadd.s32 $0xFFFFFFFF, s6;
	[sflag:s7] =	ssyncadd.s32 $0xFFFF4000  }
0xd3: {  	_ =	sfence.sel $0x180000  }
0xd4: {  	[bflag:$0x0] =	sbarrier.arrive $0xFFFF  }
0xd5: {  	_ =	strace $0x90000053  }
0xd6: {  	s0 =	stileid.u32;
	[bflag:$0x2] =	sbarrier.arrive $0xFFFF  }
0xd7: {  	p0 =	sne.s32 s0, $0x0;
	s0 =	rddreg [dreg:$0x2]  }
0xd8: {  	s0 =	sadd.s32 @!p0 $0x100000, s0  }
0xd9: {  	[sflag:s0] =	ssyncadd.tile.s32 @!p0 $0x1;
	_ =	shalt  }
.Lfunc_end2:
_tile_overlayer_lowered:
.L_overlay_start_2:
0xda: {  	(tag) =	ssettag $0x2  }
0xdb: {  	s0 =	rddreg [dreg:$0x0];
	s2 =	stileid.u32  }
0xdc: {  	s1 =	rddreg [dreg:$0x1];
	p0 =	sne.s32 s2, $0x0  }
0xdd: {  	s3 =	rddreg [dreg:$0x2];
	[bflag:$0x3] =	sbarrier.arrive $0xFFFF;
	s2 =	simm.s32 @!p0 $0x1C03  }
0xde: {  	[timem:s3], [sflag:s2] =	dma.local @!p0 [hbm:s0], s1  }
0xdf: {  	s0 =	simm.s32 @!p0 $0x3  }
0xe0: {  	_ =	swait.ge @!p0 [sflag:s0], s1  }
0xe1: {  	s1 =	ssub.s32 @!p0 $0x0, s1;
	[sflag:s0] =	ssyncset.done @!p0 $0x0  }
0xe2: {  	[sflag:s0] =	ssyncadd.s32 @!p0 s1  }
0xe3: {  	[bflag:$0x3] =	sbarrier.arrive $0xFFFF  }
0xe4: {  	_ =	shalt  }

// kernel: kernel.33.cloned.1.call-start
scs
__scs_entry_jumppad:
0x0: {  	(pc) =	sbr.rel $0x88, $3  }
0x1: {  	(tag) =	ssettag $0x0;
	lr =	simm.s32 $0x1  }
0x2: {  	[smem:$0x3F9A] =	sst lr;
	_ =	strace $0xD0000000  }
0x3: {  	_ = 	snop  }
0x4: {  	_ = 	snop  }
0x5: {  	_ = 	snop  }
0x6: {  	_ = 	snop  }
0x7: {  	_ = 	snop  }
__scs_overlays_trampoline_lowered:
0x8: {  	[smem:$0x3FA9] =	sst s0  }
0x9: {  	[smem:$0x3FAA] =	sst s1  }
0xa: {  	[smem:$0x3FAB] =	sst s2  }
0xb: {  	[smem:$0x3FAC] =	sst s3  }
0xc: {  	[smem:$0x3FAD] =	sst s4  }
0xd: {  	[smem:$0x3FAE] =	sst s5  }
0xe: {  	[smem:$0x3FAF] =	sst s6  }
0xf: {  	[smem:$0x3FB0] =	sst s7  }
0x10: {  	[smem:$0x3FB1] =	sst s8  }
0x11: {  	[smem:$0x3FB2] =	sst s9;
	s0 =	simm.s32 @!p0 $0x0  }
0x12: {  	s1 =	sld [smem:$0x3F98];
	s0 =	simm.s32 @p0 $0x1  }
0x13: {  	[smem:$0x3FB3] =	sst s0;
	s0 =	simm.s32 @!p1 $0x0  }
0x14: {  	s2 =	sld [smem:$0x3F97];
	s0 =	simm.s32 @p1 $0x1  }
0x15: {  	[smem:$0x3FB4] =	sst s0;
	s0 =	simm.s32 @!p2 $0x0  }
0x16: {  	s3 =	sld [smem:$0x3FDB];
	s0 =	simm.s32 @p2 $0x1  }
0x17: {  	s4 =	simm.s32 $0x1BF5;
	[smem:$0x3FB6] =	sst s0  }
0x18: {  	s0 =	sld [smem:$0x3F99];
	_ =	swait.ge [sflag:s4], $0x0  }
0x19: {  	s7 =	sld [smem:$0x3F9A]  }
0x1a: {  	s8 =	sadd.s32 $0xFFFFE003, lr  }
0x1b: {  	s9 =	sadd.s32 $0xFFFFFEF7, lr;
	s5 =	simm.s32 $0xFFFFFFFF;
	p2 =	slt.u32 s8, $0xFFFFF086  }
0x1c: {  	p1 =	slt.u32 s9, $0xF7A;
	s5 =	simm.s32 @!p2 $0x0  }
0x1d: {  	s5 =	simm.s32 @p1 $0x1;
	p0 =	seq.s32 s7, s2  }
0x1e: {  	s7 =	smul.u32 @!p0 $0xF7A, s2;
	p2 =	seq.s32 @!p0 s5, $0x0  }
0x1f: {  	s9 =	smul.u32 $0xF7A, s1;
	s8 =	simm.s32 @!p0 $0x1BF5;
	p2 =	por !p2, p0  }
0x20: {  	[sflag:s8] =	ssyncset.s32 @!p0 $0xFFFFF086;
	s6 =	sadd.s32 @!p0 s3, s7;
	s7 =	simm.s32 @!p0 $0x108  }
0x21: {  	s3 =	sadd.s32 s3, s9;
	s6 =	sadd.s32 @!p0 $0x88, s6;
	s7 =	simm.s32 @p2 $0x1082  }
0x22: {  	[simem:s7], [sflag:s8] =	dma.local @!p0 [hbm:s6], $0xF7A  }
0x23: {  	s9 =	sor.u32 $0xD0000000, s2;
	s6 =	simm.s32 $0x108;
	_ =	swait.ge @!p0 [sflag:s8], $0x0  }
0x24: {  	s3 =	sadd.s32 $0x88, s3;
	s6 =	simm.s32 @!p1 $0x1082;
	[sflag:s4] =	ssyncset.s32 $0xFFFFF086  }
0x25: {  	[simem:s6], [sflag:s4] =	dma.local [hbm:s3], $0xF7A  }
0x26: {  	[smem:$0x3F9A] =	sst s1;
	(tag) =	ssettag s2;
	_ =	strace s9  }
0x27: {  	s1 =	sld [smem:$0x3FAA]  }
0x28: {  	s2 =	sld [smem:$0x3FAB]  }
0x29: {  	s4 =	sld [smem:$0x3FAD]  }
0x2a: {  	p0 =	seq.s32 s5, $0x0;
	s5 =	sld [smem:$0x3FAE]  }
0x2b: {  	s6 =	sld [smem:$0x3FAF]  }
0x2c: {  	s7 =	sld [smem:$0x3FB0]  }
0x2d: {  	s3 =	simm.s32 $0x108;
	s8 =	sld [smem:$0x3FB1]  }
0x2e: {  	s3 =	simm.s32 @!p0 $0x1082;
	s9 =	sld [smem:$0x3FB2]  }
0x2f: {  	lr =	sadd.s32 s0, s3;
	s0 =	sld [smem:$0x3FA9]  }
0x30: {  	s3 =	sld [smem:$0x3FAC]  }
0x31: {  	[smem:$0x3FB5] =	sst s10  }
0x32: {  	s10 =	sld [smem:$0x3FB3];
	_ =	sdelay $0x3  }
0x33: {  	p0 =	seq.s32 s10, $0x1;
	s10 =	sld [smem:$0x3FB5];
	_ =	sdelay $0x3  }
0x34: {  	[smem:$0x3FB5] =	sst s10  }
0x35: {  	s10 =	sld [smem:$0x3FB4];
	_ =	sdelay $0x3  }
0x36: {  	p1 =	seq.s32 s10, $0x1;
	s10 =	sld [smem:$0x3FB5];
	_ =	sdelay $0x3  }
0x37: {  	[smem:$0x3FB5] =	sst s10  }
0x38: {  	s10 =	sld [smem:$0x3FB6]  }
0x39: {  	_ = 	snop;
	(pc) =	sbr.ind lr, $3  }
0x3a: {  	_ = 	snop  }
0x3b: {  	_ = 	snop  }
0x3c: {  	p2 =	seq.s32 s10, $0x1;
	s10 =	sld [smem:$0x3FB5]  }
0x3d: {  	_ =	shalt  }
0x3e: {  	_ =	shalt  }
0x3f: {  	_ =	shalt  }
0x40: {  	_ =	shalt  }
0x41: {  	_ =	shalt  }
0x42: {  	_ =	shalt  }
0x43: {  	_ =	shalt  }
0x44: {  	_ =	shalt  }
0x45: {  	_ =	shalt  }
0x46: {  	_ =	shalt  }
0x47: {  	_ =	shalt  }
0x48: {  	_ =	shalt  }
0x49: {  	_ =	shalt  }
0x4a: {  	_ =	shalt  }
0x4b: {  	_ =	shalt  }
0x4c: {  	_ =	shalt  }
0x4d: {  	_ =	shalt  }
0x4e: {  	_ =	shalt  }
0x4f: {  	_ =	shalt  }
0x50: {  	_ =	shalt  }
0x51: {  	_ =	shalt  }
0x52: {  	_ =	shalt  }
0x53: {  	_ =	shalt  }
0x54: {  	_ =	shalt  }
0x55: {  	_ =	shalt  }
0x56: {  	_ =	shalt  }
0x57: {  	_ =	shalt  }
0x58: {  	_ =	shalt  }
0x59: {  	_ =	shalt  }
0x5a: {  	_ =	shalt  }
0x5b: {  	_ =	shalt  }
0x5c: {  	_ =	shalt  }
0x5d: {  	_ =	shalt  }
0x5e: {  	_ =	shalt  }
0x5f: {  	_ =	shalt  }
0x60: {  	_ =	shalt  }
0x61: {  	_ =	shalt  }
0x62: {  	_ =	shalt  }
0x63: {  	_ =	shalt  }
0x64: {  	_ =	shalt  }
0x65: {  	_ =	shalt  }
0x66: {  	_ =	shalt  }
0x67: {  	_ =	shalt  }
0x68: {  	_ =	shalt  }
0x69: {  	_ =	shalt  }
0x6a: {  	_ =	shalt  }
0x6b: {  	_ =	shalt  }
0x6c: {  	_ =	shalt  }
0x6d: {  	_ =	shalt  }
0x6e: {  	_ =	shalt  }
0x6f: {  	_ =	shalt  }
0x70: {  	_ =	shalt  }
0x71: {  	_ =	shalt  }
0x72: {  	_ =	shalt  }
0x73: {  	_ =	shalt  }
0x74: {  	_ =	shalt  }
0x75: {  	_ =	shalt  }
0x76: {  	_ =	shalt  }
0x77: {  	_ =	shalt  }
0x78: {  	_ =	shalt  }
0x79: {  	_ =	shalt  }
0x7a: {  	_ =	shalt  }
0x7b: {  	_ =	shalt  }
0x7c: {  	_ =	shalt  }
0x7d: {  	_ =	shalt  }
0x7e: {  	_ =	shalt  }
0x7f: {  	_ =	shalt  }
0x80: {  	_ =	shalt  }
0x81: {  	_ =	shalt  }
0x82: {  	_ =	shalt  }
0x83: {  	_ =	shalt  }
0x84: {  	_ =	shalt  }
0x85: {  	_ =	shalt  }
0x86: {  	_ =	shalt  }
0x87: {  	_ =	shalt  }
.Lfunc_end0:
.L_simem_size_0:
called_computation.5_lowered:
.L_overlay_start_0:
0x88: {  	s2 =	sld [smem:$0x3FD9]  }
0x89: {  	s3 =	sld [smem:$0x3FFE];
	_ =	sdelay $0x1  }
0x8a: {  	s1 =	srdreg.scid  }
0x8b: {  	s0 =	sand.u32 $0x1, s1  }
0x8c: {  	s17 =	sshll.u32 s0, $0xA;
	s2 =	sadd.s32 s3, s2  }
0x8d: {  	s2 =	sadd.s32 s2, s17  }
0x8e: {  	[smem:$0x3FC1] =	sst s2  }
0x8f: {  	_ = 	snop  }
0x90: {  	s18 =	sld [smem:$0x3FC7];
	(tm) =	ssettm $0x1  }
0x91: {  	s19 =	sld [smem:$0x3FFB];
	_ =	sdelay $0x3  }
0x92: {  	_ =	strace s19  }
0x93: {  	s2 =	sld [smem:$0x3FFC];
	_ =	sdelay $0x3  }
0x94: {  	_ =	strace s2  }
0x95: {  	s2 =	sld [smem:$0x3FFD];
	_ =	sdelay $0x3  }
0x96: {  	_ =	strace s2  }
0x97: {  	_ =	strace $0x8FFFFFFF  }
0x98: {  	s20 =	sld [smem:$0x3FDB];
	_ =	sdelay $0x1  }
0x99: {  	s4 =	simm.s32 $_scs_section_size  }
0x9a: {  	s5 =	simm.s32 $_size__tile_overlayer_lowered;
	s6 =	simm.s32 $_tile_overlayer_lowered  }
0x9b: {  	s7 =	simm.s32 $0x1BFF;
	s21 =	sshll.u32 s6, $0x1;
	s4 =	sadd.s32 s4, s20  }
0x9c: {  	s22 =	simm.s32 $0x0;
	s5 =	sshll.u32 s5, $0x1;
	s6 =	sadd.s32 s21, s4  }
0x9d: {  	[timem:s22], [sflag:s7] =	dma.local [hbm:s6], s5  }
0x9e: {  	_ =	swait.ge [sflag:s7], s5  }
0x9f: {  	s5 =	ssub.s32 $0x0, s5;
	[sflag:s7] =	ssyncset.done $0x0  }
0xa0: {  	[sflag:s7] =	ssyncadd.s32 s5;
	_ =	sdelay $0x1  }
0xa1: {  	s23 =	simm.s32 $0x1B8B  }
0xa2: {  	_ =	swait.ge [sflag:s23], $0x1  }
0xa3: {  	[sflag:s23] =	ssyncset.done $0x0  }
0xa4: {  	[sflag:s23] =	ssyncadd.s32 $0xFFFFFFFF  }
0xa5: {  	s5 =	sld [smem:$0x0]  }
0xa6: {  	s6 =	sand.u32 $0xFFFFFFFE, s1  }
0xa7: {  	p0 =	sne.s32 s1, s6  }
0xa8: {  	s6 =	sshll.u32 @p0 s6, $0xE  }
0xa9: {  	s6 =	sadd.s32 @p0 $0x11B8D, s6;
	s7 =	sshll.u32 @p0 s5, $0x11  }
0xaa: {  	s6 =	sor.u32 @p0 s7, s6  }
0xab: {  	[sflag:s6] =	ssyncadd.remote.s32 @p0 $0x1;
	_ =	sdelay $0x1  }
0xac: {  	s6 =	simm.s32 @p0 $0x1B8D  }
0xad: {  	_ =	swait.eq @p0 [sflag:s6], $0x1  }
0xae: {  	[sflag:s6] =	ssyncadd.s32 @p0 $0xFFFFFFFF  }
0xaf: {  	s7 =	sshll.u32 @!p0 s1, $0xE  }
0xb0: {  	s7 =	sor.u32 @!p0 $0x4000, s7;
	s6 =	simm.s32 @!p0 $0x1B8D  }
0xb1: {  	s5 =	sshll.u32 @!p0 s5, $0x11;
	s7 =	sadd.s32 @!p0 $0x11B8D, s7;
	_ =	swait.eq @!p0 [sflag:s6], $0x1  }
0xb2: {  	s5 =	sor.u32 @!p0 s5, s7;
	[sflag:s6] =	ssyncadd.s32 @!p0 $0xFFFFFFFF  }
0xb3: {  	s25 =	simm.s32 $0x1B8E;
	s24 =	sld [smem:$0x3FFE];
	[sflag:s5] =	ssyncadd.remote.s32 @!p0 $0x1  }
0xb4: {  	s26 =	simm.s32 $execute0_lowered;
	[smem:$0x3FD2] =	sst s25  }
0xb5: {  	s6 =	sshll.u32 s26, $0x1;
	_ =	strace $0x80000055;
	[dreg:$0x1] =	wrdreg $0xFFFFFFFF  }
0xb6: {  	s28 =	simm.s32 $_size_execute0_lowered;
	s4 =	sadd.s32 s4, s6;
	[dreg:$0x0] =	wrdreg $0x0  }
0xb7: {  	s6 =	sshll.u32 s28, $0x1;
	[dreg:$0x2] =	wrdreg s4  }
0xb8: {  	[dreg:$0x3] =	wrdreg s6  }
0xb9: {  	[dreg:$0x4] =	wrdreg $0xC0  }
0xba: {  	_ =	task [dreg:s22], $0x5FFFF  }
0xbb: {  	[dreg:$0x1] =	wrdreg $0xFFFFFFFF  }
0xbc: {  	[dreg:$0x0] =	wrdreg $0x60  }
0xbd: {  	[dreg:$0x2] =	wrdreg s18  }
0xbe: {  	[dreg:$0x3] =	wrdreg s24  }
0xbf: {  	[dreg:$0x4] =	wrdreg $0xE  }
0xc0: {  	_ =	task.clear_ibuf [dreg:s22], $0x5FFFF;
	_ =	strace $0x90000055  }
0xc1: {  	s29 =	simm.s32 $0xE;
	_ =	strace $0x80000057  }
0xc2: {  	_ =	swait.ge [sflag:s29], $0x1  }
0xc3: {  	[sflag:s29] =	ssyncadd.s32 $0xFFFFFFFF  }
0xc4: {  	_ =	strace $0x90000057  }
0xc5: {  	_ =	sfence  }
0xc6: {  	s30 =	sld [smem:$0x0];
	_ =	sdelay $0x2  }
0xc7: {  	s31 =	sshll.u32 s1, $0xD;
	s1 =	sshrl.u32 s1, $0x2  }
0xc8: {  	s4 =	sand.u32 $0x4000, s31;
	s1 =	sadd.s32 s1, s30  }
0xc9: {  	s0 =	sor.u32 s4, s0;
	s1 =	sshll.u32 s1, $0x11  }
0xca: {  	s0 =	sor.u32 s1, s0  }
0xcb: {  	s0 =	sadd.s32 $0x8F2B, s0  }
0xcc: {  	[sflag:s0] =	ssyncadd.remote.s32 $0x1  }
0xcd: {  	_ =	sfence.sel $0xFFFF  }
0xce: {  	[dreg:$0x0] =	wrdreg $0xFFFFFFFF;
	(pc) =	sbr.abs _section_cstart, $3  }
0xcf: {  	[dreg:$0x1] =	wrdreg $0xFFFFFFFF  }
0xd0: {  	_ =	task.clear_ibuf [dreg:s22], $0x2FFFF;
	_ =	strace $0x9FFFFFFF  }
0xd1: {  	(tm) =	ssettm $0x7FFFFFFF  }
tec
execute0_lowered:
.L_overlay_start_1:
0x0: {  	(tag) =	ssettag $0x1  }
0x1: {  	s2 =	rddreg [dreg:$0x0]  }
0x2: {  	s4 =	rddreg [dreg:$0x1];
	s3 =	simm.s32 $0x0  }
0x3: {  	s23 =	simm.s32 $0x900;
	[smem:$0x7FF] =	sst s3  }
0x4: {  	s24 =	simm.s32 $0x1100;
	_ =	strace $0x80000056;
	[dreg:$0x6] =	wrdreg s23  }
0x5: {  	s25 =	simm.s32 $0x1900;
	[dreg:$0x7] =	wrdreg s24  }
0x6: {  	s0 =	stileid.u32;
	s26 =	simm.s32 $0x2100;
	[dreg:$0x8] =	wrdreg s25  }
0x7: {  	s5 =	sshll.u32 s0, $0x1;
	s0 =	simm.s32 $0x2900;
	[dreg:$0x9] =	wrdreg s26  }
0x8: {  	s8 =	simm.s32 $0x4900;
	[dreg:$0xa] =	wrdreg s0  }
0x9: {  	s9 =	simm.s32 $0x5100;
	[dreg:$0xe] =	wrdreg s8  }
0xa: {  	s10 =	simm.s32 $0x5900;
	[dreg:$0xf] =	wrdreg s9  }
0xb: {  	s11 =	simm.s32 $0x6100;
	[dreg:$0x10] =	wrdreg s10  }
0xc: {  	s12 =	simm.s32 $0x6900;
	[dreg:$0x11] =	wrdreg s11  }
0xd: {  	s13 =	simm.s32 $0x7100;
	[dreg:$0x12] =	wrdreg s12  }
0xe: {  	s14 =	simm.s32 $0x7900;
	[dreg:$0x13] =	wrdreg s13  }
0xf: {  	s1 =	srdreg.scid;
	s15 =	simm.s32 $0x8100;
	[dreg:$0x14] =	wrdreg s14  }
0x10: {  	s16 =	simm.s32 $0x8900;
	s17 =	simm.s32 $0x9100;
	[dreg:$0x15] =	wrdreg s15  }
0x11: {  	s18 =	simm.s32 $0x9900;
	s20 =	simm.s32 $0xA100;
	[dreg:$0x16] =	wrdreg s16  }
0x12: {  	s21 =	simm.s32 $0xA900;
	s22 =	simm.s32 $0xB100;
	[dreg:$0x17] =	wrdreg s17  }
0x13: {  	s28 =	simm.s32 $0x16900;
	s29 =	simm.s32 $0x17100;
	[dreg:$0x18] =	wrdreg s18  }
0x14: {  	s30 =	simm.s32 $0x17900;
	s1 =	sand.u32 $0x1, s1;
	[dreg:$0x19] =	wrdreg s20  }
0x15: {  	s31 =	simm.s32 $0x1;
	s5 =	sor.u32 s1, s5;
	[dreg:$0x1a] =	wrdreg s21  }
0x16: {  	s1 =	ssub.s32 $0x2, s1;
	[dreg:$0x1b] =	wrdreg s22;
	s23 =	simm.s32 $0xB900  }
0x17: {  	s24 =	simm.s32 $0xC900;
	s25 =	simm.s32 $0xD100;
	s8 =	simm.s32 $0x100  }
0x18: {  	s26 =	simm.s32 $0xD900;
	s9 =	simm.s32 $0xC100;
	s11 =	simm.s32 $0xE900  }
0x19: {  	s12 =	simm.s32 $0xF100;
	s13 =	simm.s32 $0xF900;
	s14 =	simm.s32 $0x10100  }
0x1a: {  	s15 =	simm.s32 $0x10900;
	s16 =	simm.s32 $0x11100;
	s17 =	simm.s32 $0x11900  }
0x1b: {  	s18 =	simm.s32 $0x12100;
	s20 =	simm.s32 $0x13100;
	[dreg:$0x1c] =	wrdreg s23  }
0x1c: {  	s21 =	simm.s32 $0x13900;
	s22 =	simm.s32 $0x14100;
	[dreg:$0x1d] =	wrdreg s24  }
0x1d: {  	s6 =	sshll.u32 s5, $0x5;
	s7 =	smul.u32 $0x18000, s5;
	[dreg:$0x1e] =	wrdreg s25  }
0x1e: {  	s5 =	smul.u32 $0x3000, s5;
	s19 =	sshrl.u32 s1, $0x1;
	[dreg:$0x1f] =	wrdreg s26  }
0x1f: {  	s23 =	simm.s32 $0x14900;
	s24 =	simm.s32 $0x15100;
	s6 =	sadd.s32 s6, s4  }
0x20: {  	s25 =	simm.s32 $0x15900;
	s4 =	sadd.s32 $0x186600, s4;
	s6 =	sadd.s32 $0x5A00, s6  }
0x21: {  	s26 =	simm.s32 $0x16100;
	s5 =	sadd.s32 s4, s5;
	[dreg:$0x3] =	wrdreg s6  }
0x22: {  	s1 =	ssub.s32 s1, s19;
	[dreg:$0x4] =	wrdreg s5;
	s5 =	simm.s32 $0x3100  }
0x23: {  	s7 =	sshrl.u32 s7, $0x3;
	s6 =	simm.s32 $0x3900;
	[dreg:$0xb] =	wrdreg s5  }
0x24: {  	s4 =	sadd.s32 s4, s7;
	s7 =	simm.s32 $0x4100;
	[dreg:$0xc] =	wrdreg s6  }
0x25: {  	v2 =	vlaneseq.u32;
	s19 =	simm.s32 $0x12900;
	s4 =	sadd.s32 $0x1800, s4;
	[dreg:$0xd] =	wrdreg s7  }
0x26: {  	vm0 =	vmmov $0xffff;
	v1 =	vshrl.u32 v2, $0x3;
	s5 =	sadd.s32 $0x200, s2;
	s6 =	smax.u32 s1, $0x1;
	s7 =	simm.s32 $0x3  }
0x27: {  	v0 =	vand.u32 $0x7, v2;
	v2 =	vor.u32 $0x8, v2;
	v1 =	vmul.u32 $0x8, v1;
	s1 =	simm.s32 $0x2;
	[dreg:$0x5] =	wrdreg s4;
	s4 =	sadd.s32 $0x100, s2  }
.LBB2_1:
0x28: {  	s0 =	rddreg [dreg:$0x3]  }
0x29: {  	[tilespmem:s3], [sflag:$0x3] =	stream.linear.gather [hbm4b:s0+s3], $0x100, $0x38;
	[tilespmem:$0x18100] =	vst v63  }
0x2a: {  	_ =	swait.ge [sflag:s7], $0x100  }
0x2b: {  	[sflag:s7] =	ssyncset.done $0x0  }
0x2c: {  	[sflag:s7] =	ssyncadd.s32 $0xFFFFFF00  }
0x2d: {  	v3 =	vld [tilespmem:$0x0];
	_ =	sdelay $0x4  }
0x2e: {  	v4 =	vshrl.u32 v3, $0x3  }
0x2f: {  	v4 =	vmul.u32 $0x30, v4  }
0x30: {  	v3 =	vand.u32 $0x7, v3  }
0x31: {  	v3 =	vor.u32 v3, v4  }
0x32: {  	v4 =	vperm.xlane v3, v0;
	_ =	sdelay $0x1  }
0x33: {  	v4 =	vadd.s32 v1, v4;
	_ =	sdelay $0x3  }
0x34: {  	v3 =	vperm.xlane v3, v2  }
0x35: {  	[tilespmem:s8], [sflag:$0x1] =	stream.indirect_vreg.gather [hbm4b:s2+s3], $0x80, v4, vm0, $0xb8;
	[tilespmem:$0x18100] =	vst v63  }
0x36: {  	s0 =	rddreg [dreg:$0x6];
	v3 =	vadd.s32 v1, v3  }
0x37: {  	[tilespmem:s0], [sflag:$0x1] =	stream.indirect_vreg.gather [hbm4b:s4+s3], $0x80, v4, vm0, $0xb8;
	[tilespmem:$0x18100] =	vst v63  }
0x38: {  	s10 =	rddreg [dreg:$0x7]  }
0x39: {  	[tilespmem:s10], [sflag:$0x1] =	stream.indirect_vreg.gather [hbm4b:s5+s3], $0x80, v4, vm0, $0xb8;
	[tilespmem:$0x18100] =	vst v63  }
0x3a: {  	s0 =	rddreg [dreg:$0x8]  }
0x3b: {  	[tilespmem:s0], [sflag:$0x1] =	stream.indirect_vreg.gather [hbm4b:s2+s3], $0x80, v3, vm0, $0xb8;
	[tilespmem:$0x18100] =	vst v63  }
0x3c: {  	s10 =	rddreg [dreg:$0x9]  }
0x3d: {  	[tilespmem:s10], [sflag:$0x1] =	stream.indirect_vreg.gather [hbm4b:s4+s3], $0x80, v3, vm0, $0xb8;
	[tilespmem:$0x18100] =	vst v63  }
0x3e: {  	s0 =	rddreg [dreg:$0xa]  }
0x3f: {  	[tilespmem:s0], [sflag:$0x1] =	stream.indirect_vreg.gather [hbm4b:s5+s3], $0x80, v3, vm0, $0xb8;
	[tilespmem:$0x18100] =	vst v63  }
0x40: {  	v3 =	vld [tilespmem:$0x10];
	_ =	sdelay $0x4  }
0x41: {  	v57 =	vshrl.u32 v3, $0x3  }
0x42: {  	v4 =	vmul.u32 $0x30, v57  }
0x43: {  	v3 =	vand.u32 $0x7, v3  }
0x44: {  	v3 =	vor.u32 v3, v4  }
0x45: {  	v4 =	vperm.xlane v3, v0;
	_ =	sdelay $0x1  }
0x46: {  	v4 =	vadd.s32 v1, v4;
	_ =	sdelay $0x3  }
0x47: {  	s0 =	rddreg [dreg:$0xb];
	v3 =	vperm.xlane v3, v2  }
0x48: {  	[tilespmem:s0], [sflag:$0x1] =	stream.indirect_vreg.gather [hbm4b:s2+s3], $0x80, v4, vm0, $0xb8;
	[tilespmem:$0x18100] =	vst v63  }
0x49: {  	s10 =	rddreg [dreg:$0xc];
	v3 =	vadd.s32 v1, v3  }
0x4a: {  	[tilespmem:s10], [sflag:$0x1] =	stream.indirect_vreg.gather [hbm4b:s4+s3], $0x80, v4, vm0, $0xb8;
	[tilespmem:$0x18100] =	vst v63  }
0x4b: {  	s0 =	rddreg [dreg:$0xd]  }
0x4c: {  	[tilespmem:s0], [sflag:$0x1] =	stream.indirect_vreg.gather [hbm4b:s5+s3], $0x80, v4, vm0, $0xb8;
	[tilespmem:$0x18100] =	vst v63  }
0x4d: {  	s10 =	rddreg [dreg:$0xe]  }
0x4e: {  	[tilespmem:s10], [sflag:$0x1] =	stream.indirect_vreg.gather [hbm4b:s2+s3], $0x80, v3, vm0, $0xb8;
	[tilespmem:$0x18100] =	vst v63  }
0x4f: {  	s0 =	rddreg [dreg:$0xf]  }
0x50: {  	[tilespmem:s0], [sflag:$0x1] =	stream.indirect_vreg.gather [hbm4b:s4+s3], $0x80, v3, vm0, $0xb8;
	[tilespmem:$0x18100] =	vst v63  }
0x51: {  	s10 =	rddreg [dreg:$0x10]  }
0x52: {  	[tilespmem:s10], [sflag:$0x1] =	stream.indirect_vreg.gather [hbm4b:s5+s3], $0x80, v3, vm0, $0xb8;
	[tilespmem:$0x18100] =	vst v63  }
0x53: {  	v3 =	vld [tilespmem:$0x20];
	_ =	sdelay $0x4  }
0x54: {  	v58 =	vshrl.u32 v3, $0x3  }
0x55: {  	v4 =	vmul.u32 $0x30, v58  }
0x56: {  	v3 =	vand.u32 $0x7, v3  }
0x57: {  	v3 =	vor.u32 v3, v4  }
0x58: {  	v4 =	vperm.xlane v3, v0;
	_ =	sdelay $0x1  }
0x59: {  	v4 =	vadd.s32 v1, v4;
	_ =	sdelay $0x3  }
0x5a: {  	s0 =	rddreg [dreg:$0x11];
	v3 =	vperm.xlane v3, v2  }
0x5b: {  	[tilespmem:s0], [sflag:$0x1] =	stream.indirect_vreg.gather [hbm4b:s2+s3], $0x80, v4, vm0, $0xb8;
	[tilespmem:$0x18100] =	vst v63  }
0x5c: {  	s10 =	rddreg [dreg:$0x12];
	v3 =	vadd.s32 v1, v3  }
0x5d: {  	[tilespmem:s10], [sflag:$0x1] =	stream.indirect_vreg.gather [hbm4b:s4+s3], $0x80, v4, vm0, $0xb8;
	[tilespmem:$0x18100] =	vst v63  }
0x5e: {  	s0 =	rddreg [dreg:$0x13]  }
0x5f: {  	[tilespmem:s0], [sflag:$0x1] =	stream.indirect_vreg.gather [hbm4b:s5+s3], $0x80, v4, vm0, $0xb8;
	[tilespmem:$0x18100] =	vst v63  }
0x60: {  	s10 =	rddreg [dreg:$0x14]  }
0x61: {  	[tilespmem:s10], [sflag:$0x1] =	stream.indirect_vreg.gather [hbm4b:s2+s3], $0x80, v3, vm0, $0xb8;
	[tilespmem:$0x18100] =	vst v63  }
0x62: {  	s0 =	rddreg [dreg:$0x15]  }
0x63: {  	[tilespmem:s0], [sflag:$0x1] =	stream.indirect_vreg.gather [hbm4b:s4+s3], $0x80, v3, vm0, $0xb8;
	[tilespmem:$0x18100] =	vst v63  }
0x64: {  	s10 =	rddreg [dreg:$0x16]  }
0x65: {  	[tilespmem:s10], [sflag:$0x1] =	stream.indirect_vreg.gather [hbm4b:s5+s3], $0x80, v3, vm0, $0xb8;
	[tilespmem:$0x18100] =	vst v63  }
0x66: {  	v3 =	vld [tilespmem:$0x30];
	_ =	sdelay $0x4  }
0x67: {  	v59 =	vshrl.u32 v3, $0x3  }
0x68: {  	v4 =	vmul.u32 $0x30, v59  }
0x69: {  	v3 =	vand.u32 $0x7, v3  }
0x6a: {  	v3 =	vor.u32 v3, v4  }
0x6b: {  	v4 =	vperm.xlane v3, v0;
	_ =	sdelay $0x1  }
0x6c: {  	v4 =	vadd.s32 v1, v4;
	_ =	sdelay $0x3  }
0x6d: {  	s0 =	rddreg [dreg:$0x17];
	v3 =	vperm.xlane v3, v2  }
0x6e: {  	[tilespmem:s0], [sflag:$0x1] =	stream.indirect_vreg.gather [hbm4b:s2+s3], $0x80, v4, vm0, $0xb8;
	[tilespmem:$0x18100] =	vst v63  }
0x6f: {  	s10 =	rddreg [dreg:$0x18];
	v3 =	vadd.s32 v1, v3  }
0x70: {  	[tilespmem:s10], [sflag:$0x1] =	stream.indirect_vreg.gather [hbm4b:s4+s3], $0x80, v4, vm0, $0xb8;
	[tilespmem:$0x18100] =	vst v63  }
0x71: {  	s0 =	rddreg [dreg:$0x19]  }
0x72: {  	[tilespmem:s0], [sflag:$0x1] =	stream.indirect_vreg.gather [hbm4b:s5+s3], $0x80, v4, vm0, $0xb8;
	[tilespmem:$0x18100] =	vst v63  }
0x73: {  	s10 =	rddreg [dreg:$0x1a]  }
0x74: {  	[tilespmem:s10], [sflag:$0x1] =	stream.indirect_vreg.gather [hbm4b:s2+s3], $0x80, v3, vm0, $0xb8;
	[tilespmem:$0x18100] =	vst v63  }
0x75: {  	s0 =	rddreg [dreg:$0x1b]  }
0x76: {  	[tilespmem:s0], [sflag:$0x1] =	stream.indirect_vreg.gather [hbm4b:s4+s3], $0x80, v3, vm0, $0xb8;
	[tilespmem:$0x18100] =	vst v63  }
0x77: {  	s10 =	rddreg [dreg:$0x1c]  }
0x78: {  	[tilespmem:s10], [sflag:$0x1] =	stream.indirect_vreg.gather [hbm4b:s5+s3], $0x80, v3, vm0, $0xb8;
	[tilespmem:$0x18100] =	vst v63  }
0x79: {  	v3 =	vld [tilespmem:$0x80];
	_ =	sdelay $0x4  }
0x7a: {  	v60 =	vshrl.u32 v3, $0x3  }
0x7b: {  	v4 =	vmul.u32 $0x30, v60  }
0x7c: {  	v3 =	vand.u32 $0x7, v3  }
0x7d: {  	v3 =	vor.u32 v3, v4  }
0x7e: {  	v4 =	vperm.xlane v3, v0;
	_ =	sdelay $0x1  }
0x7f: {  	v4 =	vadd.s32 v1, v4;
	_ =	sdelay $0x3  }
0x80: {  	v3 =	vperm.xlane v3, v2  }
0x81: {  	[tilespmem:s9], [sflag:$0x2] =	stream.indirect_vreg.gather [hbm4b:s2+s3], $0x80, v4, vm0, $0xb8;
	[tilespmem:$0x18100] =	vst v63  }
0x82: {  	s0 =	rddreg [dreg:$0x1d];
	v3 =	vadd.s32 v1, v3  }
0x83: {  	[tilespmem:s0], [sflag:$0x2] =	stream.indirect_vreg.gather [hbm4b:s4+s3], $0x80, v4, vm0, $0xb8;
	[tilespmem:$0x18100] =	vst v63  }
0x84: {  	s10 =	rddreg [dreg:$0x1e]  }
0x85: {  	[tilespmem:s10], [sflag:$0x2] =	stream.indirect_vreg.gather [hbm4b:s5+s3], $0x80, v4, vm0, $0xb8;
	[tilespmem:$0x18100] =	vst v63  }
0x86: {  	s0 =	rddreg [dreg:$0x1f]  }
0x87: {  	[tilespmem:s0], [sflag:$0x2] =	stream.indirect_vreg.gather [hbm4b:s2+s3], $0x80, v3, vm0, $0xb8;
	[tilespmem:$0x18100] =	vst v63  }
0x88: {  	s10 =	simm.s32 $0xE100  }
0x89: {  	[tilespmem:s10], [sflag:$0x2] =	stream.indirect_vreg.gather [hbm4b:s4+s3], $0x80, v3, vm0, $0xb8;
	[tilespmem:$0x18100] =	vst v63  }
0x8a: {  	_ = 	snop  }
0x8b: {  	[tilespmem:s11], [sflag:$0x2] =	stream.indirect_vreg.gather [hbm4b:s5+s3], $0x80, v3, vm0, $0xb8;
	[tilespmem:$0x18100] =	vst v63  }
0x8c: {  	v3 =	vld [tilespmem:$0x90];
	_ =	sdelay $0x4  }
0x8d: {  	v61 =	vshrl.u32 v3, $0x3  }
0x8e: {  	v4 =	vmul.u32 $0x30, v61  }
0x8f: {  	v3 =	vand.u32 $0x7, v3  }
0x90: {  	v3 =	vor.u32 v3, v4  }
0x91: {  	v4 =	vperm.xlane v3, v0;
	_ =	sdelay $0x1  }
0x92: {  	v4 =	vadd.s32 v1, v4;
	_ =	sdelay $0x3  }
0x93: {  	v3 =	vperm.xlane v3, v2  }
0x94: {  	[tilespmem:s12], [sflag:$0x2] =	stream.indirect_vreg.gather [hbm4b:s2+s3], $0x80, v4, vm0, $0xb8;
	[tilespmem:$0x18100] =	vst v63  }
0x95: {  	v3 =	vadd.s32 v1, v3  }
0x96: {  	[tilespmem:s13], [sflag:$0x2] =	stream.indirect_vreg.gather [hbm4b:s4+s3], $0x80, v4, vm0, $0xb8;
	[tilespmem:$0x18100] =	vst v63  }
0x97: {  	_ = 	snop  }
0x98: {  	[tilespmem:s14], [sflag:$0x2] =	stream.indirect_vreg.gather [hbm4b:s5+s3], $0x80, v4, vm0, $0xb8;
	[tilespmem:$0x18100] =	vst v63  }
0x99: {  	_ = 	snop  }
0x9a: {  	[tilespmem:s15], [sflag:$0x2] =	stream.indirect_vreg.gather [hbm4b:s2+s3], $0x80, v3, vm0, $0xb8;
	[tilespmem:$0x18100] =	vst v63  }
0x9b: {  	_ = 	snop  }
0x9c: {  	[tilespmem:s16], [sflag:$0x2] =	stream.indirect_vreg.gather [hbm4b:s4+s3], $0x80, v3, vm0, $0xb8;
	[tilespmem:$0x18100] =	vst v63  }
0x9d: {  	_ = 	snop  }
0x9e: {  	[tilespmem:s17], [sflag:$0x2] =	stream.indirect_vreg.gather [hbm4b:s5+s3], $0x80, v3, vm0, $0xb8;
	[tilespmem:$0x18100] =	vst v63  }
0x9f: {  	v3 =	vld [tilespmem:$0xA0];
	_ =	sdelay $0x4  }
0xa0: {  	v62 =	vshrl.u32 v3, $0x3  }
0xa1: {  	v4 =	vmul.u32 $0x30, v62  }
0xa2: {  	v3 =	vand.u32 $0x7, v3  }
0xa3: {  	v3 =	vor.u32 v3, v4  }
0xa4: {  	v4 =	vperm.xlane v3, v0;
	_ =	sdelay $0x1  }
0xa5: {  	v4 =	vadd.s32 v1, v4;
	_ =	sdelay $0x3  }
0xa6: {  	v3 =	vperm.xlane v3, v2  }
0xa7: {  	[tilespmem:s18], [sflag:$0x2] =	stream.indirect_vreg.gather [hbm4b:s2+s3], $0x80, v4, vm0, $0xb8;
	[tilespmem:$0x18100] =	vst v63  }
0xa8: {  	v3 =	vadd.s32 v1, v3  }
0xa9: {  	[tilespmem:s19], [sflag:$0x2] =	stream.indirect_vreg.gather [hbm4b:s4+s3], $0x80, v4, vm0, $0xb8;
	[tilespmem:$0x18100] =	vst v63  }
0xaa: {  	_ = 	snop  }
0xab: {  	[tilespmem:s20], [sflag:$0x2] =	stream.indirect_vreg.gather [hbm4b:s5+s3], $0x80, v4, vm0, $0xb8;
	[tilespmem:$0x18100] =	vst v63  }
0xac: {  	_ = 	snop  }
0xad: {  	[tilespmem:s21], [sflag:$0x2] =	stream.indirect_vreg.gather [hbm4b:s2+s3], $0x80, v3, vm0, $0xb8;
	[tilespmem:$0x18100] =	vst v63  }
0xae: {  	_ = 	snop  }
0xaf: {  	[tilespmem:s22], [sflag:$0x2] =	stream.indirect_vreg.gather [hbm4b:s4+s3], $0x80, v3, vm0, $0xb8;
	[tilespmem:$0x18100] =	vst v63  }
0xb0: {  	_ = 	snop  }
0xb1: {  	[tilespmem:s23], [sflag:$0x2] =	stream.indirect_vreg.gather [hbm4b:s5+s3], $0x80, v3, vm0, $0xb8;
	[tilespmem:$0x18100] =	vst v63  }
0xb2: {  	v3 =	vld [tilespmem:$0xB0];
	_ =	sdelay $0x4  }
0xb3: {  	v63 =	vshrl.u32 v3, $0x3  }
0xb4: {  	v4 =	vmul.u32 $0x30, v63  }
0xb5: {  	v3 =	vand.u32 $0x7, v3  }
0xb6: {  	v3 =	vor.u32 v3, v4  }
0xb7: {  	v4 =	vperm.xlane v3, v0;
	_ =	sdelay $0x1  }
0xb8: {  	v4 =	vadd.s32 v1, v4;
	_ =	sdelay $0x3  }
0xb9: {  	v3 =	vperm.xlane v3, v2  }
0xba: {  	[tilespmem:s24], [sflag:$0x2] =	stream.indirect_vreg.gather [hbm4b:s2+s3], $0x80, v4, vm0, $0xb8;
	[tilespmem:$0x18100] =	vst v63  }
0xbb: {  	v3 =	vadd.s32 v1, v3  }
0xbc: {  	[tilespmem:s25], [sflag:$0x2] =	stream.indirect_vreg.gather [hbm4b:s4+s3], $0x80, v4, vm0, $0xb8;
	[tilespmem:$0x18100] =	vst v63  }
0xbd: {  	_ = 	snop  }
0xbe: {  	[tilespmem:s26], [sflag:$0x2] =	stream.indirect_vreg.gather [hbm4b:s5+s3], $0x80, v4, vm0, $0xb8;
	[tilespmem:$0x18100] =	vst v63  }
0xbf: {  	_ = 	snop  }
0xc0: {  	[tilespmem:s28], [sflag:$0x2] =	stream.indirect_vreg.gather [hbm4b:s2+s3], $0x80, v3, vm0, $0xb8;
	[tilespmem:$0x18100] =	vst v63  }
0xc1: {  	_ = 	snop  }
0xc2: {  	[tilespmem:s29], [sflag:$0x2] =	stream.indirect_vreg.gather [hbm4b:s4+s3], $0x80, v3, vm0, $0xb8;
	[tilespmem:$0x18100] =	vst v63  }
0xc3: {  	_ = 	snop  }
0xc4: {  	[tilespmem:s30], [sflag:$0x2] =	stream.indirect_vreg.gather [hbm4b:s5+s3], $0x80, v3, vm0, $0xb8;
	[tilespmem:$0x18100] =	vst v63  }
0xc5: {  	_ =	swait.ge [sflag:s31], $0xC000  }
0xc6: {  	[sflag:s31] =	ssyncset.done $0x0  }
0xc7: {  	s10 =	rddreg [dreg:$0x4];
	[sflag:s31] =	ssyncadd.s32 $0xFFFF4000  }
0xc8: {  	[hbm4b:s10+s3] =	stream.linear.scatter [tilespmem:s8], [sflag:$0x3], $0xC000, $0x38;
	[tilespmem:$0x18100] =	vst v63  }
0xc9: {  	_ =	swait.ge [sflag:s7], $0xC000  }
0xca: {  	[sflag:s7] =	ssyncset.done $0x0  }
0xcb: {  	[sflag:s7] =	ssyncadd.s32 $0xFFFF4000  }
0xcc: {  	_ =	swait.ge [sflag:s1], $0xC000  }
0xcd: {  	p0 =	sne.s32 s6, $0x1;
	[sflag:s1] =	ssyncset.done $0x0  }
.Ltmp0:
0xce: {  	s10 =	rddreg [dreg:$0x5];
	[sflag:s1] =	ssyncadd.s32 $0xFFFF4000;
	(pc) =	sbr.rel @p0 .LBB2_1-.Ltmp0, $4  }
0xcf: {  	[hbm4b:s10+s3] =	stream.linear.scatter [tilespmem:s9], [sflag:$0x3], $0xC000, $0x38;
	[tilespmem:$0x18100] =	vst v63  }
0xd0: {  	_ =	swait.ge [sflag:s7], $0xC000  }
0xd1: {  	[sflag:s7] =	ssyncset.done $0x0  }
0xd2: {  	s6 =	sadd.s32 $0xFFFFFFFF, s6;
	[sflag:s7] =	ssyncadd.s32 $0xFFFF4000  }
0xd3: {  	_ =	sfence.sel $0x180000  }
0xd4: {  	[bflag:$0x0] =	sbarrier.arrive $0xFFFF  }
0xd5: {  	_ =	strace $0x90000056  }
0xd6: {  	s0 =	stileid.u32;
	[bflag:$0x2] =	sbarrier.arrive $0xFFFF  }
0xd7: {  	p0 =	sne.s32 s0, $0x0;
	s0 =	rddreg [dreg:$0x2]  }
0xd8: {  	s0 =	sadd.s32 @!p0 $0x100000, s0  }
0xd9: {  	[sflag:s0] =	ssyncadd.tile.s32 @!p0 $0x1;
	_ =	shalt  }
.Lfunc_end2:
_tile_overlayer_lowered:
.L_overlay_start_2:
0xda: {  	(tag) =	ssettag $0x2  }
0xdb: {  	s0 =	rddreg [dreg:$0x0];
	s2 =	stileid.u32  }
0xdc: {  	s1 =	rddreg [dreg:$0x1];
	p0 =	sne.s32 s2, $0x0  }
0xdd: {  	s3 =	rddreg [dreg:$0x2];
	[bflag:$0x3] =	sbarrier.arrive $0xFFFF;
	s2 =	simm.s32 @!p0 $0x1C03  }
0xde: {  	[timem:s3], [sflag:s2] =	dma.local @!p0 [hbm:s0], s1  }
0xdf: {  	s0 =	simm.s32 @!p0 $0x3  }
0xe0: {  	_ =	swait.ge @!p0 [sflag:s0], s1  }
0xe1: {  	s1 =	ssub.s32 @!p0 $0x0, s1;
	[sflag:s0] =	ssyncset.done @!p0 $0x0  }
0xe2: {  	[sflag:s0] =	ssyncadd.s32 @!p0 s1  }
0xe3: {  	[bflag:$0x3] =	sbarrier.arrive $0xFFFF  }
0xe4: {  	_ =	shalt  }

// kernel: kernel.36.cloned.1.call-start
scs
__scs_entry_jumppad:
0x0: {  	(pc) =	sbr.rel $0x88, $3  }
0x1: {  	(tag) =	ssettag $0x0;
	lr =	simm.s32 $0x1  }
0x2: {  	[smem:$0x3F9A] =	sst lr;
	_ =	strace $0xD0000000  }
0x3: {  	_ = 	snop  }
0x4: {  	_ = 	snop  }
0x5: {  	_ = 	snop  }
0x6: {  	_ = 	snop  }
0x7: {  	_ = 	snop  }
__scs_overlays_trampoline_lowered:
0x8: {  	[smem:$0x3FA9] =	sst s0  }
0x9: {  	[smem:$0x3FAA] =	sst s1  }
0xa: {  	[smem:$0x3FAB] =	sst s2  }
0xb: {  	[smem:$0x3FAC] =	sst s3  }
0xc: {  	[smem:$0x3FAD] =	sst s4  }
0xd: {  	[smem:$0x3FAE] =	sst s5  }
0xe: {  	[smem:$0x3FAF] =	sst s6  }
0xf: {  	[smem:$0x3FB0] =	sst s7  }
0x10: {  	[smem:$0x3FB1] =	sst s8  }
0x11: {  	[smem:$0x3FB2] =	sst s9;
	s0 =	simm.s32 @!p0 $0x0  }
0x12: {  	s1 =	sld [smem:$0x3F98];
	s0 =	simm.s32 @p0 $0x1  }
0x13: {  	[smem:$0x3FB3] =	sst s0;
	s0 =	simm.s32 @!p1 $0x0  }
0x14: {  	s2 =	sld [smem:$0x3F97];
	s0 =	simm.s32 @p1 $0x1  }
0x15: {  	[smem:$0x3FB4] =	sst s0;
	s0 =	simm.s32 @!p2 $0x0  }
0x16: {  	s3 =	sld [smem:$0x3FDB];
	s0 =	simm.s32 @p2 $0x1  }
0x17: {  	s4 =	simm.s32 $0x1BF5;
	[smem:$0x3FB6] =	sst s0  }
0x18: {  	s0 =	sld [smem:$0x3F99];
	_ =	swait.ge [sflag:s4], $0x0  }
0x19: {  	s7 =	sld [smem:$0x3F9A]  }
0x1a: {  	s8 =	sadd.s32 $0xFFFFE003, lr  }
0x1b: {  	s9 =	sadd.s32 $0xFFFFFEF7, lr;
	s5 =	simm.s32 $0xFFFFFFFF;
	p2 =	slt.u32 s8, $0xFFFFF086  }
0x1c: {  	p1 =	slt.u32 s9, $0xF7A;
	s5 =	simm.s32 @!p2 $0x0  }
0x1d: {  	s5 =	simm.s32 @p1 $0x1;
	p0 =	seq.s32 s7, s2  }
0x1e: {  	s7 =	smul.u32 @!p0 $0xF7A, s2;
	p2 =	seq.s32 @!p0 s5, $0x0  }
0x1f: {  	s9 =	smul.u32 $0xF7A, s1;
	s8 =	simm.s32 @!p0 $0x1BF5;
	p2 =	por !p2, p0  }
0x20: {  	[sflag:s8] =	ssyncset.s32 @!p0 $0xFFFFF086;
	s6 =	sadd.s32 @!p0 s3, s7;
	s7 =	simm.s32 @!p0 $0x108  }
0x21: {  	s3 =	sadd.s32 s3, s9;
	s6 =	sadd.s32 @!p0 $0x88, s6;
	s7 =	simm.s32 @p2 $0x1082  }
0x22: {  	[simem:s7], [sflag:s8] =	dma.local @!p0 [hbm:s6], $0xF7A  }
0x23: {  	s9 =	sor.u32 $0xD0000000, s2;
	s6 =	simm.s32 $0x108;
	_ =	swait.ge @!p0 [sflag:s8], $0x0  }
0x24: {  	s3 =	sadd.s32 $0x88, s3;
	s6 =	simm.s32 @!p1 $0x1082;
	[sflag:s4] =	ssyncset.s32 $0xFFFFF086  }
0x25: {  	[simem:s6], [sflag:s4] =	dma.local [hbm:s3], $0xF7A  }
0x26: {  	[smem:$0x3F9A] =	sst s1;
	(tag) =	ssettag s2;
	_ =	strace s9  }
0x27: {  	s1 =	sld [smem:$0x3FAA]  }
0x28: {  	s2 =	sld [smem:$0x3FAB]  }
0x29: {  	s4 =	sld [smem:$0x3FAD]  }
0x2a: {  	p0 =	seq.s32 s5, $0x0;
	s5 =	sld [smem:$0x3FAE]  }
0x2b: {  	s6 =	sld [smem:$0x3FAF]  }
0x2c: {  	s7 =	sld [smem:$0x3FB0]  }
0x2d: {  	s3 =	simm.s32 $0x108;
	s8 =	sld [smem:$0x3FB1]  }
0x2e: {  	s3 =	simm.s32 @!p0 $0x1082;
	s9 =	sld [smem:$0x3FB2]  }
0x2f: {  	lr =	sadd.s32 s0, s3;
	s0 =	sld [smem:$0x3FA9]  }
0x30: {  	s3 =	sld [smem:$0x3FAC]  }
0x31: {  	[smem:$0x3FB5] =	sst s10  }
0x32: {  	s10 =	sld [smem:$0x3FB3];
	_ =	sdelay $0x3  }
0x33: {  	p0 =	seq.s32 s10, $0x1;
	s10 =	sld [smem:$0x3FB5];
	_ =	sdelay $0x3  }
0x34: {  	[smem:$0x3FB5] =	sst s10  }
0x35: {  	s10 =	sld [smem:$0x3FB4];
	_ =	sdelay $0x3  }
0x36: {  	p1 =	seq.s32 s10, $0x1;
	s10 =	sld [smem:$0x3FB5];
	_ =	sdelay $0x3  }
0x37: {  	[smem:$0x3FB5] =	sst s10  }
0x38: {  	s10 =	sld [smem:$0x3FB6]  }
0x39: {  	_ = 	snop;
	(pc) =	sbr.ind lr, $3  }
0x3a: {  	_ = 	snop  }
0x3b: {  	_ = 	snop  }
0x3c: {  	p2 =	seq.s32 s10, $0x1;
	s10 =	sld [smem:$0x3FB5]  }
0x3d: {  	_ =	shalt  }
0x3e: {  	_ =	shalt  }
0x3f: {  	_ =	shalt  }
0x40: {  	_ =	shalt  }
0x41: {  	_ =	shalt  }
0x42: {  	_ =	shalt  }
0x43: {  	_ =	shalt  }
0x44: {  	_ =	shalt  }
0x45: {  	_ =	shalt  }
0x46: {  	_ =	shalt  }
0x47: {  	_ =	shalt  }
0x48: {  	_ =	shalt  }
0x49: {  	_ =	shalt  }
0x4a: {  	_ =	shalt  }
0x4b: {  	_ =	shalt  }
0x4c: {  	_ =	shalt  }
0x4d: {  	_ =	shalt  }
0x4e: {  	_ =	shalt  }
0x4f: {  	_ =	shalt  }
0x50: {  	_ =	shalt  }
0x51: {  	_ =	shalt  }
0x52: {  	_ =	shalt  }
0x53: {  	_ =	shalt  }
0x54: {  	_ =	shalt  }
0x55: {  	_ =	shalt  }
0x56: {  	_ =	shalt  }
0x57: {  	_ =	shalt  }
0x58: {  	_ =	shalt  }
0x59: {  	_ =	shalt  }
0x5a: {  	_ =	shalt  }
0x5b: {  	_ =	shalt  }
0x5c: {  	_ =	shalt  }
0x5d: {  	_ =	shalt  }
0x5e: {  	_ =	shalt  }
0x5f: {  	_ =	shalt  }
0x60: {  	_ =	shalt  }
0x61: {  	_ =	shalt  }
0x62: {  	_ =	shalt  }
0x63: {  	_ =	shalt  }
0x64: {  	_ =	shalt  }
0x65: {  	_ =	shalt  }
0x66: {  	_ =	shalt  }
0x67: {  	_ =	shalt  }
0x68: {  	_ =	shalt  }
0x69: {  	_ =	shalt  }
0x6a: {  	_ =	shalt  }
0x6b: {  	_ =	shalt  }
0x6c: {  	_ =	shalt  }
0x6d: {  	_ =	shalt  }
0x6e: {  	_ =	shalt  }
0x6f: {  	_ =	shalt  }
0x70: {  	_ =	shalt  }
0x71: {  	_ =	shalt  }
0x72: {  	_ =	shalt  }
0x73: {  	_ =	shalt  }
0x74: {  	_ =	shalt  }
0x75: {  	_ =	shalt  }
0x76: {  	_ =	shalt  }
0x77: {  	_ =	shalt  }
0x78: {  	_ =	shalt  }
0x79: {  	_ =	shalt  }
0x7a: {  	_ =	shalt  }
0x7b: {  	_ =	shalt  }
0x7c: {  	_ =	shalt  }
0x7d: {  	_ =	shalt  }
0x7e: {  	_ =	shalt  }
0x7f: {  	_ =	shalt  }
0x80: {  	_ =	shalt  }
0x81: {  	_ =	shalt  }
0x82: {  	_ =	shalt  }
0x83: {  	_ =	shalt  }
0x84: {  	_ =	shalt  }
0x85: {  	_ =	shalt  }
0x86: {  	_ =	shalt  }
0x87: {  	_ =	shalt  }
.Lfunc_end0:
.L_simem_size_0:
called_computation.6_lowered:
.L_overlay_start_0:
0x88: {  	s2 =	sld [smem:$0x3FD9]  }
0x89: {  	s3 =	sld [smem:$0x3FFE];
	_ =	sdelay $0x1  }
0x8a: {  	s1 =	srdreg.scid  }
0x8b: {  	s0 =	sand.u32 $0x1, s1  }
0x8c: {  	s17 =	sshll.u32 s0, $0xA;
	s2 =	sadd.s32 s3, s2  }
0x8d: {  	s2 =	sadd.s32 s2, s17  }
0x8e: {  	[smem:$0x3FC1] =	sst s2  }
0x8f: {  	_ = 	snop  }
0x90: {  	s18 =	sld [smem:$0x3FC7];
	(tm) =	ssettm $0x1  }
0x91: {  	s19 =	sld [smem:$0x3FFB];
	_ =	sdelay $0x3  }
0x92: {  	_ =	strace s19  }
0x93: {  	s2 =	sld [smem:$0x3FFC];
	_ =	sdelay $0x3  }
0x94: {  	_ =	strace s2  }
0x95: {  	s2 =	sld [smem:$0x3FFD];
	_ =	sdelay $0x3  }
0x96: {  	_ =	strace s2  }
0x97: {  	_ =	strace $0x8FFFFFFF  }
0x98: {  	s20 =	sld [smem:$0x3FDB];
	_ =	sdelay $0x1  }
0x99: {  	s4 =	simm.s32 $_scs_section_size  }
0x9a: {  	s5 =	simm.s32 $_size__tile_overlayer_lowered;
	s6 =	simm.s32 $_tile_overlayer_lowered  }
0x9b: {  	s7 =	simm.s32 $0x1BFF;
	s21 =	sshll.u32 s6, $0x1;
	s4 =	sadd.s32 s4, s20  }
0x9c: {  	s22 =	simm.s32 $0x0;
	s5 =	sshll.u32 s5, $0x1;
	s6 =	sadd.s32 s21, s4  }
0x9d: {  	[timem:s22], [sflag:s7] =	dma.local [hbm:s6], s5  }
0x9e: {  	_ =	swait.ge [sflag:s7], s5  }
0x9f: {  	s5 =	ssub.s32 $0x0, s5;
	[sflag:s7] =	ssyncset.done $0x0  }
0xa0: {  	[sflag:s7] =	ssyncadd.s32 s5;
	_ =	sdelay $0x1  }
0xa1: {  	s23 =	simm.s32 $0x1B8B  }
0xa2: {  	_ =	swait.ge [sflag:s23], $0x1  }
0xa3: {  	[sflag:s23] =	ssyncset.done $0x0  }
0xa4: {  	[sflag:s23] =	ssyncadd.s32 $0xFFFFFFFF  }
0xa5: {  	s5 =	sld [smem:$0x0]  }
0xa6: {  	s6 =	sand.u32 $0xFFFFFFFE, s1  }
0xa7: {  	p0 =	sne.s32 s1, s6  }
0xa8: {  	s6 =	sshll.u32 @p0 s6, $0xE  }
0xa9: {  	s6 =	sadd.s32 @p0 $0x11B8D, s6;
	s7 =	sshll.u32 @p0 s5, $0x11  }
0xaa: {  	s6 =	sor.u32 @p0 s7, s6  }
0xab: {  	[sflag:s6] =	ssyncadd.remote.s32 @p0 $0x1;
	_ =	sdelay $0x1  }
0xac: {  	s6 =	simm.s32 @p0 $0x1B8D  }
0xad: {  	_ =	swait.eq @p0 [sflag:s6], $0x1  }
0xae: {  	[sflag:s6] =	ssyncadd.s32 @p0 $0xFFFFFFFF  }
0xaf: {  	s7 =	sshll.u32 @!p0 s1, $0xE  }
0xb0: {  	s7 =	sor.u32 @!p0 $0x4000, s7;
	s6 =	simm.s32 @!p0 $0x1B8D  }
0xb1: {  	s5 =	sshll.u32 @!p0 s5, $0x11;
	s7 =	sadd.s32 @!p0 $0x11B8D, s7;
	_ =	swait.eq @!p0 [sflag:s6], $0x1  }
0xb2: {  	s5 =	sor.u32 @!p0 s5, s7;
	[sflag:s6] =	ssyncadd.s32 @!p0 $0xFFFFFFFF  }
0xb3: {  	s25 =	simm.s32 $0x1B8E;
	s24 =	sld [smem:$0x3FFE];
	[sflag:s5] =	ssyncadd.remote.s32 @!p0 $0x1  }
0xb4: {  	s26 =	simm.s32 $execute0_lowered;
	[smem:$0x3FD2] =	sst s25  }
0xb5: {  	s6 =	sshll.u32 s26, $0x1;
	_ =	strace $0x80000058;
	[dreg:$0x1] =	wrdreg $0xFFFFFFFF  }
0xb6: {  	s28 =	simm.s32 $_size_execute0_lowered;
	s4 =	sadd.s32 s4, s6;
	[dreg:$0x0] =	wrdreg $0x0  }
0xb7: {  	s6 =	sshll.u32 s28, $0x1;
	[dreg:$0x2] =	wrdreg s4  }
0xb8: {  	[dreg:$0x3] =	wrdreg s6  }
0xb9: {  	[dreg:$0x4] =	wrdreg $0xC0  }
0xba: {  	_ =	task [dreg:s22], $0x5FFFF  }
0xbb: {  	[dreg:$0x1] =	wrdreg $0xFFFFFFFF  }
0xbc: {  	[dreg:$0x0] =	wrdreg $0x60  }
0xbd: {  	[dreg:$0x2] =	wrdreg s18  }
0xbe: {  	[dreg:$0x3] =	wrdreg s24  }
0xbf: {  	[dreg:$0x4] =	wrdreg $0xF  }
0xc0: {  	_ =	task.clear_ibuf [dreg:s22], $0x5FFFF;
	_ =	strace $0x90000058  }
0xc1: {  	s29 =	simm.s32 $0xF;
	_ =	strace $0x8000005A  }
0xc2: {  	_ =	swait.ge [sflag:s29], $0x1  }
0xc3: {  	[sflag:s29] =	ssyncadd.s32 $0xFFFFFFFF  }
0xc4: {  	_ =	strace $0x9000005A  }
0xc5: {  	_ =	sfence  }
0xc6: {  	s30 =	sld [smem:$0x0];
	_ =	sdelay $0x2  }
0xc7: {  	s31 =	sshll.u32 s1, $0xD;
	s1 =	sshrl.u32 s1, $0x2  }
0xc8: {  	s4 =	sand.u32 $0x4000, s31;
	s1 =	sadd.s32 s1, s30  }
0xc9: {  	s0 =	sor.u32 s4, s0;
	s1 =	sshll.u32 s1, $0x11  }
0xca: {  	s0 =	sor.u32 s1, s0  }
0xcb: {  	s0 =	sadd.s32 $0x8F2B, s0  }
0xcc: {  	[sflag:s0] =	ssyncadd.remote.s32 $0x1  }
0xcd: {  	_ =	sfence.sel $0xFFFF  }
0xce: {  	[dreg:$0x0] =	wrdreg $0xFFFFFFFF;
	(pc) =	sbr.abs _section_cstart, $3  }
0xcf: {  	[dreg:$0x1] =	wrdreg $0xFFFFFFFF  }
0xd0: {  	_ =	task.clear_ibuf [dreg:s22], $0x2FFFF;
	_ =	strace $0x9FFFFFFF  }
0xd1: {  	(tm) =	ssettm $0x7FFFFFFF  }
tec
execute0_lowered:
.L_overlay_start_1:
0x0: {  	(tag) =	ssettag $0x1  }
0x1: {  	s2 =	rddreg [dreg:$0x0]  }
0x2: {  	s4 =	rddreg [dreg:$0x1];
	s3 =	simm.s32 $0x0  }
0x3: {  	s23 =	simm.s32 $0x900;
	[smem:$0x7FF] =	sst s3  }
0x4: {  	s24 =	simm.s32 $0x1100;
	_ =	strace $0x80000059;
	[dreg:$0x6] =	wrdreg s23  }
0x5: {  	s25 =	simm.s32 $0x1900;
	[dreg:$0x7] =	wrdreg s24  }
0x6: {  	s0 =	stileid.u32;
	s26 =	simm.s32 $0x2100;
	[dreg:$0x8] =	wrdreg s25  }
0x7: {  	s5 =	sshll.u32 s0, $0x1;
	s0 =	simm.s32 $0x2900;
	[dreg:$0x9] =	wrdreg s26  }
0x8: {  	s8 =	simm.s32 $0x4900;
	[dreg:$0xa] =	wrdreg s0  }
0x9: {  	s9 =	simm.s32 $0x5100;
	[dreg:$0xe] =	wrdreg s8  }
0xa: {  	s10 =	simm.s32 $0x5900;
	[dreg:$0xf] =	wrdreg s9  }
0xb: {  	s11 =	simm.s32 $0x6100;
	[dreg:$0x10] =	wrdreg s10  }
0xc: {  	s12 =	simm.s32 $0x6900;
	[dreg:$0x11] =	wrdreg s11  }
0xd: {  	s13 =	simm.s32 $0x7100;
	[dreg:$0x12] =	wrdreg s12  }
0xe: {  	s14 =	simm.s32 $0x7900;
	[dreg:$0x13] =	wrdreg s13  }
0xf: {  	s1 =	srdreg.scid;
	s15 =	simm.s32 $0x8100;
	[dreg:$0x14] =	wrdreg s14  }
0x10: {  	s16 =	simm.s32 $0x8900;
	s17 =	simm.s32 $0x9100;
	[dreg:$0x15] =	wrdreg s15  }
0x11: {  	s18 =	simm.s32 $0x9900;
	s20 =	simm.s32 $0xA100;
	[dreg:$0x16] =	wrdreg s16  }
0x12: {  	s21 =	simm.s32 $0xA900;
	s22 =	simm.s32 $0xB100;
	[dreg:$0x17] =	wrdreg s17  }
0x13: {  	s28 =	simm.s32 $0x16900;
	s29 =	simm.s32 $0x17100;
	[dreg:$0x18] =	wrdreg s18  }
0x14: {  	s30 =	simm.s32 $0x17900;
	s1 =	sand.u32 $0x1, s1;
	[dreg:$0x19] =	wrdreg s20  }
0x15: {  	s31 =	simm.s32 $0x1;
	s5 =	sor.u32 s1, s5;
	[dreg:$0x1a] =	wrdreg s21  }
0x16: {  	s1 =	ssub.s32 $0x2, s1;
	[dreg:$0x1b] =	wrdreg s22;
	s23 =	simm.s32 $0xB900  }
0x17: {  	s24 =	simm.s32 $0xC900;
	s25 =	simm.s32 $0xD100;
	s8 =	simm.s32 $0x100  }
0x18: {  	s26 =	simm.s32 $0xD900;
	s9 =	simm.s32 $0xC100;
	s11 =	simm.s32 $0xE900  }
0x19: {  	s12 =	simm.s32 $0xF100;
	s13 =	simm.s32 $0xF900;
	s14 =	simm.s32 $0x10100  }
0x1a: {  	s15 =	simm.s32 $0x10900;
	s16 =	simm.s32 $0x11100;
	s17 =	simm.s32 $0x11900  }
0x1b: {  	s18 =	simm.s32 $0x12100;
	s20 =	simm.s32 $0x13100;
	[dreg:$0x1c] =	wrdreg s23  }
0x1c: {  	s21 =	simm.s32 $0x13900;
	s22 =	simm.s32 $0x14100;
	[dreg:$0x1d] =	wrdreg s24  }
0x1d: {  	s6 =	sshll.u32 s5, $0x5;
	s7 =	smul.u32 $0x18000, s5;
	[dreg:$0x1e] =	wrdreg s25  }
0x1e: {  	s5 =	smul.u32 $0x3000, s5;
	s19 =	sshrl.u32 s1, $0x1;
	[dreg:$0x1f] =	wrdreg s26  }
0x1f: {  	s23 =	simm.s32 $0x14900;
	s24 =	simm.s32 $0x15100;
	s6 =	sadd.s32 s6, s4  }
0x20: {  	s25 =	simm.s32 $0x15900;
	s4 =	sadd.s32 $0x1E6600, s4;
	s6 =	sadd.s32 $0x5E00, s6  }
0x21: {  	s26 =	simm.s32 $0x16100;
	s5 =	sadd.s32 s4, s5;
	[dreg:$0x3] =	wrdreg s6  }
0x22: {  	s1 =	ssub.s32 s1, s19;
	[dreg:$0x4] =	wrdreg s5;
	s5 =	simm.s32 $0x3100  }
0x23: {  	s7 =	sshrl.u32 s7, $0x3;
	s6 =	simm.s32 $0x3900;
	[dreg:$0xb] =	wrdreg s5  }
0x24: {  	s4 =	sadd.s32 s4, s7;
	s7 =	simm.s32 $0x4100;
	[dreg:$0xc] =	wrdreg s6  }
0x25: {  	v2 =	vlaneseq.u32;
	s19 =	simm.s32 $0x12900;
	s4 =	sadd.s32 $0x1800, s4;
	[dreg:$0xd] =	wrdreg s7  }
0x26: {  	vm0 =	vmmov $0xffff;
	v1 =	vshrl.u32 v2, $0x3;
	s5 =	sadd.s32 $0x200, s2;
	s6 =	smax.u32 s1, $0x1;
	s7 =	simm.s32 $0x3  }
0x27: {  	v0 =	vand.u32 $0x7, v2;
	v2 =	vor.u32 $0x8, v2;
	v1 =	vmul.u32 $0x8, v1;
	s1 =	simm.s32 $0x2;
	[dreg:$0x5] =	wrdreg s4;
	s4 =	sadd.s32 $0x100, s2  }
.LBB2_1:
0x28: {  	s0 =	rddreg [dreg:$0x3]  }
0x29: {  	[tilespmem:s3], [sflag:$0x3] =	stream.linear.gather [hbm4b:s0+s3], $0x100, $0x38;
	[tilespmem:$0x18100] =	vst v63  }
0x2a: {  	_ =	swait.ge [sflag:s7], $0x100  }
0x2b: {  	[sflag:s7] =	ssyncset.done $0x0  }
0x2c: {  	[sflag:s7] =	ssyncadd.s32 $0xFFFFFF00  }
0x2d: {  	v3 =	vld [tilespmem:$0x0];
	_ =	sdelay $0x4  }
0x2e: {  	v4 =	vshrl.u32 v3, $0x3  }
0x2f: {  	v4 =	vmul.u32 $0x30, v4  }
0x30: {  	v3 =	vand.u32 $0x7, v3  }
0x31: {  	v3 =	vor.u32 v3, v4  }
0x32: {  	v4 =	vperm.xlane v3, v0;
	_ =	sdelay $0x1  }
0x33: {  	v4 =	vadd.s32 v1, v4;
	_ =	sdelay $0x3  }
0x34: {  	v3 =	vperm.xlane v3, v2  }
0x35: {  	[tilespmem:s8], [sflag:$0x1] =	stream.indirect_vreg.gather [hbm4b:s2+s3], $0x80, v4, vm0, $0xb8;
	[tilespmem:$0x18100] =	vst v63  }
0x36: {  	s0 =	rddreg [dreg:$0x6];
	v3 =	vadd.s32 v1, v3  }
0x37: {  	[tilespmem:s0], [sflag:$0x1] =	stream.indirect_vreg.gather [hbm4b:s4+s3], $0x80, v4, vm0, $0xb8;
	[tilespmem:$0x18100] =	vst v63  }
0x38: {  	s10 =	rddreg [dreg:$0x7]  }
0x39: {  	[tilespmem:s10], [sflag:$0x1] =	stream.indirect_vreg.gather [hbm4b:s5+s3], $0x80, v4, vm0, $0xb8;
	[tilespmem:$0x18100] =	vst v63  }
0x3a: {  	s0 =	rddreg [dreg:$0x8]  }
0x3b: {  	[tilespmem:s0], [sflag:$0x1] =	stream.indirect_vreg.gather [hbm4b:s2+s3], $0x80, v3, vm0, $0xb8;
	[tilespmem:$0x18100] =	vst v63  }
0x3c: {  	s10 =	rddreg [dreg:$0x9]  }
0x3d: {  	[tilespmem:s10], [sflag:$0x1] =	stream.indirect_vreg.gather [hbm4b:s4+s3], $0x80, v3, vm0, $0xb8;
	[tilespmem:$0x18100] =	vst v63  }
0x3e: {  	s0 =	rddreg [dreg:$0xa]  }
0x3f: {  	[tilespmem:s0], [sflag:$0x1] =	stream.indirect_vreg.gather [hbm4b:s5+s3], $0x80, v3, vm0, $0xb8;
	[tilespmem:$0x18100] =	vst v63  }
0x40: {  	v3 =	vld [tilespmem:$0x10];
	_ =	sdelay $0x4  }
0x41: {  	v57 =	vshrl.u32 v3, $0x3  }
0x42: {  	v4 =	vmul.u32 $0x30, v57  }
0x43: {  	v3 =	vand.u32 $0x7, v3  }
0x44: {  	v3 =	vor.u32 v3, v4  }
0x45: {  	v4 =	vperm.xlane v3, v0;
	_ =	sdelay $0x1  }
0x46: {  	v4 =	vadd.s32 v1, v4;
	_ =	sdelay $0x3  }
0x47: {  	s0 =	rddreg [dreg:$0xb];
	v3 =	vperm.xlane v3, v2  }
0x48: {  	[tilespmem:s0], [sflag:$0x1] =	stream.indirect_vreg.gather [hbm4b:s2+s3], $0x80, v4, vm0, $0xb8;
	[tilespmem:$0x18100] =	vst v63  }
0x49: {  	s10 =	rddreg [dreg:$0xc];
	v3 =	vadd.s32 v1, v3  }
0x4a: {  	[tilespmem:s10], [sflag:$0x1] =	stream.indirect_vreg.gather [hbm4b:s4+s3], $0x80, v4, vm0, $0xb8;
	[tilespmem:$0x18100] =	vst v63  }
0x4b: {  	s0 =	rddreg [dreg:$0xd]  }
0x4c: {  	[tilespmem:s0], [sflag:$0x1] =	stream.indirect_vreg.gather [hbm4b:s5+s3], $0x80, v4, vm0, $0xb8;
	[tilespmem:$0x18100] =	vst v63  }
0x4d: {  	s10 =	rddreg [dreg:$0xe]  }
0x4e: {  	[tilespmem:s10], [sflag:$0x1] =	stream.indirect_vreg.gather [hbm4b:s2+s3], $0x80, v3, vm0, $0xb8;
	[tilespmem:$0x18100] =	vst v63  }
0x4f: {  	s0 =	rddreg [dreg:$0xf]  }
0x50: {  	[tilespmem:s0], [sflag:$0x1] =	stream.indirect_vreg.gather [hbm4b:s4+s3], $0x80, v3, vm0, $0xb8;
	[tilespmem:$0x18100] =	vst v63  }
0x51: {  	s10 =	rddreg [dreg:$0x10]  }
0x52: {  	[tilespmem:s10], [sflag:$0x1] =	stream.indirect_vreg.gather [hbm4b:s5+s3], $0x80, v3, vm0, $0xb8;
	[tilespmem:$0x18100] =	vst v63  }
0x53: {  	v3 =	vld [tilespmem:$0x20];
	_ =	sdelay $0x4  }
0x54: {  	v58 =	vshrl.u32 v3, $0x3  }
0x55: {  	v4 =	vmul.u32 $0x30, v58  }
0x56: {  	v3 =	vand.u32 $0x7, v3  }
0x57: {  	v3 =	vor.u32 v3, v4  }
0x58: {  	v4 =	vperm.xlane v3, v0;
	_ =	sdelay $0x1  }
0x59: {  	v4 =	vadd.s32 v1, v4;
	_ =	sdelay $0x3  }
0x5a: {  	s0 =	rddreg [dreg:$0x11];
	v3 =	vperm.xlane v3, v2  }
0x5b: {  	[tilespmem:s0], [sflag:$0x1] =	stream.indirect_vreg.gather [hbm4b:s2+s3], $0x80, v4, vm0, $0xb8;
	[tilespmem:$0x18100] =	vst v63  }
0x5c: {  	s10 =	rddreg [dreg:$0x12];
	v3 =	vadd.s32 v1, v3  }
0x5d: {  	[tilespmem:s10], [sflag:$0x1] =	stream.indirect_vreg.gather [hbm4b:s4+s3], $0x80, v4, vm0, $0xb8;
	[tilespmem:$0x18100] =	vst v63  }
0x5e: {  	s0 =	rddreg [dreg:$0x13]  }
0x5f: {  	[tilespmem:s0], [sflag:$0x1] =	stream.indirect_vreg.gather [hbm4b:s5+s3], $0x80, v4, vm0, $0xb8;
	[tilespmem:$0x18100] =	vst v63  }
0x60: {  	s10 =	rddreg [dreg:$0x14]  }
0x61: {  	[tilespmem:s10], [sflag:$0x1] =	stream.indirect_vreg.gather [hbm4b:s2+s3], $0x80, v3, vm0, $0xb8;
	[tilespmem:$0x18100] =	vst v63  }
0x62: {  	s0 =	rddreg [dreg:$0x15]  }
0x63: {  	[tilespmem:s0], [sflag:$0x1] =	stream.indirect_vreg.gather [hbm4b:s4+s3], $0x80, v3, vm0, $0xb8;
	[tilespmem:$0x18100] =	vst v63  }
0x64: {  	s10 =	rddreg [dreg:$0x16]  }
0x65: {  	[tilespmem:s10], [sflag:$0x1] =	stream.indirect_vreg.gather [hbm4b:s5+s3], $0x80, v3, vm0, $0xb8;
	[tilespmem:$0x18100] =	vst v63  }
0x66: {  	v3 =	vld [tilespmem:$0x30];
	_ =	sdelay $0x4  }
0x67: {  	v59 =	vshrl.u32 v3, $0x3  }
0x68: {  	v4 =	vmul.u32 $0x30, v59  }
0x69: {  	v3 =	vand.u32 $0x7, v3  }
0x6a: {  	v3 =	vor.u32 v3, v4  }
0x6b: {  	v4 =	vperm.xlane v3, v0;
	_ =	sdelay $0x1  }
0x6c: {  	v4 =	vadd.s32 v1, v4;
	_ =	sdelay $0x3  }
0x6d: {  	s0 =	rddreg [dreg:$0x17];
	v3 =	vperm.xlane v3, v2  }
0x6e: {  	[tilespmem:s0], [sflag:$0x1] =	stream.indirect_vreg.gather [hbm4b:s2+s3], $0x80, v4, vm0, $0xb8;
	[tilespmem:$0x18100] =	vst v63  }
0x6f: {  	s10 =	rddreg [dreg:$0x18];
	v3 =	vadd.s32 v1, v3  }
0x70: {  	[tilespmem:s10], [sflag:$0x1] =	stream.indirect_vreg.gather [hbm4b:s4+s3], $0x80, v4, vm0, $0xb8;
	[tilespmem:$0x18100] =	vst v63  }
0x71: {  	s0 =	rddreg [dreg:$0x19]  }
0x72: {  	[tilespmem:s0], [sflag:$0x1] =	stream.indirect_vreg.gather [hbm4b:s5+s3], $0x80, v4, vm0, $0xb8;
	[tilespmem:$0x18100] =	vst v63  }
0x73: {  	s10 =	rddreg [dreg:$0x1a]  }
0x74: {  	[tilespmem:s10], [sflag:$0x1] =	stream.indirect_vreg.gather [hbm4b:s2+s3], $0x80, v3, vm0, $0xb8;
	[tilespmem:$0x18100] =	vst v63  }
0x75: {  	s0 =	rddreg [dreg:$0x1b]  }
0x76: {  	[tilespmem:s0], [sflag:$0x1] =	stream.indirect_vreg.gather [hbm4b:s4+s3], $0x80, v3, vm0, $0xb8;
	[tilespmem:$0x18100] =	vst v63  }
0x77: {  	s10 =	rddreg [dreg:$0x1c]  }
0x78: {  	[tilespmem:s10], [sflag:$0x1] =	stream.indirect_vreg.gather [hbm4b:s5+s3], $0x80, v3, vm0, $0xb8;
	[tilespmem:$0x18100] =	vst v63  }
0x79: {  	v3 =	vld [tilespmem:$0x80];
	_ =	sdelay $0x4  }
0x7a: {  	v60 =	vshrl.u32 v3, $0x3  }
0x7b: {  	v4 =	vmul.u32 $0x30, v60  }
0x7c: {  	v3 =	vand.u32 $0x7, v3  }
0x7d: {  	v3 =	vor.u32 v3, v4  }
0x7e: {  	v4 =	vperm.xlane v3, v0;
	_ =	sdelay $0x1  }
0x7f: {  	v4 =	vadd.s32 v1, v4;
	_ =	sdelay $0x3  }
0x80: {  	v3 =	vperm.xlane v3, v2  }
0x81: {  	[tilespmem:s9], [sflag:$0x2] =	stream.indirect_vreg.gather [hbm4b:s2+s3], $0x80, v4, vm0, $0xb8;
	[tilespmem:$0x18100] =	vst v63  }
0x82: {  	s0 =	rddreg [dreg:$0x1d];
	v3 =	vadd.s32 v1, v3  }
0x83: {  	[tilespmem:s0], [sflag:$0x2] =	stream.indirect_vreg.gather [hbm4b:s4+s3], $0x80, v4, vm0, $0xb8;
	[tilespmem:$0x18100] =	vst v63  }
0x84: {  	s10 =	rddreg [dreg:$0x1e]  }
0x85: {  	[tilespmem:s10], [sflag:$0x2] =	stream.indirect_vreg.gather [hbm4b:s5+s3], $0x80, v4, vm0, $0xb8;
	[tilespmem:$0x18100] =	vst v63  }
0x86: {  	s0 =	rddreg [dreg:$0x1f]  }
0x87: {  	[tilespmem:s0], [sflag:$0x2] =	stream.indirect_vreg.gather [hbm4b:s2+s3], $0x80, v3, vm0, $0xb8;
	[tilespmem:$0x18100] =	vst v63  }
0x88: {  	s10 =	simm.s32 $0xE100  }
0x89: {  	[tilespmem:s10], [sflag:$0x2] =	stream.indirect_vreg.gather [hbm4b:s4+s3], $0x80, v3, vm0, $0xb8;
	[tilespmem:$0x18100] =	vst v63  }
0x8a: {  	_ = 	snop  }
0x8b: {  	[tilespmem:s11], [sflag:$0x2] =	stream.indirect_vreg.gather [hbm4b:s5+s3], $0x80, v3, vm0, $0xb8;
	[tilespmem:$0x18100] =	vst v63  }
0x8c: {  	v3 =	vld [tilespmem:$0x90];
	_ =	sdelay $0x4  }
0x8d: {  	v61 =	vshrl.u32 v3, $0x3  }
0x8e: {  	v4 =	vmul.u32 $0x30, v61  }
0x8f: {  	v3 =	vand.u32 $0x7, v3  }
0x90: {  	v3 =	vor.u32 v3, v4  }
0x91: {  	v4 =	vperm.xlane v3, v0;
	_ =	sdelay $0x1  }
0x92: {  	v4 =	vadd.s32 v1, v4;
	_ =	sdelay $0x3  }
0x93: {  	v3 =	vperm.xlane v3, v2  }
0x94: {  	[tilespmem:s12], [sflag:$0x2] =	stream.indirect_vreg.gather [hbm4b:s2+s3], $0x80, v4, vm0, $0xb8;
	[tilespmem:$0x18100] =	vst v63  }
0x95: {  	v3 =	vadd.s32 v1, v3  }
0x96: {  	[tilespmem:s13], [sflag:$0x2] =	stream.indirect_vreg.gather [hbm4b:s4+s3], $0x80, v4, vm0, $0xb8;
	[tilespmem:$0x18100] =	vst v63  }
0x97: {  	_ = 	snop  }
0x98: {  	[tilespmem:s14], [sflag:$0x2] =	stream.indirect_vreg.gather [hbm4b:s5+s3], $0x80, v4, vm0, $0xb8;
	[tilespmem:$0x18100] =	vst v63  }
0x99: {  	_ = 	snop  }
0x9a: {  	[tilespmem:s15], [sflag:$0x2] =	stream.indirect_vreg.gather [hbm4b:s2+s3], $0x80, v3, vm0, $0xb8;
	[tilespmem:$0x18100] =	vst v63  }
0x9b: {  	_ = 	snop  }
0x9c: {  	[tilespmem:s16], [sflag:$0x2] =	stream.indirect_vreg.gather [hbm4b:s4+s3], $0x80, v3, vm0, $0xb8;
	[tilespmem:$0x18100] =	vst v63  }
0x9d: {  	_ = 	snop  }
0x9e: {  	[tilespmem:s17], [sflag:$0x2] =	stream.indirect_vreg.gather [hbm4b:s5+s3], $0x80, v3, vm0, $0xb8;
	[tilespmem:$0x18100] =	vst v63  }
0x9f: {  	v3 =	vld [tilespmem:$0xA0];
	_ =	sdelay $0x4  }
0xa0: {  	v62 =	vshrl.u32 v3, $0x3  }
0xa1: {  	v4 =	vmul.u32 $0x30, v62  }
0xa2: {  	v3 =	vand.u32 $0x7, v3  }
0xa3: {  	v3 =	vor.u32 v3, v4  }
0xa4: {  	v4 =	vperm.xlane v3, v0;
	_ =	sdelay $0x1  }
0xa5: {  	v4 =	vadd.s32 v1, v4;
	_ =	sdelay $0x3  }
0xa6: {  	v3 =	vperm.xlane v3, v2  }
0xa7: {  	[tilespmem:s18], [sflag:$0x2] =	stream.indirect_vreg.gather [hbm4b:s2+s3], $0x80, v4, vm0, $0xb8;
	[tilespmem:$0x18100] =	vst v63  }
0xa8: {  	v3 =	vadd.s32 v1, v3  }
0xa9: {  	[tilespmem:s19], [sflag:$0x2] =	stream.indirect_vreg.gather [hbm4b:s4+s3], $0x80, v4, vm0, $0xb8;
	[tilespmem:$0x18100] =	vst v63  }
0xaa: {  	_ = 	snop  }
0xab: {  	[tilespmem:s20], [sflag:$0x2] =	stream.indirect_vreg.gather [hbm4b:s5+s3], $0x80, v4, vm0, $0xb8;
	[tilespmem:$0x18100] =	vst v63  }
0xac: {  	_ = 	snop  }
0xad: {  	[tilespmem:s21], [sflag:$0x2] =	stream.indirect_vreg.gather [hbm4b:s2+s3], $0x80, v3, vm0, $0xb8;
	[tilespmem:$0x18100] =	vst v63  }
0xae: {  	_ = 	snop  }
0xaf: {  	[tilespmem:s22], [sflag:$0x2] =	stream.indirect_vreg.gather [hbm4b:s4+s3], $0x80, v3, vm0, $0xb8;
	[tilespmem:$0x18100] =	vst v63  }
0xb0: {  	_ = 	snop  }
0xb1: {  	[tilespmem:s23], [sflag:$0x2] =	stream.indirect_vreg.gather [hbm4b:s5+s3], $0x80, v3, vm0, $0xb8;
	[tilespmem:$0x18100] =	vst v63  }
0xb2: {  	v3 =	vld [tilespmem:$0xB0];
	_ =	sdelay $0x4  }
0xb3: {  	v63 =	vshrl.u32 v3, $0x3  }
0xb4: {  	v4 =	vmul.u32 $0x30, v63  }
0xb5: {  	v3 =	vand.u32 $0x7, v3  }
0xb6: {  	v3 =	vor.u32 v3, v4  }
0xb7: {  	v4 =	vperm.xlane v3, v0;
	_ =	sdelay $0x1  }
0xb8: {  	v4 =	vadd.s32 v1, v4;
	_ =	sdelay $0x3  }
0xb9: {  	v3 =	vperm.xlane v3, v2  }
0xba: {  	[tilespmem:s24], [sflag:$0x2] =	stream.indirect_vreg.gather [hbm4b:s2+s3], $0x80, v4, vm0, $0xb8;
	[tilespmem:$0x18100] =	vst v63  }
0xbb: {  	v3 =	vadd.s32 v1, v3  }
0xbc: {  	[tilespmem:s25], [sflag:$0x2] =	stream.indirect_vreg.gather [hbm4b:s4+s3], $0x80, v4, vm0, $0xb8;
	[tilespmem:$0x18100] =	vst v63  }
0xbd: {  	_ = 	snop  }
0xbe: {  	[tilespmem:s26], [sflag:$0x2] =	stream.indirect_vreg.gather [hbm4b:s5+s3], $0x80, v4, vm0, $0xb8;
	[tilespmem:$0x18100] =	vst v63  }
0xbf: {  	_ = 	snop  }
0xc0: {  	[tilespmem:s28], [sflag:$0x2] =	stream.indirect_vreg.gather [hbm4b:s2+s3], $0x80, v3, vm0, $0xb8;
	[tilespmem:$0x18100] =	vst v63  }
0xc1: {  	_ = 	snop  }
0xc2: {  	[tilespmem:s29], [sflag:$0x2] =	stream.indirect_vreg.gather [hbm4b:s4+s3], $0x80, v3, vm0, $0xb8;
	[tilespmem:$0x18100] =	vst v63  }
0xc3: {  	_ = 	snop  }
0xc4: {  	[tilespmem:s30], [sflag:$0x2] =	stream.indirect_vreg.gather [hbm4b:s5+s3], $0x80, v3, vm0, $0xb8;
	[tilespmem:$0x18100] =	vst v63  }
0xc5: {  	_ =	swait.ge [sflag:s31], $0xC000  }
0xc6: {  	[sflag:s31] =	ssyncset.done $0x0  }
0xc7: {  	s10 =	rddreg [dreg:$0x4];
	[sflag:s31] =	ssyncadd.s32 $0xFFFF4000  }
0xc8: {  	[hbm4b:s10+s3] =	stream.linear.scatter [tilespmem:s8], [sflag:$0x3], $0xC000, $0x38;
	[tilespmem:$0x18100] =	vst v63  }
0xc9: {  	_ =	swait.ge [sflag:s7], $0xC000  }
0xca: {  	[sflag:s7] =	ssyncset.done $0x0  }
0xcb: {  	[sflag:s7] =	ssyncadd.s32 $0xFFFF4000  }
0xcc: {  	_ =	swait.ge [sflag:s1], $0xC000  }
0xcd: {  	p0 =	sne.s32 s6, $0x1;
	[sflag:s1] =	ssyncset.done $0x0  }
.Ltmp0:
0xce: {  	s10 =	rddreg [dreg:$0x5];
	[sflag:s1] =	ssyncadd.s32 $0xFFFF4000;
	(pc) =	sbr.rel @p0 .LBB2_1-.Ltmp0, $4  }
0xcf: {  	[hbm4b:s10+s3] =	stream.linear.scatter [tilespmem:s9], [sflag:$0x3], $0xC000, $0x38;
	[tilespmem:$0x18100] =	vst v63  }
0xd0: {  	_ =	swait.ge [sflag:s7], $0xC000  }
0xd1: {  	[sflag:s7] =	ssyncset.done $0x0  }
0xd2: {  	s6 =	sadd.s32 $0xFFFFFFFF, s6;
	[sflag:s7] =	ssyncadd.s32 $0xFFFF4000  }
0xd3: {  	_ =	sfence.sel $0x180000  }
0xd4: {  	[bflag:$0x0] =	sbarrier.arrive $0xFFFF  }
0xd5: {  	_ =	strace $0x90000059  }
0xd6: {  	s0 =	stileid.u32;
	[bflag:$0x2] =	sbarrier.arrive $0xFFFF  }
0xd7: {  	p0 =	sne.s32 s0, $0x0;
	s0 =	rddreg [dreg:$0x2]  }
0xd8: {  	s0 =	sadd.s32 @!p0 $0x100000, s0  }
0xd9: {  	[sflag:s0] =	ssyncadd.tile.s32 @!p0 $0x1;
	_ =	shalt  }
.Lfunc_end2:
_tile_overlayer_lowered:
.L_overlay_start_2:
0xda: {  	(tag) =	ssettag $0x2  }
0xdb: {  	s0 =	rddreg [dreg:$0x0];
	s2 =	stileid.u32  }
0xdc: {  	s1 =	rddreg [dreg:$0x1];
	p0 =	sne.s32 s2, $0x0  }
0xdd: {  	s3 =	rddreg [dreg:$0x2];
	[bflag:$0x3] =	sbarrier.arrive $0xFFFF;
	s2 =	simm.s32 @!p0 $0x1C03  }
0xde: {  	[timem:s3], [sflag:s2] =	dma.local @!p0 [hbm:s0], s1  }
0xdf: {  	s0 =	simm.s32 @!p0 $0x3  }
0xe0: {  	_ =	swait.ge @!p0 [sflag:s0], s1  }
0xe1: {  	s1 =	ssub.s32 @!p0 $0x0, s1;
	[sflag:s0] =	ssyncset.done @!p0 $0x0  }
0xe2: {  	[sflag:s0] =	ssyncadd.s32 @!p0 s1  }
0xe3: {  	[bflag:$0x3] =	sbarrier.arrive $0xFFFF  }
0xe4: {  	_ =	shalt  }

// kernel: kernel.39.cloned.1.call-start
scs
__scs_entry_jumppad:
0x0: {  	(pc) =	sbr.rel $0x88, $3  }
0x1: {  	(tag) =	ssettag $0x0;
	lr =	simm.s32 $0x1  }
0x2: {  	[smem:$0x3F9A] =	sst lr;
	_ =	strace $0xD0000000  }
0x3: {  	_ = 	snop  }
0x4: {  	_ = 	snop  }
0x5: {  	_ = 	snop  }
0x6: {  	_ = 	snop  }
0x7: {  	_ = 	snop  }
__scs_overlays_trampoline_lowered:
0x8: {  	[smem:$0x3FA9] =	sst s0  }
0x9: {  	[smem:$0x3FAA] =	sst s1  }
0xa: {  	[smem:$0x3FAB] =	sst s2  }
0xb: {  	[smem:$0x3FAC] =	sst s3  }
0xc: {  	[smem:$0x3FAD] =	sst s4  }
0xd: {  	[smem:$0x3FAE] =	sst s5  }
0xe: {  	[smem:$0x3FAF] =	sst s6  }
0xf: {  	[smem:$0x3FB0] =	sst s7  }
0x10: {  	[smem:$0x3FB1] =	sst s8  }
0x11: {  	[smem:$0x3FB2] =	sst s9;
	s0 =	simm.s32 @!p0 $0x0  }
0x12: {  	s1 =	sld [smem:$0x3F98];
	s0 =	simm.s32 @p0 $0x1  }
0x13: {  	[smem:$0x3FB3] =	sst s0;
	s0 =	simm.s32 @!p1 $0x0  }
0x14: {  	s2 =	sld [smem:$0x3F97];
	s0 =	simm.s32 @p1 $0x1  }
0x15: {  	[smem:$0x3FB4] =	sst s0;
	s0 =	simm.s32 @!p2 $0x0  }
0x16: {  	s3 =	sld [smem:$0x3FDB];
	s0 =	simm.s32 @p2 $0x1  }
0x17: {  	s4 =	simm.s32 $0x1BF5;
	[smem:$0x3FB6] =	sst s0  }
0x18: {  	s0 =	sld [smem:$0x3F99];
	_ =	swait.ge [sflag:s4], $0x0  }
0x19: {  	s7 =	sld [smem:$0x3F9A]  }
0x1a: {  	s8 =	sadd.s32 $0xFFFFE003, lr  }
0x1b: {  	s9 =	sadd.s32 $0xFFFFFEF7, lr;
	s5 =	simm.s32 $0xFFFFFFFF;
	p2 =	slt.u32 s8, $0xFFFFF086  }
0x1c: {  	p1 =	slt.u32 s9, $0xF7A;
	s5 =	simm.s32 @!p2 $0x0  }
0x1d: {  	s5 =	simm.s32 @p1 $0x1;
	p0 =	seq.s32 s7, s2  }
0x1e: {  	s7 =	smul.u32 @!p0 $0xF7A, s2;
	p2 =	seq.s32 @!p0 s5, $0x0  }
0x1f: {  	s9 =	smul.u32 $0xF7A, s1;
	s8 =	simm.s32 @!p0 $0x1BF5;
	p2 =	por !p2, p0  }
0x20: {  	[sflag:s8] =	ssyncset.s32 @!p0 $0xFFFFF086;
	s6 =	sadd.s32 @!p0 s3, s7;
	s7 =	simm.s32 @!p0 $0x108  }
0x21: {  	s3 =	sadd.s32 s3, s9;
	s6 =	sadd.s32 @!p0 $0x88, s6;
	s7 =	simm.s32 @p2 $0x1082  }
0x22: {  	[simem:s7], [sflag:s8] =	dma.local @!p0 [hbm:s6], $0xF7A  }
0x23: {  	s9 =	sor.u32 $0xD0000000, s2;
	s6 =	simm.s32 $0x108;
	_ =	swait.ge @!p0 [sflag:s8], $0x0  }
0x24: {  	s3 =	sadd.s32 $0x88, s3;
	s6 =	simm.s32 @!p1 $0x1082;
	[sflag:s4] =	ssyncset.s32 $0xFFFFF086  }
0x25: {  	[simem:s6], [sflag:s4] =	dma.local [hbm:s3], $0xF7A  }
0x26: {  	[smem:$0x3F9A] =	sst s1;
	(tag) =	ssettag s2;
	_ =	strace s9  }
0x27: {  	s1 =	sld [smem:$0x3FAA]  }
0x28: {  	s2 =	sld [smem:$0x3FAB]  }
0x29: {  	s4 =	sld [smem:$0x3FAD]  }
0x2a: {  	p0 =	seq.s32 s5, $0x0;
	s5 =	sld [smem:$0x3FAE]  }
0x2b: {  	s6 =	sld [smem:$0x3FAF]  }
0x2c: {  	s7 =	sld [smem:$0x3FB0]  }
0x2d: {  	s3 =	simm.s32 $0x108;
	s8 =	sld [smem:$0x3FB1]  }
0x2e: {  	s3 =	simm.s32 @!p0 $0x1082;
	s9 =	sld [smem:$0x3FB2]  }
0x2f: {  	lr =	sadd.s32 s0, s3;
	s0 =	sld [smem:$0x3FA9]  }
0x30: {  	s3 =	sld [smem:$0x3FAC]  }
0x31: {  	[smem:$0x3FB5] =	sst s10  }
0x32: {  	s10 =	sld [smem:$0x3FB3];
	_ =	sdelay $0x3  }
0x33: {  	p0 =	seq.s32 s10, $0x1;
	s10 =	sld [smem:$0x3FB5];
	_ =	sdelay $0x3  }
0x34: {  	[smem:$0x3FB5] =	sst s10  }
0x35: {  	s10 =	sld [smem:$0x3FB4];
	_ =	sdelay $0x3  }
0x36: {  	p1 =	seq.s32 s10, $0x1;
	s10 =	sld [smem:$0x3FB5];
	_ =	sdelay $0x3  }
0x37: {  	[smem:$0x3FB5] =	sst s10  }
0x38: {  	s10 =	sld [smem:$0x3FB6]  }
0x39: {  	_ = 	snop;
	(pc) =	sbr.ind lr, $3  }
0x3a: {  	_ = 	snop  }
0x3b: {  	_ = 	snop  }
0x3c: {  	p2 =	seq.s32 s10, $0x1;
	s10 =	sld [smem:$0x3FB5]  }
0x3d: {  	_ =	shalt  }
0x3e: {  	_ =	shalt  }
0x3f: {  	_ =	shalt  }
0x40: {  	_ =	shalt  }
0x41: {  	_ =	shalt  }
0x42: {  	_ =	shalt  }
0x43: {  	_ =	shalt  }
0x44: {  	_ =	shalt  }
0x45: {  	_ =	shalt  }
0x46: {  	_ =	shalt  }
0x47: {  	_ =	shalt  }
0x48: {  	_ =	shalt  }
0x49: {  	_ =	shalt  }
0x4a: {  	_ =	shalt  }
0x4b: {  	_ =	shalt  }
0x4c: {  	_ =	shalt  }
0x4d: {  	_ =	shalt  }
0x4e: {  	_ =	shalt  }
0x4f: {  	_ =	shalt  }
0x50: {  	_ =	shalt  }
0x51: {  	_ =	shalt  }
0x52: {  	_ =	shalt  }
0x53: {  	_ =	shalt  }
0x54: {  	_ =	shalt  }
0x55: {  	_ =	shalt  }
0x56: {  	_ =	shalt  }
0x57: {  	_ =	shalt  }
0x58: {  	_ =	shalt  }
0x59: {  	_ =	shalt  }
0x5a: {  	_ =	shalt  }
0x5b: {  	_ =	shalt  }
0x5c: {  	_ =	shalt  }
0x5d: {  	_ =	shalt  }
0x5e: {  	_ =	shalt  }
0x5f: {  	_ =	shalt  }
0x60: {  	_ =	shalt  }
0x61: {  	_ =	shalt  }
0x62: {  	_ =	shalt  }
0x63: {  	_ =	shalt  }
0x64: {  	_ =	shalt  }
0x65: {  	_ =	shalt  }
0x66: {  	_ =	shalt  }
0x67: {  	_ =	shalt  }
0x68: {  	_ =	shalt  }
0x69: {  	_ =	shalt  }
0x6a: {  	_ =	shalt  }
0x6b: {  	_ =	shalt  }
0x6c: {  	_ =	shalt  }
0x6d: {  	_ =	shalt  }
0x6e: {  	_ =	shalt  }
0x6f: {  	_ =	shalt  }
0x70: {  	_ =	shalt  }
0x71: {  	_ =	shalt  }
0x72: {  	_ =	shalt  }
0x73: {  	_ =	shalt  }
0x74: {  	_ =	shalt  }
0x75: {  	_ =	shalt  }
0x76: {  	_ =	shalt  }
0x77: {  	_ =	shalt  }
0x78: {  	_ =	shalt  }
0x79: {  	_ =	shalt  }
0x7a: {  	_ =	shalt  }
0x7b: {  	_ =	shalt  }
0x7c: {  	_ =	shalt  }
0x7d: {  	_ =	shalt  }
0x7e: {  	_ =	shalt  }
0x7f: {  	_ =	shalt  }
0x80: {  	_ =	shalt  }
0x81: {  	_ =	shalt  }
0x82: {  	_ =	shalt  }
0x83: {  	_ =	shalt  }
0x84: {  	_ =	shalt  }
0x85: {  	_ =	shalt  }
0x86: {  	_ =	shalt  }
0x87: {  	_ =	shalt  }
.Lfunc_end0:
.L_simem_size_0:
called_computation.7_lowered:
.L_overlay_start_0:
0x88: {  	s2 =	sld [smem:$0x3FD9]  }
0x89: {  	s3 =	sld [smem:$0x3FFE];
	_ =	sdelay $0x1  }
0x8a: {  	s1 =	srdreg.scid  }
0x8b: {  	s0 =	sand.u32 $0x1, s1  }
0x8c: {  	s17 =	sshll.u32 s0, $0xA;
	s2 =	sadd.s32 s3, s2  }
0x8d: {  	s2 =	sadd.s32 s2, s17  }
0x8e: {  	[smem:$0x3FC1] =	sst s2  }
0x8f: {  	_ = 	snop  }
0x90: {  	s18 =	sld [smem:$0x3FC7];
	(tm) =	ssettm $0x1  }
0x91: {  	s19 =	sld [smem:$0x3FFB];
	_ =	sdelay $0x3  }
0x92: {  	_ =	strace s19  }
0x93: {  	s2 =	sld [smem:$0x3FFC];
	_ =	sdelay $0x3  }
0x94: {  	_ =	strace s2  }
0x95: {  	s2 =	sld [smem:$0x3FFD];
	_ =	sdelay $0x3  }
0x96: {  	_ =	strace s2  }
0x97: {  	_ =	strace $0x8FFFFFFF  }
0x98: {  	s20 =	sld [smem:$0x3FDB];
	_ =	sdelay $0x1  }
0x99: {  	s4 =	simm.s32 $_scs_section_size  }
0x9a: {  	s5 =	simm.s32 $_size__tile_overlayer_lowered;
	s6 =	simm.s32 $_tile_overlayer_lowered  }
0x9b: {  	s7 =	simm.s32 $0x1BFF;
	s21 =	sshll.u32 s6, $0x1;
	s4 =	sadd.s32 s4, s20  }
0x9c: {  	s22 =	simm.s32 $0x0;
	s5 =	sshll.u32 s5, $0x1;
	s6 =	sadd.s32 s21, s4  }
0x9d: {  	[timem:s22], [sflag:s7] =	dma.local [hbm:s6], s5  }
0x9e: {  	_ =	swait.ge [sflag:s7], s5  }
0x9f: {  	s5 =	ssub.s32 $0x0, s5;
	[sflag:s7] =	ssyncset.done $0x0  }
0xa0: {  	[sflag:s7] =	ssyncadd.s32 s5;
	_ =	sdelay $0x1  }
0xa1: {  	s23 =	simm.s32 $0x1B8B  }
0xa2: {  	_ =	swait.ge [sflag:s23], $0x1  }
0xa3: {  	[sflag:s23] =	ssyncset.done $0x0  }
0xa4: {  	[sflag:s23] =	ssyncadd.s32 $0xFFFFFFFF  }
0xa5: {  	s5 =	sld [smem:$0x0]  }
0xa6: {  	s6 =	sand.u32 $0xFFFFFFFE, s1  }
0xa7: {  	p0 =	sne.s32 s1, s6  }
0xa8: {  	s6 =	sshll.u32 @p0 s6, $0xE  }
0xa9: {  	s6 =	sadd.s32 @p0 $0x11B8D, s6;
	s7 =	sshll.u32 @p0 s5, $0x11  }
0xaa: {  	s6 =	sor.u32 @p0 s7, s6  }
0xab: {  	[sflag:s6] =	ssyncadd.remote.s32 @p0 $0x1;
	_ =	sdelay $0x1  }
0xac: {  	s6 =	simm.s32 @p0 $0x1B8D  }
0xad: {  	_ =	swait.eq @p0 [sflag:s6], $0x1  }
0xae: {  	[sflag:s6] =	ssyncadd.s32 @p0 $0xFFFFFFFF  }
0xaf: {  	s7 =	sshll.u32 @!p0 s1, $0xE  }
0xb0: {  	s7 =	sor.u32 @!p0 $0x4000, s7;
	s6 =	simm.s32 @!p0 $0x1B8D  }
0xb1: {  	s5 =	sshll.u32 @!p0 s5, $0x11;
	s7 =	sadd.s32 @!p0 $0x11B8D, s7;
	_ =	swait.eq @!p0 [sflag:s6], $0x1  }
0xb2: {  	s5 =	sor.u32 @!p0 s5, s7;
	[sflag:s6] =	ssyncadd.s32 @!p0 $0xFFFFFFFF  }
0xb3: {  	s25 =	simm.s32 $0x1B8E;
	s24 =	sld [smem:$0x3FFE];
	[sflag:s5] =	ssyncadd.remote.s32 @!p0 $0x1  }
0xb4: {  	s26 =	simm.s32 $execute0_lowered;
	[smem:$0x3FD2] =	sst s25  }
0xb5: {  	s6 =	sshll.u32 s26, $0x1;
	_ =	strace $0x8000005B;
	[dreg:$0x1] =	wrdreg $0xFFFFFFFF  }
0xb6: {  	s28 =	simm.s32 $_size_execute0_lowered;
	s4 =	sadd.s32 s4, s6;
	[dreg:$0x0] =	wrdreg $0x0  }
0xb7: {  	s6 =	sshll.u32 s28, $0x1;
	[dreg:$0x2] =	wrdreg s4  }
0xb8: {  	[dreg:$0x3] =	wrdreg s6  }
0xb9: {  	[dreg:$0x4] =	wrdreg $0xC0  }
0xba: {  	_ =	task [dreg:s22], $0x5FFFF  }
0xbb: {  	[dreg:$0x1] =	wrdreg $0xFFFFFFFF  }
0xbc: {  	[dreg:$0x0] =	wrdreg $0x60  }
0xbd: {  	[dreg:$0x2] =	wrdreg s18  }
0xbe: {  	[dreg:$0x3] =	wrdreg s24  }
0xbf: {  	[dreg:$0x4] =	wrdreg $0x10  }
0xc0: {  	_ =	task.clear_ibuf [dreg:s22], $0x5FFFF;
	_ =	strace $0x9000005B  }
0xc1: {  	s29 =	simm.s32 $0x10;
	_ =	strace $0x8000005D  }
0xc2: {  	_ =	swait.ge [sflag:s29], $0x1  }
0xc3: {  	[sflag:s29] =	ssyncadd.s32 $0xFFFFFFFF  }
0xc4: {  	_ =	strace $0x9000005D  }
0xc5: {  	_ =	sfence  }
0xc6: {  	s30 =	sld [smem:$0x0];
	_ =	sdelay $0x2  }
0xc7: {  	s31 =	sshll.u32 s1, $0xD;
	s1 =	sshrl.u32 s1, $0x2  }
0xc8: {  	s4 =	sand.u32 $0x4000, s31;
	s1 =	sadd.s32 s1, s30  }
0xc9: {  	s0 =	sor.u32 s4, s0;
	s1 =	sshll.u32 s1, $0x11  }
0xca: {  	s0 =	sor.u32 s1, s0  }
0xcb: {  	s0 =	sadd.s32 $0x8F2B, s0  }
0xcc: {  	[sflag:s0] =	ssyncadd.remote.s32 $0x1  }
0xcd: {  	_ =	sfence.sel $0xFFFF  }
0xce: {  	[dreg:$0x0] =	wrdreg $0xFFFFFFFF;
	(pc) =	sbr.abs _section_cstart, $3  }
0xcf: {  	[dreg:$0x1] =	wrdreg $0xFFFFFFFF  }
0xd0: {  	_ =	task.clear_ibuf [dreg:s22], $0x2FFFF;
	_ =	strace $0x9FFFFFFF  }
0xd1: {  	(tm) =	ssettm $0x7FFFFFFF  }
tec
execute0_lowered:
.L_overlay_start_1:
0x0: {  	(tag) =	ssettag $0x1  }
0x1: {  	s2 =	rddreg [dreg:$0x0]  }
0x2: {  	s4 =	rddreg [dreg:$0x1];
	s3 =	simm.s32 $0x0  }
0x3: {  	s23 =	simm.s32 $0x900;
	[smem:$0x7FF] =	sst s3  }
0x4: {  	s24 =	simm.s32 $0x1100;
	_ =	strace $0x8000005C;
	[dreg:$0x6] =	wrdreg s23  }
0x5: {  	s25 =	simm.s32 $0x1900;
	[dreg:$0x7] =	wrdreg s24  }
0x6: {  	s0 =	stileid.u32;
	s26 =	simm.s32 $0x2100;
	[dreg:$0x8] =	wrdreg s25  }
0x7: {  	s5 =	sshll.u32 s0, $0x1;
	s0 =	simm.s32 $0x2900;
	[dreg:$0x9] =	wrdreg s26  }
0x8: {  	s8 =	simm.s32 $0x4900;
	[dreg:$0xa] =	wrdreg s0  }
0x9: {  	s9 =	simm.s32 $0x5100;
	[dreg:$0xe] =	wrdreg s8  }
0xa: {  	s10 =	simm.s32 $0x5900;
	[dreg:$0xf] =	wrdreg s9  }
0xb: {  	s11 =	simm.s32 $0x6100;
	[dreg:$0x10] =	wrdreg s10  }
0xc: {  	s12 =	simm.s32 $0x6900;
	[dreg:$0x11] =	wrdreg s11  }
0xd: {  	s13 =	simm.s32 $0x7100;
	[dreg:$0x12] =	wrdreg s12  }
0xe: {  	s14 =	simm.s32 $0x7900;
	[dreg:$0x13] =	wrdreg s13  }
0xf: {  	s1 =	srdreg.scid;
	s15 =	simm.s32 $0x8100;
	[dreg:$0x14] =	wrdreg s14  }
0x10: {  	s16 =	simm.s32 $0x8900;
	s17 =	simm.s32 $0x9100;
	[dreg:$0x15] =	wrdreg s15  }
0x11: {  	s18 =	simm.s32 $0x9900;
	s20 =	simm.s32 $0xA100;
	[dreg:$0x16] =	wrdreg s16  }
0x12: {  	s21 =	simm.s32 $0xA900;
	s22 =	simm.s32 $0xB100;
	[dreg:$0x17] =	wrdreg s17  }
0x13: {  	s28 =	simm.s32 $0x16900;
	s29 =	simm.s32 $0x17100;
	[dreg:$0x18] =	wrdreg s18  }
0x14: {  	s30 =	simm.s32 $0x17900;
	s1 =	sand.u32 $0x1, s1;
	[dreg:$0x19] =	wrdreg s20  }
0x15: {  	s31 =	simm.s32 $0x1;
	s5 =	sor.u32 s1, s5;
	[dreg:$0x1a] =	wrdreg s21  }
0x16: {  	s1 =	ssub.s32 $0x2, s1;
	[dreg:$0x1b] =	wrdreg s22;
	s23 =	simm.s32 $0xB900  }
0x17: {  	s24 =	simm.s32 $0xC900;
	s25 =	simm.s32 $0xD100;
	s8 =	simm.s32 $0x100  }
0x18: {  	s26 =	simm.s32 $0xD900;
	s9 =	simm.s32 $0xC100;
	s11 =	simm.s32 $0xE900  }
0x19: {  	s12 =	simm.s32 $0xF100;
	s13 =	simm.s32 $0xF900;
	s14 =	simm.s32 $0x10100  }
0x1a: {  	s15 =	simm.s32 $0x10900;
	s16 =	simm.s32 $0x11100;
	s17 =	simm.s32 $0x11900  }
0x1b: {  	s18 =	simm.s32 $0x12100;
	s20 =	simm.s32 $0x13100;
	[dreg:$0x1c] =	wrdreg s23  }
0x1c: {  	s21 =	simm.s32 $0x13900;
	s22 =	simm.s32 $0x14100;
	[dreg:$0x1d] =	wrdreg s24  }
0x1d: {  	s6 =	sshll.u32 s5, $0x5;
	s7 =	smul.u32 $0x18000, s5;
	[dreg:$0x1e] =	wrdreg s25  }
0x1e: {  	s5 =	smul.u32 $0x3000, s5;
	s19 =	sshrl.u32 s1, $0x1;
	[dreg:$0x1f] =	wrdreg s26  }
0x1f: {  	s23 =	simm.s32 $0x14900;
	s24 =	simm.s32 $0x15100;
	s6 =	sadd.s32 s6, s4  }
0x20: {  	s25 =	simm.s32 $0x15900;
	s4 =	sadd.s32 $0x246600, s4;
	s6 =	sadd.s32 $0x6200, s6  }
0x21: {  	s26 =	simm.s32 $0x16100;
	s5 =	sadd.s32 s4, s5;
	[dreg:$0x3] =	wrdreg s6  }
0x22: {  	s1 =	ssub.s32 s1, s19;
	[dreg:$0x4] =	wrdreg s5;
	s5 =	simm.s32 $0x3100  }
0x23: {  	s7 =	sshrl.u32 s7, $0x3;
	s6 =	simm.s32 $0x3900;
	[dreg:$0xb] =	wrdreg s5  }
0x24: {  	s4 =	sadd.s32 s4, s7;
	s7 =	simm.s32 $0x4100;
	[dreg:$0xc] =	wrdreg s6  }
0x25: {  	v2 =	vlaneseq.u32;
	s19 =	simm.s32 $0x12900;
	s4 =	sadd.s32 $0x1800, s4;
	[dreg:$0xd] =	wrdreg s7  }
0x26: {  	vm0 =	vmmov $0xffff;
	v1 =	vshrl.u32 v2, $0x3;
	s5 =	sadd.s32 $0x200, s2;
	s6 =	smax.u32 s1, $0x1;
	s7 =	simm.s32 $0x3  }
0x27: {  	v0 =	vand.u32 $0x7, v2;
	v2 =	vor.u32 $0x8, v2;
	v1 =	vmul.u32 $0x8, v1;
	s1 =	simm.s32 $0x2;
	[dreg:$0x5] =	wrdreg s4;
	s4 =	sadd.s32 $0x100, s2  }
.LBB2_1:
0x28: {  	s0 =	rddreg [dreg:$0x3]  }
0x29: {  	[tilespmem:s3], [sflag:$0x3] =	stream.linear.gather [hbm4b:s0+s3], $0x100, $0x38;
	[tilespmem:$0x18100] =	vst v63  }
0x2a: {  	_ =	swait.ge [sflag:s7], $0x100  }
0x2b: {  	[sflag:s7] =	ssyncset.done $0x0  }
0x2c: {  	[sflag:s7] =	ssyncadd.s32 $0xFFFFFF00  }
0x2d: {  	v3 =	vld [tilespmem:$0x0];
	_ =	sdelay $0x4  }
0x2e: {  	v4 =	vshrl.u32 v3, $0x3  }
0x2f: {  	v4 =	vmul.u32 $0x30, v4  }
0x30: {  	v3 =	vand.u32 $0x7, v3  }
0x31: {  	v3 =	vor.u32 v3, v4  }
0x32: {  	v4 =	vperm.xlane v3, v0;
	_ =	sdelay $0x1  }
0x33: {  	v4 =	vadd.s32 v1, v4;
	_ =	sdelay $0x3  }
0x34: {  	v3 =	vperm.xlane v3, v2  }
0x35: {  	[tilespmem:s8], [sflag:$0x1] =	stream.indirect_vreg.gather [hbm4b:s2+s3], $0x80, v4, vm0, $0xb8;
	[tilespmem:$0x18100] =	vst v63  }
0x36: {  	s0 =	rddreg [dreg:$0x6];
	v3 =	vadd.s32 v1, v3  }
0x37: {  	[tilespmem:s0], [sflag:$0x1] =	stream.indirect_vreg.gather [hbm4b:s4+s3], $0x80, v4, vm0, $0xb8;
	[tilespmem:$0x18100] =	vst v63  }
0x38: {  	s10 =	rddreg [dreg:$0x7]  }
0x39: {  	[tilespmem:s10], [sflag:$0x1] =	stream.indirect_vreg.gather [hbm4b:s5+s3], $0x80, v4, vm0, $0xb8;
	[tilespmem:$0x18100] =	vst v63  }
0x3a: {  	s0 =	rddreg [dreg:$0x8]  }
0x3b: {  	[tilespmem:s0], [sflag:$0x1] =	stream.indirect_vreg.gather [hbm4b:s2+s3], $0x80, v3, vm0, $0xb8;
	[tilespmem:$0x18100] =	vst v63  }
0x3c: {  	s10 =	rddreg [dreg:$0x9]  }
0x3d: {  	[tilespmem:s10], [sflag:$0x1] =	stream.indirect_vreg.gather [hbm4b:s4+s3], $0x80, v3, vm0, $0xb8;
	[tilespmem:$0x18100] =	vst v63  }
0x3e: {  	s0 =	rddreg [dreg:$0xa]  }
0x3f: {  	[tilespmem:s0], [sflag:$0x1] =	stream.indirect_vreg.gather [hbm4b:s5+s3], $0x80, v3, vm0, $0xb8;
	[tilespmem:$0x18100] =	vst v63  }
0x40: {  	v3 =	vld [tilespmem:$0x10];
	_ =	sdelay $0x4  }
0x41: {  	v57 =	vshrl.u32 v3, $0x3  }
0x42: {  	v4 =	vmul.u32 $0x30, v57  }
0x43: {  	v3 =	vand.u32 $0x7, v3  }
0x44: {  	v3 =	vor.u32 v3, v4  }
0x45: {  	v4 =	vperm.xlane v3, v0;
	_ =	sdelay $0x1  }
0x46: {  	v4 =	vadd.s32 v1, v4;
	_ =	sdelay $0x3  }
0x47: {  	s0 =	rddreg [dreg:$0xb];
	v3 =	vperm.xlane v3, v2  }
0x48: {  	[tilespmem:s0], [sflag:$0x1] =	stream.indirect_vreg.gather [hbm4b:s2+s3], $0x80, v4, vm0, $0xb8;
	[tilespmem:$0x18100] =	vst v63  }
0x49: {  	s10 =	rddreg [dreg:$0xc];
	v3 =	vadd.s32 v1, v3  }
0x4a: {  	[tilespmem:s10], [sflag:$0x1] =	stream.indirect_vreg.gather [hbm4b:s4+s3], $0x80, v4, vm0, $0xb8;
	[tilespmem:$0x18100] =	vst v63  }
0x4b: {  	s0 =	rddreg [dreg:$0xd]  }
0x4c: {  	[tilespmem:s0], [sflag:$0x1] =	stream.indirect_vreg.gather [hbm4b:s5+s3], $0x80, v4, vm0, $0xb8;
	[tilespmem:$0x18100] =	vst v63  }
0x4d: {  	s10 =	rddreg [dreg:$0xe]  }
0x4e: {  	[tilespmem:s10], [sflag:$0x1] =	stream.indirect_vreg.gather [hbm4b:s2+s3], $0x80, v3, vm0, $0xb8;
	[tilespmem:$0x18100] =	vst v63  }
0x4f: {  	s0 =	rddreg [dreg:$0xf]  }
0x50: {  	[tilespmem:s0], [sflag:$0x1] =	stream.indirect_vreg.gather [hbm4b:s4+s3], $0x80, v3, vm0, $0xb8;
	[tilespmem:$0x18100] =	vst v63  }
0x51: {  	s10 =	rddreg [dreg:$0x10]  }
0x52: {  	[tilespmem:s10], [sflag:$0x1] =	stream.indirect_vreg.gather [hbm4b:s5+s3], $0x80, v3, vm0, $0xb8;
	[tilespmem:$0x18100] =	vst v63  }
0x53: {  	v3 =	vld [tilespmem:$0x20];
	_ =	sdelay $0x4  }
0x54: {  	v58 =	vshrl.u32 v3, $0x3  }
0x55: {  	v4 =	vmul.u32 $0x30, v58  }
0x56: {  	v3 =	vand.u32 $0x7, v3  }
0x57: {  	v3 =	vor.u32 v3, v4  }
0x58: {  	v4 =	vperm.xlane v3, v0;
	_ =	sdelay $0x1  }
0x59: {  	v4 =	vadd.s32 v1, v4;
	_ =	sdelay $0x3  }
0x5a: {  	s0 =	rddreg [dreg:$0x11];
	v3 =	vperm.xlane v3, v2  }
0x5b: {  	[tilespmem:s0], [sflag:$0x1] =	stream.indirect_vreg.gather [hbm4b:s2+s3], $0x80, v4, vm0, $0xb8;
	[tilespmem:$0x18100] =	vst v63  }
0x5c: {  	s10 =	rddreg [dreg:$0x12];
	v3 =	vadd.s32 v1, v3  }
0x5d: {  	[tilespmem:s10], [sflag:$0x1] =	stream.indirect_vreg.gather [hbm4b:s4+s3], $0x80, v4, vm0, $0xb8;
	[tilespmem:$0x18100] =	vst v63  }
0x5e: {  	s0 =	rddreg [dreg:$0x13]  }
0x5f: {  	[tilespmem:s0], [sflag:$0x1] =	stream.indirect_vreg.gather [hbm4b:s5+s3], $0x80, v4, vm0, $0xb8;
	[tilespmem:$0x18100] =	vst v63  }
0x60: {  	s10 =	rddreg [dreg:$0x14]  }
0x61: {  	[tilespmem:s10], [sflag:$0x1] =	stream.indirect_vreg.gather [hbm4b:s2+s3], $0x80, v3, vm0, $0xb8;
	[tilespmem:$0x18100] =	vst v63  }
0x62: {  	s0 =	rddreg [dreg:$0x15]  }
0x63: {  	[tilespmem:s0], [sflag:$0x1] =	stream.indirect_vreg.gather [hbm4b:s4+s3], $0x80, v3, vm0, $0xb8;
	[tilespmem:$0x18100] =	vst v63  }
0x64: {  	s10 =	rddreg [dreg:$0x16]  }
0x65: {  	[tilespmem:s10], [sflag:$0x1] =	stream.indirect_vreg.gather [hbm4b:s5+s3], $0x80, v3, vm0, $0xb8;
	[tilespmem:$0x18100] =	vst v63  }
0x66: {  	v3 =	vld [tilespmem:$0x30];
	_ =	sdelay $0x4  }
0x67: {  	v59 =	vshrl.u32 v3, $0x3  }
0x68: {  	v4 =	vmul.u32 $0x30, v59  }
0x69: {  	v3 =	vand.u32 $0x7, v3  }
0x6a: {  	v3 =	vor.u32 v3, v4  }
0x6b: {  	v4 =	vperm.xlane v3, v0;
	_ =	sdelay $0x1  }
0x6c: {  	v4 =	vadd.s32 v1, v4;
	_ =	sdelay $0x3  }
0x6d: {  	s0 =	rddreg [dreg:$0x17];
	v3 =	vperm.xlane v3, v2  }
0x6e: {  	[tilespmem:s0], [sflag:$0x1] =	stream.indirect_vreg.gather [hbm4b:s2+s3], $0x80, v4, vm0, $0xb8;
	[tilespmem:$0x18100] =	vst v63  }
0x6f: {  	s10 =	rddreg [dreg:$0x18];
	v3 =	vadd.s32 v1, v3  }
0x70: {  	[tilespmem:s10], [sflag:$0x1] =	stream.indirect_vreg.gather [hbm4b:s4+s3], $0x80, v4, vm0, $0xb8;
	[tilespmem:$0x18100] =	vst v63  }
0x71: {  	s0 =	rddreg [dreg:$0x19]  }
0x72: {  	[tilespmem:s0], [sflag:$0x1] =	stream.indirect_vreg.gather [hbm4b:s5+s3], $0x80, v4, vm0, $0xb8;
	[tilespmem:$0x18100] =	vst v63  }
0x73: {  	s10 =	rddreg [dreg:$0x1a]  }
0x74: {  	[tilespmem:s10], [sflag:$0x1] =	stream.indirect_vreg.gather [hbm4b:s2+s3], $0x80, v3, vm0, $0xb8;
	[tilespmem:$0x18100] =	vst v63  }
0x75: {  	s0 =	rddreg [dreg:$0x1b]  }
0x76: {  	[tilespmem:s0], [sflag:$0x1] =	stream.indirect_vreg.gather [hbm4b:s4+s3], $0x80, v3, vm0, $0xb8;
	[tilespmem:$0x18100] =	vst v63  }
0x77: {  	s10 =	rddreg [dreg:$0x1c]  }
0x78: {  	[tilespmem:s10], [sflag:$0x1] =	stream.indirect_vreg.gather [hbm4b:s5+s3], $0x80, v3, vm0, $0xb8;
	[tilespmem:$0x18100] =	vst v63  }
0x79: {  	v3 =	vld [tilespmem:$0x80];
	_ =	sdelay $0x4  }
0x7a: {  	v60 =	vshrl.u32 v3, $0x3  }
0x7b: {  	v4 =	vmul.u32 $0x30, v60  }
0x7c: {  	v3 =	vand.u32 $0x7, v3  }
0x7d: {  	v3 =	vor.u32 v3, v4  }
0x7e: {  	v4 =	vperm.xlane v3, v0;
	_ =	sdelay $0x1  }
0x7f: {  	v4 =	vadd.s32 v1, v4;
	_ =	sdelay $0x3  }
0x80: {  	v3 =	vperm.xlane v3, v2  }
0x81: {  	[tilespmem:s9], [sflag:$0x2] =	stream.indirect_vreg.gather [hbm4b:s2+s3], $0x80, v4, vm0, $0xb8;
	[tilespmem:$0x18100] =	vst v63  }
0x82: {  	s0 =	rddreg [dreg:$0x1d];
	v3 =	vadd.s32 v1, v3  }
0x83: {  	[tilespmem:s0], [sflag:$0x2] =	stream.indirect_vreg.gather [hbm4b:s4+s3], $0x80, v4, vm0, $0xb8;
	[tilespmem:$0x18100] =	vst v63  }
0x84: {  	s10 =	rddreg [dreg:$0x1e]  }
0x85: {  	[tilespmem:s10], [sflag:$0x2] =	stream.indirect_vreg.gather [hbm4b:s5+s3], $0x80, v4, vm0, $0xb8;
	[tilespmem:$0x18100] =	vst v63  }
0x86: {  	s0 =	rddreg [dreg:$0x1f]  }
0x87: {  	[tilespmem:s0], [sflag:$0x2] =	stream.indirect_vreg.gather [hbm4b:s2+s3], $0x80, v3, vm0, $0xb8;
	[tilespmem:$0x18100] =	vst v63  }
0x88: {  	s10 =	simm.s32 $0xE100  }
0x89: {  	[tilespmem:s10], [sflag:$0x2] =	stream.indirect_vreg.gather [hbm4b:s4+s3], $0x80, v3, vm0, $0xb8;
	[tilespmem:$0x18100] =	vst v63  }
0x8a: {  	_ = 	snop  }
0x8b: {  	[tilespmem:s11], [sflag:$0x2] =	stream.indirect_vreg.gather [hbm4b:s5+s3], $0x80, v3, vm0, $0xb8;
	[tilespmem:$0x18100] =	vst v63  }
0x8c: {  	v3 =	vld [tilespmem:$0x90];
	_ =	sdelay $0x4  }
0x8d: {  	v61 =	vshrl.u32 v3, $0x3  }
0x8e: {  	v4 =	vmul.u32 $0x30, v61  }
0x8f: {  	v3 =	vand.u32 $0x7, v3  }
0x90: {  	v3 =	vor.u32 v3, v4  }
0x91: {  	v4 =	vperm.xlane v3, v0;
	_ =	sdelay $0x1  }
0x92: {  	v4 =	vadd.s32 v1, v4;
	_ =	sdelay $0x3  }
0x93: {  	v3 =	vperm.xlane v3, v2  }
0x94: {  	[tilespmem:s12], [sflag:$0x2] =	stream.indirect_vreg.gather [hbm4b:s2+s3], $0x80, v4, vm0, $0xb8;
	[tilespmem:$0x18100] =	vst v63  }
0x95: {  	v3 =	vadd.s32 v1, v3  }
0x96: {  	[tilespmem:s13], [sflag:$0x2] =	stream.indirect_vreg.gather [hbm4b:s4+s3], $0x80, v4, vm0, $0xb8;
	[tilespmem:$0x18100] =	vst v63  }
0x97: {  	_ = 	snop  }
0x98: {  	[tilespmem:s14], [sflag:$0x2] =	stream.indirect_vreg.gather [hbm4b:s5+s3], $0x80, v4, vm0, $0xb8;
	[tilespmem:$0x18100] =	vst v63  }
0x99: {  	_ = 	snop  }
0x9a: {  	[tilespmem:s15], [sflag:$0x2] =	stream.indirect_vreg.gather [hbm4b:s2+s3], $0x80, v3, vm0, $0xb8;
	[tilespmem:$0x18100] =	vst v63  }
0x9b: {  	_ = 	snop  }
0x9c: {  	[tilespmem:s16], [sflag:$0x2] =	stream.indirect_vreg.gather [hbm4b:s4+s3], $0x80, v3, vm0, $0xb8;
	[tilespmem:$0x18100] =	vst v63  }
0x9d: {  	_ = 	snop  }
0x9e: {  	[tilespmem:s17], [sflag:$0x2] =	stream.indirect_vreg.gather [hbm4b:s5+s3], $0x80, v3, vm0, $0xb8;
	[tilespmem:$0x18100] =	vst v63  }
0x9f: {  	v3 =	vld [tilespmem:$0xA0];
	_ =	sdelay $0x4  }
0xa0: {  	v62 =	vshrl.u32 v3, $0x3  }
0xa1: {  	v4 =	vmul.u32 $0x30, v62  }
0xa2: {  	v3 =	vand.u32 $0x7, v3  }
0xa3: {  	v3 =	vor.u32 v3, v4  }
0xa4: {  	v4 =	vperm.xlane v3, v0;
	_ =	sdelay $0x1  }
0xa5: {  	v4 =	vadd.s32 v1, v4;
	_ =	sdelay $0x3  }
0xa6: {  	v3 =	vperm.xlane v3, v2  }
0xa7: {  	[tilespmem:s18], [sflag:$0x2] =	stream.indirect_vreg.gather [hbm4b:s2+s3], $0x80, v4, vm0, $0xb8;
	[tilespmem:$0x18100] =	vst v63  }
0xa8: {  	v3 =	vadd.s32 v1, v3  }
0xa9: {  	[tilespmem:s19], [sflag:$0x2] =	stream.indirect_vreg.gather [hbm4b:s4+s3], $0x80, v4, vm0, $0xb8;
	[tilespmem:$0x18100] =	vst v63  }
0xaa: {  	_ = 	snop  }
0xab: {  	[tilespmem:s20], [sflag:$0x2] =	stream.indirect_vreg.gather [hbm4b:s5+s3], $0x80, v4, vm0, $0xb8;
	[tilespmem:$0x18100] =	vst v63  }
0xac: {  	_ = 	snop  }
0xad: {  	[tilespmem:s21], [sflag:$0x2] =	stream.indirect_vreg.gather [hbm4b:s2+s3], $0x80, v3, vm0, $0xb8;
	[tilespmem:$0x18100] =	vst v63  }
0xae: {  	_ = 	snop  }
0xaf: {  	[tilespmem:s22], [sflag:$0x2] =	stream.indirect_vreg.gather [hbm4b:s4+s3], $0x80, v3, vm0, $0xb8;
	[tilespmem:$0x18100] =	vst v63  }
0xb0: {  	_ = 	snop  }
0xb1: {  	[tilespmem:s23], [sflag:$0x2] =	stream.indirect_vreg.gather [hbm4b:s5+s3], $0x80, v3, vm0, $0xb8;
	[tilespmem:$0x18100] =	vst v63  }
0xb2: {  	v3 =	vld [tilespmem:$0xB0];
	_ =	sdelay $0x4  }
0xb3: {  	v63 =	vshrl.u32 v3, $0x3  }
0xb4: {  	v4 =	vmul.u32 $0x30, v63  }
0xb5: {  	v3 =	vand.u32 $0x7, v3  }
0xb6: {  	v3 =	vor.u32 v3, v4  }
0xb7: {  	v4 =	vperm.xlane v3, v0;
	_ =	sdelay $0x1  }
0xb8: {  	v4 =	vadd.s32 v1, v4;
	_ =	sdelay $0x3  }
0xb9: {  	v3 =	vperm.xlane v3, v2  }
0xba: {  	[tilespmem:s24], [sflag:$0x2] =	stream.indirect_vreg.gather [hbm4b:s2+s3], $0x80, v4, vm0, $0xb8;
	[tilespmem:$0x18100] =	vst v63  }
0xbb: {  	v3 =	vadd.s32 v1, v3  }
0xbc: {  	[tilespmem:s25], [sflag:$0x2] =	stream.indirect_vreg.gather [hbm4b:s4+s3], $0x80, v4, vm0, $0xb8;
	[tilespmem:$0x18100] =	vst v63  }
0xbd: {  	_ = 	snop  }
0xbe: {  	[tilespmem:s26], [sflag:$0x2] =	stream.indirect_vreg.gather [hbm4b:s5+s3], $0x80, v4, vm0, $0xb8;
	[tilespmem:$0x18100] =	vst v63  }
0xbf: {  	_ = 	snop  }
0xc0: {  	[tilespmem:s28], [sflag:$0x2] =	stream.indirect_vreg.gather [hbm4b:s2+s3], $0x80, v3, vm0, $0xb8;
	[tilespmem:$0x18100] =	vst v63  }
0xc1: {  	_ = 	snop  }
0xc2: {  	[tilespmem:s29], [sflag:$0x2] =	stream.indirect_vreg.gather [hbm4b:s4+s3], $0x80, v3, vm0, $0xb8;
	[tilespmem:$0x18100] =	vst v63  }
0xc3: {  	_ = 	snop  }
0xc4: {  	[tilespmem:s30], [sflag:$0x2] =	stream.indirect_vreg.gather [hbm4b:s5+s3], $0x80, v3, vm0, $0xb8;
	[tilespmem:$0x18100] =	vst v63  }
0xc5: {  	_ =	swait.ge [sflag:s31], $0xC000  }
0xc6: {  	[sflag:s31] =	ssyncset.done $0x0  }
0xc7: {  	s10 =	rddreg [dreg:$0x4];
	[sflag:s31] =	ssyncadd.s32 $0xFFFF4000  }
0xc8: {  	[hbm4b:s10+s3] =	stream.linear.scatter [tilespmem:s8], [sflag:$0x3], $0xC000, $0x38;
	[tilespmem:$0x18100] =	vst v63  }
0xc9: {  	_ =	swait.ge [sflag:s7], $0xC000  }
0xca: {  	[sflag:s7] =	ssyncset.done $0x0  }
0xcb: {  	[sflag:s7] =	ssyncadd.s32 $0xFFFF4000  }
0xcc: {  	_ =	swait.ge [sflag:s1], $0xC000  }
0xcd: {  	p0 =	sne.s32 s6, $0x1;
	[sflag:s1] =	ssyncset.done $0x0  }
.Ltmp0:
0xce: {  	s10 =	rddreg [dreg:$0x5];
	[sflag:s1] =	ssyncadd.s32 $0xFFFF4000;
	(pc) =	sbr.rel @p0 .LBB2_1-.Ltmp0, $4  }
0xcf: {  	[hbm4b:s10+s3] =	stream.linear.scatter [tilespmem:s9], [sflag:$0x3], $0xC000, $0x38;
	[tilespmem:$0x18100] =	vst v63  }
0xd0: {  	_ =	swait.ge [sflag:s7], $0xC000  }
0xd1: {  	[sflag:s7] =	ssyncset.done $0x0  }
0xd2: {  	s6 =	sadd.s32 $0xFFFFFFFF, s6;
	[sflag:s7] =	ssyncadd.s32 $0xFFFF4000  }
0xd3: {  	_ =	sfence.sel $0x180000  }
0xd4: {  	[bflag:$0x0] =	sbarrier.arrive $0xFFFF  }
0xd5: {  	_ =	strace $0x9000005C  }
0xd6: {  	s0 =	stileid.u32;
	[bflag:$0x2] =	sbarrier.arrive $0xFFFF  }
0xd7: {  	p0 =	sne.s32 s0, $0x0;
	s0 =	rddreg [dreg:$0x2]  }
0xd8: {  	s0 =	sadd.s32 @!p0 $0x100000, s0  }
0xd9: {  	[sflag:s0] =	ssyncadd.tile.s32 @!p0 $0x1;
	_ =	shalt  }
.Lfunc_end2:
_tile_overlayer_lowered:
.L_overlay_start_2:
0xda: {  	(tag) =	ssettag $0x2  }
0xdb: {  	s0 =	rddreg [dreg:$0x0];
	s2 =	stileid.u32  }
0xdc: {  	s1 =	rddreg [dreg:$0x1];
	p0 =	sne.s32 s2, $0x0  }
0xdd: {  	s3 =	rddreg [dreg:$0x2];
	[bflag:$0x3] =	sbarrier.arrive $0xFFFF;
	s2 =	simm.s32 @!p0 $0x1C03  }
0xde: {  	[timem:s3], [sflag:s2] =	dma.local @!p0 [hbm:s0], s1  }
0xdf: {  	s0 =	simm.s32 @!p0 $0x3  }
0xe0: {  	_ =	swait.ge @!p0 [sflag:s0], s1  }
0xe1: {  	s1 =	ssub.s32 @!p0 $0x0, s1;
	[sflag:s0] =	ssyncset.done @!p0 $0x0  }
0xe2: {  	[sflag:s0] =	ssyncadd.s32 @!p0 s1  }
0xe3: {  	[bflag:$0x3] =	sbarrier.arrive $0xFFFF  }
0xe4: {  	_ =	shalt  }

</sc_bundles>
